<compile_context>
chip_gen: v7x
topology: tpu7x:2x2x1
jax: 0.10.2.dev20260603
libtpu: 0.0.44.dev20260713+nightly
codegen_flags: <defaults>
</compile_context>

<pallas_src>
import functools

import jax
import jax.numpy as jnp
from jax import lax
from jax.experimental import pallas as pl
from jax.experimental.pallas import tpu as pltpu
from jax.experimental.pallas import tpu_sc as plsc

N = 10000
NP = 10240
D = 256
E = 160000
HALF = 128
NTILES = 16
K = 128
NCHUNK = 160
PAIRS_PER_TILE = K * NCHUNK
NPAIRS_PAD = NTILES * PAIRS_PER_TILE
TRASH = N
ROWS_PER_TILE = NP // NTILES
DROWS = NP // HALF
ROW_BLK = 1024
DROWS_BLK = ROW_BLK // HALF


def _hist_update(hist, idx_ref):
    for j in range(K // 16):
        iv = idx_ref[pl.ds(j * 16, 16)]
        cnt, last = plsc.scan_count(iv)
        plsc.addupdate_scatter(hist,
                               [lax.shift_right_logical(iv, 7),
                                lax.bitwise_and(iv, 127)],
                               cnt.astype(jnp.float32), mask=last)


def _agg_body(xa_lo, xa_hi, tgt, srcp, zrows, z2d,
              out_lo, out_hi, deg_out, stag,
              idx_t0, idx_t1, idx_t2, idx_t3,
              idx_s0, idx_s1, idx_s2, idx_s3,
              rows0, rows1, hist, rbuf, accb, aggsh,
              g0, g1, s0, s1, s2, s3,
              it0, it1, it2, it3, is0, is1, is2, is3):
    cid = lax.axis_index("c")
    sid = lax.axis_index("s")
    r0 = sid * ROWS_PER_TILE
    idx_t = (idx_t0, idx_t1, idx_t2, idx_t3)
    idx_s = (idx_s0, idx_s1, idx_s2, idx_s3)
    rows = (rows0, rows1)
    g = (g0, g1)
    s = (s0, s1, s2, s3)
    it = (it0, it1, it2, it3)
    isem = (is0, is1, is2, is3)

    pltpu.sync_copy(zrows, aggsh.at[pl.ds(r0, ROWS_PER_TILE)])

    @pl.when(cid == 0)
    def _():
        pltpu.sync_copy(z2d, hist)

    plsc.subcore_barrier()

    base = sid * PAIRS_PER_TILE

    def gather_start(slot, buf, sem):
        @pl.when(cid == 0)
        def _():
            pltpu.async_copy(xa_lo.at[idx_s[slot]], rows[buf], g[sem])

        @pl.when(cid != 0)
        def _():
            pltpu.async_copy(xa_hi.at[idx_s[slot]], rows[buf], g[sem])

    def gather_wait(slot, buf, sem):
        @pl.when(cid == 0)
        def _():
            pltpu.make_async_copy(xa_lo.at[idx_s[slot]], rows[buf],
                                  g[sem]).wait()

        @pl.when(cid != 0)
        def _():
            pltpu.make_async_copy(xa_hi.at[idx_s[slot]], rows[buf],
                                  g[sem]).wait()

    def idx_load(i, slot):
        off = base + i * K
        pltpu.async_copy(tgt.at[pl.ds(off, K)], idx_t[slot], it[slot])
        pltpu.async_copy(srcp.at[pl.ds(off, K)], idx_s[slot], isem[slot])

    def idx_wait(slot):
        pltpu.make_async_copy(tgt.at[pl.ds(0, K)], idx_t[slot],
                              it[slot]).wait()

    def idxs_wait(slot):
        pltpu.make_async_copy(srcp.at[pl.ds(0, K)], idx_s[slot],
                              isem[slot]).wait()

    def scatter_wait(q):
        pltpu.make_async_copy(rows[q % 2], aggsh.at[idx_t[q]], s[q]).wait()

    idx_load(0, 0)
    idx_load(1, 1)
    idxs_wait(0)
    gather_start(0, 0, 0)

    def quad(jj, carry):
        for q in range(4):
            i = 4 * jj + q
            b2 = q % 2
            gather_wait(q, b2, b2)
            idx_wait(q)
            pltpu.async_copy(rows[b2], aggsh.at[idx_t[q]], s[q], add=True)

            @pl.when(i >= 1)
            def _():
                scatter_wait((q + 3) % 4)

            @pl.when(cid == 0)
            def _():
                _hist_update(hist, idx_t[q])

            @pl.when(i + 2 < NCHUNK)
            def _():
                idx_load(i + 2, (q + 2) % 4)

            @pl.when(i + 1 < NCHUNK)
            def _():
                idxs_wait((q + 1) % 4)
                gather_start((q + 1) % 4, 1 - b2, 1 - b2)
        return carry

    lax.fori_loop(0, NCHUNK // 4, quad, 0)
    scatter_wait(3)

    @pl.when(cid == 0)
    def _():
        pltpu.sync_copy(hist, stag.at[sid])

    plsc.subcore_barrier()

    @pl.when(cid == 0)
    def _():
        pltpu.sync_copy(aggsh.at[pl.ds(r0, ROWS_PER_TILE)],
                        out_lo.at[pl.ds(r0, ROWS_PER_TILE)])

    @pl.when(cid != 0)
    def _():
        pltpu.sync_copy(aggsh.at[pl.ds(r0, ROWS_PER_TILE)],
                        out_hi.at[pl.ds(r0, ROWS_PER_TILE)])

    @pl.when(jnp.logical_and(cid == 0, sid < DROWS // 8))
    def _():
        d0 = sid * 8
        pltpu.sync_copy(stag.at[0, pl.ds(d0, 8)], accb)
        for r in range(1, NTILES):
            pltpu.sync_copy(stag.at[r, pl.ds(d0, 8)], rbuf)

            def red(j, carry):
                c0 = j * 16
                for rr in range(8):
                    accb[rr, pl.ds(c0, 16)] = (
                        accb[rr, pl.ds(c0, 16)] + rbuf[rr, pl.ds(c0, 16)])
                return carry

            lax.fori_loop(0, HALF // 16, red, 0)
        pltpu.sync_copy(accb, deg_out.at[pl.ds(d0, 8)])


def _dense_body(alo_ref, ahi_ref, x_ref, deg_ref, wl_ref, wh_ref, bt_ref,
                o_ref):
    rinv8 = 1.0 / jnp.maximum(deg_ref[...], 1.0)
    row_sub = lax.broadcasted_iota(jnp.int32, (ROW_BLK, DROWS_BLK), 0)
    sub_ids = lax.broadcasted_iota(jnp.int32, (ROW_BLK, DROWS_BLK), 1)
    sel = (row_sub // HALF == sub_ids).astype(jnp.float32)
    a = jnp.dot(sel, rinv8, preferred_element_type=jnp.float32)
    lane_ids = lax.broadcasted_iota(jnp.int32, (ROW_BLK, HALF), 1)
    row_mod = lax.broadcasted_iota(jnp.int32, (ROW_BLK, HALF), 0) % HALF
    rinv = jnp.sum(jnp.where(lane_ids == row_mod, a, 0.0), axis=1,
                   keepdims=True)
    ml = alo_ref[...] * rinv
    mh = ahi_ref[...] * rinv
    acc = jnp.dot(ml, wl_ref[...], preferred_element_type=jnp.float32,
                  precision=lax.Precision.HIGHEST)
    acc = acc + jnp.dot(mh, wh_ref[...], preferred_element_type=jnp.float32,
                        precision=lax.Precision.HIGHEST)
    acc = acc + jnp.dot(x_ref[...], bt_ref[...],
                        preferred_element_type=jnp.float32,
                        precision=lax.Precision.HIGHEST)
    o_ref[...] = jnp.maximum(acc, 0.0)


def kernel(x, edge_index, W, B):
    f32 = jnp.float32
    i32 = jnp.int32
    src = edge_index[:, 0]
    dst = edge_index[:, 1]
    npad = NPAIRS_PAD - 2 * E
    pairs_tgt = jnp.concatenate([src, dst, jnp.full((npad,), TRASH, i32)])
    pairs_src = jnp.concatenate([dst, src, jnp.zeros((npad,), i32)])

    xa_lo = x[:, :HALF]
    xa_hi = x[:, HALF:]
    zrows = jnp.zeros((ROWS_PER_TILE, HALF), f32)
    z2d = jnp.zeros((DROWS, HALF), f32)

    mesh = plsc.VectorSubcoreMesh(core_axis_name="c", subcore_axis_name="s")
    agg_call = functools.partial(
        pl.kernel,
        mesh=mesh,
        compiler_params=pltpu.CompilerParams(needs_layout_passes=False),
        out_type=(jax.ShapeDtypeStruct((NP, HALF), f32),
                  jax.ShapeDtypeStruct((NP, HALF), f32),
                  jax.ShapeDtypeStruct((DROWS, HALF), f32),
                  jax.ShapeDtypeStruct((NTILES, DROWS, HALF), f32)),
        scratch_types=(
            [pltpu.VMEM((K,), i32) for _ in range(8)]
            + [pltpu.VMEM((K, HALF), f32) for _ in range(2)]
            + [
                pltpu.VMEM((DROWS, HALF), f32),
                pltpu.VMEM((8, HALF), f32),
                pltpu.VMEM((8, HALF), f32),
                pltpu.VMEM_SHARED((NP, HALF), f32),
            ]
            + [pltpu.SemaphoreType.DMA for _ in range(14)]
        ),
    )(_agg_body)
    agg_lo, agg_hi, deg2d, _ = agg_call(xa_lo, xa_hi, pairs_tgt, pairs_src,
                                        zrows, z2d)

    WT = W.T
    wl = WT[:HALF]
    wh = WT[HALF:]
    bt = B.T

    out = pl.pallas_call(
        _dense_body,
        grid=(NP // ROW_BLK,),
        in_specs=[
            pl.BlockSpec((ROW_BLK, HALF), lambda i: (i, 0)),
            pl.BlockSpec((ROW_BLK, HALF), lambda i: (i, 0)),
            pl.BlockSpec((ROW_BLK, D), lambda i: (i, 0)),
            pl.BlockSpec((DROWS_BLK, HALF), lambda i: (i, 0)),
            pl.BlockSpec((HALF, D), lambda i: (0, 0)),
            pl.BlockSpec((HALF, D), lambda i: (0, 0)),
            pl.BlockSpec((D, D), lambda i: (0, 0)),
        ],
        out_specs=pl.BlockSpec((ROW_BLK, D), lambda i: (i, 0)),
        out_shape=jax.ShapeDtypeStruct((N, D), f32),
    )(agg_lo, agg_hi, x, deg2d, wl, wh, bt)
    return out

# --- scband reference (transcript-rebuilt; emitter-appended) ---
"""Pipeline reference for scband-graph-convolutional-layer-68272800137826 (READ-ONLY COPY).

The authoritative reference and input builder live on the scoring server;
editing this copy changes nothing except your own understanding.
"""

import jax, jax.numpy as jnp
import numpy as np

N = 10000
E = 160000
D = 256

def setup_inputs(seed: int = 0) -> dict:
    key = jax.random.key(seed)
    k1, k2, k3, k4 = jax.random.split(key, 4)
    x = jax.random.normal(k1, (N, D), dtype=jnp.float32)
    edge_index = jax.random.randint(k2, (E, 2), 0, N, dtype=jnp.int32)
    # torch.nn.Linear(in, out, bias=False) weights have shape [out, in]
    W = jax.random.normal(k3, (D, D), dtype=jnp.float32) * (1.0 / np.sqrt(D))
    B = jax.random.normal(k4, (D, D), dtype=jnp.float32) * (1.0 / np.sqrt(D))
    return {"x": x, "edge_index": edge_index, "W": W, "B": B}

def reference(x, edge_index, W, B):
    # The torch loop treats each edge (i, j) as undirected: node i aggregates x[j]
    # and node j aggregates x[i]; aggregation is the MEAN over collected neighbors,
    # with zeros for isolated nodes. Then out = relu(W @ agg + B @ x).
    src = edge_index[:, 0]
    dst = edge_index[:, 1]
    agg = jnp.zeros_like(x)
    agg = agg.at[src].add(x[dst])
    agg = agg.at[dst].add(x[src])
    ones = jnp.ones((edge_index.shape[0],), dtype=jnp.float32)
    deg = jnp.zeros((x.shape[0],), dtype=jnp.float32)
    deg = deg.at[src].add(ones)
    deg = deg.at[dst].add(ones)
    denom = jnp.maximum(deg, 1.0)[:, None]
    mean_agg = jnp.where(deg[:, None] > 0, agg / denom, jnp.zeros_like(agg))
    out = jax.nn.relu(mean_agg @ W.T + x @ B.T)
    return out

if __name__ == "__main__":
    import jax
    _d = setup_inputs()
    print(jax.jit(kernel)(*tuple(_d.values())))

</pallas_src>

<mosaic_0001>
#map = affine_map<(d0, d1) -> (0, 0)>
#map1 = affine_map<(d0, d1) -> (0)>
#map2 = affine_map<(d0, d1) -> (0, 0, 0)>
module attributes {stable_mosaic.version = 14 : i64} {
  func.func @_agg_body(%arg0: i32, %arg1: i32, %arg2: memref<10000x128xf32, #tpu.memory_space<hbm>>, %arg3: memref<10000x128xf32, #tpu.memory_space<hbm>>, %arg4: memref<327680xi32, #tpu.memory_space<hbm>>, %arg5: memref<327680xi32, #tpu.memory_space<hbm>>, %arg6: memref<640x128xf32, #tpu.memory_space<hbm>>, %arg7: memref<80x128xf32, #tpu.memory_space<hbm>>, %arg8: memref<10240x128xf32, #tpu.memory_space<hbm>>, %arg9: memref<10240x128xf32, #tpu.memory_space<hbm>>, %arg10: memref<80x128xf32, #tpu.memory_space<hbm>>, %arg11: memref<16x80x128xf32, #tpu.memory_space<hbm>>, %arg12: memref<128xi32, #tpu.memory_space<vmem>>, %arg13: memref<128xi32, #tpu.memory_space<vmem>>, %arg14: memref<128xi32, #tpu.memory_space<vmem>>, %arg15: memref<128xi32, #tpu.memory_space<vmem>>, %arg16: memref<128xi32, #tpu.memory_space<vmem>>, %arg17: memref<128xi32, #tpu.memory_space<vmem>>, %arg18: memref<128xi32, #tpu.memory_space<vmem>>, %arg19: memref<128xi32, #tpu.memory_space<vmem>>, %arg20: memref<128x128xf32, #tpu.memory_space<vmem>>, %arg21: memref<128x128xf32, #tpu.memory_space<vmem>>, %arg22: memref<80x128xf32, #tpu.memory_space<vmem>>, %arg23: memref<8x128xf32, #tpu.memory_space<vmem>>, %arg24: memref<8x128xf32, #tpu.memory_space<vmem>>, %arg25: memref<10240x128xf32, #tpu.memory_space<vmem_shared>>, %arg26: memref<!tpu.dma_semaphore, #tpu.memory_space<semaphore_mem>>, %arg27: memref<!tpu.dma_semaphore, #tpu.memory_space<semaphore_mem>>, %arg28: memref<!tpu.dma_semaphore, #tpu.memory_space<semaphore_mem>>, %arg29: memref<!tpu.dma_semaphore, #tpu.memory_space<semaphore_mem>>, %arg30: memref<!tpu.dma_semaphore, #tpu.memory_space<semaphore_mem>>, %arg31: memref<!tpu.dma_semaphore, #tpu.memory_space<semaphore_mem>>, %arg32: memref<!tpu.dma_semaphore, #tpu.memory_space<semaphore_mem>>, %arg33: memref<!tpu.dma_semaphore, #tpu.memory_space<semaphore_mem>>, %arg34: memref<!tpu.dma_semaphore, #tpu.memory_space<semaphore_mem>>, %arg35: memref<!tpu.dma_semaphore, #tpu.memory_space<semaphore_mem>>, %arg36: memref<!tpu.dma_semaphore, #tpu.memory_space<semaphore_mem>>, %arg37: memref<!tpu.dma_semaphore, #tpu.memory_space<semaphore_mem>>, %arg38: memref<!tpu.dma_semaphore, #tpu.memory_space<semaphore_mem>>, %arg39: memref<!tpu.dma_semaphore, #tpu.memory_space<semaphore_mem>>) attributes {dimension_semantics = [#tpu.dimension_semantics<core_parallel>, #tpu.dimension_semantics<subcore_parallel>], iteration_bounds = array<i64: 2, 16>, scalar_prefetch = 0 : i64, scratch_operands = 28 : i64, tpu.core_type = #tpu.core_type<sc_vector_subcore>, window_params = [{transform_indices = #map}, {transform_indices = #map}, {transform_indices = #map1}, {transform_indices = #map1}, {transform_indices = #map}, {transform_indices = #map}, {transform_indices = #map}, {transform_indices = #map}, {transform_indices = #map}, {transform_indices = #map2}]} {
    %mul3A = arith.constant 640 : i32
    %mul3A_0 = arith.muli %arg1, %mul3A : i32
    "tpu.region"() ({
      %run_scoped3A = tpu.sem_alloc : memref<!tpu.dma_semaphore, #tpu.memory_space<semaphore_mem>>
      %dma_start3A_57 = arith.constant 0 : i32
      %dma_start3A_58 = tpu.memref_slice %arg25[%mul3A_0, %dma_start3A_57] : memref<10240x128xf32, #tpu.memory_space<vmem_shared>> -> memref<640x128xf32, #tpu.memory_space<vmem_shared>>
      tpu.enqueue_dma source(%arg6 : memref<640x128xf32, #tpu.memory_space<hbm>>) target(%dma_start3A_58 : memref<640x128xf32, #tpu.memory_space<vmem_shared>>) target_semaphore(%run_scoped3A : memref<!tpu.dma_semaphore, #tpu.memory_space<semaphore_mem>>)
      %dma_wait3A_59 = arith.constant 0 : i32
      %dma_wait3A_60 = tpu.memref_slice %arg25[%mul3A_0, %dma_wait3A_59] : memref<10240x128xf32, #tpu.memory_space<vmem_shared>> -> memref<640x128xf32, #tpu.memory_space<vmem_shared>>
      tpu.wait_dma2 semaphore(%run_scoped3A : memref<!tpu.dma_semaphore, #tpu.memory_space<semaphore_mem>>) src(%arg6 : memref<640x128xf32, #tpu.memory_space<hbm>>) dst(%dma_wait3A_60 : memref<640x128xf32, #tpu.memory_space<vmem_shared>>)
      tpu.yield
    }) : () -> ()
    %eq3A = arith.constant 0 : i32
    %eq3A_1 = arith.cmpi eq, %arg0, %eq3A : i32
    %convert_element_type3A = arith.extui %eq3A_1 : i1 to i32
    %cond3A = arith.constant 0 : i32
    %cond3A_2 = arith.cmpi ne, %convert_element_type3A, %cond3A : i32
    scf.if %cond3A_2 {
      "tpu.region"() ({
        %run_scoped3A = tpu.sem_alloc : memref<!tpu.dma_semaphore, #tpu.memory_space<semaphore_mem>>
        tpu.enqueue_dma source(%arg7 : memref<80x128xf32, #tpu.memory_space<hbm>>) target(%arg22 : memref<80x128xf32, #tpu.memory_space<vmem>>) target_semaphore(%run_scoped3A : memref<!tpu.dma_semaphore, #tpu.memory_space<semaphore_mem>>)
        tpu.wait_dma2 semaphore(%run_scoped3A : memref<!tpu.dma_semaphore, #tpu.memory_space<semaphore_mem>>) src(%arg7 : memref<80x128xf32, #tpu.memory_space<hbm>>) dst(%arg22 : memref<80x128xf32, #tpu.memory_space<vmem>>)
        tpu.yield
      }) : () -> ()
    } else {
    }
    %barrier3A = arith.constant 0 : index
    tpu.barrier barrier_id(%barrier3A)
    %mul3A_3 = arith.constant 20480 : i32
    %mul3A_4 = arith.muli %arg1, %mul3A_3 : i32
    %add3A = arith.constant 0 : i32
    %add3A_5 = arith.addi %mul3A_4, %add3A : i32
    %dma_start3A = tpu.memref_slice %arg4[%add3A_5] : memref<327680xi32, #tpu.memory_space<hbm>> -> memref<128xi32, #tpu.memory_space<hbm>>
    %dma_start3A_6 = tpu.memref_slice %arg4[%add3A_5] : memref<327680xi32, #tpu.memory_space<hbm>> -> memref<128xi32, #tpu.memory_space<hbm>>
    tpu.enqueue_dma source(%dma_start3A_6 : memref<128xi32, #tpu.memory_space<hbm>>) target(%arg12 : memref<128xi32, #tpu.memory_space<vmem>>) target_semaphore(%arg32 : memref<!tpu.dma_semaphore, #tpu.memory_space<semaphore_mem>>)
    %dma_start3A_7 = tpu.memref_slice %arg5[%add3A_5] : memref<327680xi32, #tpu.memory_space<hbm>> -> memref<128xi32, #tpu.memory_space<hbm>>
    %dma_start3A_8 = tpu.memref_slice %arg5[%add3A_5] : memref<327680xi32, #tpu.memory_space<hbm>> -> memref<128xi32, #tpu.memory_space<hbm>>
    tpu.enqueue_dma source(%dma_start3A_8 : memref<128xi32, #tpu.memory_space<hbm>>) target(%arg16 : memref<128xi32, #tpu.memory_space<vmem>>) target_semaphore(%arg36 : memref<!tpu.dma_semaphore, #tpu.memory_space<semaphore_mem>>)
    %add3A_9 = arith.constant 128 : i32
    %add3A_10 = arith.addi %mul3A_4, %add3A_9 : i32
    %dma_start3A_11 = tpu.memref_slice %arg4[%add3A_10] : memref<327680xi32, #tpu.memory_space<hbm>> -> memref<128xi32, #tpu.memory_space<hbm>>
    %dma_start3A_12 = tpu.memref_slice %arg4[%add3A_10] : memref<327680xi32, #tpu.memory_space<hbm>> -> memref<128xi32, #tpu.memory_space<hbm>>
    tpu.enqueue_dma source(%dma_start3A_12 : memref<128xi32, #tpu.memory_space<hbm>>) target(%arg13 : memref<128xi32, #tpu.memory_space<vmem>>) target_semaphore(%arg33 : memref<!tpu.dma_semaphore, #tpu.memory_space<semaphore_mem>>)
    %dma_start3A_13 = tpu.memref_slice %arg5[%add3A_10] : memref<327680xi32, #tpu.memory_space<hbm>> -> memref<128xi32, #tpu.memory_space<hbm>>
    %dma_start3A_14 = tpu.memref_slice %arg5[%add3A_10] : memref<327680xi32, #tpu.memory_space<hbm>> -> memref<128xi32, #tpu.memory_space<hbm>>
    tpu.enqueue_dma source(%dma_start3A_14 : memref<128xi32, #tpu.memory_space<hbm>>) target(%arg17 : memref<128xi32, #tpu.memory_space<vmem>>) target_semaphore(%arg37 : memref<!tpu.dma_semaphore, #tpu.memory_space<semaphore_mem>>)
    %dma_wait3A = arith.constant 0 : i32
    %dma_wait3A_15 = tpu.memref_slice %arg5[%dma_wait3A] : memref<327680xi32, #tpu.memory_space<hbm>> -> memref<128xi32, #tpu.memory_space<hbm>>
    %dma_wait3A_16 = arith.constant 0 : i32
    %dma_wait3A_17 = tpu.memref_slice %arg5[%dma_wait3A_16] : memref<327680xi32, #tpu.memory_space<hbm>> -> memref<128xi32, #tpu.memory_space<hbm>>
    tpu.wait_dma2 semaphore(%arg36 : memref<!tpu.dma_semaphore, #tpu.memory_space<semaphore_mem>>) src(%dma_wait3A_17 : memref<128xi32, #tpu.memory_space<hbm>>) dst(%arg16 : memref<128xi32, #tpu.memory_space<vmem>>)
    %eq3A_18 = arith.constant 0 : i32
    %eq3A_19 = arith.cmpi eq, %arg0, %eq3A_18 : i32
    %convert_element_type3A_20 = arith.extui %eq3A_19 : i1 to i32
    %cond3A_21 = arith.constant 0 : i32
    %cond3A_22 = arith.cmpi ne, %convert_element_type3A_20, %cond3A_21 : i32
    scf.if %cond3A_22 {
      %dma_start3A_57 = arith.constant 0 : i32
      %dma_start3A_58 = arith.constant 0 : i32
      %dma_start3A_59 = tpu.memref_slice %arg2[%dma_start3A_57, %dma_start3A_58] : memref<10000x128xf32, #tpu.memory_space<hbm>> -> memref<10000x128xf32, #tpu.memory_space<hbm>>
      tpu.enqueue_indirect_dma source(%dma_start3A_59 : memref<10000x128xf32, #tpu.memory_space<hbm>>) target(%arg20 : memref<128x128xf32, #tpu.memory_space<vmem>>) offsets(%arg16 : memref<128xi32, #tpu.memory_space<vmem>>) semaphore(%arg26 : memref<!tpu.dma_semaphore, #tpu.memory_space<semaphore_mem>>)
    } else {
    }
    %ne3A = arith.constant 0 : i32
    %ne3A_23 = arith.cmpi ne, %arg0, %ne3A : i32
    %convert_element_type3A_24 = arith.extui %ne3A_23 : i1 to i32
    %cond3A_25 = arith.constant 0 : i32
    %cond3A_26 = arith.cmpi ne, %convert_element_type3A_24, %cond3A_25 : i32
    scf.if %cond3A_26 {
      %dma_start3A_57 = arith.constant 0 : i32
      %dma_start3A_58 = arith.constant 0 : i32
      %dma_start3A_59 = tpu.memref_slice %arg3[%dma_start3A_57, %dma_start3A_58] : memref<10000x128xf32, #tpu.memory_space<hbm>> -> memref<10000x128xf32, #tpu.memory_space<hbm>>
      tpu.enqueue_indirect_dma source(%dma_start3A_59 : memref<10000x128xf32, #tpu.memory_space<hbm>>) target(%arg20 : memref<128x128xf32, #tpu.memory_space<vmem>>) offsets(%arg16 : memref<128xi32, #tpu.memory_space<vmem>>) semaphore(%arg26 : memref<!tpu.dma_semaphore, #tpu.memory_space<semaphore_mem>>)
    } else {
    }
    %scan3A = arith.constant 0 : i32
    %scan3A_27 = arith.constant 0 : i32
    %scan3A_28 = arith.constant 40 : i32
    %scan3A_29 = arith.addi %scan3A_27, %scan3A_28 : i32
    %scan3A_30 = arith.constant 1 : i32
    scf.for %scan3A_57 = %scan3A_27 to %scan3A_29 step %scan3A_30  : i32 {
      %mul3A_58 = arith.constant 4 : i32
      %mul3A_59 = arith.muli %mul3A_58, %scan3A_57 : i32
      %add3A_60 = arith.constant 0 : i32
      %add3A_61 = arith.addi %mul3A_59, %add3A_60 : i32
      %eq3A_62 = arith.constant 0 : i32
      %eq3A_63 = arith.cmpi eq, %arg0, %eq3A_62 : i32
      %convert_element_type3A_64 = arith.extui %eq3A_63 : i1 to i32
      %cond3A_65 = arith.constant 0 : i32
      %cond3A_66 = arith.cmpi ne, %convert_element_type3A_64, %cond3A_65 : i32
      scf.if %cond3A_66 {
        %dma_wait3A_237 = arith.constant 0 : i32
        %dma_wait3A_238 = arith.constant 0 : i32
        %dma_wait3A_239 = tpu.memref_slice %arg2[%dma_wait3A_237, %dma_wait3A_238] : memref<10000x128xf32, #tpu.memory_space<hbm>> -> memref<10000x128xf32, #tpu.memory_space<hbm>>
        tpu.wait_indirect_dma semaphore(%arg26 : memref<!tpu.dma_semaphore, #tpu.memory_space<semaphore_mem>>) src(%dma_wait3A_239 : memref<10000x128xf32, #tpu.memory_space<hbm>>) dst(%arg20 : memref<128x128xf32, #tpu.memory_space<vmem>>)
      } else {
      }
      %ne3A_67 = arith.constant 0 : i32
      %ne3A_68 = arith.cmpi ne, %arg0, %ne3A_67 : i32
      %convert_element_type3A_69 = arith.extui %ne3A_68 : i1 to i32
      %cond3A_70 = arith.constant 0 : i32
      %cond3A_71 = arith.cmpi ne, %convert_element_type3A_69, %cond3A_70 : i32
      scf.if %cond3A_71 {
        %dma_wait3A_237 = arith.constant 0 : i32
        %dma_wait3A_238 = arith.constant 0 : i32
        %dma_wait3A_239 = tpu.memref_slice %arg3[%dma_wait3A_237, %dma_wait3A_238] : memref<10000x128xf32, #tpu.memory_space<hbm>> -> memref<10000x128xf32, #tpu.memory_space<hbm>>
        tpu.wait_indirect_dma semaphore(%arg26 : memref<!tpu.dma_semaphore, #tpu.memory_space<semaphore_mem>>) src(%dma_wait3A_239 : memref<10000x128xf32, #tpu.memory_space<hbm>>) dst(%arg20 : memref<128x128xf32, #tpu.memory_space<vmem>>)
      } else {
      }
      %dma_wait3A_72 = arith.constant 0 : i32
      %dma_wait3A_73 = tpu.memref_slice %arg4[%dma_wait3A_72] : memref<327680xi32, #tpu.memory_space<hbm>> -> memref<128xi32, #tpu.memory_space<hbm>>
      %dma_wait3A_74 = arith.constant 0 : i32
      %dma_wait3A_75 = tpu.memref_slice %arg4[%dma_wait3A_74] : memref<327680xi32, #tpu.memory_space<hbm>> -> memref<128xi32, #tpu.memory_space<hbm>>
      tpu.wait_dma2 semaphore(%arg32 : memref<!tpu.dma_semaphore, #tpu.memory_space<semaphore_mem>>) src(%dma_wait3A_75 : memref<128xi32, #tpu.memory_space<hbm>>) dst(%arg12 : memref<128xi32, #tpu.memory_space<vmem>>)
      %dma_start3A_76 = arith.constant 0 : i32
      %dma_start3A_77 = arith.constant 0 : i32
      %dma_start3A_78 = tpu.memref_slice %arg25[%dma_start3A_76, %dma_start3A_77] : memref<10240x128xf32, #tpu.memory_space<vmem_shared>> -> memref<10240x128xf32, #tpu.memory_space<vmem_shared>>
      tpu.enqueue_indirect_dma source(%arg20 : memref<128x128xf32, #tpu.memory_space<vmem>>) target(%dma_start3A_78 : memref<10240x128xf32, #tpu.memory_space<vmem_shared>>) offsets(%arg12 : memref<128xi32, #tpu.memory_space<vmem>>) semaphore(%arg28 : memref<!tpu.dma_semaphore, #tpu.memory_space<semaphore_mem>>) {add = true}
      %ge3A = arith.constant 1 : i32
      %ge3A_79 = arith.cmpi sge, %add3A_61, %ge3A : i32
      %convert_element_type3A_80 = arith.extui %ge3A_79 : i1 to i32
      %cond3A_81 = arith.constant 0 : i32
      %cond3A_82 = arith.cmpi ne, %convert_element_type3A_80, %cond3A_81 : i32
      scf.if %cond3A_82 {
        %dma_wait3A_237 = arith.constant 0 : i32
        %dma_wait3A_238 = arith.constant 0 : i32
        %dma_wait3A_239 = tpu.memref_slice %arg25[%dma_wait3A_237, %dma_wait3A_238] : memref<10240x128xf32, #tpu.memory_space<vmem_shared>> -> memref<10240x128xf32, #tpu.memory_space<vmem_shared>>
        tpu.wait_indirect_dma semaphore(%arg31 : memref<!tpu.dma_semaphore, #tpu.memory_space<semaphore_mem>>) src(%arg21 : memref<128x128xf32, #tpu.memory_space<vmem>>) dst(%dma_wait3A_239 : memref<10240x128xf32, #tpu.memory_space<vmem_shared>>)
      } else {
      }
      %eq3A_83 = arith.constant 0 : i32
      %eq3A_84 = arith.cmpi eq, %arg0, %eq3A_83 : i32
      %convert_element_type3A_85 = arith.extui %eq3A_84 : i1 to i32
      %cond3A_86 = arith.constant 0 : i32
      %cond3A_87 = arith.cmpi ne, %convert_element_type3A_85, %cond3A_86 : i32
      scf.if %cond3A_87 {
        %get3A = arith.constant 0 : index
        %get3A_237 = tpu.vector_load %arg12[%get3A] {strides = array<i32>} : memref<128xi32, #tpu.memory_space<vmem>>, vector<16xi32>,
        %broadcast_in_dim3A = arith.constant true
        %broadcast_in_dim3A_238 = vector.broadcast %broadcast_in_dim3A : i1 to vector<16xi1>
        %unique3A, %unique3A_239 = tpu.scan_count mask(%broadcast_in_dim3A_238 : vector<16xi1>) value(%get3A_237 : vector<16xi32>) : vector<16xi1>, vector<16xi32>
        %shift_right_logical3A = arith.constant 7 : i32
        %shift_right_logical3A_240 = vector.broadcast %shift_right_logical3A : i32 to vector<16xi32>
        %shift_right_logical3A_241 = arith.shrui %get3A_237, %shift_right_logical3A_240 : vector<16xi32>
        %and3A_242 = arith.constant 127 : i32
        %and3A_243 = vector.broadcast %and3A_242 : i32 to vector<16xi32>
        %and3A_244 = arith.andi %get3A_237, %and3A_243 : vector<16xi32>
        %convert_element_type3A_245 = arith.sitofp %unique3A_239 : vector<16xi32> to vector<16xf32>
        tpu.vector_store_idx %arg22[%shift_right_logical3A_241, %and3A_244], %convert_element_type3A_245 masked %unique3A {add = true} : memref<80x128xf32, #tpu.memory_space<vmem>>[vector<16xi32>, vector<16xi32>], vector<16xf32>, vector<16xi1>
        %get3A_246 = arith.constant 16 : index
        %get3A_247 = tpu.vector_load %arg12[%get3A_246] {strides = array<i32>} : memref<128xi32, #tpu.memory_space<vmem>>, vector<16xi32>,
        %broadcast_in_dim3A_248 = arith.constant true
        %broadcast_in_dim3A_249 = vector.broadcast %broadcast_in_dim3A_248 : i1 to vector<16xi1>
        %unique3A_250, %unique3A_251 = tpu.scan_count mask(%broadcast_in_dim3A_249 : vector<16xi1>) value(%get3A_247 : vector<16xi32>) : vector<16xi1>, vector<16xi32>
        %shift_right_logical3A_252 = arith.constant 7 : i32
        %shift_right_logical3A_253 = vector.broadcast %shift_right_logical3A_252 : i32 to vector<16xi32>
        %shift_right_logical3A_254 = arith.shrui %get3A_247, %shift_right_logical3A_253 : vector<16xi32>
        %and3A_255 = arith.constant 127 : i32
        %and3A_256 = vector.broadcast %and3A_255 : i32 to vector<16xi32>
        %and3A_257 = arith.andi %get3A_247, %and3A_256 : vector<16xi32>
        %convert_element_type3A_258 = arith.sitofp %unique3A_251 : vector<16xi32> to vector<16xf32>
        tpu.vector_store_idx %arg22[%shift_right_logical3A_254, %and3A_257], %convert_element_type3A_258 masked %unique3A_250 {add = true} : memref<80x128xf32, #tpu.memory_space<vmem>>[vector<16xi32>, vector<16xi32>], vector<16xf32>, vector<16xi1>
        %get3A_259 = arith.constant 32 : index
        %get3A_260 = tpu.vector_load %arg12[%get3A_259] {strides = array<i32>} : memref<128xi32, #tpu.memory_space<vmem>>, vector<16xi32>,
        %broadcast_in_dim3A_261 = arith.constant true
        %broadcast_in_dim3A_262 = vector.broadcast %broadcast_in_dim3A_261 : i1 to vector<16xi1>
        %unique3A_263, %unique3A_264 = tpu.scan_count mask(%broadcast_in_dim3A_262 : vector<16xi1>) value(%get3A_260 : vector<16xi32>) : vector<16xi1>, vector<16xi32>
        %shift_right_logical3A_265 = arith.constant 7 : i32
        %shift_right_logical3A_266 = vector.broadcast %shift_right_logical3A_265 : i32 to vector<16xi32>
        %shift_right_logical3A_267 = arith.shrui %get3A_260, %shift_right_logical3A_266 : vector<16xi32>
        %and3A_268 = arith.constant 127 : i32
        %and3A_269 = vector.broadcast %and3A_268 : i32 to vector<16xi32>
        %and3A_270 = arith.andi %get3A_260, %and3A_269 : vector<16xi32>
        %convert_element_type3A_271 = arith.sitofp %unique3A_264 : vector<16xi32> to vector<16xf32>
        tpu.vector_store_idx %arg22[%shift_right_logical3A_267, %and3A_270], %convert_element_type3A_271 masked %unique3A_263 {add = true} : memref<80x128xf32, #tpu.memory_space<vmem>>[vector<16xi32>, vector<16xi32>], vector<16xf32>, vector<16xi1>
        %get3A_272 = arith.constant 48 : index
        %get3A_273 = tpu.vector_load %arg12[%get3A_272] {strides = array<i32>} : memref<128xi32, #tpu.memory_space<vmem>>, vector<16xi32>,
        %broadcast_in_dim3A_274 = arith.constant true
        %broadcast_in_dim3A_275 = vector.broadcast %broadcast_in_dim3A_274 : i1 to vector<16xi1>
        %unique3A_276, %unique3A_277 = tpu.scan_count mask(%broadcast_in_dim3A_275 : vector<16xi1>) value(%get3A_273 : vector<16xi32>) : vector<16xi1>, vector<16xi32>
        %shift_right_logical3A_278 = arith.constant 7 : i32
        %shift_right_logical3A_279 = vector.broadcast %shift_right_logical3A_278 : i32 to vector<16xi32>
        %shift_right_logical3A_280 = arith.shrui %get3A_273, %shift_right_logical3A_279 : vector<16xi32>
        %and3A_281 = arith.constant 127 : i32
        %and3A_282 = vector.broadcast %and3A_281 : i32 to vector<16xi32>
        %and3A_283 = arith.andi %get3A_273, %and3A_282 : vector<16xi32>
        %convert_element_type3A_284 = arith.sitofp %unique3A_277 : vector<16xi32> to vector<16xf32>
        tpu.vector_store_idx %arg22[%shift_right_logical3A_280, %and3A_283], %convert_element_type3A_284 masked %unique3A_276 {add = true} : memref<80x128xf32, #tpu.memory_space<vmem>>[vector<16xi32>, vector<16xi32>], vector<16xf32>, vector<16xi1>
        %get3A_285 = arith.constant 64 : index
        %get3A_286 = tpu.vector_load %arg12[%get3A_285] {strides = array<i32>} : memref<128xi32, #tpu.memory_space<vmem>>, vector<16xi32>,
        %broadcast_in_dim3A_287 = arith.constant true
        %broadcast_in_dim3A_288 = vector.broadcast %broadcast_in_dim3A_287 : i1 to vector<16xi1>
        %unique3A_289, %unique3A_290 = tpu.scan_count mask(%broadcast_in_dim3A_288 : vector<16xi1>) value(%get3A_286 : vector<16xi32>) : vector<16xi1>, vector<16xi32>
        %shift_right_logical3A_291 = arith.constant 7 : i32
        %shift_right_logical3A_292 = vector.broadcast %shift_right_logical3A_291 : i32 to vector<16xi32>
        %shift_right_logical3A_293 = arith.shrui %get3A_286, %shift_right_logical3A_292 : vector<16xi32>
        %and3A_294 = arith.constant 127 : i32
        %and3A_295 = vector.broadcast %and3A_294 : i32 to vector<16xi32>
        %and3A_296 = arith.andi %get3A_286, %and3A_295 : vector<16xi32>
        %convert_element_type3A_297 = arith.sitofp %unique3A_290 : vector<16xi32> to vector<16xf32>
        tpu.vector_store_idx %arg22[%shift_right_logical3A_293, %and3A_296], %convert_element_type3A_297 masked %unique3A_289 {add = true} : memref<80x128xf32, #tpu.memory_space<vmem>>[vector<16xi32>, vector<16xi32>], vector<16xf32>, vector<16xi1>
        %get3A_298 = arith.constant 80 : index
        %get3A_299 = tpu.vector_load %arg12[%get3A_298] {strides = array<i32>} : memref<128xi32, #tpu.memory_space<vmem>>, vector<16xi32>,
        %broadcast_in_dim3A_300 = arith.constant true
        %broadcast_in_dim3A_301 = vector.broadcast %broadcast_in_dim3A_300 : i1 to vector<16xi1>
        %unique3A_302, %unique3A_303 = tpu.scan_count mask(%broadcast_in_dim3A_301 : vector<16xi1>) value(%get3A_299 : vector<16xi32>) : vector<16xi1>, vector<16xi32>
        %shift_right_logical3A_304 = arith.constant 7 : i32
        %shift_right_logical3A_305 = vector.broadcast %shift_right_logical3A_304 : i32 to vector<16xi32>
        %shift_right_logical3A_306 = arith.shrui %get3A_299, %shift_right_logical3A_305 : vector<16xi32>
        %and3A_307 = arith.constant 127 : i32
        %and3A_308 = vector.broadcast %and3A_307 : i32 to vector<16xi32>
        %and3A_309 = arith.andi %get3A_299, %and3A_308 : vector<16xi32>
        %convert_element_type3A_310 = arith.sitofp %unique3A_303 : vector<16xi32> to vector<16xf32>
        tpu.vector_store_idx %arg22[%shift_right_logical3A_306, %and3A_309], %convert_element_type3A_310 masked %unique3A_302 {add = true} : memref<80x128xf32, #tpu.memory_space<vmem>>[vector<16xi32>, vector<16xi32>], vector<16xf32>, vector<16xi1>
        %get3A_311 = arith.constant 96 : index
        %get3A_312 = tpu.vector_load %arg12[%get3A_311] {strides = array<i32>} : memref<128xi32, #tpu.memory_space<vmem>>, vector<16xi32>,
        %broadcast_in_dim3A_313 = arith.constant true
        %broadcast_in_dim3A_314 = vector.broadcast %broadcast_in_dim3A_313 : i1 to vector<16xi1>
        %unique3A_315, %unique3A_316 = tpu.scan_count mask(%broadcast_in_dim3A_314 : vector<16xi1>) value(%get3A_312 : vector<16xi32>) : vector<16xi1>, vector<16xi32>
        %shift_right_logical3A_317 = arith.constant 7 : i32
        %shift_right_logical3A_318 = vector.broadcast %shift_right_logical3A_317 : i32 to vector<16xi32>
        %shift_right_logical3A_319 = arith.shrui %get3A_312, %shift_right_logical3A_318 : vector<16xi32>
        %and3A_320 = arith.constant 127 : i32
        %and3A_321 = vector.broadcast %and3A_320 : i32 to vector<16xi32>
        %and3A_322 = arith.andi %get3A_312, %and3A_321 : vector<16xi32>
        %convert_element_type3A_323 = arith.sitofp %unique3A_316 : vector<16xi32> to vector<16xf32>
        tpu.vector_store_idx %arg22[%shift_right_logical3A_319, %and3A_322], %convert_element_type3A_323 masked %unique3A_315 {add = true} : memref<80x128xf32, #tpu.memory_space<vmem>>[vector<16xi32>, vector<16xi32>], vector<16xf32>, vector<16xi1>
        %get3A_324 = arith.constant 112 : index
        %get3A_325 = tpu.vector_load %arg12[%get3A_324] {strides = array<i32>} : memref<128xi32, #tpu.memory_space<vmem>>, vector<16xi32>,
        %broadcast_in_dim3A_326 = arith.constant true
        %broadcast_in_dim3A_327 = vector.broadcast %broadcast_in_dim3A_326 : i1 to vector<16xi1>
        %unique3A_328, %unique3A_329 = tpu.scan_count mask(%broadcast_in_dim3A_327 : vector<16xi1>) value(%get3A_325 : vector<16xi32>) : vector<16xi1>, vector<16xi32>
        %shift_right_logical3A_330 = arith.constant 7 : i32
        %shift_right_logical3A_331 = vector.broadcast %shift_right_logical3A_330 : i32 to vector<16xi32>
        %shift_right_logical3A_332 = arith.shrui %get3A_325, %shift_right_logical3A_331 : vector<16xi32>
        %and3A_333 = arith.constant 127 : i32
        %and3A_334 = vector.broadcast %and3A_333 : i32 to vector<16xi32>
        %and3A_335 = arith.andi %get3A_325, %and3A_334 : vector<16xi32>
        %convert_element_type3A_336 = arith.sitofp %unique3A_329 : vector<16xi32> to vector<16xf32>
        tpu.vector_store_idx %arg22[%shift_right_logical3A_332, %and3A_335], %convert_element_type3A_336 masked %unique3A_328 {add = true} : memref<80x128xf32, #tpu.memory_space<vmem>>[vector<16xi32>, vector<16xi32>], vector<16xf32>, vector<16xi1>
      } else {
      }
      %add3A_88 = arith.constant 2 : i32
      %add3A_89 = arith.addi %add3A_61, %add3A_88 : i32
      %lt3A_90 = arith.constant 160 : i32
      %lt3A_91 = arith.cmpi slt, %add3A_89, %lt3A_90 : i32
      %convert_element_type3A_92 = arith.extui %lt3A_91 : i1 to i32
      %cond3A_93 = arith.constant 0 : i32
      %cond3A_94 = arith.cmpi ne, %convert_element_type3A_92, %cond3A_93 : i32
      scf.if %cond3A_94 {
        %add3A_237 = arith.constant 2 : i32
        %add3A_238 = arith.addi %add3A_61, %add3A_237 : i32
        %mul3A_239 = arith.constant 128 : i32
        %mul3A_240 = arith.muli %add3A_238, %mul3A_239 : i32
        %add3A_241 = arith.addi %mul3A_4, %mul3A_240 : i32
        %dma_start3A_242 = tpu.memref_slice %arg4[%add3A_241] : memref<327680xi32, #tpu.memory_space<hbm>> -> memref<128xi32, #tpu.memory_space<hbm>>
        %dma_start3A_243 = tpu.memref_slice %arg4[%add3A_241] : memref<327680xi32, #tpu.memory_space<hbm>> -> memref<128xi32, #tpu.memory_space<hbm>>
        tpu.enqueue_dma source(%dma_start3A_243 : memref<128xi32, #tpu.memory_space<hbm>>) target(%arg14 : memref<128xi32, #tpu.memory_space<vmem>>) target_semaphore(%arg34 : memref<!tpu.dma_semaphore, #tpu.memory_space<semaphore_mem>>)
        %dma_start3A_244 = tpu.memref_slice %arg5[%add3A_241] : memref<327680xi32, #tpu.memory_space<hbm>> -> memref<128xi32, #tpu.memory_space<hbm>>
        %dma_start3A_245 = tpu.memref_slice %arg5[%add3A_241] : memref<327680xi32, #tpu.memory_space<hbm>> -> memref<128xi32, #tpu.memory_space<hbm>>
        tpu.enqueue_dma source(%dma_start3A_245 : memref<128xi32, #tpu.memory_space<hbm>>) target(%arg18 : memref<128xi32, #tpu.memory_space<vmem>>) target_semaphore(%arg38 : memref<!tpu.dma_semaphore, #tpu.memory_space<semaphore_mem>>)
      } else {
      }
      %add3A_95 = arith.constant 1 : i32
      %add3A_96 = arith.addi %add3A_61, %add3A_95 : i32
      %lt3A_97 = arith.constant 160 : i32
      %lt3A_98 = arith.cmpi slt, %add3A_96, %lt3A_97 : i32
      %convert_element_type3A_99 = arith.extui %lt3A_98 : i1 to i32
      %cond3A_100 = arith.constant 0 : i32
      %cond3A_101 = arith.cmpi ne, %convert_element_type3A_99, %cond3A_100 : i32
      scf.if %cond3A_101 {
        %dma_wait3A_237 = arith.constant 0 : i32
        %dma_wait3A_238 = tpu.memref_slice %arg5[%dma_wait3A_237] : memref<327680xi32, #tpu.memory_space<hbm>> -> memref<128xi32, #tpu.memory_space<hbm>>
        %dma_wait3A_239 = arith.constant 0 : i32
        %dma_wait3A_240 = tpu.memref_slice %arg5[%dma_wait3A_239] : memref<327680xi32, #tpu.memory_space<hbm>> -> memref<128xi32, #tpu.memory_space<hbm>>
        tpu.wait_dma2 semaphore(%arg37 : memref<!tpu.dma_semaphore, #tpu.memory_space<semaphore_mem>>) src(%dma_wait3A_240 : memref<128xi32, #tpu.memory_space<hbm>>) dst(%arg17 : memref<128xi32, #tpu.memory_space<vmem>>)
        %eq3A_241 = arith.constant 0 : i32
        %eq3A_242 = arith.cmpi eq, %arg0, %eq3A_241 : i32
        %convert_element_type3A_243 = arith.extui %eq3A_242 : i1 to i32
        %cond3A_244 = arith.constant 0 : i32
        %cond3A_245 = arith.cmpi ne, %convert_element_type3A_243, %cond3A_244 : i32
        scf.if %cond3A_245 {
          %dma_start3A_251 = arith.constant 0 : i32
          %dma_start3A_252 = arith.constant 0 : i32
          %dma_start3A_253 = tpu.memref_slice %arg2[%dma_start3A_251, %dma_start3A_252] : memref<10000x128xf32, #tpu.memory_space<hbm>> -> memref<10000x128xf32, #tpu.memory_space<hbm>>
          tpu.enqueue_indirect_dma source(%dma_start3A_253 : memref<10000x128xf32, #tpu.memory_space<hbm>>) target(%arg21 : memref<128x128xf32, #tpu.memory_space<vmem>>) offsets(%arg17 : memref<128xi32, #tpu.memory_space<vmem>>) semaphore(%arg27 : memref<!tpu.dma_semaphore, #tpu.memory_space<semaphore_mem>>)
        } else {
        }
        %ne3A_246 = arith.constant 0 : i32
        %ne3A_247 = arith.cmpi ne, %arg0, %ne3A_246 : i32
        %convert_element_type3A_248 = arith.extui %ne3A_247 : i1 to i32
        %cond3A_249 = arith.constant 0 : i32
        %cond3A_250 = arith.cmpi ne, %convert_element_type3A_248, %cond3A_249 : i32
        scf.if %cond3A_250 {
          %dma_start3A_251 = arith.constant 0 : i32
          %dma_start3A_252 = arith.constant 0 : i32
          %dma_start3A_253 = tpu.memref_slice %arg3[%dma_start3A_251, %dma_start3A_252] : memref<10000x128xf32, #tpu.memory_space<hbm>> -> memref<10000x128xf32, #tpu.memory_space<hbm>>
          tpu.enqueue_indirect_dma source(%dma_start3A_253 : memref<10000x128xf32, #tpu.memory_space<hbm>>) target(%arg21 : memref<128x128xf32, #tpu.memory_space<vmem>>) offsets(%arg17 : memref<128xi32, #tpu.memory_space<vmem>>) semaphore(%arg27 : memref<!tpu.dma_semaphore, #tpu.memory_space<semaphore_mem>>)
        } else {
        }
      } else {
      }
      %mul3A_102 = arith.constant 4 : i32
      %mul3A_103 = arith.muli %mul3A_102, %scan3A_57 : i32
      %add3A_104 = arith.constant 1 : i32
      %add3A_105 = arith.addi %mul3A_103, %add3A_104 : i32
      %eq3A_106 = arith.constant 0 : i32
      %eq3A_107 = arith.cmpi eq, %arg0, %eq3A_106 : i32
      %convert_element_type3A_108 = arith.extui %eq3A_107 : i1 to i32
      %cond3A_109 = arith.constant 0 : i32
      %cond3A_110 = arith.cmpi ne, %convert_element_type3A_108, %cond3A_109 : i32
      scf.if %cond3A_110 {
        %dma_wait3A_237 = arith.constant 0 : i32
        %dma_wait3A_238 = arith.constant 0 : i32
        %dma_wait3A_239 = tpu.memref_slice %arg2[%dma_wait3A_237, %dma_wait3A_238] : memref<10000x128xf32, #tpu.memory_space<hbm>> -> memref<10000x128xf32, #tpu.memory_space<hbm>>
        tpu.wait_indirect_dma semaphore(%arg27 : memref<!tpu.dma_semaphore, #tpu.memory_space<semaphore_mem>>) src(%dma_wait3A_239 : memref<10000x128xf32, #tpu.memory_space<hbm>>) dst(%arg21 : memref<128x128xf32, #tpu.memory_space<vmem>>)
      } else {
      }
      %ne3A_111 = arith.constant 0 : i32
      %ne3A_112 = arith.cmpi ne, %arg0, %ne3A_111 : i32
      %convert_element_type3A_113 = arith.extui %ne3A_112 : i1 to i32
      %cond3A_114 = arith.constant 0 : i32
      %cond3A_115 = arith.cmpi ne, %convert_element_type3A_113, %cond3A_114 : i32
      scf.if %cond3A_115 {
        %dma_wait3A_237 = arith.constant 0 : i32
        %dma_wait3A_238 = arith.constant 0 : i32
        %dma_wait3A_239 = tpu.memref_slice %arg3[%dma_wait3A_237, %dma_wait3A_238] : memref<10000x128xf32, #tpu.memory_space<hbm>> -> memref<10000x128xf32, #tpu.memory_space<hbm>>
        tpu.wait_indirect_dma semaphore(%arg27 : memref<!tpu.dma_semaphore, #tpu.memory_space<semaphore_mem>>) src(%dma_wait3A_239 : memref<10000x128xf32, #tpu.memory_space<hbm>>) dst(%arg21 : memref<128x128xf32, #tpu.memory_space<vmem>>)
      } else {
      }
      %dma_wait3A_116 = arith.constant 0 : i32
      %dma_wait3A_117 = tpu.memref_slice %arg4[%dma_wait3A_116] : memref<327680xi32, #tpu.memory_space<hbm>> -> memref<128xi32, #tpu.memory_space<hbm>>
      %dma_wait3A_118 = arith.constant 0 : i32
      %dma_wait3A_119 = tpu.memref_slice %arg4[%dma_wait3A_118] : memref<327680xi32, #tpu.memory_space<hbm>> -> memref<128xi32, #tpu.memory_space<hbm>>
      tpu.wait_dma2 semaphore(%arg33 : memref<!tpu.dma_semaphore, #tpu.memory_space<semaphore_mem>>) src(%dma_wait3A_119 : memref<128xi32, #tpu.memory_space<hbm>>) dst(%arg13 : memref<128xi32, #tpu.memory_space<vmem>>)
      %dma_start3A_120 = arith.constant 0 : i32
      %dma_start3A_121 = arith.constant 0 : i32
      %dma_start3A_122 = tpu.memref_slice %arg25[%dma_start3A_120, %dma_start3A_121] : memref<10240x128xf32, #tpu.memory_space<vmem_shared>> -> memref<10240x128xf32, #tpu.memory_space<vmem_shared>>
      tpu.enqueue_indirect_dma source(%arg21 : memref<128x128xf32, #tpu.memory_space<vmem>>) target(%dma_start3A_122 : memref<10240x128xf32, #tpu.memory_space<vmem_shared>>) offsets(%arg13 : memref<128xi32, #tpu.memory_space<vmem>>) semaphore(%arg29 : memref<!tpu.dma_semaphore, #tpu.memory_space<semaphore_mem>>) {add = true}
      %ge3A_123 = arith.constant 1 : i32
      %ge3A_124 = arith.cmpi sge, %add3A_105, %ge3A_123 : i32
      %convert_element_type3A_125 = arith.extui %ge3A_124 : i1 to i32
      %cond3A_126 = arith.constant 0 : i32
      %cond3A_127 = arith.cmpi ne, %convert_element_type3A_125, %cond3A_126 : i32
      scf.if %cond3A_127 {
        %dma_wait3A_237 = arith.constant 0 : i32
        %dma_wait3A_238 = arith.constant 0 : i32
        %dma_wait3A_239 = tpu.memref_slice %arg25[%dma_wait3A_237, %dma_wait3A_238] : memref<10240x128xf32, #tpu.memory_space<vmem_shared>> -> memref<10240x128xf32, #tpu.memory_space<vmem_shared>>
        tpu.wait_indirect_dma semaphore(%arg28 : memref<!tpu.dma_semaphore, #tpu.memory_space<semaphore_mem>>) src(%arg20 : memref<128x128xf32, #tpu.memory_space<vmem>>) dst(%dma_wait3A_239 : memref<10240x128xf32, #tpu.memory_space<vmem_shared>>)
      } else {
      }
      %eq3A_128 = arith.constant 0 : i32
      %eq3A_129 = arith.cmpi eq, %arg0, %eq3A_128 : i32
      %convert_element_type3A_130 = arith.extui %eq3A_129 : i1 to i32
      %cond3A_131 = arith.constant 0 : i32
      %cond3A_132 = arith.cmpi ne, %convert_element_type3A_130, %cond3A_131 : i32
      scf.if %cond3A_132 {
        %get3A = arith.constant 0 : index
        %get3A_237 = tpu.vector_load %arg13[%get3A] {strides = array<i32>} : memref<128xi32, #tpu.memory_space<vmem>>, vector<16xi32>,
        %broadcast_in_dim3A = arith.constant true
        %broadcast_in_dim3A_238 = vector.broadcast %broadcast_in_dim3A : i1 to vector<16xi1>
        %unique3A, %unique3A_239 = tpu.scan_count mask(%broadcast_in_dim3A_238 : vector<16xi1>) value(%get3A_237 : vector<16xi32>) : vector<16xi1>, vector<16xi32>
        %shift_right_logical3A = arith.constant 7 : i32
        %shift_right_logical3A_240 = vector.broadcast %shift_right_logical3A : i32 to vector<16xi32>
        %shift_right_logical3A_241 = arith.shrui %get3A_237, %shift_right_logical3A_240 : vector<16xi32>
        %and3A_242 = arith.constant 127 : i32
        %and3A_243 = vector.broadcast %and3A_242 : i32 to vector<16xi32>
        %and3A_244 = arith.andi %get3A_237, %and3A_243 : vector<16xi32>
        %convert_element_type3A_245 = arith.sitofp %unique3A_239 : vector<16xi32> to vector<16xf32>
        tpu.vector_store_idx %arg22[%shift_right_logical3A_241, %and3A_244], %convert_element_type3A_245 masked %unique3A {add = true} : memref<80x128xf32, #tpu.memory_space<vmem>>[vector<16xi32>, vector<16xi32>], vector<16xf32>, vector<16xi1>
        %get3A_246 = arith.constant 16 : index
        %get3A_247 = tpu.vector_load %arg13[%get3A_246] {strides = array<i32>} : memref<128xi32, #tpu.memory_space<vmem>>, vector<16xi32>,
        %broadcast_in_dim3A_248 = arith.constant true
        %broadcast_in_dim3A_249 = vector.broadcast %broadcast_in_dim3A_248 : i1 to vector<16xi1>
        %unique3A_250, %unique3A_251 = tpu.scan_count mask(%broadcast_in_dim3A_249 : vector<16xi1>) value(%get3A_247 : vector<16xi32>) : vector<16xi1>, vector<16xi32>
        %shift_right_logical3A_252 = arith.constant 7 : i32
        %shift_right_logical3A_253 = vector.broadcast %shift_right_logical3A_252 : i32 to vector<16xi32>
        %shift_right_logical3A_254 = arith.shrui %get3A_247, %shift_right_logical3A_253 : vector<16xi32>
        %and3A_255 = arith.constant 127 : i32
        %and3A_256 = vector.broadcast %and3A_255 : i32 to vector<16xi32>
        %and3A_257 = arith.andi %get3A_247, %and3A_256 : vector<16xi32>
        %convert_element_type3A_258 = arith.sitofp %unique3A_251 : vector<16xi32> to vector<16xf32>
        tpu.vector_store_idx %arg22[%shift_right_logical3A_254, %and3A_257], %convert_element_type3A_258 masked %unique3A_250 {add = true} : memref<80x128xf32, #tpu.memory_space<vmem>>[vector<16xi32>, vector<16xi32>], vector<16xf32>, vector<16xi1>
        %get3A_259 = arith.constant 32 : index
        %get3A_260 = tpu.vector_load %arg13[%get3A_259] {strides = array<i32>} : memref<128xi32, #tpu.memory_space<vmem>>, vector<16xi32>,
        %broadcast_in_dim3A_261 = arith.constant true
        %broadcast_in_dim3A_262 = vector.broadcast %broadcast_in_dim3A_261 : i1 to vector<16xi1>
        %unique3A_263, %unique3A_264 = tpu.scan_count mask(%broadcast_in_dim3A_262 : vector<16xi1>) value(%get3A_260 : vector<16xi32>) : vector<16xi1>, vector<16xi32>
        %shift_right_logical3A_265 = arith.constant 7 : i32
        %shift_right_logical3A_266 = vector.broadcast %shift_right_logical3A_265 : i32 to vector<16xi32>
        %shift_right_logical3A_267 = arith.shrui %get3A_260, %shift_right_logical3A_266 : vector<16xi32>
        %and3A_268 = arith.constant 127 : i32
        %and3A_269 = vector.broadcast %and3A_268 : i32 to vector<16xi32>
        %and3A_270 = arith.andi %get3A_260, %and3A_269 : vector<16xi32>
        %convert_element_type3A_271 = arith.sitofp %unique3A_264 : vector<16xi32> to vector<16xf32>
        tpu.vector_store_idx %arg22[%shift_right_logical3A_267, %and3A_270], %convert_element_type3A_271 masked %unique3A_263 {add = true} : memref<80x128xf32, #tpu.memory_space<vmem>>[vector<16xi32>, vector<16xi32>], vector<16xf32>, vector<16xi1>
        %get3A_272 = arith.constant 48 : index
        %get3A_273 = tpu.vector_load %arg13[%get3A_272] {strides = array<i32>} : memref<128xi32, #tpu.memory_space<vmem>>, vector<16xi32>,
        %broadcast_in_dim3A_274 = arith.constant true
        %broadcast_in_dim3A_275 = vector.broadcast %broadcast_in_dim3A_274 : i1 to vector<16xi1>
        %unique3A_276, %unique3A_277 = tpu.scan_count mask(%broadcast_in_dim3A_275 : vector<16xi1>) value(%get3A_273 : vector<16xi32>) : vector<16xi1>, vector<16xi32>
        %shift_right_logical3A_278 = arith.constant 7 : i32
        %shift_right_logical3A_279 = vector.broadcast %shift_right_logical3A_278 : i32 to vector<16xi32>
        %shift_right_logical3A_280 = arith.shrui %get3A_273, %shift_right_logical3A_279 : vector<16xi32>
        %and3A_281 = arith.constant 127 : i32
        %and3A_282 = vector.broadcast %and3A_281 : i32 to vector<16xi32>
        %and3A_283 = arith.andi %get3A_273, %and3A_282 : vector<16xi32>
        %convert_element_type3A_284 = arith.sitofp %unique3A_277 : vector<16xi32> to vector<16xf32>
        tpu.vector_store_idx %arg22[%shift_right_logical3A_280, %and3A_283], %convert_element_type3A_284 masked %unique3A_276 {add = true} : memref<80x128xf32, #tpu.memory_space<vmem>>[vector<16xi32>, vector<16xi32>], vector<16xf32>, vector<16xi1>
        %get3A_285 = arith.constant 64 : index
        %get3A_286 = tpu.vector_load %arg13[%get3A_285] {strides = array<i32>} : memref<128xi32, #tpu.memory_space<vmem>>, vector<16xi32>,
        %broadcast_in_dim3A_287 = arith.constant true
        %broadcast_in_dim3A_288 = vector.broadcast %broadcast_in_dim3A_287 : i1 to vector<16xi1>
        %unique3A_289, %unique3A_290 = tpu.scan_count mask(%broadcast_in_dim3A_288 : vector<16xi1>) value(%get3A_286 : vector<16xi32>) : vector<16xi1>, vector<16xi32>
        %shift_right_logical3A_291 = arith.constant 7 : i32
        %shift_right_logical3A_292 = vector.broadcast %shift_right_logical3A_291 : i32 to vector<16xi32>
        %shift_right_logical3A_293 = arith.shrui %get3A_286, %shift_right_logical3A_292 : vector<16xi32>
        %and3A_294 = arith.constant 127 : i32
        %and3A_295 = vector.broadcast %and3A_294 : i32 to vector<16xi32>
        %and3A_296 = arith.andi %get3A_286, %and3A_295 : vector<16xi32>
        %convert_element_type3A_297 = arith.sitofp %unique3A_290 : vector<16xi32> to vector<16xf32>
        tpu.vector_store_idx %arg22[%shift_right_logical3A_293, %and3A_296], %convert_element_type3A_297 masked %unique3A_289 {add = true} : memref<80x128xf32, #tpu.memory_space<vmem>>[vector<16xi32>, vector<16xi32>], vector<16xf32>, vector<16xi1>
        %get3A_298 = arith.constant 80 : index
        %get3A_299 = tpu.vector_load %arg13[%get3A_298] {strides = array<i32>} : memref<128xi32, #tpu.memory_space<vmem>>, vector<16xi32>,
        %broadcast_in_dim3A_300 = arith.constant true
        %broadcast_in_dim3A_301 = vector.broadcast %broadcast_in_dim3A_300 : i1 to vector<16xi1>
        %unique3A_302, %unique3A_303 = tpu.scan_count mask(%broadcast_in_dim3A_301 : vector<16xi1>) value(%get3A_299 : vector<16xi32>) : vector<16xi1>, vector<16xi32>
        %shift_right_logical3A_304 = arith.constant 7 : i32
        %shift_right_logical3A_305 = vector.broadcast %shift_right_logical3A_304 : i32 to vector<16xi32>
        %shift_right_logical3A_306 = arith.shrui %get3A_299, %shift_right_logical3A_305 : vector<16xi32>
        %and3A_307 = arith.constant 127 : i32
        %and3A_308 = vector.broadcast %and3A_307 : i32 to vector<16xi32>
        %and3A_309 = arith.andi %get3A_299, %and3A_308 : vector<16xi32>
        %convert_element_type3A_310 = arith.sitofp %unique3A_303 : vector<16xi32> to vector<16xf32>
        tpu.vector_store_idx %arg22[%shift_right_logical3A_306, %and3A_309], %convert_element_type3A_310 masked %unique3A_302 {add = true} : memref<80x128xf32, #tpu.memory_space<vmem>>[vector<16xi32>, vector<16xi32>], vector<16xf32>, vector<16xi1>
        %get3A_311 = arith.constant 96 : index
        %get3A_312 = tpu.vector_load %arg13[%get3A_311] {strides = array<i32>} : memref<128xi32, #tpu.memory_space<vmem>>, vector<16xi32>,
        %broadcast_in_dim3A_313 = arith.constant true
        %broadcast_in_dim3A_314 = vector.broadcast %broadcast_in_dim3A_313 : i1 to vector<16xi1>
        %unique3A_315, %unique3A_316 = tpu.scan_count mask(%broadcast_in_dim3A_314 : vector<16xi1>) value(%get3A_312 : vector<16xi32>) : vector<16xi1>, vector<16xi32>
        %shift_right_logical3A_317 = arith.constant 7 : i32
        %shift_right_logical3A_318 = vector.broadcast %shift_right_logical3A_317 : i32 to vector<16xi32>
        %shift_right_logical3A_319 = arith.shrui %get3A_312, %shift_right_logical3A_318 : vector<16xi32>
        %and3A_320 = arith.constant 127 : i32
        %and3A_321 = vector.broadcast %and3A_320 : i32 to vector<16xi32>
        %and3A_322 = arith.andi %get3A_312, %and3A_321 : vector<16xi32>
        %convert_element_type3A_323 = arith.sitofp %unique3A_316 : vector<16xi32> to vector<16xf32>
        tpu.vector_store_idx %arg22[%shift_right_logical3A_319, %and3A_322], %convert_element_type3A_323 masked %unique3A_315 {add = true} : memref<80x128xf32, #tpu.memory_space<vmem>>[vector<16xi32>, vector<16xi32>], vector<16xf32>, vector<16xi1>
        %get3A_324 = arith.constant 112 : index
        %get3A_325 = tpu.vector_load %arg13[%get3A_324] {strides = array<i32>} : memref<128xi32, #tpu.memory_space<vmem>>, vector<16xi32>,
        %broadcast_in_dim3A_326 = arith.constant true
        %broadcast_in_dim3A_327 = vector.broadcast %broadcast_in_dim3A_326 : i1 to vector<16xi1>
        %unique3A_328, %unique3A_329 = tpu.scan_count mask(%broadcast_in_dim3A_327 : vector<16xi1>) value(%get3A_325 : vector<16xi32>) : vector<16xi1>, vector<16xi32>
        %shift_right_logical3A_330 = arith.constant 7 : i32
        %shift_right_logical3A_331 = vector.broadcast %shift_right_logical3A_330 : i32 to vector<16xi32>
        %shift_right_logical3A_332 = arith.shrui %get3A_325, %shift_right_logical3A_331 : vector<16xi32>
        %and3A_333 = arith.constant 127 : i32
        %and3A_334 = vector.broadcast %and3A_333 : i32 to vector<16xi32>
        %and3A_335 = arith.andi %get3A_325, %and3A_334 : vector<16xi32>
        %convert_element_type3A_336 = arith.sitofp %unique3A_329 : vector<16xi32> to vector<16xf32>
        tpu.vector_store_idx %arg22[%shift_right_logical3A_332, %and3A_335], %convert_element_type3A_336 masked %unique3A_328 {add = true} : memref<80x128xf32, #tpu.memory_space<vmem>>[vector<16xi32>, vector<16xi32>], vector<16xf32>, vector<16xi1>
      } else {
      }
      %add3A_133 = arith.constant 2 : i32
      %add3A_134 = arith.addi %add3A_105, %add3A_133 : i32
      %lt3A_135 = arith.constant 160 : i32
      %lt3A_136 = arith.cmpi slt, %add3A_134, %lt3A_135 : i32
      %convert_element_type3A_137 = arith.extui %lt3A_136 : i1 to i32
      %cond3A_138 = arith.constant 0 : i32
      %cond3A_139 = arith.cmpi ne, %convert_element_type3A_137, %cond3A_138 : i32
      scf.if %cond3A_139 {
        %add3A_237 = arith.constant 2 : i32
        %add3A_238 = arith.addi %add3A_105, %add3A_237 : i32
        %mul3A_239 = arith.constant 128 : i32
        %mul3A_240 = arith.muli %add3A_238, %mul3A_239 : i32
        %add3A_241 = arith.addi %mul3A_4, %mul3A_240 : i32
        %dma_start3A_242 = tpu.memref_slice %arg4[%add3A_241] : memref<327680xi32, #tpu.memory_space<hbm>> -> memref<128xi32, #tpu.memory_space<hbm>>
        %dma_start3A_243 = tpu.memref_slice %arg4[%add3A_241] : memref<327680xi32, #tpu.memory_space<hbm>> -> memref<128xi32, #tpu.memory_space<hbm>>
        tpu.enqueue_dma source(%dma_start3A_243 : memref<128xi32, #tpu.memory_space<hbm>>) target(%arg15 : memref<128xi32, #tpu.memory_space<vmem>>) target_semaphore(%arg35 : memref<!tpu.dma_semaphore, #tpu.memory_space<semaphore_mem>>)
        %dma_start3A_244 = tpu.memref_slice %arg5[%add3A_241] : memref<327680xi32, #tpu.memory_space<hbm>> -> memref<128xi32, #tpu.memory_space<hbm>>
        %dma_start3A_245 = tpu.memref_slice %arg5[%add3A_241] : memref<327680xi32, #tpu.memory_space<hbm>> -> memref<128xi32, #tpu.memory_space<hbm>>
        tpu.enqueue_dma source(%dma_start3A_245 : memref<128xi32, #tpu.memory_space<hbm>>) target(%arg19 : memref<128xi32, #tpu.memory_space<vmem>>) target_semaphore(%arg39 : memref<!tpu.dma_semaphore, #tpu.memory_space<semaphore_mem>>)
      } else {
      }
      %add3A_140 = arith.constant 1 : i32
      %add3A_141 = arith.addi %add3A_105, %add3A_140 : i32
      %lt3A_142 = arith.constant 160 : i32
      %lt3A_143 = arith.cmpi slt, %add3A_141, %lt3A_142 : i32
      %convert_element_type3A_144 = arith.extui %lt3A_143 : i1 to i32
      %cond3A_145 = arith.constant 0 : i32
      %cond3A_146 = arith.cmpi ne, %convert_element_type3A_144, %cond3A_145 : i32
      scf.if %cond3A_146 {
        %dma_wait3A_237 = arith.constant 0 : i32
        %dma_wait3A_238 = tpu.memref_slice %arg5[%dma_wait3A_237] : memref<327680xi32, #tpu.memory_space<hbm>> -> memref<128xi32, #tpu.memory_space<hbm>>
        %dma_wait3A_239 = arith.constant 0 : i32
        %dma_wait3A_240 = tpu.memref_slice %arg5[%dma_wait3A_239] : memref<327680xi32, #tpu.memory_space<hbm>> -> memref<128xi32, #tpu.memory_space<hbm>>
        tpu.wait_dma2 semaphore(%arg38 : memref<!tpu.dma_semaphore, #tpu.memory_space<semaphore_mem>>) src(%dma_wait3A_240 : memref<128xi32, #tpu.memory_space<hbm>>) dst(%arg18 : memref<128xi32, #tpu.memory_space<vmem>>)
        %eq3A_241 = arith.constant 0 : i32
        %eq3A_242 = arith.cmpi eq, %arg0, %eq3A_241 : i32
        %convert_element_type3A_243 = arith.extui %eq3A_242 : i1 to i32
        %cond3A_244 = arith.constant 0 : i32
        %cond3A_245 = arith.cmpi ne, %convert_element_type3A_243, %cond3A_244 : i32
        scf.if %cond3A_245 {
          %dma_start3A_251 = arith.constant 0 : i32
          %dma_start3A_252 = arith.constant 0 : i32
          %dma_start3A_253 = tpu.memref_slice %arg2[%dma_start3A_251, %dma_start3A_252] : memref<10000x128xf32, #tpu.memory_space<hbm>> -> memref<10000x128xf32, #tpu.memory_space<hbm>>
          tpu.enqueue_indirect_dma source(%dma_start3A_253 : memref<10000x128xf32, #tpu.memory_space<hbm>>) target(%arg20 : memref<128x128xf32, #tpu.memory_space<vmem>>) offsets(%arg18 : memref<128xi32, #tpu.memory_space<vmem>>) semaphore(%arg26 : memref<!tpu.dma_semaphore, #tpu.memory_space<semaphore_mem>>)
        } else {
        }
        %ne3A_246 = arith.constant 0 : i32
        %ne3A_247 = arith.cmpi ne, %arg0, %ne3A_246 : i32
        %convert_element_type3A_248 = arith.extui %ne3A_247 : i1 to i32
        %cond3A_249 = arith.constant 0 : i32
        %cond3A_250 = arith.cmpi ne, %convert_element_type3A_248, %cond3A_249 : i32
        scf.if %cond3A_250 {
          %dma_start3A_251 = arith.constant 0 : i32
          %dma_start3A_252 = arith.constant 0 : i32
          %dma_start3A_253 = tpu.memref_slice %arg3[%dma_start3A_251, %dma_start3A_252] : memref<10000x128xf32, #tpu.memory_space<hbm>> -> memref<10000x128xf32, #tpu.memory_space<hbm>>
          tpu.enqueue_indirect_dma source(%dma_start3A_253 : memref<10000x128xf32, #tpu.memory_space<hbm>>) target(%arg20 : memref<128x128xf32, #tpu.memory_space<vmem>>) offsets(%arg18 : memref<128xi32, #tpu.memory_space<vmem>>) semaphore(%arg26 : memref<!tpu.dma_semaphore, #tpu.memory_space<semaphore_mem>>)
        } else {
        }
      } else {
      }
      %mul3A_147 = arith.constant 4 : i32
      %mul3A_148 = arith.muli %mul3A_147, %scan3A_57 : i32
      %add3A_149 = arith.constant 2 : i32
      %add3A_150 = arith.addi %mul3A_148, %add3A_149 : i32
      %eq3A_151 = arith.constant 0 : i32
      %eq3A_152 = arith.cmpi eq, %arg0, %eq3A_151 : i32
      %convert_element_type3A_153 = arith.extui %eq3A_152 : i1 to i32
      %cond3A_154 = arith.constant 0 : i32
      %cond3A_155 = arith.cmpi ne, %convert_element_type3A_153, %cond3A_154 : i32
      scf.if %cond3A_155 {
        %dma_wait3A_237 = arith.constant 0 : i32
        %dma_wait3A_238 = arith.constant 0 : i32
        %dma_wait3A_239 = tpu.memref_slice %arg2[%dma_wait3A_237, %dma_wait3A_238] : memref<10000x128xf32, #tpu.memory_space<hbm>> -> memref<10000x128xf32, #tpu.memory_space<hbm>>
        tpu.wait_indirect_dma semaphore(%arg26 : memref<!tpu.dma_semaphore, #tpu.memory_space<semaphore_mem>>) src(%dma_wait3A_239 : memref<10000x128xf32, #tpu.memory_space<hbm>>) dst(%arg20 : memref<128x128xf32, #tpu.memory_space<vmem>>)
      } else {
      }
      %ne3A_156 = arith.constant 0 : i32
      %ne3A_157 = arith.cmpi ne, %arg0, %ne3A_156 : i32
      %convert_element_type3A_158 = arith.extui %ne3A_157 : i1 to i32
      %cond3A_159 = arith.constant 0 : i32
      %cond3A_160 = arith.cmpi ne, %convert_element_type3A_158, %cond3A_159 : i32
      scf.if %cond3A_160 {
        %dma_wait3A_237 = arith.constant 0 : i32
        %dma_wait3A_238 = arith.constant 0 : i32
        %dma_wait3A_239 = tpu.memref_slice %arg3[%dma_wait3A_237, %dma_wait3A_238] : memref<10000x128xf32, #tpu.memory_space<hbm>> -> memref<10000x128xf32, #tpu.memory_space<hbm>>
        tpu.wait_indirect_dma semaphore(%arg26 : memref<!tpu.dma_semaphore, #tpu.memory_space<semaphore_mem>>) src(%dma_wait3A_239 : memref<10000x128xf32, #tpu.memory_space<hbm>>) dst(%arg20 : memref<128x128xf32, #tpu.memory_space<vmem>>)
      } else {
      }
      %dma_wait3A_161 = arith.constant 0 : i32
      %dma_wait3A_162 = tpu.memref_slice %arg4[%dma_wait3A_161] : memref<327680xi32, #tpu.memory_space<hbm>> -> memref<128xi32, #tpu.memory_space<hbm>>
      %dma_wait3A_163 = arith.constant 0 : i32
      %dma_wait3A_164 = tpu.memref_slice %arg4[%dma_wait3A_163] : memref<327680xi32, #tpu.memory_space<hbm>> -> memref<128xi32, #tpu.memory_space<hbm>>
      tpu.wait_dma2 semaphore(%arg34 : memref<!tpu.dma_semaphore, #tpu.memory_space<semaphore_mem>>) src(%dma_wait3A_164 : memref<128xi32, #tpu.memory_space<hbm>>) dst(%arg14 : memref<128xi32, #tpu.memory_space<vmem>>)
      %dma_start3A_165 = arith.constant 0 : i32
      %dma_start3A_166 = arith.constant 0 : i32
      %dma_start3A_167 = tpu.memref_slice %arg25[%dma_start3A_165, %dma_start3A_166] : memref<10240x128xf32, #tpu.memory_space<vmem_shared>> -> memref<10240x128xf32, #tpu.memory_space<vmem_shared>>
      tpu.enqueue_indirect_dma source(%arg20 : memref<128x128xf32, #tpu.memory_space<vmem>>) target(%dma_start3A_167 : memref<10240x128xf32, #tpu.memory_space<vmem_shared>>) offsets(%arg14 : memref<128xi32, #tpu.memory_space<vmem>>) semaphore(%arg30 : memref<!tpu.dma_semaphore, #tpu.memory_space<semaphore_mem>>) {add = true}
      %ge3A_168 = arith.constant 1 : i32
      %ge3A_169 = arith.cmpi sge, %add3A_150, %ge3A_168 : i32
      %convert_element_type3A_170 = arith.extui %ge3A_169 : i1 to i32
      %cond3A_171 = arith.constant 0 : i32
      %cond3A_172 = arith.cmpi ne, %convert_element_type3A_170, %cond3A_171 : i32
      scf.if %cond3A_172 {
        %dma_wait3A_237 = arith.constant 0 : i32
        %dma_wait3A_238 = arith.constant 0 : i32
        %dma_wait3A_239 = tpu.memref_slice %arg25[%dma_wait3A_237, %dma_wait3A_238] : memref<10240x128xf32, #tpu.memory_space<vmem_shared>> -> memref<10240x128xf32, #tpu.memory_space<vmem_shared>>
        tpu.wait_indirect_dma semaphore(%arg29 : memref<!tpu.dma_semaphore, #tpu.memory_space<semaphore_mem>>) src(%arg21 : memref<128x128xf32, #tpu.memory_space<vmem>>) dst(%dma_wait3A_239 : memref<10240x128xf32, #tpu.memory_space<vmem_shared>>)
      } else {
      }
      %eq3A_173 = arith.constant 0 : i32
      %eq3A_174 = arith.cmpi eq, %arg0, %eq3A_173 : i32
      %convert_element_type3A_175 = arith.extui %eq3A_174 : i1 to i32
      %cond3A_176 = arith.constant 0 : i32
      %cond3A_177 = arith.cmpi ne, %convert_element_type3A_175, %cond3A_176 : i32
      scf.if %cond3A_177 {
        %get3A = arith.constant 0 : index
        %get3A_237 = tpu.vector_load %arg14[%get3A] {strides = array<i32>} : memref<128xi32, #tpu.memory_space<vmem>>, vector<16xi32>,
        %broadcast_in_dim3A = arith.constant true
        %broadcast_in_dim3A_238 = vector.broadcast %broadcast_in_dim3A : i1 to vector<16xi1>
        %unique3A, %unique3A_239 = tpu.scan_count mask(%broadcast_in_dim3A_238 : vector<16xi1>) value(%get3A_237 : vector<16xi32>) : vector<16xi1>, vector<16xi32>
        %shift_right_logical3A = arith.constant 7 : i32
        %shift_right_logical3A_240 = vector.broadcast %shift_right_logical3A : i32 to vector<16xi32>
        %shift_right_logical3A_241 = arith.shrui %get3A_237, %shift_right_logical3A_240 : vector<16xi32>
        %and3A_242 = arith.constant 127 : i32
        %and3A_243 = vector.broadcast %and3A_242 : i32 to vector<16xi32>
        %and3A_244 = arith.andi %get3A_237, %and3A_243 : vector<16xi32>
        %convert_element_type3A_245 = arith.sitofp %unique3A_239 : vector<16xi32> to vector<16xf32>
        tpu.vector_store_idx %arg22[%shift_right_logical3A_241, %and3A_244], %convert_element_type3A_245 masked %unique3A {add = true} : memref<80x128xf32, #tpu.memory_space<vmem>>[vector<16xi32>, vector<16xi32>], vector<16xf32>, vector<16xi1>
        %get3A_246 = arith.constant 16 : index
        %get3A_247 = tpu.vector_load %arg14[%get3A_246] {strides = array<i32>} : memref<128xi32, #tpu.memory_space<vmem>>, vector<16xi32>,
        %broadcast_in_dim3A_248 = arith.constant true
        %broadcast_in_dim3A_249 = vector.broadcast %broadcast_in_dim3A_248 : i1 to vector<16xi1>
        %unique3A_250, %unique3A_251 = tpu.scan_count mask(%broadcast_in_dim3A_249 : vector<16xi1>) value(%get3A_247 : vector<16xi32>) : vector<16xi1>, vector<16xi32>
        %shift_right_logical3A_252 = arith.constant 7 : i32
        %shift_right_logical3A_253 = vector.broadcast %shift_right_logical3A_252 : i32 to vector<16xi32>
        %shift_right_logical3A_254 = arith.shrui %get3A_247, %shift_right_logical3A_253 : vector<16xi32>
        %and3A_255 = arith.constant 127 : i32
        %and3A_256 = vector.broadcast %and3A_255 : i32 to vector<16xi32>
        %and3A_257 = arith.andi %get3A_247, %and3A_256 : vector<16xi32>
        %convert_element_type3A_258 = arith.sitofp %unique3A_251 : vector<16xi32> to vector<16xf32>
        tpu.vector_store_idx %arg22[%shift_right_logical3A_254, %and3A_257], %convert_element_type3A_258 masked %unique3A_250 {add = true} : memref<80x128xf32, #tpu.memory_space<vmem>>[vector<16xi32>, vector<16xi32>], vector<16xf32>, vector<16xi1>
        %get3A_259 = arith.constant 32 : index
        %get3A_260 = tpu.vector_load %arg14[%get3A_259] {strides = array<i32>} : memref<128xi32, #tpu.memory_space<vmem>>, vector<16xi32>,
        %broadcast_in_dim3A_261 = arith.constant true
        %broadcast_in_dim3A_262 = vector.broadcast %broadcast_in_dim3A_261 : i1 to vector<16xi1>
        %unique3A_263, %unique3A_264 = tpu.scan_count mask(%broadcast_in_dim3A_262 : vector<16xi1>) value(%get3A_260 : vector<16xi32>) : vector<16xi1>, vector<16xi32>
        %shift_right_logical3A_265 = arith.constant 7 : i32
        %shift_right_logical3A_266 = vector.broadcast %shift_right_logical3A_265 : i32 to vector<16xi32>
        %shift_right_logical3A_267 = arith.shrui %get3A_260, %shift_right_logical3A_266 : vector<16xi32>
        %and3A_268 = arith.constant 127 : i32
        %and3A_269 = vector.broadcast %and3A_268 : i32 to vector<16xi32>
        %and3A_270 = arith.andi %get3A_260, %and3A_269 : vector<16xi32>
        %convert_element_type3A_271 = arith.sitofp %unique3A_264 : vector<16xi32> to vector<16xf32>
        tpu.vector_store_idx %arg22[%shift_right_logical3A_267, %and3A_270], %convert_element_type3A_271 masked %unique3A_263 {add = true} : memref<80x128xf32, #tpu.memory_space<vmem>>[vector<16xi32>, vector<16xi32>], vector<16xf32>, vector<16xi1>
        %get3A_272 = arith.constant 48 : index
        %get3A_273 = tpu.vector_load %arg14[%get3A_272] {strides = array<i32>} : memref<128xi32, #tpu.memory_space<vmem>>, vector<16xi32>,
        %broadcast_in_dim3A_274 = arith.constant true
        %broadcast_in_dim3A_275 = vector.broadcast %broadcast_in_dim3A_274 : i1 to vector<16xi1>
        %unique3A_276, %unique3A_277 = tpu.scan_count mask(%broadcast_in_dim3A_275 : vector<16xi1>) value(%get3A_273 : vector<16xi32>) : vector<16xi1>, vector<16xi32>
        %shift_right_logical3A_278 = arith.constant 7 : i32
        %shift_right_logical3A_279 = vector.broadcast %shift_right_logical3A_278 : i32 to vector<16xi32>
        %shift_right_logical3A_280 = arith.shrui %get3A_273, %shift_right_logical3A_279 : vector<16xi32>
        %and3A_281 = arith.constant 127 : i32
        %and3A_282 = vector.broadcast %and3A_281 : i32 to vector<16xi32>
        %and3A_283 = arith.andi %get3A_273, %and3A_282 : vector<16xi32>
        %convert_element_type3A_284 = arith.sitofp %unique3A_277 : vector<16xi32> to vector<16xf32>
        tpu.vector_store_idx %arg22[%shift_right_logical3A_280, %and3A_283], %convert_element_type3A_284 masked %unique3A_276 {add = true} : memref<80x128xf32, #tpu.memory_space<vmem>>[vector<16xi32>, vector<16xi32>], vector<16xf32>, vector<16xi1>
        %get3A_285 = arith.constant 64 : index
        %get3A_286 = tpu.vector_load %arg14[%get3A_285] {strides = array<i32>} : memref<128xi32, #tpu.memory_space<vmem>>, vector<16xi32>,
        %broadcast_in_dim3A_287 = arith.constant true
        %broadcast_in_dim3A_288 = vector.broadcast %broadcast_in_dim3A_287 : i1 to vector<16xi1>
        %unique3A_289, %unique3A_290 = tpu.scan_count mask(%broadcast_in_dim3A_288 : vector<16xi1>) value(%get3A_286 : vector<16xi32>) : vector<16xi1>, vector<16xi32>
        %shift_right_logical3A_291 = arith.constant 7 : i32
        %shift_right_logical3A_292 = vector.broadcast %shift_right_logical3A_291 : i32 to vector<16xi32>
        %shift_right_logical3A_293 = arith.shrui %get3A_286, %shift_right_logical3A_292 : vector<16xi32>
        %and3A_294 = arith.constant 127 : i32
        %and3A_295 = vector.broadcast %and3A_294 : i32 to vector<16xi32>
        %and3A_296 = arith.andi %get3A_286, %and3A_295 : vector<16xi32>
        %convert_element_type3A_297 = arith.sitofp %unique3A_290 : vector<16xi32> to vector<16xf32>
        tpu.vector_store_idx %arg22[%shift_right_logical3A_293, %and3A_296], %convert_element_type3A_297 masked %unique3A_289 {add = true} : memref<80x128xf32, #tpu.memory_space<vmem>>[vector<16xi32>, vector<16xi32>], vector<16xf32>, vector<16xi1>
        %get3A_298 = arith.constant 80 : index
        %get3A_299 = tpu.vector_load %arg14[%get3A_298] {strides = array<i32>} : memref<128xi32, #tpu.memory_space<vmem>>, vector<16xi32>,
        %broadcast_in_dim3A_300 = arith.constant true
        %broadcast_in_dim3A_301 = vector.broadcast %broadcast_in_dim3A_300 : i1 to vector<16xi1>
        %unique3A_302, %unique3A_303 = tpu.scan_count mask(%broadcast_in_dim3A_301 : vector<16xi1>) value(%get3A_299 : vector<16xi32>) : vector<16xi1>, vector<16xi32>
        %shift_right_logical3A_304 = arith.constant 7 : i32
        %shift_right_logical3A_305 = vector.broadcast %shift_right_logical3A_304 : i32 to vector<16xi32>
        %shift_right_logical3A_306 = arith.shrui %get3A_299, %shift_right_logical3A_305 : vector<16xi32>
        %and3A_307 = arith.constant 127 : i32
        %and3A_308 = vector.broadcast %and3A_307 : i32 to vector<16xi32>
        %and3A_309 = arith.andi %get3A_299, %and3A_308 : vector<16xi32>
        %convert_element_type3A_310 = arith.sitofp %unique3A_303 : vector<16xi32> to vector<16xf32>
        tpu.vector_store_idx %arg22[%shift_right_logical3A_306, %and3A_309], %convert_element_type3A_310 masked %unique3A_302 {add = true} : memref<80x128xf32, #tpu.memory_space<vmem>>[vector<16xi32>, vector<16xi32>], vector<16xf32>, vector<16xi1>
        %get3A_311 = arith.constant 96 : index
        %get3A_312 = tpu.vector_load %arg14[%get3A_311] {strides = array<i32>} : memref<128xi32, #tpu.memory_space<vmem>>, vector<16xi32>,
        %broadcast_in_dim3A_313 = arith.constant true
        %broadcast_in_dim3A_314 = vector.broadcast %broadcast_in_dim3A_313 : i1 to vector<16xi1>
        %unique3A_315, %unique3A_316 = tpu.scan_count mask(%broadcast_in_dim3A_314 : vector<16xi1>) value(%get3A_312 : vector<16xi32>) : vector<16xi1>, vector<16xi32>
        %shift_right_logical3A_317 = arith.constant 7 : i32
        %shift_right_logical3A_318 = vector.broadcast %shift_right_logical3A_317 : i32 to vector<16xi32>
        %shift_right_logical3A_319 = arith.shrui %get3A_312, %shift_right_logical3A_318 : vector<16xi32>
        %and3A_320 = arith.constant 127 : i32
        %and3A_321 = vector.broadcast %and3A_320 : i32 to vector<16xi32>
        %and3A_322 = arith.andi %get3A_312, %and3A_321 : vector<16xi32>
        %convert_element_type3A_323 = arith.sitofp %unique3A_316 : vector<16xi32> to vector<16xf32>
        tpu.vector_store_idx %arg22[%shift_right_logical3A_319, %and3A_322], %convert_element_type3A_323 masked %unique3A_315 {add = true} : memref<80x128xf32, #tpu.memory_space<vmem>>[vector<16xi32>, vector<16xi32>], vector<16xf32>, vector<16xi1>
        %get3A_324 = arith.constant 112 : index
        %get3A_325 = tpu.vector_load %arg14[%get3A_324] {strides = array<i32>} : memref<128xi32, #tpu.memory_space<vmem>>, vector<16xi32>,
        %broadcast_in_dim3A_326 = arith.constant true
        %broadcast_in_dim3A_327 = vector.broadcast %broadcast_in_dim3A_326 : i1 to vector<16xi1>
        %unique3A_328, %unique3A_329 = tpu.scan_count mask(%broadcast_in_dim3A_327 : vector<16xi1>) value(%get3A_325 : vector<16xi32>) : vector<16xi1>, vector<16xi32>
        %shift_right_logical3A_330 = arith.constant 7 : i32
        %shift_right_logical3A_331 = vector.broadcast %shift_right_logical3A_330 : i32 to vector<16xi32>
        %shift_right_logical3A_332 = arith.shrui %get3A_325, %shift_right_logical3A_331 : vector<16xi32>
        %and3A_333 = arith.constant 127 : i32
        %and3A_334 = vector.broadcast %and3A_333 : i32 to vector<16xi32>
        %and3A_335 = arith.andi %get3A_325, %and3A_334 : vector<16xi32>
        %convert_element_type3A_336 = arith.sitofp %unique3A_329 : vector<16xi32> to vector<16xf32>
        tpu.vector_store_idx %arg22[%shift_right_logical3A_332, %and3A_335], %convert_element_type3A_336 masked %unique3A_328 {add = true} : memref<80x128xf32, #tpu.memory_space<vmem>>[vector<16xi32>, vector<16xi32>], vector<16xf32>, vector<16xi1>
      } else {
      }
      %add3A_178 = arith.constant 2 : i32
      %add3A_179 = arith.addi %add3A_150, %add3A_178 : i32
      %lt3A_180 = arith.constant 160 : i32
      %lt3A_181 = arith.cmpi slt, %add3A_179, %lt3A_180 : i32
      %convert_element_type3A_182 = arith.extui %lt3A_181 : i1 to i32
      %cond3A_183 = arith.constant 0 : i32
      %cond3A_184 = arith.cmpi ne, %convert_element_type3A_182, %cond3A_183 : i32
      scf.if %cond3A_184 {
        %add3A_237 = arith.constant 2 : i32
        %add3A_238 = arith.addi %add3A_150, %add3A_237 : i32
        %mul3A_239 = arith.constant 128 : i32
        %mul3A_240 = arith.muli %add3A_238, %mul3A_239 : i32
        %add3A_241 = arith.addi %mul3A_4, %mul3A_240 : i32
        %dma_start3A_242 = tpu.memref_slice %arg4[%add3A_241] : memref<327680xi32, #tpu.memory_space<hbm>> -> memref<128xi32, #tpu.memory_space<hbm>>
        %dma_start3A_243 = tpu.memref_slice %arg4[%add3A_241] : memref<327680xi32, #tpu.memory_space<hbm>> -> memref<128xi32, #tpu.memory_space<hbm>>
        tpu.enqueue_dma source(%dma_start3A_243 : memref<128xi32, #tpu.memory_space<hbm>>) target(%arg12 : memref<128xi32, #tpu.memory_space<vmem>>) target_semaphore(%arg32 : memref<!tpu.dma_semaphore, #tpu.memory_space<semaphore_mem>>)
        %dma_start3A_244 = tpu.memref_slice %arg5[%add3A_241] : memref<327680xi32, #tpu.memory_space<hbm>> -> memref<128xi32, #tpu.memory_space<hbm>>
        %dma_start3A_245 = tpu.memref_slice %arg5[%add3A_241] : memref<327680xi32, #tpu.memory_space<hbm>> -> memref<128xi32, #tpu.memory_space<hbm>>
        tpu.enqueue_dma source(%dma_start3A_245 : memref<128xi32, #tpu.memory_space<hbm>>) target(%arg16 : memref<128xi32, #tpu.memory_space<vmem>>) target_semaphore(%arg36 : memref<!tpu.dma_semaphore, #tpu.memory_space<semaphore_mem>>)
      } else {
      }
      %add3A_185 = arith.constant 1 : i32
      %add3A_186 = arith.addi %add3A_150, %add3A_185 : i32
      %lt3A_187 = arith.constant 160 : i32
      %lt3A_188 = arith.cmpi slt, %add3A_186, %lt3A_187 : i32
      %convert_element_type3A_189 = arith.extui %lt3A_188 : i1 to i32
      %cond3A_190 = arith.constant 0 : i32
      %cond3A_191 = arith.cmpi ne, %convert_element_type3A_189, %cond3A_190 : i32
      scf.if %cond3A_191 {
        %dma_wait3A_237 = arith.constant 0 : i32
        %dma_wait3A_238 = tpu.memref_slice %arg5[%dma_wait3A_237] : memref<327680xi32, #tpu.memory_space<hbm>> -> memref<128xi32, #tpu.memory_space<hbm>>
        %dma_wait3A_239 = arith.constant 0 : i32
        %dma_wait3A_240 = tpu.memref_slice %arg5[%dma_wait3A_239] : memref<327680xi32, #tpu.memory_space<hbm>> -> memref<128xi32, #tpu.memory_space<hbm>>
        tpu.wait_dma2 semaphore(%arg39 : memref<!tpu.dma_semaphore, #tpu.memory_space<semaphore_mem>>) src(%dma_wait3A_240 : memref<128xi32, #tpu.memory_space<hbm>>) dst(%arg19 : memref<128xi32, #tpu.memory_space<vmem>>)
        %eq3A_241 = arith.constant 0 : i32
        %eq3A_242 = arith.cmpi eq, %arg0, %eq3A_241 : i32
        %convert_element_type3A_243 = arith.extui %eq3A_242 : i1 to i32
        %cond3A_244 = arith.constant 0 : i32
        %cond3A_245 = arith.cmpi ne, %convert_element_type3A_243, %cond3A_244 : i32
        scf.if %cond3A_245 {
          %dma_start3A_251 = arith.constant 0 : i32
          %dma_start3A_252 = arith.constant 0 : i32
          %dma_start3A_253 = tpu.memref_slice %arg2[%dma_start3A_251, %dma_start3A_252] : memref<10000x128xf32, #tpu.memory_space<hbm>> -> memref<10000x128xf32, #tpu.memory_space<hbm>>
          tpu.enqueue_indirect_dma source(%dma_start3A_253 : memref<10000x128xf32, #tpu.memory_space<hbm>>) target(%arg21 : memref<128x128xf32, #tpu.memory_space<vmem>>) offsets(%arg19 : memref<128xi32, #tpu.memory_space<vmem>>) semaphore(%arg27 : memref<!tpu.dma_semaphore, #tpu.memory_space<semaphore_mem>>)
        } else {
        }
        %ne3A_246 = arith.constant 0 : i32
        %ne3A_247 = arith.cmpi ne, %arg0, %ne3A_246 : i32
        %convert_element_type3A_248 = arith.extui %ne3A_247 : i1 to i32
        %cond3A_249 = arith.constant 0 : i32
        %cond3A_250 = arith.cmpi ne, %convert_element_type3A_248, %cond3A_249 : i32
        scf.if %cond3A_250 {
          %dma_start3A_251 = arith.constant 0 : i32
          %dma_start3A_252 = arith.constant 0 : i32
          %dma_start3A_253 = tpu.memref_slice %arg3[%dma_start3A_251, %dma_start3A_252] : memref<10000x128xf32, #tpu.memory_space<hbm>> -> memref<10000x128xf32, #tpu.memory_space<hbm>>
          tpu.enqueue_indirect_dma source(%dma_start3A_253 : memref<10000x128xf32, #tpu.memory_space<hbm>>) target(%arg21 : memref<128x128xf32, #tpu.memory_space<vmem>>) offsets(%arg19 : memref<128xi32, #tpu.memory_space<vmem>>) semaphore(%arg27 : memref<!tpu.dma_semaphore, #tpu.memory_space<semaphore_mem>>)
        } else {
        }
      } else {
      }
      %mul3A_192 = arith.constant 4 : i32
      %mul3A_193 = arith.muli %mul3A_192, %scan3A_57 : i32
      %add3A_194 = arith.constant 3 : i32
      %add3A_195 = arith.addi %mul3A_193, %add3A_194 : i32
      %eq3A_196 = arith.constant 0 : i32
      %eq3A_197 = arith.cmpi eq, %arg0, %eq3A_196 : i32
      %convert_element_type3A_198 = arith.extui %eq3A_197 : i1 to i32
      %cond3A_199 = arith.constant 0 : i32
      %cond3A_200 = arith.cmpi ne, %convert_element_type3A_198, %cond3A_199 : i32
      scf.if %cond3A_200 {
        %dma_wait3A_237 = arith.constant 0 : i32
        %dma_wait3A_238 = arith.constant 0 : i32
        %dma_wait3A_239 = tpu.memref_slice %arg2[%dma_wait3A_237, %dma_wait3A_238] : memref<10000x128xf32, #tpu.memory_space<hbm>> -> memref<10000x128xf32, #tpu.memory_space<hbm>>
        tpu.wait_indirect_dma semaphore(%arg27 : memref<!tpu.dma_semaphore, #tpu.memory_space<semaphore_mem>>) src(%dma_wait3A_239 : memref<10000x128xf32, #tpu.memory_space<hbm>>) dst(%arg21 : memref<128x128xf32, #tpu.memory_space<vmem>>)
      } else {
      }
      %ne3A_201 = arith.constant 0 : i32
      %ne3A_202 = arith.cmpi ne, %arg0, %ne3A_201 : i32
      %convert_element_type3A_203 = arith.extui %ne3A_202 : i1 to i32
      %cond3A_204 = arith.constant 0 : i32
      %cond3A_205 = arith.cmpi ne, %convert_element_type3A_203, %cond3A_204 : i32
      scf.if %cond3A_205 {
        %dma_wait3A_237 = arith.constant 0 : i32
        %dma_wait3A_238 = arith.constant 0 : i32
        %dma_wait3A_239 = tpu.memref_slice %arg3[%dma_wait3A_237, %dma_wait3A_238] : memref<10000x128xf32, #tpu.memory_space<hbm>> -> memref<10000x128xf32, #tpu.memory_space<hbm>>
        tpu.wait_indirect_dma semaphore(%arg27 : memref<!tpu.dma_semaphore, #tpu.memory_space<semaphore_mem>>) src(%dma_wait3A_239 : memref<10000x128xf32, #tpu.memory_space<hbm>>) dst(%arg21 : memref<128x128xf32, #tpu.memory_space<vmem>>)
      } else {
      }
      %dma_wait3A_206 = arith.constant 0 : i32
      %dma_wait3A_207 = tpu.memref_slice %arg4[%dma_wait3A_206] : memref<327680xi32, #tpu.memory_space<hbm>> -> memref<128xi32, #tpu.memory_space<hbm>>
      %dma_wait3A_208 = arith.constant 0 : i32
      %dma_wait3A_209 = tpu.memref_slice %arg4[%dma_wait3A_208] : memref<327680xi32, #tpu.memory_space<hbm>> -> memref<128xi32, #tpu.memory_space<hbm>>
      tpu.wait_dma2 semaphore(%arg35 : memref<!tpu.dma_semaphore, #tpu.memory_space<semaphore_mem>>) src(%dma_wait3A_209 : memref<128xi32, #tpu.memory_space<hbm>>) dst(%arg15 : memref<128xi32, #tpu.memory_space<vmem>>)
      %dma_start3A_210 = arith.constant 0 : i32
      %dma_start3A_211 = arith.constant 0 : i32
      %dma_start3A_212 = tpu.memref_slice %arg25[%dma_start3A_210, %dma_start3A_211] : memref<10240x128xf32, #tpu.memory_space<vmem_shared>> -> memref<10240x128xf32, #tpu.memory_space<vmem_shared>>
      tpu.enqueue_indirect_dma source(%arg21 : memref<128x128xf32, #tpu.memory_space<vmem>>) target(%dma_start3A_212 : memref<10240x128xf32, #tpu.memory_space<vmem_shared>>) offsets(%arg15 : memref<128xi32, #tpu.memory_space<vmem>>) semaphore(%arg31 : memref<!tpu.dma_semaphore, #tpu.memory_space<semaphore_mem>>) {add = true}
      %ge3A_213 = arith.constant 1 : i32
      %ge3A_214 = arith.cmpi sge, %add3A_195, %ge3A_213 : i32
      %convert_element_type3A_215 = arith.extui %ge3A_214 : i1 to i32
      %cond3A_216 = arith.constant 0 : i32
      %cond3A_217 = arith.cmpi ne, %convert_element_type3A_215, %cond3A_216 : i32
      scf.if %cond3A_217 {
        %dma_wait3A_237 = arith.constant 0 : i32
        %dma_wait3A_238 = arith.constant 0 : i32
        %dma_wait3A_239 = tpu.memref_slice %arg25[%dma_wait3A_237, %dma_wait3A_238] : memref<10240x128xf32, #tpu.memory_space<vmem_shared>> -> memref<10240x128xf32, #tpu.memory_space<vmem_shared>>
        tpu.wait_indirect_dma semaphore(%arg30 : memref<!tpu.dma_semaphore, #tpu.memory_space<semaphore_mem>>) src(%arg20 : memref<128x128xf32, #tpu.memory_space<vmem>>) dst(%dma_wait3A_239 : memref<10240x128xf32, #tpu.memory_space<vmem_shared>>)
      } else {
      }
      %eq3A_218 = arith.constant 0 : i32
      %eq3A_219 = arith.cmpi eq, %arg0, %eq3A_218 : i32
      %convert_element_type3A_220 = arith.extui %eq3A_219 : i1 to i32
      %cond3A_221 = arith.constant 0 : i32
      %cond3A_222 = arith.cmpi ne, %convert_element_type3A_220, %cond3A_221 : i32
      scf.if %cond3A_222 {
        %get3A = arith.constant 0 : index
        %get3A_237 = tpu.vector_load %arg15[%get3A] {strides = array<i32>} : memref<128xi32, #tpu.memory_space<vmem>>, vector<16xi32>,
        %broadcast_in_dim3A = arith.constant true
        %broadcast_in_dim3A_238 = vector.broadcast %broadcast_in_dim3A : i1 to vector<16xi1>
        %unique3A, %unique3A_239 = tpu.scan_count mask(%broadcast_in_dim3A_238 : vector<16xi1>) value(%get3A_237 : vector<16xi32>) : vector<16xi1>, vector<16xi32>
        %shift_right_logical3A = arith.constant 7 : i32
        %shift_right_logical3A_240 = vector.broadcast %shift_right_logical3A : i32 to vector<16xi32>
        %shift_right_logical3A_241 = arith.shrui %get3A_237, %shift_right_logical3A_240 : vector<16xi32>
        %and3A_242 = arith.constant 127 : i32
        %and3A_243 = vector.broadcast %and3A_242 : i32 to vector<16xi32>
        %and3A_244 = arith.andi %get3A_237, %and3A_243 : vector<16xi32>
        %convert_element_type3A_245 = arith.sitofp %unique3A_239 : vector<16xi32> to vector<16xf32>
        tpu.vector_store_idx %arg22[%shift_right_logical3A_241, %and3A_244], %convert_element_type3A_245 masked %unique3A {add = true} : memref<80x128xf32, #tpu.memory_space<vmem>>[vector<16xi32>, vector<16xi32>], vector<16xf32>, vector<16xi1>
        %get3A_246 = arith.constant 16 : index
        %get3A_247 = tpu.vector_load %arg15[%get3A_246] {strides = array<i32>} : memref<128xi32, #tpu.memory_space<vmem>>, vector<16xi32>,
        %broadcast_in_dim3A_248 = arith.constant true
        %broadcast_in_dim3A_249 = vector.broadcast %broadcast_in_dim3A_248 : i1 to vector<16xi1>
        %unique3A_250, %unique3A_251 = tpu.scan_count mask(%broadcast_in_dim3A_249 : vector<16xi1>) value(%get3A_247 : vector<16xi32>) : vector<16xi1>, vector<16xi32>
        %shift_right_logical3A_252 = arith.constant 7 : i32
        %shift_right_logical3A_253 = vector.broadcast %shift_right_logical3A_252 : i32 to vector<16xi32>
        %shift_right_logical3A_254 = arith.shrui %get3A_247, %shift_right_logical3A_253 : vector<16xi32>
        %and3A_255 = arith.constant 127 : i32
        %and3A_256 = vector.broadcast %and3A_255 : i32 to vector<16xi32>
        %and3A_257 = arith.andi %get3A_247, %and3A_256 : vector<16xi32>
        %convert_element_type3A_258 = arith.sitofp %unique3A_251 : vector<16xi32> to vector<16xf32>
        tpu.vector_store_idx %arg22[%shift_right_logical3A_254, %and3A_257], %convert_element_type3A_258 masked %unique3A_250 {add = true} : memref<80x128xf32, #tpu.memory_space<vmem>>[vector<16xi32>, vector<16xi32>], vector<16xf32>, vector<16xi1>
        %get3A_259 = arith.constant 32 : index
        %get3A_260 = tpu.vector_load %arg15[%get3A_259] {strides = array<i32>} : memref<128xi32, #tpu.memory_space<vmem>>, vector<16xi32>,
        %broadcast_in_dim3A_261 = arith.constant true
        %broadcast_in_dim3A_262 = vector.broadcast %broadcast_in_dim3A_261 : i1 to vector<16xi1>
        %unique3A_263, %unique3A_264 = tpu.scan_count mask(%broadcast_in_dim3A_262 : vector<16xi1>) value(%get3A_260 : vector<16xi32>) : vector<16xi1>, vector<16xi32>
        %shift_right_logical3A_265 = arith.constant 7 : i32
        %shift_right_logical3A_266 = vector.broadcast %shift_right_logical3A_265 : i32 to vector<16xi32>
        %shift_right_logical3A_267 = arith.shrui %get3A_260, %shift_right_logical3A_266 : vector<16xi32>
        %and3A_268 = arith.constant 127 : i32
        %and3A_269 = vector.broadcast %and3A_268 : i32 to vector<16xi32>
        %and3A_270 = arith.andi %get3A_260, %and3A_269 : vector<16xi32>
        %convert_element_type3A_271 = arith.sitofp %unique3A_264 : vector<16xi32> to vector<16xf32>
        tpu.vector_store_idx %arg22[%shift_right_logical3A_267, %and3A_270], %convert_element_type3A_271 masked %unique3A_263 {add = true} : memref<80x128xf32, #tpu.memory_space<vmem>>[vector<16xi32>, vector<16xi32>], vector<16xf32>, vector<16xi1>
        %get3A_272 = arith.constant 48 : index
        %get3A_273 = tpu.vector_load %arg15[%get3A_272] {strides = array<i32>} : memref<128xi32, #tpu.memory_space<vmem>>, vector<16xi32>,
        %broadcast_in_dim3A_274 = arith.constant true
        %broadcast_in_dim3A_275 = vector.broadcast %broadcast_in_dim3A_274 : i1 to vector<16xi1>
        %unique3A_276, %unique3A_277 = tpu.scan_count mask(%broadcast_in_dim3A_275 : vector<16xi1>) value(%get3A_273 : vector<16xi32>) : vector<16xi1>, vector<16xi32>
        %shift_right_logical3A_278 = arith.constant 7 : i32
        %shift_right_logical3A_279 = vector.broadcast %shift_right_logical3A_278 : i32 to vector<16xi32>
        %shift_right_logical3A_280 = arith.shrui %get3A_273, %shift_right_logical3A_279 : vector<16xi32>
        %and3A_281 = arith.constant 127 : i32
        %and3A_282 = vector.broadcast %and3A_281 : i32 to vector<16xi32>
        %and3A_283 = arith.andi %get3A_273, %and3A_282 : vector<16xi32>
        %convert_element_type3A_284 = arith.sitofp %unique3A_277 : vector<16xi32> to vector<16xf32>
        tpu.vector_store_idx %arg22[%shift_right_logical3A_280, %and3A_283], %convert_element_type3A_284 masked %unique3A_276 {add = true} : memref<80x128xf32, #tpu.memory_space<vmem>>[vector<16xi32>, vector<16xi32>], vector<16xf32>, vector<16xi1>
        %get3A_285 = arith.constant 64 : index
        %get3A_286 = tpu.vector_load %arg15[%get3A_285] {strides = array<i32>} : memref<128xi32, #tpu.memory_space<vmem>>, vector<16xi32>,
        %broadcast_in_dim3A_287 = arith.constant true
        %broadcast_in_dim3A_288 = vector.broadcast %broadcast_in_dim3A_287 : i1 to vector<16xi1>
        %unique3A_289, %unique3A_290 = tpu.scan_count mask(%broadcast_in_dim3A_288 : vector<16xi1>) value(%get3A_286 : vector<16xi32>) : vector<16xi1>, vector<16xi32>
        %shift_right_logical3A_291 = arith.constant 7 : i32
        %shift_right_logical3A_292 = vector.broadcast %shift_right_logical3A_291 : i32 to vector<16xi32>
        %shift_right_logical3A_293 = arith.shrui %get3A_286, %shift_right_logical3A_292 : vector<16xi32>
        %and3A_294 = arith.constant 127 : i32
        %and3A_295 = vector.broadcast %and3A_294 : i32 to vector<16xi32>
        %and3A_296 = arith.andi %get3A_286, %and3A_295 : vector<16xi32>
        %convert_element_type3A_297 = arith.sitofp %unique3A_290 : vector<16xi32> to vector<16xf32>
        tpu.vector_store_idx %arg22[%shift_right_logical3A_293, %and3A_296], %convert_element_type3A_297 masked %unique3A_289 {add = true} : memref<80x128xf32, #tpu.memory_space<vmem>>[vector<16xi32>, vector<16xi32>], vector<16xf32>, vector<16xi1>
        %get3A_298 = arith.constant 80 : index
        %get3A_299 = tpu.vector_load %arg15[%get3A_298] {strides = array<i32>} : memref<128xi32, #tpu.memory_space<vmem>>, vector<16xi32>,
        %broadcast_in_dim3A_300 = arith.constant true
        %broadcast_in_dim3A_301 = vector.broadcast %broadcast_in_dim3A_300 : i1 to vector<16xi1>
        %unique3A_302, %unique3A_303 = tpu.scan_count mask(%broadcast_in_dim3A_301 : vector<16xi1>) value(%get3A_299 : vector<16xi32>) : vector<16xi1>, vector<16xi32>
        %shift_right_logical3A_304 = arith.constant 7 : i32
        %shift_right_logical3A_305 = vector.broadcast %shift_right_logical3A_304 : i32 to vector<16xi32>
        %shift_right_logical3A_306 = arith.shrui %get3A_299, %shift_right_logical3A_305 : vector<16xi32>
        %and3A_307 = arith.constant 127 : i32
        %and3A_308 = vector.broadcast %and3A_307 : i32 to vector<16xi32>
        %and3A_309 = arith.andi %get3A_299, %and3A_308 : vector<16xi32>
        %convert_element_type3A_310 = arith.sitofp %unique3A_303 : vector<16xi32> to vector<16xf32>
        tpu.vector_store_idx %arg22[%shift_right_logical3A_306, %and3A_309], %convert_element_type3A_310 masked %unique3A_302 {add = true} : memref<80x128xf32, #tpu.memory_space<vmem>>[vector<16xi32>, vector<16xi32>], vector<16xf32>, vector<16xi1>
        %get3A_311 = arith.constant 96 : index
        %get3A_312 = tpu.vector_load %arg15[%get3A_311] {strides = array<i32>} : memref<128xi32, #tpu.memory_space<vmem>>, vector<16xi32>,
        %broadcast_in_dim3A_313 = arith.constant true
        %broadcast_in_dim3A_314 = vector.broadcast %broadcast_in_dim3A_313 : i1 to vector<16xi1>
        %unique3A_315, %unique3A_316 = tpu.scan_count mask(%broadcast_in_dim3A_314 : vector<16xi1>) value(%get3A_312 : vector<16xi32>) : vector<16xi1>, vector<16xi32>
        %shift_right_logical3A_317 = arith.constant 7 : i32
        %shift_right_logical3A_318 = vector.broadcast %shift_right_logical3A_317 : i32 to vector<16xi32>
        %shift_right_logical3A_319 = arith.shrui %get3A_312, %shift_right_logical3A_318 : vector<16xi32>
        %and3A_320 = arith.constant 127 : i32
        %and3A_321 = vector.broadcast %and3A_320 : i32 to vector<16xi32>
        %and3A_322 = arith.andi %get3A_312, %and3A_321 : vector<16xi32>
        %convert_element_type3A_323 = arith.sitofp %unique3A_316 : vector<16xi32> to vector<16xf32>
        tpu.vector_store_idx %arg22[%shift_right_logical3A_319, %and3A_322], %convert_element_type3A_323 masked %unique3A_315 {add = true} : memref<80x128xf32, #tpu.memory_space<vmem>>[vector<16xi32>, vector<16xi32>], vector<16xf32>, vector<16xi1>
        %get3A_324 = arith.constant 112 : index
        %get3A_325 = tpu.vector_load %arg15[%get3A_324] {strides = array<i32>} : memref<128xi32, #tpu.memory_space<vmem>>, vector<16xi32>,
        %broadcast_in_dim3A_326 = arith.constant true
        %broadcast_in_dim3A_327 = vector.broadcast %broadcast_in_dim3A_326 : i1 to vector<16xi1>
        %unique3A_328, %unique3A_329 = tpu.scan_count mask(%broadcast_in_dim3A_327 : vector<16xi1>) value(%get3A_325 : vector<16xi32>) : vector<16xi1>, vector<16xi32>
        %shift_right_logical3A_330 = arith.constant 7 : i32
        %shift_right_logical3A_331 = vector.broadcast %shift_right_logical3A_330 : i32 to vector<16xi32>
        %shift_right_logical3A_332 = arith.shrui %get3A_325, %shift_right_logical3A_331 : vector<16xi32>
        %and3A_333 = arith.constant 127 : i32
        %and3A_334 = vector.broadcast %and3A_333 : i32 to vector<16xi32>
        %and3A_335 = arith.andi %get3A_325, %and3A_334 : vector<16xi32>
        %convert_element_type3A_336 = arith.sitofp %unique3A_329 : vector<16xi32> to vector<16xf32>
        tpu.vector_store_idx %arg22[%shift_right_logical3A_332, %and3A_335], %convert_element_type3A_336 masked %unique3A_328 {add = true} : memref<80x128xf32, #tpu.memory_space<vmem>>[vector<16xi32>, vector<16xi32>], vector<16xf32>, vector<16xi1>
      } else {
      }
      %add3A_223 = arith.constant 2 : i32
      %add3A_224 = arith.addi %add3A_195, %add3A_223 : i32
      %lt3A_225 = arith.constant 160 : i32
      %lt3A_226 = arith.cmpi slt, %add3A_224, %lt3A_225 : i32
      %convert_element_type3A_227 = arith.extui %lt3A_226 : i1 to i32
      %cond3A_228 = arith.constant 0 : i32
      %cond3A_229 = arith.cmpi ne, %convert_element_type3A_227, %cond3A_228 : i32
      scf.if %cond3A_229 {
        %add3A_237 = arith.constant 2 : i32
        %add3A_238 = arith.addi %add3A_195, %add3A_237 : i32
        %mul3A_239 = arith.constant 128 : i32
        %mul3A_240 = arith.muli %add3A_238, %mul3A_239 : i32
        %add3A_241 = arith.addi %mul3A_4, %mul3A_240 : i32
        %dma_start3A_242 = tpu.memref_slice %arg4[%add3A_241] : memref<327680xi32, #tpu.memory_space<hbm>> -> memref<128xi32, #tpu.memory_space<hbm>>
        %dma_start3A_243 = tpu.memref_slice %arg4[%add3A_241] : memref<327680xi32, #tpu.memory_space<hbm>> -> memref<128xi32, #tpu.memory_space<hbm>>
        tpu.enqueue_dma source(%dma_start3A_243 : memref<128xi32, #tpu.memory_space<hbm>>) target(%arg13 : memref<128xi32, #tpu.memory_space<vmem>>) target_semaphore(%arg33 : memref<!tpu.dma_semaphore, #tpu.memory_space<semaphore_mem>>)
        %dma_start3A_244 = tpu.memref_slice %arg5[%add3A_241] : memref<327680xi32, #tpu.memory_space<hbm>> -> memref<128xi32, #tpu.memory_space<hbm>>
        %dma_start3A_245 = tpu.memref_slice %arg5[%add3A_241] : memref<327680xi32, #tpu.memory_space<hbm>> -> memref<128xi32, #tpu.memory_space<hbm>>
        tpu.enqueue_dma source(%dma_start3A_245 : memref<128xi32, #tpu.memory_space<hbm>>) target(%arg17 : memref<128xi32, #tpu.memory_space<vmem>>) target_semaphore(%arg37 : memref<!tpu.dma_semaphore, #tpu.memory_space<semaphore_mem>>)
      } else {
      }
      %add3A_230 = arith.constant 1 : i32
      %add3A_231 = arith.addi %add3A_195, %add3A_230 : i32
      %lt3A_232 = arith.constant 160 : i32
      %lt3A_233 = arith.cmpi slt, %add3A_231, %lt3A_232 : i32
      %convert_element_type3A_234 = arith.extui %lt3A_233 : i1 to i32
      %cond3A_235 = arith.constant 0 : i32
      %cond3A_236 = arith.cmpi ne, %convert_element_type3A_234, %cond3A_235 : i32
      scf.if %cond3A_236 {
        %dma_wait3A_237 = arith.constant 0 : i32
        %dma_wait3A_238 = tpu.memref_slice %arg5[%dma_wait3A_237] : memref<327680xi32, #tpu.memory_space<hbm>> -> memref<128xi32, #tpu.memory_space<hbm>>
        %dma_wait3A_239 = arith.constant 0 : i32
        %dma_wait3A_240 = tpu.memref_slice %arg5[%dma_wait3A_239] : memref<327680xi32, #tpu.memory_space<hbm>> -> memref<128xi32, #tpu.memory_space<hbm>>
        tpu.wait_dma2 semaphore(%arg36 : memref<!tpu.dma_semaphore, #tpu.memory_space<semaphore_mem>>) src(%dma_wait3A_240 : memref<128xi32, #tpu.memory_space<hbm>>) dst(%arg16 : memref<128xi32, #tpu.memory_space<vmem>>)
        %eq3A_241 = arith.constant 0 : i32
        %eq3A_242 = arith.cmpi eq, %arg0, %eq3A_241 : i32
        %convert_element_type3A_243 = arith.extui %eq3A_242 : i1 to i32
        %cond3A_244 = arith.constant 0 : i32
        %cond3A_245 = arith.cmpi ne, %convert_element_type3A_243, %cond3A_244 : i32
        scf.if %cond3A_245 {
          %dma_start3A_251 = arith.constant 0 : i32
          %dma_start3A_252 = arith.constant 0 : i32
          %dma_start3A_253 = tpu.memref_slice %arg2[%dma_start3A_251, %dma_start3A_252] : memref<10000x128xf32, #tpu.memory_space<hbm>> -> memref<10000x128xf32, #tpu.memory_space<hbm>>
          tpu.enqueue_indirect_dma source(%dma_start3A_253 : memref<10000x128xf32, #tpu.memory_space<hbm>>) target(%arg20 : memref<128x128xf32, #tpu.memory_space<vmem>>) offsets(%arg16 : memref<128xi32, #tpu.memory_space<vmem>>) semaphore(%arg26 : memref<!tpu.dma_semaphore, #tpu.memory_space<semaphore_mem>>)
        } else {
        }
        %ne3A_246 = arith.constant 0 : i32
        %ne3A_247 = arith.cmpi ne, %arg0, %ne3A_246 : i32
        %convert_element_type3A_248 = arith.extui %ne3A_247 : i1 to i32
        %cond3A_249 = arith.constant 0 : i32
        %cond3A_250 = arith.cmpi ne, %convert_element_type3A_248, %cond3A_249 : i32
        scf.if %cond3A_250 {
          %dma_start3A_251 = arith.constant 0 : i32
          %dma_start3A_252 = arith.constant 0 : i32
          %dma_start3A_253 = tpu.memref_slice %arg3[%dma_start3A_251, %dma_start3A_252] : memref<10000x128xf32, #tpu.memory_space<hbm>> -> memref<10000x128xf32, #tpu.memory_space<hbm>>
          tpu.enqueue_indirect_dma source(%dma_start3A_253 : memref<10000x128xf32, #tpu.memory_space<hbm>>) target(%arg20 : memref<128x128xf32, #tpu.memory_space<vmem>>) offsets(%arg16 : memref<128xi32, #tpu.memory_space<vmem>>) semaphore(%arg26 : memref<!tpu.dma_semaphore, #tpu.memory_space<semaphore_mem>>)
        } else {
        }
      } else {
      }
    }
    %scan3A_31 = arith.constant 40 : i32
    %dma_wait3A_32 = arith.constant 0 : i32
    %dma_wait3A_33 = arith.constant 0 : i32
    %dma_wait3A_34 = tpu.memref_slice %arg25[%dma_wait3A_32, %dma_wait3A_33] : memref<10240x128xf32, #tpu.memory_space<vmem_shared>> -> memref<10240x128xf32, #tpu.memory_space<vmem_shared>>
    tpu.wait_indirect_dma semaphore(%arg31 : memref<!tpu.dma_semaphore, #tpu.memory_space<semaphore_mem>>) src(%arg21 : memref<128x128xf32, #tpu.memory_space<vmem>>) dst(%dma_wait3A_34 : memref<10240x128xf32, #tpu.memory_space<vmem_shared>>)
    %eq3A_35 = arith.constant 0 : i32
    %eq3A_36 = arith.cmpi eq, %arg0, %eq3A_35 : i32
    %convert_element_type3A_37 = arith.extui %eq3A_36 : i1 to i32
    %cond3A_38 = arith.constant 0 : i32
    %cond3A_39 = arith.cmpi ne, %convert_element_type3A_37, %cond3A_38 : i32
    scf.if %cond3A_39 {
      "tpu.region"() ({
        %run_scoped3A = tpu.sem_alloc : memref<!tpu.dma_semaphore, #tpu.memory_space<semaphore_mem>>
        %dma_start3A_57 = arith.constant 0 : i32
        %dma_start3A_58 = arith.constant 0 : i32
        %dma_start3A_59 = tpu.memref_slice %arg11[%arg1, %dma_start3A_57, %dma_start3A_58] : memref<16x80x128xf32, #tpu.memory_space<hbm>> -> memref<1x80x128xf32, #tpu.memory_space<hbm>>
        %dma_start3A_60 = tpu.memref_squeeze %dma_start3A_59 : memref<1x80x128xf32, #tpu.memory_space<hbm>> -> memref<80x128xf32, #tpu.memory_space<hbm>>
        %dma_start3A_61 = arith.constant 0 : i32
        %dma_start3A_62 = arith.constant 0 : i32
        %dma_start3A_63 = tpu.memref_slice %arg11[%arg1, %dma_start3A_61, %dma_start3A_62] : memref<16x80x128xf32, #tpu.memory_space<hbm>> -> memref<1x80x128xf32, #tpu.memory_space<hbm>>
        %dma_start3A_64 = tpu.memref_squeeze %dma_start3A_63 : memref<1x80x128xf32, #tpu.memory_space<hbm>> -> memref<80x128xf32, #tpu.memory_space<hbm>>
        tpu.enqueue_dma source(%arg22 : memref<80x128xf32, #tpu.memory_space<vmem>>) target(%dma_start3A_64 : memref<80x128xf32, #tpu.memory_space<hbm>>) target_semaphore(%run_scoped3A : memref<!tpu.dma_semaphore, #tpu.memory_space<semaphore_mem>>)
        %dma_wait3A_65 = arith.constant 0 : i32
        %dma_wait3A_66 = arith.constant 0 : i32
        %dma_wait3A_67 = tpu.memref_slice %arg11[%arg1, %dma_wait3A_65, %dma_wait3A_66] : memref<16x80x128xf32, #tpu.memory_space<hbm>> -> memref<1x80x128xf32, #tpu.memory_space<hbm>>
        %dma_wait3A_68 = tpu.memref_squeeze %dma_wait3A_67 : memref<1x80x128xf32, #tpu.memory_space<hbm>> -> memref<80x128xf32, #tpu.memory_space<hbm>>
        %dma_wait3A_69 = arith.constant 0 : i32
        %dma_wait3A_70 = arith.constant 0 : i32
        %dma_wait3A_71 = tpu.memref_slice %arg11[%arg1, %dma_wait3A_69, %dma_wait3A_70] : memref<16x80x128xf32, #tpu.memory_space<hbm>> -> memref<1x80x128xf32, #tpu.memory_space<hbm>>
        %dma_wait3A_72 = tpu.memref_squeeze %dma_wait3A_71 : memref<1x80x128xf32, #tpu.memory_space<hbm>> -> memref<80x128xf32, #tpu.memory_space<hbm>>
        tpu.wait_dma2 semaphore(%run_scoped3A : memref<!tpu.dma_semaphore, #tpu.memory_space<semaphore_mem>>) src(%arg22 : memref<80x128xf32, #tpu.memory_space<vmem>>) dst(%dma_wait3A_72 : memref<80x128xf32, #tpu.memory_space<hbm>>)
        tpu.yield
      }) : () -> ()
    } else {
    }
    %barrier3A_40 = arith.constant 0 : index
    tpu.barrier barrier_id(%barrier3A_40)
    %eq3A_41 = arith.constant 0 : i32
    %eq3A_42 = arith.cmpi eq, %arg0, %eq3A_41 : i32
    %convert_element_type3A_43 = arith.extui %eq3A_42 : i1 to i32
    %cond3A_44 = arith.constant 0 : i32
    %cond3A_45 = arith.cmpi ne, %convert_element_type3A_43, %cond3A_44 : i32
    scf.if %cond3A_45 {
      "tpu.region"() ({
        %run_scoped3A = tpu.sem_alloc : memref<!tpu.dma_semaphore, #tpu.memory_space<semaphore_mem>>
        %dma_start3A_57 = arith.constant 0 : i32
        %dma_start3A_58 = tpu.memref_slice %arg8[%mul3A_0, %dma_start3A_57] : memref<10240x128xf32, #tpu.memory_space<hbm>> -> memref<640x128xf32, #tpu.memory_space<hbm>>
        %dma_start3A_59 = arith.constant 0 : i32
        %dma_start3A_60 = tpu.memref_slice %arg25[%mul3A_0, %dma_start3A_59] : memref<10240x128xf32, #tpu.memory_space<vmem_shared>> -> memref<640x128xf32, #tpu.memory_space<vmem_shared>>
        tpu.enqueue_dma source(%dma_start3A_60 : memref<640x128xf32, #tpu.memory_space<vmem_shared>>) target(%dma_start3A_58 : memref<640x128xf32, #tpu.memory_space<hbm>>) target_semaphore(%run_scoped3A : memref<!tpu.dma_semaphore, #tpu.memory_space<semaphore_mem>>)
        %dma_wait3A_61 = arith.constant 0 : i32
        %dma_wait3A_62 = tpu.memref_slice %arg8[%mul3A_0, %dma_wait3A_61] : memref<10240x128xf32, #tpu.memory_space<hbm>> -> memref<640x128xf32, #tpu.memory_space<hbm>>
        %dma_wait3A_63 = arith.constant 0 : i32
        %dma_wait3A_64 = tpu.memref_slice %arg25[%mul3A_0, %dma_wait3A_63] : memref<10240x128xf32, #tpu.memory_space<vmem_shared>> -> memref<640x128xf32, #tpu.memory_space<vmem_shared>>
        tpu.wait_dma2 semaphore(%run_scoped3A : memref<!tpu.dma_semaphore, #tpu.memory_space<semaphore_mem>>) src(%dma_wait3A_64 : memref<640x128xf32, #tpu.memory_space<vmem_shared>>) dst(%dma_wait3A_62 : memref<640x128xf32, #tpu.memory_space<hbm>>)
        tpu.yield
      }) : () -> ()
    } else {
    }
    %ne3A_46 = arith.constant 0 : i32
    %ne3A_47 = arith.cmpi ne, %arg0, %ne3A_46 : i32
    %convert_element_type3A_48 = arith.extui %ne3A_47 : i1 to i32
    %cond3A_49 = arith.constant 0 : i32
    %cond3A_50 = arith.cmpi ne, %convert_element_type3A_48, %cond3A_49 : i32
    scf.if %cond3A_50 {
      "tpu.region"() ({
        %run_scoped3A = tpu.sem_alloc : memref<!tpu.dma_semaphore, #tpu.memory_space<semaphore_mem>>
        %dma_start3A_57 = arith.constant 0 : i32
        %dma_start3A_58 = tpu.memref_slice %arg9[%mul3A_0, %dma_start3A_57] : memref<10240x128xf32, #tpu.memory_space<hbm>> -> memref<640x128xf32, #tpu.memory_space<hbm>>
        %dma_start3A_59 = arith.constant 0 : i32
        %dma_start3A_60 = tpu.memref_slice %arg25[%mul3A_0, %dma_start3A_59] : memref<10240x128xf32, #tpu.memory_space<vmem_shared>> -> memref<640x128xf32, #tpu.memory_space<vmem_shared>>
        tpu.enqueue_dma source(%dma_start3A_60 : memref<640x128xf32, #tpu.memory_space<vmem_shared>>) target(%dma_start3A_58 : memref<640x128xf32, #tpu.memory_space<hbm>>) target_semaphore(%run_scoped3A : memref<!tpu.dma_semaphore, #tpu.memory_space<semaphore_mem>>)
        %dma_wait3A_61 = arith.constant 0 : i32
        %dma_wait3A_62 = tpu.memref_slice %arg9[%mul3A_0, %dma_wait3A_61] : memref<10240x128xf32, #tpu.memory_space<hbm>> -> memref<640x128xf32, #tpu.memory_space<hbm>>
        %dma_wait3A_63 = arith.constant 0 : i32
        %dma_wait3A_64 = tpu.memref_slice %arg25[%mul3A_0, %dma_wait3A_63] : memref<10240x128xf32, #tpu.memory_space<vmem_shared>> -> memref<640x128xf32, #tpu.memory_space<vmem_shared>>
        tpu.wait_dma2 semaphore(%run_scoped3A : memref<!tpu.dma_semaphore, #tpu.memory_space<semaphore_mem>>) src(%dma_wait3A_64 : memref<640x128xf32, #tpu.memory_space<vmem_shared>>) dst(%dma_wait3A_62 : memref<640x128xf32, #tpu.memory_space<hbm>>)
        tpu.yield
      }) : () -> ()
    } else {
    }
    %eq3A_51 = arith.constant 0 : i32
    %eq3A_52 = arith.cmpi eq, %arg0, %eq3A_51 : i32
    %lt3A = arith.constant 10 : i32
    %lt3A_53 = arith.cmpi slt, %arg1, %lt3A : i32
    %and3A = arith.andi %eq3A_52, %lt3A_53 : i1
    %convert_element_type3A_54 = arith.extui %and3A : i1 to i32
    %cond3A_55 = arith.constant 0 : i32
    %cond3A_56 = arith.cmpi ne, %convert_element_type3A_54, %cond3A_55 : i32
    scf.if %cond3A_56 {
      %mul3A_57 = arith.constant 8 : i32
      %mul3A_58 = arith.muli %arg1, %mul3A_57 : i32
      %run_scoped3A = arith.constant 0 : i32
      "tpu.region"() ({
        %run_scoped3A_164 = tpu.sem_alloc : memref<!tpu.dma_semaphore, #tpu.memory_space<semaphore_mem>>
        %dma_start3A_165 = arith.constant 0 : i32
        %dma_start3A_166 = tpu.memref_slice %arg11[%run_scoped3A, %mul3A_58, %dma_start3A_165] : memref<16x80x128xf32, #tpu.memory_space<hbm>> -> memref<1x8x128xf32, #tpu.memory_space<hbm>>
        %dma_start3A_167 = tpu.memref_squeeze %dma_start3A_166 : memref<1x8x128xf32, #tpu.memory_space<hbm>> -> memref<8x128xf32, #tpu.memory_space<hbm>>
        %dma_start3A_168 = arith.constant 0 : i32
        %dma_start3A_169 = tpu.memref_slice %arg11[%run_scoped3A, %mul3A_58, %dma_start3A_168] : memref<16x80x128xf32, #tpu.memory_space<hbm>> -> memref<1x8x128xf32, #tpu.memory_space<hbm>>
        %dma_start3A_170 = tpu.memref_squeeze %dma_start3A_169 : memref<1x8x128xf32, #tpu.memory_space<hbm>> -> memref<8x128xf32, #tpu.memory_space<hbm>>
        tpu.enqueue_dma source(%dma_start3A_170 : memref<8x128xf32, #tpu.memory_space<hbm>>) target(%arg24 : memref<8x128xf32, #tpu.memory_space<vmem>>) target_semaphore(%run_scoped3A_164 : memref<!tpu.dma_semaphore, #tpu.memory_space<semaphore_mem>>)
        %dma_wait3A_171 = arith.constant 0 : i32
        %dma_wait3A_172 = tpu.memref_slice %arg11[%run_scoped3A, %mul3A_58, %dma_wait3A_171] : memref<16x80x128xf32, #tpu.memory_space<hbm>> -> memref<1x8x128xf32, #tpu.memory_space<hbm>>
        %dma_wait3A_173 = tpu.memref_squeeze %dma_wait3A_172 : memref<1x8x128xf32, #tpu.memory_space<hbm>> -> memref<8x128xf32, #tpu.memory_space<hbm>>
        %dma_wait3A_174 = arith.constant 0 : i32
        %dma_wait3A_175 = tpu.memref_slice %arg11[%run_scoped3A, %mul3A_58, %dma_wait3A_174] : memref<16x80x128xf32, #tpu.memory_space<hbm>> -> memref<1x8x128xf32, #tpu.memory_space<hbm>>
        %dma_wait3A_176 = tpu.memref_squeeze %dma_wait3A_175 : memref<1x8x128xf32, #tpu.memory_space<hbm>> -> memref<8x128xf32, #tpu.memory_space<hbm>>
        tpu.wait_dma2 semaphore(%run_scoped3A_164 : memref<!tpu.dma_semaphore, #tpu.memory_space<semaphore_mem>>) src(%dma_wait3A_176 : memref<8x128xf32, #tpu.memory_space<hbm>>) dst(%arg24 : memref<8x128xf32, #tpu.memory_space<vmem>>)
        tpu.yield
      }) : () -> ()
      %run_scoped3A_59 = arith.constant 1 : i32
      "tpu.region"() ({
        %run_scoped3A_164 = tpu.sem_alloc : memref<!tpu.dma_semaphore, #tpu.memory_space<semaphore_mem>>
        %dma_start3A_165 = arith.constant 0 : i32
        %dma_start3A_166 = tpu.memref_slice %arg11[%run_scoped3A_59, %mul3A_58, %dma_start3A_165] : memref<16x80x128xf32, #tpu.memory_space<hbm>> -> memref<1x8x128xf32, #tpu.memory_space<hbm>>
        %dma_start3A_167 = tpu.memref_squeeze %dma_start3A_166 : memref<1x8x128xf32, #tpu.memory_space<hbm>> -> memref<8x128xf32, #tpu.memory_space<hbm>>
        %dma_start3A_168 = arith.constant 0 : i32
        %dma_start3A_169 = tpu.memref_slice %arg11[%run_scoped3A_59, %mul3A_58, %dma_start3A_168] : memref<16x80x128xf32, #tpu.memory_space<hbm>> -> memref<1x8x128xf32, #tpu.memory_space<hbm>>
        %dma_start3A_170 = tpu.memref_squeeze %dma_start3A_169 : memref<1x8x128xf32, #tpu.memory_space<hbm>> -> memref<8x128xf32, #tpu.memory_space<hbm>>
        tpu.enqueue_dma source(%dma_start3A_170 : memref<8x128xf32, #tpu.memory_space<hbm>>) target(%arg23 : memref<8x128xf32, #tpu.memory_space<vmem>>) target_semaphore(%run_scoped3A_164 : memref<!tpu.dma_semaphore, #tpu.memory_space<semaphore_mem>>)
        %dma_wait3A_171 = arith.constant 0 : i32
        %dma_wait3A_172 = tpu.memref_slice %arg11[%run_scoped3A_59, %mul3A_58, %dma_wait3A_171] : memref<16x80x128xf32, #tpu.memory_space<hbm>> -> memref<1x8x128xf32, #tpu.memory_space<hbm>>
        %dma_wait3A_173 = tpu.memref_squeeze %dma_wait3A_172 : memref<1x8x128xf32, #tpu.memory_space<hbm>> -> memref<8x128xf32, #tpu.memory_space<hbm>>
        %dma_wait3A_174 = arith.constant 0 : i32
        %dma_wait3A_175 = tpu.memref_slice %arg11[%run_scoped3A_59, %mul3A_58, %dma_wait3A_174] : memref<16x80x128xf32, #tpu.memory_space<hbm>> -> memref<1x8x128xf32, #tpu.memory_space<hbm>>
        %dma_wait3A_176 = tpu.memref_squeeze %dma_wait3A_175 : memref<1x8x128xf32, #tpu.memory_space<hbm>> -> memref<8x128xf32, #tpu.memory_space<hbm>>
        tpu.wait_dma2 semaphore(%run_scoped3A_164 : memref<!tpu.dma_semaphore, #tpu.memory_space<semaphore_mem>>) src(%dma_wait3A_176 : memref<8x128xf32, #tpu.memory_space<hbm>>) dst(%arg23 : memref<8x128xf32, #tpu.memory_space<vmem>>)
        tpu.yield
      }) : () -> ()
      %scan3A_60 = arith.constant 0 : i32
      %scan3A_61 = arith.constant 0 : i32
      %scan3A_62 = arith.constant 8 : i32
      %scan3A_63 = arith.addi %scan3A_61, %scan3A_62 : i32
      %scan3A_64 = arith.constant 1 : i32
      scf.for %scan3A_164 = %scan3A_61 to %scan3A_63 step %scan3A_64  : i32 {
        %mul3A_165 = arith.constant 16 : i32
        %mul3A_166 = arith.muli %scan3A_164, %mul3A_165 : i32
        %get3A = arith.constant 0 : i32
        %get3A_167 = arith.index_cast %get3A : i32 to index
        %get3A_168 = arith.index_cast %mul3A_166 : i32 to index
        %get3A_169 = tpu.vector_load %arg24[%get3A_167, %get3A_168] {strides = array<i32>} : memref<8x128xf32, #tpu.memory_space<vmem>>, vector<16xf32>,
        %get3A_170 = arith.constant 0 : i32
        %get3A_171 = arith.index_cast %get3A_170 : i32 to index
        %get3A_172 = arith.index_cast %mul3A_166 : i32 to index
        %get3A_173 = tpu.vector_load %arg23[%get3A_171, %get3A_172] {strides = array<i32>} : memref<8x128xf32, #tpu.memory_space<vmem>>, vector<16xf32>,
        %add3A_174 = arith.addf %get3A_169, %get3A_173 : vector<16xf32>
        %swap3A = arith.constant 0 : i32
        %swap3A_175 = arith.index_cast %swap3A : i32 to index
        %swap3A_176 = arith.index_cast %mul3A_166 : i32 to index
        %swap3A_177 = tpu.vector_load %arg24[%swap3A_175, %swap3A_176] {strides = array<i32>} : memref<8x128xf32, #tpu.memory_space<vmem>>, vector<16xf32>,
        tpu.vector_store %arg24[%swap3A_175, %swap3A_176], %add3A_174 {strides = array<i32>} : memref<8x128xf32, #tpu.memory_space<vmem>>, vector<16xf32>,
        %get3A_178 = arith.constant 1 : i32
        %get3A_179 = arith.index_cast %get3A_178 : i32 to index
        %get3A_180 = arith.index_cast %mul3A_166 : i32 to index
        %get3A_181 = tpu.vector_load %arg24[%get3A_179, %get3A_180] {strides = array<i32>} : memref<8x128xf32, #tpu.memory_space<vmem>>, vector<16xf32>,
        %get3A_182 = arith.constant 1 : i32
        %get3A_183 = arith.index_cast %get3A_182 : i32 to index
        %get3A_184 = arith.index_cast %mul3A_166 : i32 to index
        %get3A_185 = tpu.vector_load %arg23[%get3A_183, %get3A_184] {strides = array<i32>} : memref<8x128xf32, #tpu.memory_space<vmem>>, vector<16xf32>,
        %add3A_186 = arith.addf %get3A_181, %get3A_185 : vector<16xf32>
        %swap3A_187 = arith.constant 1 : i32
        %swap3A_188 = arith.index_cast %swap3A_187 : i32 to index
        %swap3A_189 = arith.index_cast %mul3A_166 : i32 to index
        %swap3A_190 = tpu.vector_load %arg24[%swap3A_188, %swap3A_189] {strides = array<i32>} : memref<8x128xf32, #tpu.memory_space<vmem>>, vector<16xf32>,
        tpu.vector_store %arg24[%swap3A_188, %swap3A_189], %add3A_186 {strides = array<i32>} : memref<8x128xf32, #tpu.memory_space<vmem>>, vector<16xf32>,
        %get3A_191 = arith.constant 2 : i32
        %get3A_192 = arith.index_cast %get3A_191 : i32 to index
        %get3A_193 = arith.index_cast %mul3A_166 : i32 to index
        %get3A_194 = tpu.vector_load %arg24[%get3A_192, %get3A_193] {strides = array<i32>} : memref<8x128xf32, #tpu.memory_space<vmem>>, vector<16xf32>,
        %get3A_195 = arith.constant 2 : i32
        %get3A_196 = arith.index_cast %get3A_195 : i32 to index
        %get3A_197 = arith.index_cast %mul3A_166 : i32 to index
        %get3A_198 = tpu.vector_load %arg23[%get3A_196, %get3A_197] {strides = array<i32>} : memref<8x128xf32, #tpu.memory_space<vmem>>, vector<16xf32>,
        %add3A_199 = arith.addf %get3A_194, %get3A_198 : vector<16xf32>
        %swap3A_200 = arith.constant 2 : i32
        %swap3A_201 = arith.index_cast %swap3A_200 : i32 to index
        %swap3A_202 = arith.index_cast %mul3A_166 : i32 to index
        %swap3A_203 = tpu.vector_load %arg24[%swap3A_201, %swap3A_202] {strides = array<i32>} : memref<8x128xf32, #tpu.memory_space<vmem>>, vector<16xf32>,
        tpu.vector_store %arg24[%swap3A_201, %swap3A_202], %add3A_199 {strides = array<i32>} : memref<8x128xf32, #tpu.memory_space<vmem>>, vector<16xf32>,
        %get3A_204 = arith.constant 3 : i32
        %get3A_205 = arith.index_cast %get3A_204 : i32 to index
        %get3A_206 = arith.index_cast %mul3A_166 : i32 to index
        %get3A_207 = tpu.vector_load %arg24[%get3A_205, %get3A_206] {strides = array<i32>} : memref<8x128xf32, #tpu.memory_space<vmem>>, vector<16xf32>,
        %get3A_208 = arith.constant 3 : i32
        %get3A_209 = arith.index_cast %get3A_208 : i32 to index
        %get3A_210 = arith.index_cast %mul3A_166 : i32 to index
        %get3A_211 = tpu.vector_load %arg23[%get3A_209, %get3A_210] {strides = array<i32>} : memref<8x128xf32, #tpu.memory_space<vmem>>, vector<16xf32>,
        %add3A_212 = arith.addf %get3A_207, %get3A_211 : vector<16xf32>
        %swap3A_213 = arith.constant 3 : i32
        %swap3A_214 = arith.index_cast %swap3A_213 : i32 to index
        %swap3A_215 = arith.index_cast %mul3A_166 : i32 to index
        %swap3A_216 = tpu.vector_load %arg24[%swap3A_214, %swap3A_215] {strides = array<i32>} : memref<8x128xf32, #tpu.memory_space<vmem>>, vector<16xf32>,
        tpu.vector_store %arg24[%swap3A_214, %swap3A_215], %add3A_212 {strides = array<i32>} : memref<8x128xf32, #tpu.memory_space<vmem>>, vector<16xf32>,
        %get3A_217 = arith.constant 4 : i32
        %get3A_218 = arith.index_cast %get3A_217 : i32 to index
        %get3A_219 = arith.index_cast %mul3A_166 : i32 to index
        %get3A_220 = tpu.vector_load %arg24[%get3A_218, %get3A_219] {strides = array<i32>} : memref<8x128xf32, #tpu.memory_space<vmem>>, vector<16xf32>,
        %get3A_221 = arith.constant 4 : i32
        %get3A_222 = arith.index_cast %get3A_221 : i32 to index
        %get3A_223 = arith.index_cast %mul3A_166 : i32 to index
        %get3A_224 = tpu.vector_load %arg23[%get3A_222, %get3A_223] {strides = array<i32>} : memref<8x128xf32, #tpu.memory_space<vmem>>, vector<16xf32>,
        %add3A_225 = arith.addf %get3A_220, %get3A_224 : vector<16xf32>
        %swap3A_226 = arith.constant 4 : i32
        %swap3A_227 = arith.index_cast %swap3A_226 : i32 to index
        %swap3A_228 = arith.index_cast %mul3A_166 : i32 to index
        %swap3A_229 = tpu.vector_load %arg24[%swap3A_227, %swap3A_228] {strides = array<i32>} : memref<8x128xf32, #tpu.memory_space<vmem>>, vector<16xf32>,
        tpu.vector_store %arg24[%swap3A_227, %swap3A_228], %add3A_225 {strides = array<i32>} : memref<8x128xf32, #tpu.memory_space<vmem>>, vector<16xf32>,
        %get3A_230 = arith.constant 5 : i32
        %get3A_231 = arith.index_cast %get3A_230 : i32 to index
        %get3A_232 = arith.index_cast %mul3A_166 : i32 to index
        %get3A_233 = tpu.vector_load %arg24[%get3A_231, %get3A_232] {strides = array<i32>} : memref<8x128xf32, #tpu.memory_space<vmem>>, vector<16xf32>,
        %get3A_234 = arith.constant 5 : i32
        %get3A_235 = arith.index_cast %get3A_234 : i32 to index
        %get3A_236 = arith.index_cast %mul3A_166 : i32 to index
        %get3A_237 = tpu.vector_load %arg23[%get3A_235, %get3A_236] {strides = array<i32>} : memref<8x128xf32, #tpu.memory_space<vmem>>, vector<16xf32>,
        %add3A_238 = arith.addf %get3A_233, %get3A_237 : vector<16xf32>
        %swap3A_239 = arith.constant 5 : i32
        %swap3A_240 = arith.index_cast %swap3A_239 : i32 to index
        %swap3A_241 = arith.index_cast %mul3A_166 : i32 to index
        %swap3A_242 = tpu.vector_load %arg24[%swap3A_240, %swap3A_241] {strides = array<i32>} : memref<8x128xf32, #tpu.memory_space<vmem>>, vector<16xf32>,
        tpu.vector_store %arg24[%swap3A_240, %swap3A_241], %add3A_238 {strides = array<i32>} : memref<8x128xf32, #tpu.memory_space<vmem>>, vector<16xf32>,
        %get3A_243 = arith.constant 6 : i32
        %get3A_244 = arith.index_cast %get3A_243 : i32 to index
        %get3A_245 = arith.index_cast %mul3A_166 : i32 to index
        %get3A_246 = tpu.vector_load %arg24[%get3A_244, %get3A_245] {strides = array<i32>} : memref<8x128xf32, #tpu.memory_space<vmem>>, vector<16xf32>,
        %get3A_247 = arith.constant 6 : i32
        %get3A_248 = arith.index_cast %get3A_247 : i32 to index
        %get3A_249 = arith.index_cast %mul3A_166 : i32 to index
        %get3A_250 = tpu.vector_load %arg23[%get3A_248, %get3A_249] {strides = array<i32>} : memref<8x128xf32, #tpu.memory_space<vmem>>, vector<16xf32>,
        %add3A_251 = arith.addf %get3A_246, %get3A_250 : vector<16xf32>
        %swap3A_252 = arith.constant 6 : i32
        %swap3A_253 = arith.index_cast %swap3A_252 : i32 to index
        %swap3A_254 = arith.index_cast %mul3A_166 : i32 to index
        %swap3A_255 = tpu.vector_load %arg24[%swap3A_253, %swap3A_254] {strides = array<i32>} : memref<8x128xf32, #tpu.memory_space<vmem>>, vector<16xf32>,
        tpu.vector_store %arg24[%swap3A_253, %swap3A_254], %add3A_251 {strides = array<i32>} : memref<8x128xf32, #tpu.memory_space<vmem>>, vector<16xf32>,
        %get3A_256 = arith.constant 7 : i32
        %get3A_257 = arith.index_cast %get3A_256 : i32 to index
        %get3A_258 = arith.index_cast %mul3A_166 : i32 to index
        %get3A_259 = tpu.vector_load %arg24[%get3A_257, %get3A_258] {strides = array<i32>} : memref<8x128xf32, #tpu.memory_space<vmem>>, vector<16xf32>,
        %get3A_260 = arith.constant 7 : i32
        %get3A_261 = arith.index_cast %get3A_260 : i32 to index
        %get3A_262 = arith.index_cast %mul3A_166 : i32 to index
        %get3A_263 = tpu.vector_load %arg23[%get3A_261, %get3A_262] {strides = array<i32>} : memref<8x128xf32, #tpu.memory_space<vmem>>, vector<16xf32>,
        %add3A_264 = arith.addf %get3A_259, %get3A_263 : vector<16xf32>
        %swap3A_265 = arith.constant 7 : i32
        %swap3A_266 = arith.index_cast %swap3A_265 : i32 to index
        %swap3A_267 = arith.index_cast %mul3A_166 : i32 to index
        %swap3A_268 = tpu.vector_load %arg24[%swap3A_266, %swap3A_267] {strides = array<i32>} : memref<8x128xf32, #tpu.memory_space<vmem>>, vector<16xf32>,
        tpu.vector_store %arg24[%swap3A_266, %swap3A_267], %add3A_264 {strides = array<i32>} : memref<8x128xf32, #tpu.memory_space<vmem>>, vector<16xf32>,
      }
      %scan3A_65 = arith.constant 8 : i32
      %run_scoped3A_66 = arith.constant 2 : i32
      "tpu.region"() ({
        %run_scoped3A_164 = tpu.sem_alloc : memref<!tpu.dma_semaphore, #tpu.memory_space<semaphore_mem>>
        %dma_start3A_165 = arith.constant 0 : i32
        %dma_start3A_166 = tpu.memref_slice %arg11[%run_scoped3A_66, %mul3A_58, %dma_start3A_165] : memref<16x80x128xf32, #tpu.memory_space<hbm>> -> memref<1x8x128xf32, #tpu.memory_space<hbm>>
        %dma_start3A_167 = tpu.memref_squeeze %dma_start3A_166 : memref<1x8x128xf32, #tpu.memory_space<hbm>> -> memref<8x128xf32, #tpu.memory_space<hbm>>
        %dma_start3A_168 = arith.constant 0 : i32
        %dma_start3A_169 = tpu.memref_slice %arg11[%run_scoped3A_66, %mul3A_58, %dma_start3A_168] : memref<16x80x128xf32, #tpu.memory_space<hbm>> -> memref<1x8x128xf32, #tpu.memory_space<hbm>>
        %dma_start3A_170 = tpu.memref_squeeze %dma_start3A_169 : memref<1x8x128xf32, #tpu.memory_space<hbm>> -> memref<8x128xf32, #tpu.memory_space<hbm>>
        tpu.enqueue_dma source(%dma_start3A_170 : memref<8x128xf32, #tpu.memory_space<hbm>>) target(%arg23 : memref<8x128xf32, #tpu.memory_space<vmem>>) target_semaphore(%run_scoped3A_164 : memref<!tpu.dma_semaphore, #tpu.memory_space<semaphore_mem>>)
        %dma_wait3A_171 = arith.constant 0 : i32
        %dma_wait3A_172 = tpu.memref_slice %arg11[%run_scoped3A_66, %mul3A_58, %dma_wait3A_171] : memref<16x80x128xf32, #tpu.memory_space<hbm>> -> memref<1x8x128xf32, #tpu.memory_space<hbm>>
        %dma_wait3A_173 = tpu.memref_squeeze %dma_wait3A_172 : memref<1x8x128xf32, #tpu.memory_space<hbm>> -> memref<8x128xf32, #tpu.memory_space<hbm>>
        %dma_wait3A_174 = arith.constant 0 : i32
        %dma_wait3A_175 = tpu.memref_slice %arg11[%run_scoped3A_66, %mul3A_58, %dma_wait3A_174] : memref<16x80x128xf32, #tpu.memory_space<hbm>> -> memref<1x8x128xf32, #tpu.memory_space<hbm>>
        %dma_wait3A_176 = tpu.memref_squeeze %dma_wait3A_175 : memref<1x8x128xf32, #tpu.memory_space<hbm>> -> memref<8x128xf32, #tpu.memory_space<hbm>>
        tpu.wait_dma2 semaphore(%run_scoped3A_164 : memref<!tpu.dma_semaphore, #tpu.memory_space<semaphore_mem>>) src(%dma_wait3A_176 : memref<8x128xf32, #tpu.memory_space<hbm>>) dst(%arg23 : memref<8x128xf32, #tpu.memory_space<vmem>>)
        tpu.yield
      }) : () -> ()
      %scan3A_67 = arith.constant 0 : i32
      %scan3A_68 = arith.constant 0 : i32
      %scan3A_69 = arith.constant 8 : i32
      %scan3A_70 = arith.addi %scan3A_68, %scan3A_69 : i32
      %scan3A_71 = arith.constant 1 : i32
      scf.for %scan3A_164 = %scan3A_68 to %scan3A_70 step %scan3A_71  : i32 {
        %mul3A_165 = arith.constant 16 : i32
        %mul3A_166 = arith.muli %scan3A_164, %mul3A_165 : i32
        %get3A = arith.constant 0 : i32
        %get3A_167 = arith.index_cast %get3A : i32 to index
        %get3A_168 = arith.index_cast %mul3A_166 : i32 to index
        %get3A_169 = tpu.vector_load %arg24[%get3A_167, %get3A_168] {strides = array<i32>} : memref<8x128xf32, #tpu.memory_space<vmem>>, vector<16xf32>,
        %get3A_170 = arith.constant 0 : i32
        %get3A_171 = arith.index_cast %get3A_170 : i32 to index
        %get3A_172 = arith.index_cast %mul3A_166 : i32 to index
        %get3A_173 = tpu.vector_load %arg23[%get3A_171, %get3A_172] {strides = array<i32>} : memref<8x128xf32, #tpu.memory_space<vmem>>, vector<16xf32>,
        %add3A_174 = arith.addf %get3A_169, %get3A_173 : vector<16xf32>
        %swap3A = arith.constant 0 : i32
        %swap3A_175 = arith.index_cast %swap3A : i32 to index
        %swap3A_176 = arith.index_cast %mul3A_166 : i32 to index
        %swap3A_177 = tpu.vector_load %arg24[%swap3A_175, %swap3A_176] {strides = array<i32>} : memref<8x128xf32, #tpu.memory_space<vmem>>, vector<16xf32>,
        tpu.vector_store %arg24[%swap3A_175, %swap3A_176], %add3A_174 {strides = array<i32>} : memref<8x128xf32, #tpu.memory_space<vmem>>, vector<16xf32>,
        %get3A_178 = arith.constant 1 : i32
        %get3A_179 = arith.index_cast %get3A_178 : i32 to index
        %get3A_180 = arith.index_cast %mul3A_166 : i32 to index
        %get3A_181 = tpu.vector_load %arg24[%get3A_179, %get3A_180] {strides = array<i32>} : memref<8x128xf32, #tpu.memory_space<vmem>>, vector<16xf32>,
        %get3A_182 = arith.constant 1 : i32
        %get3A_183 = arith.index_cast %get3A_182 : i32 to index
        %get3A_184 = arith.index_cast %mul3A_166 : i32 to index
        %get3A_185 = tpu.vector_load %arg23[%get3A_183, %get3A_184] {strides = array<i32>} : memref<8x128xf32, #tpu.memory_space<vmem>>, vector<16xf32>,
        %add3A_186 = arith.addf %get3A_181, %get3A_185 : vector<16xf32>
        %swap3A_187 = arith.constant 1 : i32
        %swap3A_188 = arith.index_cast %swap3A_187 : i32 to index
        %swap3A_189 = arith.index_cast %mul3A_166 : i32 to index
        %swap3A_190 = tpu.vector_load %arg24[%swap3A_188, %swap3A_189] {strides = array<i32>} : memref<8x128xf32, #tpu.memory_space<vmem>>, vector<16xf32>,
        tpu.vector_store %arg24[%swap3A_188, %swap3A_189], %add3A_186 {strides = array<i32>} : memref<8x128xf32, #tpu.memory_space<vmem>>, vector<16xf32>,
        %get3A_191 = arith.constant 2 : i32
        %get3A_192 = arith.index_cast %get3A_191 : i32 to index
        %get3A_193 = arith.index_cast %mul3A_166 : i32 to index
        %get3A_194 = tpu.vector_load %arg24[%get3A_192, %get3A_193] {strides = array<i32>} : memref<8x128xf32, #tpu.memory_space<vmem>>, vector<16xf32>,
        %get3A_195 = arith.constant 2 : i32
        %get3A_196 = arith.index_cast %get3A_195 : i32 to index
        %get3A_197 = arith.index_cast %mul3A_166 : i32 to index
        %get3A_198 = tpu.vector_load %arg23[%get3A_196, %get3A_197] {strides = array<i32>} : memref<8x128xf32, #tpu.memory_space<vmem>>, vector<16xf32>,
        %add3A_199 = arith.addf %get3A_194, %get3A_198 : vector<16xf32>
        %swap3A_200 = arith.constant 2 : i32
        %swap3A_201 = arith.index_cast %swap3A_200 : i32 to index
        %swap3A_202 = arith.index_cast %mul3A_166 : i32 to index
        %swap3A_203 = tpu.vector_load %arg24[%swap3A_201, %swap3A_202] {strides = array<i32>} : memref<8x128xf32, #tpu.memory_space<vmem>>, vector<16xf32>,
        tpu.vector_store %arg24[%swap3A_201, %swap3A_202], %add3A_199 {strides = array<i32>} : memref<8x128xf32, #tpu.memory_space<vmem>>, vector<16xf32>,
        %get3A_204 = arith.constant 3 : i32
        %get3A_205 = arith.index_cast %get3A_204 : i32 to index
        %get3A_206 = arith.index_cast %mul3A_166 : i32 to index
        %get3A_207 = tpu.vector_load %arg24[%get3A_205, %get3A_206] {strides = array<i32>} : memref<8x128xf32, #tpu.memory_space<vmem>>, vector<16xf32>,
        %get3A_208 = arith.constant 3 : i32
        %get3A_209 = arith.index_cast %get3A_208 : i32 to index
        %get3A_210 = arith.index_cast %mul3A_166 : i32 to index
        %get3A_211 = tpu.vector_load %arg23[%get3A_209, %get3A_210] {strides = array<i32>} : memref<8x128xf32, #tpu.memory_space<vmem>>, vector<16xf32>,
        %add3A_212 = arith.addf %get3A_207, %get3A_211 : vector<16xf32>
        %swap3A_213 = arith.constant 3 : i32
        %swap3A_214 = arith.index_cast %swap3A_213 : i32 to index
        %swap3A_215 = arith.index_cast %mul3A_166 : i32 to index
        %swap3A_216 = tpu.vector_load %arg24[%swap3A_214, %swap3A_215] {strides = array<i32>} : memref<8x128xf32, #tpu.memory_space<vmem>>, vector<16xf32>,
        tpu.vector_store %arg24[%swap3A_214, %swap3A_215], %add3A_212 {strides = array<i32>} : memref<8x128xf32, #tpu.memory_space<vmem>>, vector<16xf32>,
        %get3A_217 = arith.constant 4 : i32
        %get3A_218 = arith.index_cast %get3A_217 : i32 to index
        %get3A_219 = arith.index_cast %mul3A_166 : i32 to index
        %get3A_220 = tpu.vector_load %arg24[%get3A_218, %get3A_219] {strides = array<i32>} : memref<8x128xf32, #tpu.memory_space<vmem>>, vector<16xf32>,
        %get3A_221 = arith.constant 4 : i32
        %get3A_222 = arith.index_cast %get3A_221 : i32 to index
        %get3A_223 = arith.index_cast %mul3A_166 : i32 to index
        %get3A_224 = tpu.vector_load %arg23[%get3A_222, %get3A_223] {strides = array<i32>} : memref<8x128xf32, #tpu.memory_space<vmem>>, vector<16xf32>,
        %add3A_225 = arith.addf %get3A_220, %get3A_224 : vector<16xf32>
        %swap3A_226 = arith.constant 4 : i32
        %swap3A_227 = arith.index_cast %swap3A_226 : i32 to index
        %swap3A_228 = arith.index_cast %mul3A_166 : i32 to index
        %swap3A_229 = tpu.vector_load %arg24[%swap3A_227, %swap3A_228] {strides = array<i32>} : memref<8x128xf32, #tpu.memory_space<vmem>>, vector<16xf32>,
        tpu.vector_store %arg24[%swap3A_227, %swap3A_228], %add3A_225 {strides = array<i32>} : memref<8x128xf32, #tpu.memory_space<vmem>>, vector<16xf32>,
        %get3A_230 = arith.constant 5 : i32
        %get3A_231 = arith.index_cast %get3A_230 : i32 to index
        %get3A_232 = arith.index_cast %mul3A_166 : i32 to index
        %get3A_233 = tpu.vector_load %arg24[%get3A_231, %get3A_232] {strides = array<i32>} : memref<8x128xf32, #tpu.memory_space<vmem>>, vector<16xf32>,
        %get3A_234 = arith.constant 5 : i32
        %get3A_235 = arith.index_cast %get3A_234 : i32 to index
        %get3A_236 = arith.index_cast %mul3A_166 : i32 to index
        %get3A_237 = tpu.vector_load %arg23[%get3A_235, %get3A_236] {strides = array<i32>} : memref<8x128xf32, #tpu.memory_space<vmem>>, vector<16xf32>,
        %add3A_238 = arith.addf %get3A_233, %get3A_237 : vector<16xf32>
        %swap3A_239 = arith.constant 5 : i32
        %swap3A_240 = arith.index_cast %swap3A_239 : i32 to index
        %swap3A_241 = arith.index_cast %mul3A_166 : i32 to index
        %swap3A_242 = tpu.vector_load %arg24[%swap3A_240, %swap3A_241] {strides = array<i32>} : memref<8x128xf32, #tpu.memory_space<vmem>>, vector<16xf32>,
        tpu.vector_store %arg24[%swap3A_240, %swap3A_241], %add3A_238 {strides = array<i32>} : memref<8x128xf32, #tpu.memory_space<vmem>>, vector<16xf32>,
        %get3A_243 = arith.constant 6 : i32
        %get3A_244 = arith.index_cast %get3A_243 : i32 to index
        %get3A_245 = arith.index_cast %mul3A_166 : i32 to index
        %get3A_246 = tpu.vector_load %arg24[%get3A_244, %get3A_245] {strides = array<i32>} : memref<8x128xf32, #tpu.memory_space<vmem>>, vector<16xf32>,
        %get3A_247 = arith.constant 6 : i32
        %get3A_248 = arith.index_cast %get3A_247 : i32 to index
        %get3A_249 = arith.index_cast %mul3A_166 : i32 to index
        %get3A_250 = tpu.vector_load %arg23[%get3A_248, %get3A_249] {strides = array<i32>} : memref<8x128xf32, #tpu.memory_space<vmem>>, vector<16xf32>,
        %add3A_251 = arith.addf %get3A_246, %get3A_250 : vector<16xf32>
        %swap3A_252 = arith.constant 6 : i32
        %swap3A_253 = arith.index_cast %swap3A_252 : i32 to index
        %swap3A_254 = arith.index_cast %mul3A_166 : i32 to index
        %swap3A_255 = tpu.vector_load %arg24[%swap3A_253, %swap3A_254] {strides = array<i32>} : memref<8x128xf32, #tpu.memory_space<vmem>>, vector<16xf32>,
        tpu.vector_store %arg24[%swap3A_253, %swap3A_254], %add3A_251 {strides = array<i32>} : memref<8x128xf32, #tpu.memory_space<vmem>>, vector<16xf32>,
        %get3A_256 = arith.constant 7 : i32
        %get3A_257 = arith.index_cast %get3A_256 : i32 to index
        %get3A_258 = arith.index_cast %mul3A_166 : i32 to index
        %get3A_259 = tpu.vector_load %arg24[%get3A_257, %get3A_258] {strides = array<i32>} : memref<8x128xf32, #tpu.memory_space<vmem>>, vector<16xf32>,
        %get3A_260 = arith.constant 7 : i32
        %get3A_261 = arith.index_cast %get3A_260 : i32 to index
        %get3A_262 = arith.index_cast %mul3A_166 : i32 to index
        %get3A_263 = tpu.vector_load %arg23[%get3A_261, %get3A_262] {strides = array<i32>} : memref<8x128xf32, #tpu.memory_space<vmem>>, vector<16xf32>,
        %add3A_264 = arith.addf %get3A_259, %get3A_263 : vector<16xf32>
        %swap3A_265 = arith.constant 7 : i32
        %swap3A_266 = arith.index_cast %swap3A_265 : i32 to index
        %swap3A_267 = arith.index_cast %mul3A_166 : i32 to index
        %swap3A_268 = tpu.vector_load %arg24[%swap3A_266, %swap3A_267] {strides = array<i32>} : memref<8x128xf32, #tpu.memory_space<vmem>>, vector<16xf32>,
        tpu.vector_store %arg24[%swap3A_266, %swap3A_267], %add3A_264 {strides = array<i32>} : memref<8x128xf32, #tpu.memory_space<vmem>>, vector<16xf32>,
      }
      %scan3A_72 = arith.constant 8 : i32
      %run_scoped3A_73 = arith.constant 3 : i32
      "tpu.region"() ({
        %run_scoped3A_164 = tpu.sem_alloc : memref<!tpu.dma_semaphore, #tpu.memory_space<semaphore_mem>>
        %dma_start3A_165 = arith.constant 0 : i32
        %dma_start3A_166 = tpu.memref_slice %arg11[%run_scoped3A_73, %mul3A_58, %dma_start3A_165] : memref<16x80x128xf32, #tpu.memory_space<hbm>> -> memref<1x8x128xf32, #tpu.memory_space<hbm>>
        %dma_start3A_167 = tpu.memref_squeeze %dma_start3A_166 : memref<1x8x128xf32, #tpu.memory_space<hbm>> -> memref<8x128xf32, #tpu.memory_space<hbm>>
        %dma_start3A_168 = arith.constant 0 : i32
        %dma_start3A_169 = tpu.memref_slice %arg11[%run_scoped3A_73, %mul3A_58, %dma_start3A_168] : memref<16x80x128xf32, #tpu.memory_space<hbm>> -> memref<1x8x128xf32, #tpu.memory_space<hbm>>
        %dma_start3A_170 = tpu.memref_squeeze %dma_start3A_169 : memref<1x8x128xf32, #tpu.memory_space<hbm>> -> memref<8x128xf32, #tpu.memory_space<hbm>>
        tpu.enqueue_dma source(%dma_start3A_170 : memref<8x128xf32, #tpu.memory_space<hbm>>) target(%arg23 : memref<8x128xf32, #tpu.memory_space<vmem>>) target_semaphore(%run_scoped3A_164 : memref<!tpu.dma_semaphore, #tpu.memory_space<semaphore_mem>>)
        %dma_wait3A_171 = arith.constant 0 : i32
        %dma_wait3A_172 = tpu.memref_slice %arg11[%run_scoped3A_73, %mul3A_58, %dma_wait3A_171] : memref<16x80x128xf32, #tpu.memory_space<hbm>> -> memref<1x8x128xf32, #tpu.memory_space<hbm>>
        %dma_wait3A_173 = tpu.memref_squeeze %dma_wait3A_172 : memref<1x8x128xf32, #tpu.memory_space<hbm>> -> memref<8x128xf32, #tpu.memory_space<hbm>>
        %dma_wait3A_174 = arith.constant 0 : i32
        %dma_wait3A_175 = tpu.memref_slice %arg11[%run_scoped3A_73, %mul3A_58, %dma_wait3A_174] : memref<16x80x128xf32, #tpu.memory_space<hbm>> -> memref<1x8x128xf32, #tpu.memory_space<hbm>>
        %dma_wait3A_176 = tpu.memref_squeeze %dma_wait3A_175 : memref<1x8x128xf32, #tpu.memory_space<hbm>> -> memref<8x128xf32, #tpu.memory_space<hbm>>
        tpu.wait_dma2 semaphore(%run_scoped3A_164 : memref<!tpu.dma_semaphore, #tpu.memory_space<semaphore_mem>>) src(%dma_wait3A_176 : memref<8x128xf32, #tpu.memory_space<hbm>>) dst(%arg23 : memref<8x128xf32, #tpu.memory_space<vmem>>)
        tpu.yield
      }) : () -> ()
      %scan3A_74 = arith.constant 0 : i32
      %scan3A_75 = arith.constant 0 : i32
      %scan3A_76 = arith.constant 8 : i32
      %scan3A_77 = arith.addi %scan3A_75, %scan3A_76 : i32
      %scan3A_78 = arith.constant 1 : i32
      scf.for %scan3A_164 = %scan3A_75 to %scan3A_77 step %scan3A_78  : i32 {
        %mul3A_165 = arith.constant 16 : i32
        %mul3A_166 = arith.muli %scan3A_164, %mul3A_165 : i32
        %get3A = arith.constant 0 : i32
        %get3A_167 = arith.index_cast %get3A : i32 to index
        %get3A_168 = arith.index_cast %mul3A_166 : i32 to index
        %get3A_169 = tpu.vector_load %arg24[%get3A_167, %get3A_168] {strides = array<i32>} : memref<8x128xf32, #tpu.memory_space<vmem>>, vector<16xf32>,
        %get3A_170 = arith.constant 0 : i32
        %get3A_171 = arith.index_cast %get3A_170 : i32 to index
        %get3A_172 = arith.index_cast %mul3A_166 : i32 to index
        %get3A_173 = tpu.vector_load %arg23[%get3A_171, %get3A_172] {strides = array<i32>} : memref<8x128xf32, #tpu.memory_space<vmem>>, vector<16xf32>,
        %add3A_174 = arith.addf %get3A_169, %get3A_173 : vector<16xf32>
        %swap3A = arith.constant 0 : i32
        %swap3A_175 = arith.index_cast %swap3A : i32 to index
        %swap3A_176 = arith.index_cast %mul3A_166 : i32 to index
        %swap3A_177 = tpu.vector_load %arg24[%swap3A_175, %swap3A_176] {strides = array<i32>} : memref<8x128xf32, #tpu.memory_space<vmem>>, vector<16xf32>,
        tpu.vector_store %arg24[%swap3A_175, %swap3A_176], %add3A_174 {strides = array<i32>} : memref<8x128xf32, #tpu.memory_space<vmem>>, vector<16xf32>,
        %get3A_178 = arith.constant 1 : i32
        %get3A_179 = arith.index_cast %get3A_178 : i32 to index
        %get3A_180 = arith.index_cast %mul3A_166 : i32 to index
        %get3A_181 = tpu.vector_load %arg24[%get3A_179, %get3A_180] {strides = array<i32>} : memref<8x128xf32, #tpu.memory_space<vmem>>, vector<16xf32>,
        %get3A_182 = arith.constant 1 : i32
        %get3A_183 = arith.index_cast %get3A_182 : i32 to index
        %get3A_184 = arith.index_cast %mul3A_166 : i32 to index
        %get3A_185 = tpu.vector_load %arg23[%get3A_183, %get3A_184] {strides = array<i32>} : memref<8x128xf32, #tpu.memory_space<vmem>>, vector<16xf32>,
        %add3A_186 = arith.addf %get3A_181, %get3A_185 : vector<16xf32>
        %swap3A_187 = arith.constant 1 : i32
        %swap3A_188 = arith.index_cast %swap3A_187 : i32 to index
        %swap3A_189 = arith.index_cast %mul3A_166 : i32 to index
        %swap3A_190 = tpu.vector_load %arg24[%swap3A_188, %swap3A_189] {strides = array<i32>} : memref<8x128xf32, #tpu.memory_space<vmem>>, vector<16xf32>,
        tpu.vector_store %arg24[%swap3A_188, %swap3A_189], %add3A_186 {strides = array<i32>} : memref<8x128xf32, #tpu.memory_space<vmem>>, vector<16xf32>,
        %get3A_191 = arith.constant 2 : i32
        %get3A_192 = arith.index_cast %get3A_191 : i32 to index
        %get3A_193 = arith.index_cast %mul3A_166 : i32 to index
        %get3A_194 = tpu.vector_load %arg24[%get3A_192, %get3A_193] {strides = array<i32>} : memref<8x128xf32, #tpu.memory_space<vmem>>, vector<16xf32>,
        %get3A_195 = arith.constant 2 : i32
        %get3A_196 = arith.index_cast %get3A_195 : i32 to index
        %get3A_197 = arith.index_cast %mul3A_166 : i32 to index
        %get3A_198 = tpu.vector_load %arg23[%get3A_196, %get3A_197] {strides = array<i32>} : memref<8x128xf32, #tpu.memory_space<vmem>>, vector<16xf32>,
        %add3A_199 = arith.addf %get3A_194, %get3A_198 : vector<16xf32>
        %swap3A_200 = arith.constant 2 : i32
        %swap3A_201 = arith.index_cast %swap3A_200 : i32 to index
        %swap3A_202 = arith.index_cast %mul3A_166 : i32 to index
        %swap3A_203 = tpu.vector_load %arg24[%swap3A_201, %swap3A_202] {strides = array<i32>} : memref<8x128xf32, #tpu.memory_space<vmem>>, vector<16xf32>,
        tpu.vector_store %arg24[%swap3A_201, %swap3A_202], %add3A_199 {strides = array<i32>} : memref<8x128xf32, #tpu.memory_space<vmem>>, vector<16xf32>,
        %get3A_204 = arith.constant 3 : i32
        %get3A_205 = arith.index_cast %get3A_204 : i32 to index
        %get3A_206 = arith.index_cast %mul3A_166 : i32 to index
        %get3A_207 = tpu.vector_load %arg24[%get3A_205, %get3A_206] {strides = array<i32>} : memref<8x128xf32, #tpu.memory_space<vmem>>, vector<16xf32>,
        %get3A_208 = arith.constant 3 : i32
        %get3A_209 = arith.index_cast %get3A_208 : i32 to index
        %get3A_210 = arith.index_cast %mul3A_166 : i32 to index
        %get3A_211 = tpu.vector_load %arg23[%get3A_209, %get3A_210] {strides = array<i32>} : memref<8x128xf32, #tpu.memory_space<vmem>>, vector<16xf32>,
        %add3A_212 = arith.addf %get3A_207, %get3A_211 : vector<16xf32>
        %swap3A_213 = arith.constant 3 : i32
        %swap3A_214 = arith.index_cast %swap3A_213 : i32 to index
        %swap3A_215 = arith.index_cast %mul3A_166 : i32 to index
        %swap3A_216 = tpu.vector_load %arg24[%swap3A_214, %swap3A_215] {strides = array<i32>} : memref<8x128xf32, #tpu.memory_space<vmem>>, vector<16xf32>,
        tpu.vector_store %arg24[%swap3A_214, %swap3A_215], %add3A_212 {strides = array<i32>} : memref<8x128xf32, #tpu.memory_space<vmem>>, vector<16xf32>,
        %get3A_217 = arith.constant 4 : i32
        %get3A_218 = arith.index_cast %get3A_217 : i32 to index
        %get3A_219 = arith.index_cast %mul3A_166 : i32 to index
        %get3A_220 = tpu.vector_load %arg24[%get3A_218, %get3A_219] {strides = array<i32>} : memref<8x128xf32, #tpu.memory_space<vmem>>, vector<16xf32>,
        %get3A_221 = arith.constant 4 : i32
        %get3A_222 = arith.index_cast %get3A_221 : i32 to index
        %get3A_223 = arith.index_cast %mul3A_166 : i32 to index
        %get3A_224 = tpu.vector_load %arg23[%get3A_222, %get3A_223] {strides = array<i32>} : memref<8x128xf32, #tpu.memory_space<vmem>>, vector<16xf32>,
        %add3A_225 = arith.addf %get3A_220, %get3A_224 : vector<16xf32>
        %swap3A_226 = arith.constant 4 : i32
        %swap3A_227 = arith.index_cast %swap3A_226 : i32 to index
        %swap3A_228 = arith.index_cast %mul3A_166 : i32 to index
        %swap3A_229 = tpu.vector_load %arg24[%swap3A_227, %swap3A_228] {strides = array<i32>} : memref<8x128xf32, #tpu.memory_space<vmem>>, vector<16xf32>,
        tpu.vector_store %arg24[%swap3A_227, %swap3A_228], %add3A_225 {strides = array<i32>} : memref<8x128xf32, #tpu.memory_space<vmem>>, vector<16xf32>,
        %get3A_230 = arith.constant 5 : i32
        %get3A_231 = arith.index_cast %get3A_230 : i32 to index
        %get3A_232 = arith.index_cast %mul3A_166 : i32 to index
        %get3A_233 = tpu.vector_load %arg24[%get3A_231, %get3A_232] {strides = array<i32>} : memref<8x128xf32, #tpu.memory_space<vmem>>, vector<16xf32>,
        %get3A_234 = arith.constant 5 : i32
        %get3A_235 = arith.index_cast %get3A_234 : i32 to index
        %get3A_236 = arith.index_cast %mul3A_166 : i32 to index
        %get3A_237 = tpu.vector_load %arg23[%get3A_235, %get3A_236] {strides = array<i32>} : memref<8x128xf32, #tpu.memory_space<vmem>>, vector<16xf32>,
        %add3A_238 = arith.addf %get3A_233, %get3A_237 : vector<16xf32>
        %swap3A_239 = arith.constant 5 : i32
        %swap3A_240 = arith.index_cast %swap3A_239 : i32 to index
        %swap3A_241 = arith.index_cast %mul3A_166 : i32 to index
        %swap3A_242 = tpu.vector_load %arg24[%swap3A_240, %swap3A_241] {strides = array<i32>} : memref<8x128xf32, #tpu.memory_space<vmem>>, vector<16xf32>,
        tpu.vector_store %arg24[%swap3A_240, %swap3A_241], %add3A_238 {strides = array<i32>} : memref<8x128xf32, #tpu.memory_space<vmem>>, vector<16xf32>,
        %get3A_243 = arith.constant 6 : i32
        %get3A_244 = arith.index_cast %get3A_243 : i32 to index
        %get3A_245 = arith.index_cast %mul3A_166 : i32 to index
        %get3A_246 = tpu.vector_load %arg24[%get3A_244, %get3A_245] {strides = array<i32>} : memref<8x128xf32, #tpu.memory_space<vmem>>, vector<16xf32>,
        %get3A_247 = arith.constant 6 : i32
        %get3A_248 = arith.index_cast %get3A_247 : i32 to index
        %get3A_249 = arith.index_cast %mul3A_166 : i32 to index
        %get3A_250 = tpu.vector_load %arg23[%get3A_248, %get3A_249] {strides = array<i32>} : memref<8x128xf32, #tpu.memory_space<vmem>>, vector<16xf32>,
        %add3A_251 = arith.addf %get3A_246, %get3A_250 : vector<16xf32>
        %swap3A_252 = arith.constant 6 : i32
        %swap3A_253 = arith.index_cast %swap3A_252 : i32 to index
        %swap3A_254 = arith.index_cast %mul3A_166 : i32 to index
        %swap3A_255 = tpu.vector_load %arg24[%swap3A_253, %swap3A_254] {strides = array<i32>} : memref<8x128xf32, #tpu.memory_space<vmem>>, vector<16xf32>,
        tpu.vector_store %arg24[%swap3A_253, %swap3A_254], %add3A_251 {strides = array<i32>} : memref<8x128xf32, #tpu.memory_space<vmem>>, vector<16xf32>,
        %get3A_256 = arith.constant 7 : i32
        %get3A_257 = arith.index_cast %get3A_256 : i32 to index
        %get3A_258 = arith.index_cast %mul3A_166 : i32 to index
        %get3A_259 = tpu.vector_load %arg24[%get3A_257, %get3A_258] {strides = array<i32>} : memref<8x128xf32, #tpu.memory_space<vmem>>, vector<16xf32>,
        %get3A_260 = arith.constant 7 : i32
        %get3A_261 = arith.index_cast %get3A_260 : i32 to index
        %get3A_262 = arith.index_cast %mul3A_166 : i32 to index
        %get3A_263 = tpu.vector_load %arg23[%get3A_261, %get3A_262] {strides = array<i32>} : memref<8x128xf32, #tpu.memory_space<vmem>>, vector<16xf32>,
        %add3A_264 = arith.addf %get3A_259, %get3A_263 : vector<16xf32>
        %swap3A_265 = arith.constant 7 : i32
        %swap3A_266 = arith.index_cast %swap3A_265 : i32 to index
        %swap3A_267 = arith.index_cast %mul3A_166 : i32 to index
        %swap3A_268 = tpu.vector_load %arg24[%swap3A_266, %swap3A_267] {strides = array<i32>} : memref<8x128xf32, #tpu.memory_space<vmem>>, vector<16xf32>,
        tpu.vector_store %arg24[%swap3A_266, %swap3A_267], %add3A_264 {strides = array<i32>} : memref<8x128xf32, #tpu.memory_space<vmem>>, vector<16xf32>,
      }
      %scan3A_79 = arith.constant 8 : i32
      %run_scoped3A_80 = arith.constant 4 : i32
      "tpu.region"() ({
        %run_scoped3A_164 = tpu.sem_alloc : memref<!tpu.dma_semaphore, #tpu.memory_space<semaphore_mem>>
        %dma_start3A_165 = arith.constant 0 : i32
        %dma_start3A_166 = tpu.memref_slice %arg11[%run_scoped3A_80, %mul3A_58, %dma_start3A_165] : memref<16x80x128xf32, #tpu.memory_space<hbm>> -> memref<1x8x128xf32, #tpu.memory_space<hbm>>
        %dma_start3A_167 = tpu.memref_squeeze %dma_start3A_166 : memref<1x8x128xf32, #tpu.memory_space<hbm>> -> memref<8x128xf32, #tpu.memory_space<hbm>>
        %dma_start3A_168 = arith.constant 0 : i32
        %dma_start3A_169 = tpu.memref_slice %arg11[%run_scoped3A_80, %mul3A_58, %dma_start3A_168] : memref<16x80x128xf32, #tpu.memory_space<hbm>> -> memref<1x8x128xf32, #tpu.memory_space<hbm>>
        %dma_start3A_170 = tpu.memref_squeeze %dma_start3A_169 : memref<1x8x128xf32, #tpu.memory_space<hbm>> -> memref<8x128xf32, #tpu.memory_space<hbm>>
        tpu.enqueue_dma source(%dma_start3A_170 : memref<8x128xf32, #tpu.memory_space<hbm>>) target(%arg23 : memref<8x128xf32, #tpu.memory_space<vmem>>) target_semaphore(%run_scoped3A_164 : memref<!tpu.dma_semaphore, #tpu.memory_space<semaphore_mem>>)
        %dma_wait3A_171 = arith.constant 0 : i32
        %dma_wait3A_172 = tpu.memref_slice %arg11[%run_scoped3A_80, %mul3A_58, %dma_wait3A_171] : memref<16x80x128xf32, #tpu.memory_space<hbm>> -> memref<1x8x128xf32, #tpu.memory_space<hbm>>
        %dma_wait3A_173 = tpu.memref_squeeze %dma_wait3A_172 : memref<1x8x128xf32, #tpu.memory_space<hbm>> -> memref<8x128xf32, #tpu.memory_space<hbm>>
        %dma_wait3A_174 = arith.constant 0 : i32
        %dma_wait3A_175 = tpu.memref_slice %arg11[%run_scoped3A_80, %mul3A_58, %dma_wait3A_174] : memref<16x80x128xf32, #tpu.memory_space<hbm>> -> memref<1x8x128xf32, #tpu.memory_space<hbm>>
        %dma_wait3A_176 = tpu.memref_squeeze %dma_wait3A_175 : memref<1x8x128xf32, #tpu.memory_space<hbm>> -> memref<8x128xf32, #tpu.memory_space<hbm>>
        tpu.wait_dma2 semaphore(%run_scoped3A_164 : memref<!tpu.dma_semaphore, #tpu.memory_space<semaphore_mem>>) src(%dma_wait3A_176 : memref<8x128xf32, #tpu.memory_space<hbm>>) dst(%arg23 : memref<8x128xf32, #tpu.memory_space<vmem>>)
        tpu.yield
      }) : () -> ()
      %scan3A_81 = arith.constant 0 : i32
      %scan3A_82 = arith.constant 0 : i32
      %scan3A_83 = arith.constant 8 : i32
      %scan3A_84 = arith.addi %scan3A_82, %scan3A_83 : i32
      %scan3A_85 = arith.constant 1 : i32
      scf.for %scan3A_164 = %scan3A_82 to %scan3A_84 step %scan3A_85  : i32 {
        %mul3A_165 = arith.constant 16 : i32
        %mul3A_166 = arith.muli %scan3A_164, %mul3A_165 : i32
        %get3A = arith.constant 0 : i32
        %get3A_167 = arith.index_cast %get3A : i32 to index
        %get3A_168 = arith.index_cast %mul3A_166 : i32 to index
        %get3A_169 = tpu.vector_load %arg24[%get3A_167, %get3A_168] {strides = array<i32>} : memref<8x128xf32, #tpu.memory_space<vmem>>, vector<16xf32>,
        %get3A_170 = arith.constant 0 : i32
        %get3A_171 = arith.index_cast %get3A_170 : i32 to index
        %get3A_172 = arith.index_cast %mul3A_166 : i32 to index
        %get3A_173 = tpu.vector_load %arg23[%get3A_171, %get3A_172] {strides = array<i32>} : memref<8x128xf32, #tpu.memory_space<vmem>>, vector<16xf32>,
        %add3A_174 = arith.addf %get3A_169, %get3A_173 : vector<16xf32>
        %swap3A = arith.constant 0 : i32
        %swap3A_175 = arith.index_cast %swap3A : i32 to index
        %swap3A_176 = arith.index_cast %mul3A_166 : i32 to index
        %swap3A_177 = tpu.vector_load %arg24[%swap3A_175, %swap3A_176] {strides = array<i32>} : memref<8x128xf32, #tpu.memory_space<vmem>>, vector<16xf32>,
        tpu.vector_store %arg24[%swap3A_175, %swap3A_176], %add3A_174 {strides = array<i32>} : memref<8x128xf32, #tpu.memory_space<vmem>>, vector<16xf32>,
        %get3A_178 = arith.constant 1 : i32
        %get3A_179 = arith.index_cast %get3A_178 : i32 to index
        %get3A_180 = arith.index_cast %mul3A_166 : i32 to index
        %get3A_181 = tpu.vector_load %arg24[%get3A_179, %get3A_180] {strides = array<i32>} : memref<8x128xf32, #tpu.memory_space<vmem>>, vector<16xf32>,
        %get3A_182 = arith.constant 1 : i32
        %get3A_183 = arith.index_cast %get3A_182 : i32 to index
        %get3A_184 = arith.index_cast %mul3A_166 : i32 to index
        %get3A_185 = tpu.vector_load %arg23[%get3A_183, %get3A_184] {strides = array<i32>} : memref<8x128xf32, #tpu.memory_space<vmem>>, vector<16xf32>,
        %add3A_186 = arith.addf %get3A_181, %get3A_185 : vector<16xf32>
        %swap3A_187 = arith.constant 1 : i32
        %swap3A_188 = arith.index_cast %swap3A_187 : i32 to index
        %swap3A_189 = arith.index_cast %mul3A_166 : i32 to index
        %swap3A_190 = tpu.vector_load %arg24[%swap3A_188, %swap3A_189] {strides = array<i32>} : memref<8x128xf32, #tpu.memory_space<vmem>>, vector<16xf32>,
        tpu.vector_store %arg24[%swap3A_188, %swap3A_189], %add3A_186 {strides = array<i32>} : memref<8x128xf32, #tpu.memory_space<vmem>>, vector<16xf32>,
        %get3A_191 = arith.constant 2 : i32
        %get3A_192 = arith.index_cast %get3A_191 : i32 to index
        %get3A_193 = arith.index_cast %mul3A_166 : i32 to index
        %get3A_194 = tpu.vector_load %arg24[%get3A_192, %get3A_193] {strides = array<i32>} : memref<8x128xf32, #tpu.memory_space<vmem>>, vector<16xf32>,
        %get3A_195 = arith.constant 2 : i32
        %get3A_196 = arith.index_cast %get3A_195 : i32 to index
        %get3A_197 = arith.index_cast %mul3A_166 : i32 to index
        %get3A_198 = tpu.vector_load %arg23[%get3A_196, %get3A_197] {strides = array<i32>} : memref<8x128xf32, #tpu.memory_space<vmem>>, vector<16xf32>,
        %add3A_199 = arith.addf %get3A_194, %get3A_198 : vector<16xf32>
        %swap3A_200 = arith.constant 2 : i32
        %swap3A_201 = arith.index_cast %swap3A_200 : i32 to index
        %swap3A_202 = arith.index_cast %mul3A_166 : i32 to index
        %swap3A_203 = tpu.vector_load %arg24[%swap3A_201, %swap3A_202] {strides = array<i32>} : memref<8x128xf32, #tpu.memory_space<vmem>>, vector<16xf32>,
        tpu.vector_store %arg24[%swap3A_201, %swap3A_202], %add3A_199 {strides = array<i32>} : memref<8x128xf32, #tpu.memory_space<vmem>>, vector<16xf32>,
        %get3A_204 = arith.constant 3 : i32
        %get3A_205 = arith.index_cast %get3A_204 : i32 to index
        %get3A_206 = arith.index_cast %mul3A_166 : i32 to index
        %get3A_207 = tpu.vector_load %arg24[%get3A_205, %get3A_206] {strides = array<i32>} : memref<8x128xf32, #tpu.memory_space<vmem>>, vector<16xf32>,
        %get3A_208 = arith.constant 3 : i32
        %get3A_209 = arith.index_cast %get3A_208 : i32 to index
        %get3A_210 = arith.index_cast %mul3A_166 : i32 to index
        %get3A_211 = tpu.vector_load %arg23[%get3A_209, %get3A_210] {strides = array<i32>} : memref<8x128xf32, #tpu.memory_space<vmem>>, vector<16xf32>,
        %add3A_212 = arith.addf %get3A_207, %get3A_211 : vector<16xf32>
        %swap3A_213 = arith.constant 3 : i32
        %swap3A_214 = arith.index_cast %swap3A_213 : i32 to index
        %swap3A_215 = arith.index_cast %mul3A_166 : i32 to index
        %swap3A_216 = tpu.vector_load %arg24[%swap3A_214, %swap3A_215] {strides = array<i32>} : memref<8x128xf32, #tpu.memory_space<vmem>>, vector<16xf32>,
        tpu.vector_store %arg24[%swap3A_214, %swap3A_215], %add3A_212 {strides = array<i32>} : memref<8x128xf32, #tpu.memory_space<vmem>>, vector<16xf32>,
        %get3A_217 = arith.constant 4 : i32
        %get3A_218 = arith.index_cast %get3A_217 : i32 to index
        %get3A_219 = arith.index_cast %mul3A_166 : i32 to index
        %get3A_220 = tpu.vector_load %arg24[%get3A_218, %get3A_219] {strides = array<i32>} : memref<8x128xf32, #tpu.memory_space<vmem>>, vector<16xf32>,
        %get3A_221 = arith.constant 4 : i32
        %get3A_222 = arith.index_cast %get3A_221 : i32 to index
        %get3A_223 = arith.index_cast %mul3A_166 : i32 to index
        %get3A_224 = tpu.vector_load %arg23[%get3A_222, %get3A_223] {strides = array<i32>} : memref<8x128xf32, #tpu.memory_space<vmem>>, vector<16xf32>,
        %add3A_225 = arith.addf %get3A_220, %get3A_224 : vector<16xf32>
        %swap3A_226 = arith.constant 4 : i32
        %swap3A_227 = arith.index_cast %swap3A_226 : i32 to index
        %swap3A_228 = arith.index_cast %mul3A_166 : i32 to index
        %swap3A_229 = tpu.vector_load %arg24[%swap3A_227, %swap3A_228] {strides = array<i32>} : memref<8x128xf32, #tpu.memory_space<vmem>>, vector<16xf32>,
        tpu.vector_store %arg24[%swap3A_227, %swap3A_228], %add3A_225 {strides = array<i32>} : memref<8x128xf32, #tpu.memory_space<vmem>>, vector<16xf32>,
        %get3A_230 = arith.constant 5 : i32
        %get3A_231 = arith.index_cast %get3A_230 : i32 to index
        %get3A_232 = arith.index_cast %mul3A_166 : i32 to index
        %get3A_233 = tpu.vector_load %arg24[%get3A_231, %get3A_232] {strides = array<i32>} : memref<8x128xf32, #tpu.memory_space<vmem>>, vector<16xf32>,
        %get3A_234 = arith.constant 5 : i32
        %get3A_235 = arith.index_cast %get3A_234 : i32 to index
        %get3A_236 = arith.index_cast %mul3A_166 : i32 to index
        %get3A_237 = tpu.vector_load %arg23[%get3A_235, %get3A_236] {strides = array<i32>} : memref<8x128xf32, #tpu.memory_space<vmem>>, vector<16xf32>,
        %add3A_238 = arith.addf %get3A_233, %get3A_237 : vector<16xf32>
        %swap3A_239 = arith.constant 5 : i32
        %swap3A_240 = arith.index_cast %swap3A_239 : i32 to index
        %swap3A_241 = arith.index_cast %mul3A_166 : i32 to index
        %swap3A_242 = tpu.vector_load %arg24[%swap3A_240, %swap3A_241] {strides = array<i32>} : memref<8x128xf32, #tpu.memory_space<vmem>>, vector<16xf32>,
        tpu.vector_store %arg24[%swap3A_240, %swap3A_241], %add3A_238 {strides = array<i32>} : memref<8x128xf32, #tpu.memory_space<vmem>>, vector<16xf32>,
        %get3A_243 = arith.constant 6 : i32
        %get3A_244 = arith.index_cast %get3A_243 : i32 to index
        %get3A_245 = arith.index_cast %mul3A_166 : i32 to index
        %get3A_246 = tpu.vector_load %arg24[%get3A_244, %get3A_245] {strides = array<i32>} : memref<8x128xf32, #tpu.memory_space<vmem>>, vector<16xf32>,
        %get3A_247 = arith.constant 6 : i32
        %get3A_248 = arith.index_cast %get3A_247 : i32 to index
        %get3A_249 = arith.index_cast %mul3A_166 : i32 to index
        %get3A_250 = tpu.vector_load %arg23[%get3A_248, %get3A_249] {strides = array<i32>} : memref<8x128xf32, #tpu.memory_space<vmem>>, vector<16xf32>,
        %add3A_251 = arith.addf %get3A_246, %get3A_250 : vector<16xf32>
        %swap3A_252 = arith.constant 6 : i32
        %swap3A_253 = arith.index_cast %swap3A_252 : i32 to index
        %swap3A_254 = arith.index_cast %mul3A_166 : i32 to index
        %swap3A_255 = tpu.vector_load %arg24[%swap3A_253, %swap3A_254] {strides = array<i32>} : memref<8x128xf32, #tpu.memory_space<vmem>>, vector<16xf32>,
        tpu.vector_store %arg24[%swap3A_253, %swap3A_254], %add3A_251 {strides = array<i32>} : memref<8x128xf32, #tpu.memory_space<vmem>>, vector<16xf32>,
        %get3A_256 = arith.constant 7 : i32
        %get3A_257 = arith.index_cast %get3A_256 : i32 to index
        %get3A_258 = arith.index_cast %mul3A_166 : i32 to index
        %get3A_259 = tpu.vector_load %arg24[%get3A_257, %get3A_258] {strides = array<i32>} : memref<8x128xf32, #tpu.memory_space<vmem>>, vector<16xf32>,
        %get3A_260 = arith.constant 7 : i32
        %get3A_261 = arith.index_cast %get3A_260 : i32 to index
        %get3A_262 = arith.index_cast %mul3A_166 : i32 to index
        %get3A_263 = tpu.vector_load %arg23[%get3A_261, %get3A_262] {strides = array<i32>} : memref<8x128xf32, #tpu.memory_space<vmem>>, vector<16xf32>,
        %add3A_264 = arith.addf %get3A_259, %get3A_263 : vector<16xf32>
        %swap3A_265 = arith.constant 7 : i32
        %swap3A_266 = arith.index_cast %swap3A_265 : i32 to index
        %swap3A_267 = arith.index_cast %mul3A_166 : i32 to index
        %swap3A_268 = tpu.vector_load %arg24[%swap3A_266, %swap3A_267] {strides = array<i32>} : memref<8x128xf32, #tpu.memory_space<vmem>>, vector<16xf32>,
        tpu.vector_store %arg24[%swap3A_266, %swap3A_267], %add3A_264 {strides = array<i32>} : memref<8x128xf32, #tpu.memory_space<vmem>>, vector<16xf32>,
      }
      %scan3A_86 = arith.constant 8 : i32
      %run_scoped3A_87 = arith.constant 5 : i32
      "tpu.region"() ({
        %run_scoped3A_164 = tpu.sem_alloc : memref<!tpu.dma_semaphore, #tpu.memory_space<semaphore_mem>>
        %dma_start3A_165 = arith.constant 0 : i32
        %dma_start3A_166 = tpu.memref_slice %arg11[%run_scoped3A_87, %mul3A_58, %dma_start3A_165] : memref<16x80x128xf32, #tpu.memory_space<hbm>> -> memref<1x8x128xf32, #tpu.memory_space<hbm>>
        %dma_start3A_167 = tpu.memref_squeeze %dma_start3A_166 : memref<1x8x128xf32, #tpu.memory_space<hbm>> -> memref<8x128xf32, #tpu.memory_space<hbm>>
        %dma_start3A_168 = arith.constant 0 : i32
        %dma_start3A_169 = tpu.memref_slice %arg11[%run_scoped3A_87, %mul3A_58, %dma_start3A_168] : memref<16x80x128xf32, #tpu.memory_space<hbm>> -> memref<1x8x128xf32, #tpu.memory_space<hbm>>
        %dma_start3A_170 = tpu.memref_squeeze %dma_start3A_169 : memref<1x8x128xf32, #tpu.memory_space<hbm>> -> memref<8x128xf32, #tpu.memory_space<hbm>>
        tpu.enqueue_dma source(%dma_start3A_170 : memref<8x128xf32, #tpu.memory_space<hbm>>) target(%arg23 : memref<8x128xf32, #tpu.memory_space<vmem>>) target_semaphore(%run_scoped3A_164 : memref<!tpu.dma_semaphore, #tpu.memory_space<semaphore_mem>>)
        %dma_wait3A_171 = arith.constant 0 : i32
        %dma_wait3A_172 = tpu.memref_slice %arg11[%run_scoped3A_87, %mul3A_58, %dma_wait3A_171] : memref<16x80x128xf32, #tpu.memory_space<hbm>> -> memref<1x8x128xf32, #tpu.memory_space<hbm>>
        %dma_wait3A_173 = tpu.memref_squeeze %dma_wait3A_172 : memref<1x8x128xf32, #tpu.memory_space<hbm>> -> memref<8x128xf32, #tpu.memory_space<hbm>>
        %dma_wait3A_174 = arith.constant 0 : i32
        %dma_wait3A_175 = tpu.memref_slice %arg11[%run_scoped3A_87, %mul3A_58, %dma_wait3A_174] : memref<16x80x128xf32, #tpu.memory_space<hbm>> -> memref<1x8x128xf32, #tpu.memory_space<hbm>>
        %dma_wait3A_176 = tpu.memref_squeeze %dma_wait3A_175 : memref<1x8x128xf32, #tpu.memory_space<hbm>> -> memref<8x128xf32, #tpu.memory_space<hbm>>
        tpu.wait_dma2 semaphore(%run_scoped3A_164 : memref<!tpu.dma_semaphore, #tpu.memory_space<semaphore_mem>>) src(%dma_wait3A_176 : memref<8x128xf32, #tpu.memory_space<hbm>>) dst(%arg23 : memref<8x128xf32, #tpu.memory_space<vmem>>)
        tpu.yield
      }) : () -> ()
      %scan3A_88 = arith.constant 0 : i32
      %scan3A_89 = arith.constant 0 : i32
      %scan3A_90 = arith.constant 8 : i32
      %scan3A_91 = arith.addi %scan3A_89, %scan3A_90 : i32
      %scan3A_92 = arith.constant 1 : i32
      scf.for %scan3A_164 = %scan3A_89 to %scan3A_91 step %scan3A_92  : i32 {
        %mul3A_165 = arith.constant 16 : i32
        %mul3A_166 = arith.muli %scan3A_164, %mul3A_165 : i32
        %get3A = arith.constant 0 : i32
        %get3A_167 = arith.index_cast %get3A : i32 to index
        %get3A_168 = arith.index_cast %mul3A_166 : i32 to index
        %get3A_169 = tpu.vector_load %arg24[%get3A_167, %get3A_168] {strides = array<i32>} : memref<8x128xf32, #tpu.memory_space<vmem>>, vector<16xf32>,
        %get3A_170 = arith.constant 0 : i32
        %get3A_171 = arith.index_cast %get3A_170 : i32 to index
        %get3A_172 = arith.index_cast %mul3A_166 : i32 to index
        %get3A_173 = tpu.vector_load %arg23[%get3A_171, %get3A_172] {strides = array<i32>} : memref<8x128xf32, #tpu.memory_space<vmem>>, vector<16xf32>,
        %add3A_174 = arith.addf %get3A_169, %get3A_173 : vector<16xf32>
        %swap3A = arith.constant 0 : i32
        %swap3A_175 = arith.index_cast %swap3A : i32 to index
        %swap3A_176 = arith.index_cast %mul3A_166 : i32 to index
        %swap3A_177 = tpu.vector_load %arg24[%swap3A_175, %swap3A_176] {strides = array<i32>} : memref<8x128xf32, #tpu.memory_space<vmem>>, vector<16xf32>,
        tpu.vector_store %arg24[%swap3A_175, %swap3A_176], %add3A_174 {strides = array<i32>} : memref<8x128xf32, #tpu.memory_space<vmem>>, vector<16xf32>,
        %get3A_178 = arith.constant 1 : i32
        %get3A_179 = arith.index_cast %get3A_178 : i32 to index
        %get3A_180 = arith.index_cast %mul3A_166 : i32 to index
        %get3A_181 = tpu.vector_load %arg24[%get3A_179, %get3A_180] {strides = array<i32>} : memref<8x128xf32, #tpu.memory_space<vmem>>, vector<16xf32>,
        %get3A_182 = arith.constant 1 : i32
        %get3A_183 = arith.index_cast %get3A_182 : i32 to index
        %get3A_184 = arith.index_cast %mul3A_166 : i32 to index
        %get3A_185 = tpu.vector_load %arg23[%get3A_183, %get3A_184] {strides = array<i32>} : memref<8x128xf32, #tpu.memory_space<vmem>>, vector<16xf32>,
        %add3A_186 = arith.addf %get3A_181, %get3A_185 : vector<16xf32>
        %swap3A_187 = arith.constant 1 : i32
        %swap3A_188 = arith.index_cast %swap3A_187 : i32 to index
        %swap3A_189 = arith.index_cast %mul3A_166 : i32 to index
        %swap3A_190 = tpu.vector_load %arg24[%swap3A_188, %swap3A_189] {strides = array<i32>} : memref<8x128xf32, #tpu.memory_space<vmem>>, vector<16xf32>,
        tpu.vector_store %arg24[%swap3A_188, %swap3A_189], %add3A_186 {strides = array<i32>} : memref<8x128xf32, #tpu.memory_space<vmem>>, vector<16xf32>,
        %get3A_191 = arith.constant 2 : i32
        %get3A_192 = arith.index_cast %get3A_191 : i32 to index
        %get3A_193 = arith.index_cast %mul3A_166 : i32 to index
        %get3A_194 = tpu.vector_load %arg24[%get3A_192, %get3A_193] {strides = array<i32>} : memref<8x128xf32, #tpu.memory_space<vmem>>, vector<16xf32>,
        %get3A_195 = arith.constant 2 : i32
        %get3A_196 = arith.index_cast %get3A_195 : i32 to index
        %get3A_197 = arith.index_cast %mul3A_166 : i32 to index
        %get3A_198 = tpu.vector_load %arg23[%get3A_196, %get3A_197] {strides = array<i32>} : memref<8x128xf32, #tpu.memory_space<vmem>>, vector<16xf32>,
        %add3A_199 = arith.addf %get3A_194, %get3A_198 : vector<16xf32>
        %swap3A_200 = arith.constant 2 : i32
        %swap3A_201 = arith.index_cast %swap3A_200 : i32 to index
        %swap3A_202 = arith.index_cast %mul3A_166 : i32 to index
        %swap3A_203 = tpu.vector_load %arg24[%swap3A_201, %swap3A_202] {strides = array<i32>} : memref<8x128xf32, #tpu.memory_space<vmem>>, vector<16xf32>,
        tpu.vector_store %arg24[%swap3A_201, %swap3A_202], %add3A_199 {strides = array<i32>} : memref<8x128xf32, #tpu.memory_space<vmem>>, vector<16xf32>,
        %get3A_204 = arith.constant 3 : i32
        %get3A_205 = arith.index_cast %get3A_204 : i32 to index
        %get3A_206 = arith.index_cast %mul3A_166 : i32 to index
        %get3A_207 = tpu.vector_load %arg24[%get3A_205, %get3A_206] {strides = array<i32>} : memref<8x128xf32, #tpu.memory_space<vmem>>, vector<16xf32>,
        %get3A_208 = arith.constant 3 : i32
        %get3A_209 = arith.index_cast %get3A_208 : i32 to index
        %get3A_210 = arith.index_cast %mul3A_166 : i32 to index
        %get3A_211 = tpu.vector_load %arg23[%get3A_209, %get3A_210] {strides = array<i32>} : memref<8x128xf32, #tpu.memory_space<vmem>>, vector<16xf32>,
        %add3A_212 = arith.addf %get3A_207, %get3A_211 : vector<16xf32>
        %swap3A_213 = arith.constant 3 : i32
        %swap3A_214 = arith.index_cast %swap3A_213 : i32 to index
        %swap3A_215 = arith.index_cast %mul3A_166 : i32 to index
        %swap3A_216 = tpu.vector_load %arg24[%swap3A_214, %swap3A_215] {strides = array<i32>} : memref<8x128xf32, #tpu.memory_space<vmem>>, vector<16xf32>,
        tpu.vector_store %arg24[%swap3A_214, %swap3A_215], %add3A_212 {strides = array<i32>} : memref<8x128xf32, #tpu.memory_space<vmem>>, vector<16xf32>,
        %get3A_217 = arith.constant 4 : i32
        %get3A_218 = arith.index_cast %get3A_217 : i32 to index
        %get3A_219 = arith.index_cast %mul3A_166 : i32 to index
        %get3A_220 = tpu.vector_load %arg24[%get3A_218, %get3A_219] {strides = array<i32>} : memref<8x128xf32, #tpu.memory_space<vmem>>, vector<16xf32>,
        %get3A_221 = arith.constant 4 : i32
        %get3A_222 = arith.index_cast %get3A_221 : i32 to index
        %get3A_223 = arith.index_cast %mul3A_166 : i32 to index
        %get3A_224 = tpu.vector_load %arg23[%get3A_222, %get3A_223] {strides = array<i32>} : memref<8x128xf32, #tpu.memory_space<vmem>>, vector<16xf32>,
        %add3A_225 = arith.addf %get3A_220, %get3A_224 : vector<16xf32>
        %swap3A_226 = arith.constant 4 : i32
        %swap3A_227 = arith.index_cast %swap3A_226 : i32 to index
        %swap3A_228 = arith.index_cast %mul3A_166 : i32 to index
        %swap3A_229 = tpu.vector_load %arg24[%swap3A_227, %swap3A_228] {strides = array<i32>} : memref<8x128xf32, #tpu.memory_space<vmem>>, vector<16xf32>,
        tpu.vector_store %arg24[%swap3A_227, %swap3A_228], %add3A_225 {strides = array<i32>} : memref<8x128xf32, #tpu.memory_space<vmem>>, vector<16xf32>,
        %get3A_230 = arith.constant 5 : i32
        %get3A_231 = arith.index_cast %get3A_230 : i32 to index
        %get3A_232 = arith.index_cast %mul3A_166 : i32 to index
        %get3A_233 = tpu.vector_load %arg24[%get3A_231, %get3A_232] {strides = array<i32>} : memref<8x128xf32, #tpu.memory_space<vmem>>, vector<16xf32>,
        %get3A_234 = arith.constant 5 : i32
        %get3A_235 = arith.index_cast %get3A_234 : i32 to index
        %get3A_236 = arith.index_cast %mul3A_166 : i32 to index
        %get3A_237 = tpu.vector_load %arg23[%get3A_235, %get3A_236] {strides = array<i32>} : memref<8x128xf32, #tpu.memory_space<vmem>>, vector<16xf32>,
        %add3A_238 = arith.addf %get3A_233, %get3A_237 : vector<16xf32>
        %swap3A_239 = arith.constant 5 : i32
        %swap3A_240 = arith.index_cast %swap3A_239 : i32 to index
        %swap3A_241 = arith.index_cast %mul3A_166 : i32 to index
        %swap3A_242 = tpu.vector_load %arg24[%swap3A_240, %swap3A_241] {strides = array<i32>} : memref<8x128xf32, #tpu.memory_space<vmem>>, vector<16xf32>,
        tpu.vector_store %arg24[%swap3A_240, %swap3A_241], %add3A_238 {strides = array<i32>} : memref<8x128xf32, #tpu.memory_space<vmem>>, vector<16xf32>,
        %get3A_243 = arith.constant 6 : i32
        %get3A_244 = arith.index_cast %get3A_243 : i32 to index
        %get3A_245 = arith.index_cast %mul3A_166 : i32 to index
        %get3A_246 = tpu.vector_load %arg24[%get3A_244, %get3A_245] {strides = array<i32>} : memref<8x128xf32, #tpu.memory_space<vmem>>, vector<16xf32>,
        %get3A_247 = arith.constant 6 : i32
        %get3A_248 = arith.index_cast %get3A_247 : i32 to index
        %get3A_249 = arith.index_cast %mul3A_166 : i32 to index
        %get3A_250 = tpu.vector_load %arg23[%get3A_248, %get3A_249] {strides = array<i32>} : memref<8x128xf32, #tpu.memory_space<vmem>>, vector<16xf32>,
        %add3A_251 = arith.addf %get3A_246, %get3A_250 : vector<16xf32>
        %swap3A_252 = arith.constant 6 : i32
        %swap3A_253 = arith.index_cast %swap3A_252 : i32 to index
        %swap3A_254 = arith.index_cast %mul3A_166 : i32 to index
        %swap3A_255 = tpu.vector_load %arg24[%swap3A_253, %swap3A_254] {strides = array<i32>} : memref<8x128xf32, #tpu.memory_space<vmem>>, vector<16xf32>,
        tpu.vector_store %arg24[%swap3A_253, %swap3A_254], %add3A_251 {strides = array<i32>} : memref<8x128xf32, #tpu.memory_space<vmem>>, vector<16xf32>,
        %get3A_256 = arith.constant 7 : i32
        %get3A_257 = arith.index_cast %get3A_256 : i32 to index
        %get3A_258 = arith.index_cast %mul3A_166 : i32 to index
        %get3A_259 = tpu.vector_load %arg24[%get3A_257, %get3A_258] {strides = array<i32>} : memref<8x128xf32, #tpu.memory_space<vmem>>, vector<16xf32>,
        %get3A_260 = arith.constant 7 : i32
        %get3A_261 = arith.index_cast %get3A_260 : i32 to index
        %get3A_262 = arith.index_cast %mul3A_166 : i32 to index
        %get3A_263 = tpu.vector_load %arg23[%get3A_261, %get3A_262] {strides = array<i32>} : memref<8x128xf32, #tpu.memory_space<vmem>>, vector<16xf32>,
        %add3A_264 = arith.addf %get3A_259, %get3A_263 : vector<16xf32>
        %swap3A_265 = arith.constant 7 : i32
        %swap3A_266 = arith.index_cast %swap3A_265 : i32 to index
        %swap3A_267 = arith.index_cast %mul3A_166 : i32 to index
        %swap3A_268 = tpu.vector_load %arg24[%swap3A_266, %swap3A_267] {strides = array<i32>} : memref<8x128xf32, #tpu.memory_space<vmem>>, vector<16xf32>,
        tpu.vector_store %arg24[%swap3A_266, %swap3A_267], %add3A_264 {strides = array<i32>} : memref<8x128xf32, #tpu.memory_space<vmem>>, vector<16xf32>,
      }
      %scan3A_93 = arith.constant 8 : i32
      %run_scoped3A_94 = arith.constant 6 : i32
      "tpu.region"() ({
        %run_scoped3A_164 = tpu.sem_alloc : memref<!tpu.dma_semaphore, #tpu.memory_space<semaphore_mem>>
        %dma_start3A_165 = arith.constant 0 : i32
        %dma_start3A_166 = tpu.memref_slice %arg11[%run_scoped3A_94, %mul3A_58, %dma_start3A_165] : memref<16x80x128xf32, #tpu.memory_space<hbm>> -> memref<1x8x128xf32, #tpu.memory_space<hbm>>
        %dma_start3A_167 = tpu.memref_squeeze %dma_start3A_166 : memref<1x8x128xf32, #tpu.memory_space<hbm>> -> memref<8x128xf32, #tpu.memory_space<hbm>>
        %dma_start3A_168 = arith.constant 0 : i32
        %dma_start3A_169 = tpu.memref_slice %arg11[%run_scoped3A_94, %mul3A_58, %dma_start3A_168] : memref<16x80x128xf32, #tpu.memory_space<hbm>> -> memref<1x8x128xf32, #tpu.memory_space<hbm>>
        %dma_start3A_170 = tpu.memref_squeeze %dma_start3A_169 : memref<1x8x128xf32, #tpu.memory_space<hbm>> -> memref<8x128xf32, #tpu.memory_space<hbm>>
        tpu.enqueue_dma source(%dma_start3A_170 : memref<8x128xf32, #tpu.memory_space<hbm>>) target(%arg23 : memref<8x128xf32, #tpu.memory_space<vmem>>) target_semaphore(%run_scoped3A_164 : memref<!tpu.dma_semaphore, #tpu.memory_space<semaphore_mem>>)
        %dma_wait3A_171 = arith.constant 0 : i32
        %dma_wait3A_172 = tpu.memref_slice %arg11[%run_scoped3A_94, %mul3A_58, %dma_wait3A_171] : memref<16x80x128xf32, #tpu.memory_space<hbm>> -> memref<1x8x128xf32, #tpu.memory_space<hbm>>
        %dma_wait3A_173 = tpu.memref_squeeze %dma_wait3A_172 : memref<1x8x128xf32, #tpu.memory_space<hbm>> -> memref<8x128xf32, #tpu.memory_space<hbm>>
        %dma_wait3A_174 = arith.constant 0 : i32
        %dma_wait3A_175 = tpu.memref_slice %arg11[%run_scoped3A_94, %mul3A_58, %dma_wait3A_174] : memref<16x80x128xf32, #tpu.memory_space<hbm>> -> memref<1x8x128xf32, #tpu.memory_space<hbm>>
        %dma_wait3A_176 = tpu.memref_squeeze %dma_wait3A_175 : memref<1x8x128xf32, #tpu.memory_space<hbm>> -> memref<8x128xf32, #tpu.memory_space<hbm>>
        tpu.wait_dma2 semaphore(%run_scoped3A_164 : memref<!tpu.dma_semaphore, #tpu.memory_space<semaphore_mem>>) src(%dma_wait3A_176 : memref<8x128xf32, #tpu.memory_space<hbm>>) dst(%arg23 : memref<8x128xf32, #tpu.memory_space<vmem>>)
        tpu.yield
      }) : () -> ()
      %scan3A_95 = arith.constant 0 : i32
      %scan3A_96 = arith.constant 0 : i32
      %scan3A_97 = arith.constant 8 : i32
      %scan3A_98 = arith.addi %scan3A_96, %scan3A_97 : i32
      %scan3A_99 = arith.constant 1 : i32
      scf.for %scan3A_164 = %scan3A_96 to %scan3A_98 step %scan3A_99  : i32 {
        %mul3A_165 = arith.constant 16 : i32
        %mul3A_166 = arith.muli %scan3A_164, %mul3A_165 : i32
        %get3A = arith.constant 0 : i32
        %get3A_167 = arith.index_cast %get3A : i32 to index
        %get3A_168 = arith.index_cast %mul3A_166 : i32 to index
        %get3A_169 = tpu.vector_load %arg24[%get3A_167, %get3A_168] {strides = array<i32>} : memref<8x128xf32, #tpu.memory_space<vmem>>, vector<16xf32>,
        %get3A_170 = arith.constant 0 : i32
        %get3A_171 = arith.index_cast %get3A_170 : i32 to index
        %get3A_172 = arith.index_cast %mul3A_166 : i32 to index
        %get3A_173 = tpu.vector_load %arg23[%get3A_171, %get3A_172] {strides = array<i32>} : memref<8x128xf32, #tpu.memory_space<vmem>>, vector<16xf32>,
        %add3A_174 = arith.addf %get3A_169, %get3A_173 : vector<16xf32>
        %swap3A = arith.constant 0 : i32
        %swap3A_175 = arith.index_cast %swap3A : i32 to index
        %swap3A_176 = arith.index_cast %mul3A_166 : i32 to index
        %swap3A_177 = tpu.vector_load %arg24[%swap3A_175, %swap3A_176] {strides = array<i32>} : memref<8x128xf32, #tpu.memory_space<vmem>>, vector<16xf32>,
        tpu.vector_store %arg24[%swap3A_175, %swap3A_176], %add3A_174 {strides = array<i32>} : memref<8x128xf32, #tpu.memory_space<vmem>>, vector<16xf32>,
        %get3A_178 = arith.constant 1 : i32
        %get3A_179 = arith.index_cast %get3A_178 : i32 to index
        %get3A_180 = arith.index_cast %mul3A_166 : i32 to index
        %get3A_181 = tpu.vector_load %arg24[%get3A_179, %get3A_180] {strides = array<i32>} : memref<8x128xf32, #tpu.memory_space<vmem>>, vector<16xf32>,
        %get3A_182 = arith.constant 1 : i32
        %get3A_183 = arith.index_cast %get3A_182 : i32 to index
        %get3A_184 = arith.index_cast %mul3A_166 : i32 to index
        %get3A_185 = tpu.vector_load %arg23[%get3A_183, %get3A_184] {strides = array<i32>} : memref<8x128xf32, #tpu.memory_space<vmem>>, vector<16xf32>,
        %add3A_186 = arith.addf %get3A_181, %get3A_185 : vector<16xf32>
        %swap3A_187 = arith.constant 1 : i32
        %swap3A_188 = arith.index_cast %swap3A_187 : i32 to index
        %swap3A_189 = arith.index_cast %mul3A_166 : i32 to index
        %swap3A_190 = tpu.vector_load %arg24[%swap3A_188, %swap3A_189] {strides = array<i32>} : memref<8x128xf32, #tpu.memory_space<vmem>>, vector<16xf32>,
        tpu.vector_store %arg24[%swap3A_188, %swap3A_189], %add3A_186 {strides = array<i32>} : memref<8x128xf32, #tpu.memory_space<vmem>>, vector<16xf32>,
        %get3A_191 = arith.constant 2 : i32
        %get3A_192 = arith.index_cast %get3A_191 : i32 to index
        %get3A_193 = arith.index_cast %mul3A_166 : i32 to index
        %get3A_194 = tpu.vector_load %arg24[%get3A_192, %get3A_193] {strides = array<i32>} : memref<8x128xf32, #tpu.memory_space<vmem>>, vector<16xf32>,
        %get3A_195 = arith.constant 2 : i32
        %get3A_196 = arith.index_cast %get3A_195 : i32 to index
        %get3A_197 = arith.index_cast %mul3A_166 : i32 to index
        %get3A_198 = tpu.vector_load %arg23[%get3A_196, %get3A_197] {strides = array<i32>} : memref<8x128xf32, #tpu.memory_space<vmem>>, vector<16xf32>,
        %add3A_199 = arith.addf %get3A_194, %get3A_198 : vector<16xf32>
        %swap3A_200 = arith.constant 2 : i32
        %swap3A_201 = arith.index_cast %swap3A_200 : i32 to index
        %swap3A_202 = arith.index_cast %mul3A_166 : i32 to index
        %swap3A_203 = tpu.vector_load %arg24[%swap3A_201, %swap3A_202] {strides = array<i32>} : memref<8x128xf32, #tpu.memory_space<vmem>>, vector<16xf32>,
        tpu.vector_store %arg24[%swap3A_201, %swap3A_202], %add3A_199 {strides = array<i32>} : memref<8x128xf32, #tpu.memory_space<vmem>>, vector<16xf32>,
        %get3A_204 = arith.constant 3 : i32
        %get3A_205 = arith.index_cast %get3A_204 : i32 to index
        %get3A_206 = arith.index_cast %mul3A_166 : i32 to index
        %get3A_207 = tpu.vector_load %arg24[%get3A_205, %get3A_206] {strides = array<i32>} : memref<8x128xf32, #tpu.memory_space<vmem>>, vector<16xf32>,
        %get3A_208 = arith.constant 3 : i32
        %get3A_209 = arith.index_cast %get3A_208 : i32 to index
        %get3A_210 = arith.index_cast %mul3A_166 : i32 to index
        %get3A_211 = tpu.vector_load %arg23[%get3A_209, %get3A_210] {strides = array<i32>} : memref<8x128xf32, #tpu.memory_space<vmem>>, vector<16xf32>,
        %add3A_212 = arith.addf %get3A_207, %get3A_211 : vector<16xf32>
        %swap3A_213 = arith.constant 3 : i32
        %swap3A_214 = arith.index_cast %swap3A_213 : i32 to index
        %swap3A_215 = arith.index_cast %mul3A_166 : i32 to index
        %swap3A_216 = tpu.vector_load %arg24[%swap3A_214, %swap3A_215] {strides = array<i32>} : memref<8x128xf32, #tpu.memory_space<vmem>>, vector<16xf32>,
        tpu.vector_store %arg24[%swap3A_214, %swap3A_215], %add3A_212 {strides = array<i32>} : memref<8x128xf32, #tpu.memory_space<vmem>>, vector<16xf32>,
        %get3A_217 = arith.constant 4 : i32
        %get3A_218 = arith.index_cast %get3A_217 : i32 to index
        %get3A_219 = arith.index_cast %mul3A_166 : i32 to index
        %get3A_220 = tpu.vector_load %arg24[%get3A_218, %get3A_219] {strides = array<i32>} : memref<8x128xf32, #tpu.memory_space<vmem>>, vector<16xf32>,
        %get3A_221 = arith.constant 4 : i32
        %get3A_222 = arith.index_cast %get3A_221 : i32 to index
        %get3A_223 = arith.index_cast %mul3A_166 : i32 to index
        %get3A_224 = tpu.vector_load %arg23[%get3A_222, %get3A_223] {strides = array<i32>} : memref<8x128xf32, #tpu.memory_space<vmem>>, vector<16xf32>,
        %add3A_225 = arith.addf %get3A_220, %get3A_224 : vector<16xf32>
        %swap3A_226 = arith.constant 4 : i32
        %swap3A_227 = arith.index_cast %swap3A_226 : i32 to index
        %swap3A_228 = arith.index_cast %mul3A_166 : i32 to index
        %swap3A_229 = tpu.vector_load %arg24[%swap3A_227, %swap3A_228] {strides = array<i32>} : memref<8x128xf32, #tpu.memory_space<vmem>>, vector<16xf32>,
        tpu.vector_store %arg24[%swap3A_227, %swap3A_228], %add3A_225 {strides = array<i32>} : memref<8x128xf32, #tpu.memory_space<vmem>>, vector<16xf32>,
        %get3A_230 = arith.constant 5 : i32
        %get3A_231 = arith.index_cast %get3A_230 : i32 to index
        %get3A_232 = arith.index_cast %mul3A_166 : i32 to index
        %get3A_233 = tpu.vector_load %arg24[%get3A_231, %get3A_232] {strides = array<i32>} : memref<8x128xf32, #tpu.memory_space<vmem>>, vector<16xf32>,
        %get3A_234 = arith.constant 5 : i32
        %get3A_235 = arith.index_cast %get3A_234 : i32 to index
        %get3A_236 = arith.index_cast %mul3A_166 : i32 to index
        %get3A_237 = tpu.vector_load %arg23[%get3A_235, %get3A_236] {strides = array<i32>} : memref<8x128xf32, #tpu.memory_space<vmem>>, vector<16xf32>,
        %add3A_238 = arith.addf %get3A_233, %get3A_237 : vector<16xf32>
        %swap3A_239 = arith.constant 5 : i32
        %swap3A_240 = arith.index_cast %swap3A_239 : i32 to index
        %swap3A_241 = arith.index_cast %mul3A_166 : i32 to index
        %swap3A_242 = tpu.vector_load %arg24[%swap3A_240, %swap3A_241] {strides = array<i32>} : memref<8x128xf32, #tpu.memory_space<vmem>>, vector<16xf32>,
        tpu.vector_store %arg24[%swap3A_240, %swap3A_241], %add3A_238 {strides = array<i32>} : memref<8x128xf32, #tpu.memory_space<vmem>>, vector<16xf32>,
        %get3A_243 = arith.constant 6 : i32
        %get3A_244 = arith.index_cast %get3A_243 : i32 to index
        %get3A_245 = arith.index_cast %mul3A_166 : i32 to index
        %get3A_246 = tpu.vector_load %arg24[%get3A_244, %get3A_245] {strides = array<i32>} : memref<8x128xf32, #tpu.memory_space<vmem>>, vector<16xf32>,
        %get3A_247 = arith.constant 6 : i32
        %get3A_248 = arith.index_cast %get3A_247 : i32 to index
        %get3A_249 = arith.index_cast %mul3A_166 : i32 to index
        %get3A_250 = tpu.vector_load %arg23[%get3A_248, %get3A_249] {strides = array<i32>} : memref<8x128xf32, #tpu.memory_space<vmem>>, vector<16xf32>,
        %add3A_251 = arith.addf %get3A_246, %get3A_250 : vector<16xf32>
        %swap3A_252 = arith.constant 6 : i32
        %swap3A_253 = arith.index_cast %swap3A_252 : i32 to index
        %swap3A_254 = arith.index_cast %mul3A_166 : i32 to index
        %swap3A_255 = tpu.vector_load %arg24[%swap3A_253, %swap3A_254] {strides = array<i32>} : memref<8x128xf32, #tpu.memory_space<vmem>>, vector<16xf32>,
        tpu.vector_store %arg24[%swap3A_253, %swap3A_254], %add3A_251 {strides = array<i32>} : memref<8x128xf32, #tpu.memory_space<vmem>>, vector<16xf32>,
        %get3A_256 = arith.constant 7 : i32
        %get3A_257 = arith.index_cast %get3A_256 : i32 to index
        %get3A_258 = arith.index_cast %mul3A_166 : i32 to index
        %get3A_259 = tpu.vector_load %arg24[%get3A_257, %get3A_258] {strides = array<i32>} : memref<8x128xf32, #tpu.memory_space<vmem>>, vector<16xf32>,
        %get3A_260 = arith.constant 7 : i32
        %get3A_261 = arith.index_cast %get3A_260 : i32 to index
        %get3A_262 = arith.index_cast %mul3A_166 : i32 to index
        %get3A_263 = tpu.vector_load %arg23[%get3A_261, %get3A_262] {strides = array<i32>} : memref<8x128xf32, #tpu.memory_space<vmem>>, vector<16xf32>,
        %add3A_264 = arith.addf %get3A_259, %get3A_263 : vector<16xf32>
        %swap3A_265 = arith.constant 7 : i32
        %swap3A_266 = arith.index_cast %swap3A_265 : i32 to index
        %swap3A_267 = arith.index_cast %mul3A_166 : i32 to index
        %swap3A_268 = tpu.vector_load %arg24[%swap3A_266, %swap3A_267] {strides = array<i32>} : memref<8x128xf32, #tpu.memory_space<vmem>>, vector<16xf32>,
        tpu.vector_store %arg24[%swap3A_266, %swap3A_267], %add3A_264 {strides = array<i32>} : memref<8x128xf32, #tpu.memory_space<vmem>>, vector<16xf32>,
      }
      %scan3A_100 = arith.constant 8 : i32
      %run_scoped3A_101 = arith.constant 7 : i32
      "tpu.region"() ({
        %run_scoped3A_164 = tpu.sem_alloc : memref<!tpu.dma_semaphore, #tpu.memory_space<semaphore_mem>>
        %dma_start3A_165 = arith.constant 0 : i32
        %dma_start3A_166 = tpu.memref_slice %arg11[%run_scoped3A_101, %mul3A_58, %dma_start3A_165] : memref<16x80x128xf32, #tpu.memory_space<hbm>> -> memref<1x8x128xf32, #tpu.memory_space<hbm>>
        %dma_start3A_167 = tpu.memref_squeeze %dma_start3A_166 : memref<1x8x128xf32, #tpu.memory_space<hbm>> -> memref<8x128xf32, #tpu.memory_space<hbm>>
        %dma_start3A_168 = arith.constant 0 : i32
        %dma_start3A_169 = tpu.memref_slice %arg11[%run_scoped3A_101, %mul3A_58, %dma_start3A_168] : memref<16x80x128xf32, #tpu.memory_space<hbm>> -> memref<1x8x128xf32, #tpu.memory_space<hbm>>
        %dma_start3A_170 = tpu.memref_squeeze %dma_start3A_169 : memref<1x8x128xf32, #tpu.memory_space<hbm>> -> memref<8x128xf32, #tpu.memory_space<hbm>>
        tpu.enqueue_dma source(%dma_start3A_170 : memref<8x128xf32, #tpu.memory_space<hbm>>) target(%arg23 : memref<8x128xf32, #tpu.memory_space<vmem>>) target_semaphore(%run_scoped3A_164 : memref<!tpu.dma_semaphore, #tpu.memory_space<semaphore_mem>>)
        %dma_wait3A_171 = arith.constant 0 : i32
        %dma_wait3A_172 = tpu.memref_slice %arg11[%run_scoped3A_101, %mul3A_58, %dma_wait3A_171] : memref<16x80x128xf32, #tpu.memory_space<hbm>> -> memref<1x8x128xf32, #tpu.memory_space<hbm>>
        %dma_wait3A_173 = tpu.memref_squeeze %dma_wait3A_172 : memref<1x8x128xf32, #tpu.memory_space<hbm>> -> memref<8x128xf32, #tpu.memory_space<hbm>>
        %dma_wait3A_174 = arith.constant 0 : i32
        %dma_wait3A_175 = tpu.memref_slice %arg11[%run_scoped3A_101, %mul3A_58, %dma_wait3A_174] : memref<16x80x128xf32, #tpu.memory_space<hbm>> -> memref<1x8x128xf32, #tpu.memory_space<hbm>>
        %dma_wait3A_176 = tpu.memref_squeeze %dma_wait3A_175 : memref<1x8x128xf32, #tpu.memory_space<hbm>> -> memref<8x128xf32, #tpu.memory_space<hbm>>
        tpu.wait_dma2 semaphore(%run_scoped3A_164 : memref<!tpu.dma_semaphore, #tpu.memory_space<semaphore_mem>>) src(%dma_wait3A_176 : memref<8x128xf32, #tpu.memory_space<hbm>>) dst(%arg23 : memref<8x128xf32, #tpu.memory_space<vmem>>)
        tpu.yield
      }) : () -> ()
      %scan3A_102 = arith.constant 0 : i32
      %scan3A_103 = arith.constant 0 : i32
      %scan3A_104 = arith.constant 8 : i32
      %scan3A_105 = arith.addi %scan3A_103, %scan3A_104 : i32
      %scan3A_106 = arith.constant 1 : i32
      scf.for %scan3A_164 = %scan3A_103 to %scan3A_105 step %scan3A_106  : i32 {
        %mul3A_165 = arith.constant 16 : i32
        %mul3A_166 = arith.muli %scan3A_164, %mul3A_165 : i32
        %get3A = arith.constant 0 : i32
        %get3A_167 = arith.index_cast %get3A : i32 to index
        %get3A_168 = arith.index_cast %mul3A_166 : i32 to index
        %get3A_169 = tpu.vector_load %arg24[%get3A_167, %get3A_168] {strides = array<i32>} : memref<8x128xf32, #tpu.memory_space<vmem>>, vector<16xf32>,
        %get3A_170 = arith.constant 0 : i32
        %get3A_171 = arith.index_cast %get3A_170 : i32 to index
        %get3A_172 = arith.index_cast %mul3A_166 : i32 to index
        %get3A_173 = tpu.vector_load %arg23[%get3A_171, %get3A_172] {strides = array<i32>} : memref<8x128xf32, #tpu.memory_space<vmem>>, vector<16xf32>,
        %add3A_174 = arith.addf %get3A_169, %get3A_173 : vector<16xf32>
        %swap3A = arith.constant 0 : i32
        %swap3A_175 = arith.index_cast %swap3A : i32 to index
        %swap3A_176 = arith.index_cast %mul3A_166 : i32 to index
        %swap3A_177 = tpu.vector_load %arg24[%swap3A_175, %swap3A_176] {strides = array<i32>} : memref<8x128xf32, #tpu.memory_space<vmem>>, vector<16xf32>,
        tpu.vector_store %arg24[%swap3A_175, %swap3A_176], %add3A_174 {strides = array<i32>} : memref<8x128xf32, #tpu.memory_space<vmem>>, vector<16xf32>,
        %get3A_178 = arith.constant 1 : i32
        %get3A_179 = arith.index_cast %get3A_178 : i32 to index
        %get3A_180 = arith.index_cast %mul3A_166 : i32 to index
        %get3A_181 = tpu.vector_load %arg24[%get3A_179, %get3A_180] {strides = array<i32>} : memref<8x128xf32, #tpu.memory_space<vmem>>, vector<16xf32>,
        %get3A_182 = arith.constant 1 : i32
        %get3A_183 = arith.index_cast %get3A_182 : i32 to index
        %get3A_184 = arith.index_cast %mul3A_166 : i32 to index
        %get3A_185 = tpu.vector_load %arg23[%get3A_183, %get3A_184] {strides = array<i32>} : memref<8x128xf32, #tpu.memory_space<vmem>>, vector<16xf32>,
        %add3A_186 = arith.addf %get3A_181, %get3A_185 : vector<16xf32>
        %swap3A_187 = arith.constant 1 : i32
        %swap3A_188 = arith.index_cast %swap3A_187 : i32 to index
        %swap3A_189 = arith.index_cast %mul3A_166 : i32 to index
        %swap3A_190 = tpu.vector_load %arg24[%swap3A_188, %swap3A_189] {strides = array<i32>} : memref<8x128xf32, #tpu.memory_space<vmem>>, vector<16xf32>,
        tpu.vector_store %arg24[%swap3A_188, %swap3A_189], %add3A_186 {strides = array<i32>} : memref<8x128xf32, #tpu.memory_space<vmem>>, vector<16xf32>,
        %get3A_191 = arith.constant 2 : i32
        %get3A_192 = arith.index_cast %get3A_191 : i32 to index
        %get3A_193 = arith.index_cast %mul3A_166 : i32 to index
        %get3A_194 = tpu.vector_load %arg24[%get3A_192, %get3A_193] {strides = array<i32>} : memref<8x128xf32, #tpu.memory_space<vmem>>, vector<16xf32>,
        %get3A_195 = arith.constant 2 : i32
        %get3A_196 = arith.index_cast %get3A_195 : i32 to index
        %get3A_197 = arith.index_cast %mul3A_166 : i32 to index
        %get3A_198 = tpu.vector_load %arg23[%get3A_196, %get3A_197] {strides = array<i32>} : memref<8x128xf32, #tpu.memory_space<vmem>>, vector<16xf32>,
        %add3A_199 = arith.addf %get3A_194, %get3A_198 : vector<16xf32>
        %swap3A_200 = arith.constant 2 : i32
        %swap3A_201 = arith.index_cast %swap3A_200 : i32 to index
        %swap3A_202 = arith.index_cast %mul3A_166 : i32 to index
        %swap3A_203 = tpu.vector_load %arg24[%swap3A_201, %swap3A_202] {strides = array<i32>} : memref<8x128xf32, #tpu.memory_space<vmem>>, vector<16xf32>,
        tpu.vector_store %arg24[%swap3A_201, %swap3A_202], %add3A_199 {strides = array<i32>} : memref<8x128xf32, #tpu.memory_space<vmem>>, vector<16xf32>,
        %get3A_204 = arith.constant 3 : i32
        %get3A_205 = arith.index_cast %get3A_204 : i32 to index
        %get3A_206 = arith.index_cast %mul3A_166 : i32 to index
        %get3A_207 = tpu.vector_load %arg24[%get3A_205, %get3A_206] {strides = array<i32>} : memref<8x128xf32, #tpu.memory_space<vmem>>, vector<16xf32>,
        %get3A_208 = arith.constant 3 : i32
        %get3A_209 = arith.index_cast %get3A_208 : i32 to index
        %get3A_210 = arith.index_cast %mul3A_166 : i32 to index
        %get3A_211 = tpu.vector_load %arg23[%get3A_209, %get3A_210] {strides = array<i32>} : memref<8x128xf32, #tpu.memory_space<vmem>>, vector<16xf32>,
        %add3A_212 = arith.addf %get3A_207, %get3A_211 : vector<16xf32>
        %swap3A_213 = arith.constant 3 : i32
        %swap3A_214 = arith.index_cast %swap3A_213 : i32 to index
        %swap3A_215 = arith.index_cast %mul3A_166 : i32 to index
        %swap3A_216 = tpu.vector_load %arg24[%swap3A_214, %swap3A_215] {strides = array<i32>} : memref<8x128xf32, #tpu.memory_space<vmem>>, vector<16xf32>,
        tpu.vector_store %arg24[%swap3A_214, %swap3A_215], %add3A_212 {strides = array<i32>} : memref<8x128xf32, #tpu.memory_space<vmem>>, vector<16xf32>,
        %get3A_217 = arith.constant 4 : i32
        %get3A_218 = arith.index_cast %get3A_217 : i32 to index
        %get3A_219 = arith.index_cast %mul3A_166 : i32 to index
        %get3A_220 = tpu.vector_load %arg24[%get3A_218, %get3A_219] {strides = array<i32>} : memref<8x128xf32, #tpu.memory_space<vmem>>, vector<16xf32>,
        %get3A_221 = arith.constant 4 : i32
        %get3A_222 = arith.index_cast %get3A_221 : i32 to index
        %get3A_223 = arith.index_cast %mul3A_166 : i32 to index
        %get3A_224 = tpu.vector_load %arg23[%get3A_222, %get3A_223] {strides = array<i32>} : memref<8x128xf32, #tpu.memory_space<vmem>>, vector<16xf32>,
        %add3A_225 = arith.addf %get3A_220, %get3A_224 : vector<16xf32>
        %swap3A_226 = arith.constant 4 : i32
        %swap3A_227 = arith.index_cast %swap3A_226 : i32 to index
        %swap3A_228 = arith.index_cast %mul3A_166 : i32 to index
        %swap3A_229 = tpu.vector_load %arg24[%swap3A_227, %swap3A_228] {strides = array<i32>} : memref<8x128xf32, #tpu.memory_space<vmem>>, vector<16xf32>,
        tpu.vector_store %arg24[%swap3A_227, %swap3A_228], %add3A_225 {strides = array<i32>} : memref<8x128xf32, #tpu.memory_space<vmem>>, vector<16xf32>,
        %get3A_230 = arith.constant 5 : i32
        %get3A_231 = arith.index_cast %get3A_230 : i32 to index
        %get3A_232 = arith.index_cast %mul3A_166 : i32 to index
        %get3A_233 = tpu.vector_load %arg24[%get3A_231, %get3A_232] {strides = array<i32>} : memref<8x128xf32, #tpu.memory_space<vmem>>, vector<16xf32>,
        %get3A_234 = arith.constant 5 : i32
        %get3A_235 = arith.index_cast %get3A_234 : i32 to index
        %get3A_236 = arith.index_cast %mul3A_166 : i32 to index
        %get3A_237 = tpu.vector_load %arg23[%get3A_235, %get3A_236] {strides = array<i32>} : memref<8x128xf32, #tpu.memory_space<vmem>>, vector<16xf32>,
        %add3A_238 = arith.addf %get3A_233, %get3A_237 : vector<16xf32>
        %swap3A_239 = arith.constant 5 : i32
        %swap3A_240 = arith.index_cast %swap3A_239 : i32 to index
        %swap3A_241 = arith.index_cast %mul3A_166 : i32 to index
        %swap3A_242 = tpu.vector_load %arg24[%swap3A_240, %swap3A_241] {strides = array<i32>} : memref<8x128xf32, #tpu.memory_space<vmem>>, vector<16xf32>,
        tpu.vector_store %arg24[%swap3A_240, %swap3A_241], %add3A_238 {strides = array<i32>} : memref<8x128xf32, #tpu.memory_space<vmem>>, vector<16xf32>,
        %get3A_243 = arith.constant 6 : i32
        %get3A_244 = arith.index_cast %get3A_243 : i32 to index
        %get3A_245 = arith.index_cast %mul3A_166 : i32 to index
        %get3A_246 = tpu.vector_load %arg24[%get3A_244, %get3A_245] {strides = array<i32>} : memref<8x128xf32, #tpu.memory_space<vmem>>, vector<16xf32>,
        %get3A_247 = arith.constant 6 : i32
        %get3A_248 = arith.index_cast %get3A_247 : i32 to index
        %get3A_249 = arith.index_cast %mul3A_166 : i32 to index
        %get3A_250 = tpu.vector_load %arg23[%get3A_248, %get3A_249] {strides = array<i32>} : memref<8x128xf32, #tpu.memory_space<vmem>>, vector<16xf32>,
        %add3A_251 = arith.addf %get3A_246, %get3A_250 : vector<16xf32>
        %swap3A_252 = arith.constant 6 : i32
        %swap3A_253 = arith.index_cast %swap3A_252 : i32 to index
        %swap3A_254 = arith.index_cast %mul3A_166 : i32 to index
        %swap3A_255 = tpu.vector_load %arg24[%swap3A_253, %swap3A_254] {strides = array<i32>} : memref<8x128xf32, #tpu.memory_space<vmem>>, vector<16xf32>,
        tpu.vector_store %arg24[%swap3A_253, %swap3A_254], %add3A_251 {strides = array<i32>} : memref<8x128xf32, #tpu.memory_space<vmem>>, vector<16xf32>,
        %get3A_256 = arith.constant 7 : i32
        %get3A_257 = arith.index_cast %get3A_256 : i32 to index
        %get3A_258 = arith.index_cast %mul3A_166 : i32 to index
        %get3A_259 = tpu.vector_load %arg24[%get3A_257, %get3A_258] {strides = array<i32>} : memref<8x128xf32, #tpu.memory_space<vmem>>, vector<16xf32>,
        %get3A_260 = arith.constant 7 : i32
        %get3A_261 = arith.index_cast %get3A_260 : i32 to index
        %get3A_262 = arith.index_cast %mul3A_166 : i32 to index
        %get3A_263 = tpu.vector_load %arg23[%get3A_261, %get3A_262] {strides = array<i32>} : memref<8x128xf32, #tpu.memory_space<vmem>>, vector<16xf32>,
        %add3A_264 = arith.addf %get3A_259, %get3A_263 : vector<16xf32>
        %swap3A_265 = arith.constant 7 : i32
        %swap3A_266 = arith.index_cast %swap3A_265 : i32 to index
        %swap3A_267 = arith.index_cast %mul3A_166 : i32 to index
        %swap3A_268 = tpu.vector_load %arg24[%swap3A_266, %swap3A_267] {strides = array<i32>} : memref<8x128xf32, #tpu.memory_space<vmem>>, vector<16xf32>,
        tpu.vector_store %arg24[%swap3A_266, %swap3A_267], %add3A_264 {strides = array<i32>} : memref<8x128xf32, #tpu.memory_space<vmem>>, vector<16xf32>,
      }
      %scan3A_107 = arith.constant 8 : i32
      %run_scoped3A_108 = arith.constant 8 : i32
      "tpu.region"() ({
        %run_scoped3A_164 = tpu.sem_alloc : memref<!tpu.dma_semaphore, #tpu.memory_space<semaphore_mem>>
        %dma_start3A_165 = arith.constant 0 : i32
        %dma_start3A_166 = tpu.memref_slice %arg11[%run_scoped3A_108, %mul3A_58, %dma_start3A_165] : memref<16x80x128xf32, #tpu.memory_space<hbm>> -> memref<1x8x128xf32, #tpu.memory_space<hbm>>
        %dma_start3A_167 = tpu.memref_squeeze %dma_start3A_166 : memref<1x8x128xf32, #tpu.memory_space<hbm>> -> memref<8x128xf32, #tpu.memory_space<hbm>>
        %dma_start3A_168 = arith.constant 0 : i32
        %dma_start3A_169 = tpu.memref_slice %arg11[%run_scoped3A_108, %mul3A_58, %dma_start3A_168] : memref<16x80x128xf32, #tpu.memory_space<hbm>> -> memref<1x8x128xf32, #tpu.memory_space<hbm>>
        %dma_start3A_170 = tpu.memref_squeeze %dma_start3A_169 : memref<1x8x128xf32, #tpu.memory_space<hbm>> -> memref<8x128xf32, #tpu.memory_space<hbm>>
        tpu.enqueue_dma source(%dma_start3A_170 : memref<8x128xf32, #tpu.memory_space<hbm>>) target(%arg23 : memref<8x128xf32, #tpu.memory_space<vmem>>) target_semaphore(%run_scoped3A_164 : memref<!tpu.dma_semaphore, #tpu.memory_space<semaphore_mem>>)
        %dma_wait3A_171 = arith.constant 0 : i32
        %dma_wait3A_172 = tpu.memref_slice %arg11[%run_scoped3A_108, %mul3A_58, %dma_wait3A_171] : memref<16x80x128xf32, #tpu.memory_space<hbm>> -> memref<1x8x128xf32, #tpu.memory_space<hbm>>
        %dma_wait3A_173 = tpu.memref_squeeze %dma_wait3A_172 : memref<1x8x128xf32, #tpu.memory_space<hbm>> -> memref<8x128xf32, #tpu.memory_space<hbm>>
        %dma_wait3A_174 = arith.constant 0 : i32
        %dma_wait3A_175 = tpu.memref_slice %arg11[%run_scoped3A_108, %mul3A_58, %dma_wait3A_174] : memref<16x80x128xf32, #tpu.memory_space<hbm>> -> memref<1x8x128xf32, #tpu.memory_space<hbm>>
        %dma_wait3A_176 = tpu.memref_squeeze %dma_wait3A_175 : memref<1x8x128xf32, #tpu.memory_space<hbm>> -> memref<8x128xf32, #tpu.memory_space<hbm>>
        tpu.wait_dma2 semaphore(%run_scoped3A_164 : memref<!tpu.dma_semaphore, #tpu.memory_space<semaphore_mem>>) src(%dma_wait3A_176 : memref<8x128xf32, #tpu.memory_space<hbm>>) dst(%arg23 : memref<8x128xf32, #tpu.memory_space<vmem>>)
        tpu.yield
      }) : () -> ()
      %scan3A_109 = arith.constant 0 : i32
      %scan3A_110 = arith.constant 0 : i32
      %scan3A_111 = arith.constant 8 : i32
      %scan3A_112 = arith.addi %scan3A_110, %scan3A_111 : i32
      %scan3A_113 = arith.constant 1 : i32
      scf.for %scan3A_164 = %scan3A_110 to %scan3A_112 step %scan3A_113  : i32 {
        %mul3A_165 = arith.constant 16 : i32
        %mul3A_166 = arith.muli %scan3A_164, %mul3A_165 : i32
        %get3A = arith.constant 0 : i32
        %get3A_167 = arith.index_cast %get3A : i32 to index
        %get3A_168 = arith.index_cast %mul3A_166 : i32 to index
        %get3A_169 = tpu.vector_load %arg24[%get3A_167, %get3A_168] {strides = array<i32>} : memref<8x128xf32, #tpu.memory_space<vmem>>, vector<16xf32>,
        %get3A_170 = arith.constant 0 : i32
        %get3A_171 = arith.index_cast %get3A_170 : i32 to index
        %get3A_172 = arith.index_cast %mul3A_166 : i32 to index
        %get3A_173 = tpu.vector_load %arg23[%get3A_171, %get3A_172] {strides = array<i32>} : memref<8x128xf32, #tpu.memory_space<vmem>>, vector<16xf32>,
        %add3A_174 = arith.addf %get3A_169, %get3A_173 : vector<16xf32>
        %swap3A = arith.constant 0 : i32
        %swap3A_175 = arith.index_cast %swap3A : i32 to index
        %swap3A_176 = arith.index_cast %mul3A_166 : i32 to index
        %swap3A_177 = tpu.vector_load %arg24[%swap3A_175, %swap3A_176] {strides = array<i32>} : memref<8x128xf32, #tpu.memory_space<vmem>>, vector<16xf32>,
        tpu.vector_store %arg24[%swap3A_175, %swap3A_176], %add3A_174 {strides = array<i32>} : memref<8x128xf32, #tpu.memory_space<vmem>>, vector<16xf32>,
        %get3A_178 = arith.constant 1 : i32
        %get3A_179 = arith.index_cast %get3A_178 : i32 to index
        %get3A_180 = arith.index_cast %mul3A_166 : i32 to index
        %get3A_181 = tpu.vector_load %arg24[%get3A_179, %get3A_180] {strides = array<i32>} : memref<8x128xf32, #tpu.memory_space<vmem>>, vector<16xf32>,
        %get3A_182 = arith.constant 1 : i32
        %get3A_183 = arith.index_cast %get3A_182 : i32 to index
        %get3A_184 = arith.index_cast %mul3A_166 : i32 to index
        %get3A_185 = tpu.vector_load %arg23[%get3A_183, %get3A_184] {strides = array<i32>} : memref<8x128xf32, #tpu.memory_space<vmem>>, vector<16xf32>,
        %add3A_186 = arith.addf %get3A_181, %get3A_185 : vector<16xf32>
        %swap3A_187 = arith.constant 1 : i32
        %swap3A_188 = arith.index_cast %swap3A_187 : i32 to index
        %swap3A_189 = arith.index_cast %mul3A_166 : i32 to index
        %swap3A_190 = tpu.vector_load %arg24[%swap3A_188, %swap3A_189] {strides = array<i32>} : memref<8x128xf32, #tpu.memory_space<vmem>>, vector<16xf32>,
        tpu.vector_store %arg24[%swap3A_188, %swap3A_189], %add3A_186 {strides = array<i32>} : memref<8x128xf32, #tpu.memory_space<vmem>>, vector<16xf32>,
        %get3A_191 = arith.constant 2 : i32
        %get3A_192 = arith.index_cast %get3A_191 : i32 to index
        %get3A_193 = arith.index_cast %mul3A_166 : i32 to index
        %get3A_194 = tpu.vector_load %arg24[%get3A_192, %get3A_193] {strides = array<i32>} : memref<8x128xf32, #tpu.memory_space<vmem>>, vector<16xf32>,
        %get3A_195 = arith.constant 2 : i32
        %get3A_196 = arith.index_cast %get3A_195 : i32 to index
        %get3A_197 = arith.index_cast %mul3A_166 : i32 to index
        %get3A_198 = tpu.vector_load %arg23[%get3A_196, %get3A_197] {strides = array<i32>} : memref<8x128xf32, #tpu.memory_space<vmem>>, vector<16xf32>,
        %add3A_199 = arith.addf %get3A_194, %get3A_198 : vector<16xf32>
        %swap3A_200 = arith.constant 2 : i32
        %swap3A_201 = arith.index_cast %swap3A_200 : i32 to index
        %swap3A_202 = arith.index_cast %mul3A_166 : i32 to index
        %swap3A_203 = tpu.vector_load %arg24[%swap3A_201, %swap3A_202] {strides = array<i32>} : memref<8x128xf32, #tpu.memory_space<vmem>>, vector<16xf32>,
        tpu.vector_store %arg24[%swap3A_201, %swap3A_202], %add3A_199 {strides = array<i32>} : memref<8x128xf32, #tpu.memory_space<vmem>>, vector<16xf32>,
        %get3A_204 = arith.constant 3 : i32
        %get3A_205 = arith.index_cast %get3A_204 : i32 to index
        %get3A_206 = arith.index_cast %mul3A_166 : i32 to index
        %get3A_207 = tpu.vector_load %arg24[%get3A_205, %get3A_206] {strides = array<i32>} : memref<8x128xf32, #tpu.memory_space<vmem>>, vector<16xf32>,
        %get3A_208 = arith.constant 3 : i32
        %get3A_209 = arith.index_cast %get3A_208 : i32 to index
        %get3A_210 = arith.index_cast %mul3A_166 : i32 to index
        %get3A_211 = tpu.vector_load %arg23[%get3A_209, %get3A_210] {strides = array<i32>} : memref<8x128xf32, #tpu.memory_space<vmem>>, vector<16xf32>,
        %add3A_212 = arith.addf %get3A_207, %get3A_211 : vector<16xf32>
        %swap3A_213 = arith.constant 3 : i32
        %swap3A_214 = arith.index_cast %swap3A_213 : i32 to index
        %swap3A_215 = arith.index_cast %mul3A_166 : i32 to index
        %swap3A_216 = tpu.vector_load %arg24[%swap3A_214, %swap3A_215] {strides = array<i32>} : memref<8x128xf32, #tpu.memory_space<vmem>>, vector<16xf32>,
        tpu.vector_store %arg24[%swap3A_214, %swap3A_215], %add3A_212 {strides = array<i32>} : memref<8x128xf32, #tpu.memory_space<vmem>>, vector<16xf32>,
        %get3A_217 = arith.constant 4 : i32
        %get3A_218 = arith.index_cast %get3A_217 : i32 to index
        %get3A_219 = arith.index_cast %mul3A_166 : i32 to index
        %get3A_220 = tpu.vector_load %arg24[%get3A_218, %get3A_219] {strides = array<i32>} : memref<8x128xf32, #tpu.memory_space<vmem>>, vector<16xf32>,
        %get3A_221 = arith.constant 4 : i32
        %get3A_222 = arith.index_cast %get3A_221 : i32 to index
        %get3A_223 = arith.index_cast %mul3A_166 : i32 to index
        %get3A_224 = tpu.vector_load %arg23[%get3A_222, %get3A_223] {strides = array<i32>} : memref<8x128xf32, #tpu.memory_space<vmem>>, vector<16xf32>,
        %add3A_225 = arith.addf %get3A_220, %get3A_224 : vector<16xf32>
        %swap3A_226 = arith.constant 4 : i32
        %swap3A_227 = arith.index_cast %swap3A_226 : i32 to index
        %swap3A_228 = arith.index_cast %mul3A_166 : i32 to index
        %swap3A_229 = tpu.vector_load %arg24[%swap3A_227, %swap3A_228] {strides = array<i32>} : memref<8x128xf32, #tpu.memory_space<vmem>>, vector<16xf32>,
        tpu.vector_store %arg24[%swap3A_227, %swap3A_228], %add3A_225 {strides = array<i32>} : memref<8x128xf32, #tpu.memory_space<vmem>>, vector<16xf32>,
        %get3A_230 = arith.constant 5 : i32
        %get3A_231 = arith.index_cast %get3A_230 : i32 to index
        %get3A_232 = arith.index_cast %mul3A_166 : i32 to index
        %get3A_233 = tpu.vector_load %arg24[%get3A_231, %get3A_232] {strides = array<i32>} : memref<8x128xf32, #tpu.memory_space<vmem>>, vector<16xf32>,
        %get3A_234 = arith.constant 5 : i32
        %get3A_235 = arith.index_cast %get3A_234 : i32 to index
        %get3A_236 = arith.index_cast %mul3A_166 : i32 to index
        %get3A_237 = tpu.vector_load %arg23[%get3A_235, %get3A_236] {strides = array<i32>} : memref<8x128xf32, #tpu.memory_space<vmem>>, vector<16xf32>,
        %add3A_238 = arith.addf %get3A_233, %get3A_237 : vector<16xf32>
        %swap3A_239 = arith.constant 5 : i32
        %swap3A_240 = arith.index_cast %swap3A_239 : i32 to index
        %swap3A_241 = arith.index_cast %mul3A_166 : i32 to index
        %swap3A_242 = tpu.vector_load %arg24[%swap3A_240, %swap3A_241] {strides = array<i32>} : memref<8x128xf32, #tpu.memory_space<vmem>>, vector<16xf32>,
        tpu.vector_store %arg24[%swap3A_240, %swap3A_241], %add3A_238 {strides = array<i32>} : memref<8x128xf32, #tpu.memory_space<vmem>>, vector<16xf32>,
        %get3A_243 = arith.constant 6 : i32
        %get3A_244 = arith.index_cast %get3A_243 : i32 to index
        %get3A_245 = arith.index_cast %mul3A_166 : i32 to index
        %get3A_246 = tpu.vector_load %arg24[%get3A_244, %get3A_245] {strides = array<i32>} : memref<8x128xf32, #tpu.memory_space<vmem>>, vector<16xf32>,
        %get3A_247 = arith.constant 6 : i32
        %get3A_248 = arith.index_cast %get3A_247 : i32 to index
        %get3A_249 = arith.index_cast %mul3A_166 : i32 to index
        %get3A_250 = tpu.vector_load %arg23[%get3A_248, %get3A_249] {strides = array<i32>} : memref<8x128xf32, #tpu.memory_space<vmem>>, vector<16xf32>,
        %add3A_251 = arith.addf %get3A_246, %get3A_250 : vector<16xf32>
        %swap3A_252 = arith.constant 6 : i32
        %swap3A_253 = arith.index_cast %swap3A_252 : i32 to index
        %swap3A_254 = arith.index_cast %mul3A_166 : i32 to index
        %swap3A_255 = tpu.vector_load %arg24[%swap3A_253, %swap3A_254] {strides = array<i32>} : memref<8x128xf32, #tpu.memory_space<vmem>>, vector<16xf32>,
        tpu.vector_store %arg24[%swap3A_253, %swap3A_254], %add3A_251 {strides = array<i32>} : memref<8x128xf32, #tpu.memory_space<vmem>>, vector<16xf32>,
        %get3A_256 = arith.constant 7 : i32
        %get3A_257 = arith.index_cast %get3A_256 : i32 to index
        %get3A_258 = arith.index_cast %mul3A_166 : i32 to index
        %get3A_259 = tpu.vector_load %arg24[%get3A_257, %get3A_258] {strides = array<i32>} : memref<8x128xf32, #tpu.memory_space<vmem>>, vector<16xf32>,
        %get3A_260 = arith.constant 7 : i32
        %get3A_261 = arith.index_cast %get3A_260 : i32 to index
        %get3A_262 = arith.index_cast %mul3A_166 : i32 to index
        %get3A_263 = tpu.vector_load %arg23[%get3A_261, %get3A_262] {strides = array<i32>} : memref<8x128xf32, #tpu.memory_space<vmem>>, vector<16xf32>,
        %add3A_264 = arith.addf %get3A_259, %get3A_263 : vector<16xf32>
        %swap3A_265 = arith.constant 7 : i32
        %swap3A_266 = arith.index_cast %swap3A_265 : i32 to index
        %swap3A_267 = arith.index_cast %mul3A_166 : i32 to index
        %swap3A_268 = tpu.vector_load %arg24[%swap3A_266, %swap3A_267] {strides = array<i32>} : memref<8x128xf32, #tpu.memory_space<vmem>>, vector<16xf32>,
        tpu.vector_store %arg24[%swap3A_266, %swap3A_267], %add3A_264 {strides = array<i32>} : memref<8x128xf32, #tpu.memory_space<vmem>>, vector<16xf32>,
      }
      %scan3A_114 = arith.constant 8 : i32
      %run_scoped3A_115 = arith.constant 9 : i32
      "tpu.region"() ({
        %run_scoped3A_164 = tpu.sem_alloc : memref<!tpu.dma_semaphore, #tpu.memory_space<semaphore_mem>>
        %dma_start3A_165 = arith.constant 0 : i32
        %dma_start3A_166 = tpu.memref_slice %arg11[%run_scoped3A_115, %mul3A_58, %dma_start3A_165] : memref<16x80x128xf32, #tpu.memory_space<hbm>> -> memref<1x8x128xf32, #tpu.memory_space<hbm>>
        %dma_start3A_167 = tpu.memref_squeeze %dma_start3A_166 : memref<1x8x128xf32, #tpu.memory_space<hbm>> -> memref<8x128xf32, #tpu.memory_space<hbm>>
        %dma_start3A_168 = arith.constant 0 : i32
        %dma_start3A_169 = tpu.memref_slice %arg11[%run_scoped3A_115, %mul3A_58, %dma_start3A_168] : memref<16x80x128xf32, #tpu.memory_space<hbm>> -> memref<1x8x128xf32, #tpu.memory_space<hbm>>
        %dma_start3A_170 = tpu.memref_squeeze %dma_start3A_169 : memref<1x8x128xf32, #tpu.memory_space<hbm>> -> memref<8x128xf32, #tpu.memory_space<hbm>>
        tpu.enqueue_dma source(%dma_start3A_170 : memref<8x128xf32, #tpu.memory_space<hbm>>) target(%arg23 : memref<8x128xf32, #tpu.memory_space<vmem>>) target_semaphore(%run_scoped3A_164 : memref<!tpu.dma_semaphore, #tpu.memory_space<semaphore_mem>>)
        %dma_wait3A_171 = arith.constant 0 : i32
        %dma_wait3A_172 = tpu.memref_slice %arg11[%run_scoped3A_115, %mul3A_58, %dma_wait3A_171] : memref<16x80x128xf32, #tpu.memory_space<hbm>> -> memref<1x8x128xf32, #tpu.memory_space<hbm>>
        %dma_wait3A_173 = tpu.memref_squeeze %dma_wait3A_172 : memref<1x8x128xf32, #tpu.memory_space<hbm>> -> memref<8x128xf32, #tpu.memory_space<hbm>>
        %dma_wait3A_174 = arith.constant 0 : i32
        %dma_wait3A_175 = tpu.memref_slice %arg11[%run_scoped3A_115, %mul3A_58, %dma_wait3A_174] : memref<16x80x128xf32, #tpu.memory_space<hbm>> -> memref<1x8x128xf32, #tpu.memory_space<hbm>>
        %dma_wait3A_176 = tpu.memref_squeeze %dma_wait3A_175 : memref<1x8x128xf32, #tpu.memory_space<hbm>> -> memref<8x128xf32, #tpu.memory_space<hbm>>
        tpu.wait_dma2 semaphore(%run_scoped3A_164 : memref<!tpu.dma_semaphore, #tpu.memory_space<semaphore_mem>>) src(%dma_wait3A_176 : memref<8x128xf32, #tpu.memory_space<hbm>>) dst(%arg23 : memref<8x128xf32, #tpu.memory_space<vmem>>)
        tpu.yield
      }) : () -> ()
      %scan3A_116 = arith.constant 0 : i32
      %scan3A_117 = arith.constant 0 : i32
      %scan3A_118 = arith.constant 8 : i32
      %scan3A_119 = arith.addi %scan3A_117, %scan3A_118 : i32
      %scan3A_120 = arith.constant 1 : i32
      scf.for %scan3A_164 = %scan3A_117 to %scan3A_119 step %scan3A_120  : i32 {
        %mul3A_165 = arith.constant 16 : i32
        %mul3A_166 = arith.muli %scan3A_164, %mul3A_165 : i32
        %get3A = arith.constant 0 : i32
        %get3A_167 = arith.index_cast %get3A : i32 to index
        %get3A_168 = arith.index_cast %mul3A_166 : i32 to index
        %get3A_169 = tpu.vector_load %arg24[%get3A_167, %get3A_168] {strides = array<i32>} : memref<8x128xf32, #tpu.memory_space<vmem>>, vector<16xf32>,
        %get3A_170 = arith.constant 0 : i32
        %get3A_171 = arith.index_cast %get3A_170 : i32 to index
        %get3A_172 = arith.index_cast %mul3A_166 : i32 to index
        %get3A_173 = tpu.vector_load %arg23[%get3A_171, %get3A_172] {strides = array<i32>} : memref<8x128xf32, #tpu.memory_space<vmem>>, vector<16xf32>,
        %add3A_174 = arith.addf %get3A_169, %get3A_173 : vector<16xf32>
        %swap3A = arith.constant 0 : i32
        %swap3A_175 = arith.index_cast %swap3A : i32 to index
        %swap3A_176 = arith.index_cast %mul3A_166 : i32 to index
        %swap3A_177 = tpu.vector_load %arg24[%swap3A_175, %swap3A_176] {strides = array<i32>} : memref<8x128xf32, #tpu.memory_space<vmem>>, vector<16xf32>,
        tpu.vector_store %arg24[%swap3A_175, %swap3A_176], %add3A_174 {strides = array<i32>} : memref<8x128xf32, #tpu.memory_space<vmem>>, vector<16xf32>,
        %get3A_178 = arith.constant 1 : i32
        %get3A_179 = arith.index_cast %get3A_178 : i32 to index
        %get3A_180 = arith.index_cast %mul3A_166 : i32 to index
        %get3A_181 = tpu.vector_load %arg24[%get3A_179, %get3A_180] {strides = array<i32>} : memref<8x128xf32, #tpu.memory_space<vmem>>, vector<16xf32>,
        %get3A_182 = arith.constant 1 : i32
        %get3A_183 = arith.index_cast %get3A_182 : i32 to index
        %get3A_184 = arith.index_cast %mul3A_166 : i32 to index
        %get3A_185 = tpu.vector_load %arg23[%get3A_183, %get3A_184] {strides = array<i32>} : memref<8x128xf32, #tpu.memory_space<vmem>>, vector<16xf32>,
        %add3A_186 = arith.addf %get3A_181, %get3A_185 : vector<16xf32>
        %swap3A_187 = arith.constant 1 : i32
        %swap3A_188 = arith.index_cast %swap3A_187 : i32 to index
        %swap3A_189 = arith.index_cast %mul3A_166 : i32 to index
        %swap3A_190 = tpu.vector_load %arg24[%swap3A_188, %swap3A_189] {strides = array<i32>} : memref<8x128xf32, #tpu.memory_space<vmem>>, vector<16xf32>,
        tpu.vector_store %arg24[%swap3A_188, %swap3A_189], %add3A_186 {strides = array<i32>} : memref<8x128xf32, #tpu.memory_space<vmem>>, vector<16xf32>,
        %get3A_191 = arith.constant 2 : i32
        %get3A_192 = arith.index_cast %get3A_191 : i32 to index
        %get3A_193 = arith.index_cast %mul3A_166 : i32 to index
        %get3A_194 = tpu.vector_load %arg24[%get3A_192, %get3A_193] {strides = array<i32>} : memref<8x128xf32, #tpu.memory_space<vmem>>, vector<16xf32>,
        %get3A_195 = arith.constant 2 : i32
        %get3A_196 = arith.index_cast %get3A_195 : i32 to index
        %get3A_197 = arith.index_cast %mul3A_166 : i32 to index
        %get3A_198 = tpu.vector_load %arg23[%get3A_196, %get3A_197] {strides = array<i32>} : memref<8x128xf32, #tpu.memory_space<vmem>>, vector<16xf32>,
        %add3A_199 = arith.addf %get3A_194, %get3A_198 : vector<16xf32>
        %swap3A_200 = arith.constant 2 : i32
        %swap3A_201 = arith.index_cast %swap3A_200 : i32 to index
        %swap3A_202 = arith.index_cast %mul3A_166 : i32 to index
        %swap3A_203 = tpu.vector_load %arg24[%swap3A_201, %swap3A_202] {strides = array<i32>} : memref<8x128xf32, #tpu.memory_space<vmem>>, vector<16xf32>,
        tpu.vector_store %arg24[%swap3A_201, %swap3A_202], %add3A_199 {strides = array<i32>} : memref<8x128xf32, #tpu.memory_space<vmem>>, vector<16xf32>,
        %get3A_204 = arith.constant 3 : i32
        %get3A_205 = arith.index_cast %get3A_204 : i32 to index
        %get3A_206 = arith.index_cast %mul3A_166 : i32 to index
        %get3A_207 = tpu.vector_load %arg24[%get3A_205, %get3A_206] {strides = array<i32>} : memref<8x128xf32, #tpu.memory_space<vmem>>, vector<16xf32>,
        %get3A_208 = arith.constant 3 : i32
        %get3A_209 = arith.index_cast %get3A_208 : i32 to index
        %get3A_210 = arith.index_cast %mul3A_166 : i32 to index
        %get3A_211 = tpu.vector_load %arg23[%get3A_209, %get3A_210] {strides = array<i32>} : memref<8x128xf32, #tpu.memory_space<vmem>>, vector<16xf32>,
        %add3A_212 = arith.addf %get3A_207, %get3A_211 : vector<16xf32>
        %swap3A_213 = arith.constant 3 : i32
        %swap3A_214 = arith.index_cast %swap3A_213 : i32 to index
        %swap3A_215 = arith.index_cast %mul3A_166 : i32 to index
        %swap3A_216 = tpu.vector_load %arg24[%swap3A_214, %swap3A_215] {strides = array<i32>} : memref<8x128xf32, #tpu.memory_space<vmem>>, vector<16xf32>,
        tpu.vector_store %arg24[%swap3A_214, %swap3A_215], %add3A_212 {strides = array<i32>} : memref<8x128xf32, #tpu.memory_space<vmem>>, vector<16xf32>,
        %get3A_217 = arith.constant 4 : i32
        %get3A_218 = arith.index_cast %get3A_217 : i32 to index
        %get3A_219 = arith.index_cast %mul3A_166 : i32 to index
        %get3A_220 = tpu.vector_load %arg24[%get3A_218, %get3A_219] {strides = array<i32>} : memref<8x128xf32, #tpu.memory_space<vmem>>, vector<16xf32>,
        %get3A_221 = arith.constant 4 : i32
        %get3A_222 = arith.index_cast %get3A_221 : i32 to index
        %get3A_223 = arith.index_cast %mul3A_166 : i32 to index
        %get3A_224 = tpu.vector_load %arg23[%get3A_222, %get3A_223] {strides = array<i32>} : memref<8x128xf32, #tpu.memory_space<vmem>>, vector<16xf32>,
        %add3A_225 = arith.addf %get3A_220, %get3A_224 : vector<16xf32>
        %swap3A_226 = arith.constant 4 : i32
        %swap3A_227 = arith.index_cast %swap3A_226 : i32 to index
        %swap3A_228 = arith.index_cast %mul3A_166 : i32 to index
        %swap3A_229 = tpu.vector_load %arg24[%swap3A_227, %swap3A_228] {strides = array<i32>} : memref<8x128xf32, #tpu.memory_space<vmem>>, vector<16xf32>,
        tpu.vector_store %arg24[%swap3A_227, %swap3A_228], %add3A_225 {strides = array<i32>} : memref<8x128xf32, #tpu.memory_space<vmem>>, vector<16xf32>,
        %get3A_230 = arith.constant 5 : i32
        %get3A_231 = arith.index_cast %get3A_230 : i32 to index
        %get3A_232 = arith.index_cast %mul3A_166 : i32 to index
        %get3A_233 = tpu.vector_load %arg24[%get3A_231, %get3A_232] {strides = array<i32>} : memref<8x128xf32, #tpu.memory_space<vmem>>, vector<16xf32>,
        %get3A_234 = arith.constant 5 : i32
        %get3A_235 = arith.index_cast %get3A_234 : i32 to index
        %get3A_236 = arith.index_cast %mul3A_166 : i32 to index
        %get3A_237 = tpu.vector_load %arg23[%get3A_235, %get3A_236] {strides = array<i32>} : memref<8x128xf32, #tpu.memory_space<vmem>>, vector<16xf32>,
        %add3A_238 = arith.addf %get3A_233, %get3A_237 : vector<16xf32>
        %swap3A_239 = arith.constant 5 : i32
        %swap3A_240 = arith.index_cast %swap3A_239 : i32 to index
        %swap3A_241 = arith.index_cast %mul3A_166 : i32 to index
        %swap3A_242 = tpu.vector_load %arg24[%swap3A_240, %swap3A_241] {strides = array<i32>} : memref<8x128xf32, #tpu.memory_space<vmem>>, vector<16xf32>,
        tpu.vector_store %arg24[%swap3A_240, %swap3A_241], %add3A_238 {strides = array<i32>} : memref<8x128xf32, #tpu.memory_space<vmem>>, vector<16xf32>,
        %get3A_243 = arith.constant 6 : i32
        %get3A_244 = arith.index_cast %get3A_243 : i32 to index
        %get3A_245 = arith.index_cast %mul3A_166 : i32 to index
        %get3A_246 = tpu.vector_load %arg24[%get3A_244, %get3A_245] {strides = array<i32>} : memref<8x128xf32, #tpu.memory_space<vmem>>, vector<16xf32>,
        %get3A_247 = arith.constant 6 : i32
        %get3A_248 = arith.index_cast %get3A_247 : i32 to index
        %get3A_249 = arith.index_cast %mul3A_166 : i32 to index
        %get3A_250 = tpu.vector_load %arg23[%get3A_248, %get3A_249] {strides = array<i32>} : memref<8x128xf32, #tpu.memory_space<vmem>>, vector<16xf32>,
        %add3A_251 = arith.addf %get3A_246, %get3A_250 : vector<16xf32>
        %swap3A_252 = arith.constant 6 : i32
        %swap3A_253 = arith.index_cast %swap3A_252 : i32 to index
        %swap3A_254 = arith.index_cast %mul3A_166 : i32 to index
        %swap3A_255 = tpu.vector_load %arg24[%swap3A_253, %swap3A_254] {strides = array<i32>} : memref<8x128xf32, #tpu.memory_space<vmem>>, vector<16xf32>,
        tpu.vector_store %arg24[%swap3A_253, %swap3A_254], %add3A_251 {strides = array<i32>} : memref<8x128xf32, #tpu.memory_space<vmem>>, vector<16xf32>,
        %get3A_256 = arith.constant 7 : i32
        %get3A_257 = arith.index_cast %get3A_256 : i32 to index
        %get3A_258 = arith.index_cast %mul3A_166 : i32 to index
        %get3A_259 = tpu.vector_load %arg24[%get3A_257, %get3A_258] {strides = array<i32>} : memref<8x128xf32, #tpu.memory_space<vmem>>, vector<16xf32>,
        %get3A_260 = arith.constant 7 : i32
        %get3A_261 = arith.index_cast %get3A_260 : i32 to index
        %get3A_262 = arith.index_cast %mul3A_166 : i32 to index
        %get3A_263 = tpu.vector_load %arg23[%get3A_261, %get3A_262] {strides = array<i32>} : memref<8x128xf32, #tpu.memory_space<vmem>>, vector<16xf32>,
        %add3A_264 = arith.addf %get3A_259, %get3A_263 : vector<16xf32>
        %swap3A_265 = arith.constant 7 : i32
        %swap3A_266 = arith.index_cast %swap3A_265 : i32 to index
        %swap3A_267 = arith.index_cast %mul3A_166 : i32 to index
        %swap3A_268 = tpu.vector_load %arg24[%swap3A_266, %swap3A_267] {strides = array<i32>} : memref<8x128xf32, #tpu.memory_space<vmem>>, vector<16xf32>,
        tpu.vector_store %arg24[%swap3A_266, %swap3A_267], %add3A_264 {strides = array<i32>} : memref<8x128xf32, #tpu.memory_space<vmem>>, vector<16xf32>,
      }
      %scan3A_121 = arith.constant 8 : i32
      %run_scoped3A_122 = arith.constant 10 : i32
      "tpu.region"() ({
        %run_scoped3A_164 = tpu.sem_alloc : memref<!tpu.dma_semaphore, #tpu.memory_space<semaphore_mem>>
        %dma_start3A_165 = arith.constant 0 : i32
        %dma_start3A_166 = tpu.memref_slice %arg11[%run_scoped3A_122, %mul3A_58, %dma_start3A_165] : memref<16x80x128xf32, #tpu.memory_space<hbm>> -> memref<1x8x128xf32, #tpu.memory_space<hbm>>
        %dma_start3A_167 = tpu.memref_squeeze %dma_start3A_166 : memref<1x8x128xf32, #tpu.memory_space<hbm>> -> memref<8x128xf32, #tpu.memory_space<hbm>>
        %dma_start3A_168 = arith.constant 0 : i32
        %dma_start3A_169 = tpu.memref_slice %arg11[%run_scoped3A_122, %mul3A_58, %dma_start3A_168] : memref<16x80x128xf32, #tpu.memory_space<hbm>> -> memref<1x8x128xf32, #tpu.memory_space<hbm>>
        %dma_start3A_170 = tpu.memref_squeeze %dma_start3A_169 : memref<1x8x128xf32, #tpu.memory_space<hbm>> -> memref<8x128xf32, #tpu.memory_space<hbm>>
        tpu.enqueue_dma source(%dma_start3A_170 : memref<8x128xf32, #tpu.memory_space<hbm>>) target(%arg23 : memref<8x128xf32, #tpu.memory_space<vmem>>) target_semaphore(%run_scoped3A_164 : memref<!tpu.dma_semaphore, #tpu.memory_space<semaphore_mem>>)
        %dma_wait3A_171 = arith.constant 0 : i32
        %dma_wait3A_172 = tpu.memref_slice %arg11[%run_scoped3A_122, %mul3A_58, %dma_wait3A_171] : memref<16x80x128xf32, #tpu.memory_space<hbm>> -> memref<1x8x128xf32, #tpu.memory_space<hbm>>
        %dma_wait3A_173 = tpu.memref_squeeze %dma_wait3A_172 : memref<1x8x128xf32, #tpu.memory_space<hbm>> -> memref<8x128xf32, #tpu.memory_space<hbm>>
        %dma_wait3A_174 = arith.constant 0 : i32
        %dma_wait3A_175 = tpu.memref_slice %arg11[%run_scoped3A_122, %mul3A_58, %dma_wait3A_174] : memref<16x80x128xf32, #tpu.memory_space<hbm>> -> memref<1x8x128xf32, #tpu.memory_space<hbm>>
        %dma_wait3A_176 = tpu.memref_squeeze %dma_wait3A_175 : memref<1x8x128xf32, #tpu.memory_space<hbm>> -> memref<8x128xf32, #tpu.memory_space<hbm>>
        tpu.wait_dma2 semaphore(%run_scoped3A_164 : memref<!tpu.dma_semaphore, #tpu.memory_space<semaphore_mem>>) src(%dma_wait3A_176 : memref<8x128xf32, #tpu.memory_space<hbm>>) dst(%arg23 : memref<8x128xf32, #tpu.memory_space<vmem>>)
        tpu.yield
      }) : () -> ()
      %scan3A_123 = arith.constant 0 : i32
      %scan3A_124 = arith.constant 0 : i32
      %scan3A_125 = arith.constant 8 : i32
      %scan3A_126 = arith.addi %scan3A_124, %scan3A_125 : i32
      %scan3A_127 = arith.constant 1 : i32
      scf.for %scan3A_164 = %scan3A_124 to %scan3A_126 step %scan3A_127  : i32 {
        %mul3A_165 = arith.constant 16 : i32
        %mul3A_166 = arith.muli %scan3A_164, %mul3A_165 : i32
        %get3A = arith.constant 0 : i32
        %get3A_167 = arith.index_cast %get3A : i32 to index
        %get3A_168 = arith.index_cast %mul3A_166 : i32 to index
        %get3A_169 = tpu.vector_load %arg24[%get3A_167, %get3A_168] {strides = array<i32>} : memref<8x128xf32, #tpu.memory_space<vmem>>, vector<16xf32>,
        %get3A_170 = arith.constant 0 : i32
        %get3A_171 = arith.index_cast %get3A_170 : i32 to index
        %get3A_172 = arith.index_cast %mul3A_166 : i32 to index
        %get3A_173 = tpu.vector_load %arg23[%get3A_171, %get3A_172] {strides = array<i32>} : memref<8x128xf32, #tpu.memory_space<vmem>>, vector<16xf32>,
        %add3A_174 = arith.addf %get3A_169, %get3A_173 : vector<16xf32>
        %swap3A = arith.constant 0 : i32
        %swap3A_175 = arith.index_cast %swap3A : i32 to index
        %swap3A_176 = arith.index_cast %mul3A_166 : i32 to index
        %swap3A_177 = tpu.vector_load %arg24[%swap3A_175, %swap3A_176] {strides = array<i32>} : memref<8x128xf32, #tpu.memory_space<vmem>>, vector<16xf32>,
        tpu.vector_store %arg24[%swap3A_175, %swap3A_176], %add3A_174 {strides = array<i32>} : memref<8x128xf32, #tpu.memory_space<vmem>>, vector<16xf32>,
        %get3A_178 = arith.constant 1 : i32
        %get3A_179 = arith.index_cast %get3A_178 : i32 to index
        %get3A_180 = arith.index_cast %mul3A_166 : i32 to index
        %get3A_181 = tpu.vector_load %arg24[%get3A_179, %get3A_180] {strides = array<i32>} : memref<8x128xf32, #tpu.memory_space<vmem>>, vector<16xf32>,
        %get3A_182 = arith.constant 1 : i32
        %get3A_183 = arith.index_cast %get3A_182 : i32 to index
        %get3A_184 = arith.index_cast %mul3A_166 : i32 to index
        %get3A_185 = tpu.vector_load %arg23[%get3A_183, %get3A_184] {strides = array<i32>} : memref<8x128xf32, #tpu.memory_space<vmem>>, vector<16xf32>,
        %add3A_186 = arith.addf %get3A_181, %get3A_185 : vector<16xf32>
        %swap3A_187 = arith.constant 1 : i32
        %swap3A_188 = arith.index_cast %swap3A_187 : i32 to index
        %swap3A_189 = arith.index_cast %mul3A_166 : i32 to index
        %swap3A_190 = tpu.vector_load %arg24[%swap3A_188, %swap3A_189] {strides = array<i32>} : memref<8x128xf32, #tpu.memory_space<vmem>>, vector<16xf32>,
        tpu.vector_store %arg24[%swap3A_188, %swap3A_189], %add3A_186 {strides = array<i32>} : memref<8x128xf32, #tpu.memory_space<vmem>>, vector<16xf32>,
        %get3A_191 = arith.constant 2 : i32
        %get3A_192 = arith.index_cast %get3A_191 : i32 to index
        %get3A_193 = arith.index_cast %mul3A_166 : i32 to index
        %get3A_194 = tpu.vector_load %arg24[%get3A_192, %get3A_193] {strides = array<i32>} : memref<8x128xf32, #tpu.memory_space<vmem>>, vector<16xf32>,
        %get3A_195 = arith.constant 2 : i32
        %get3A_196 = arith.index_cast %get3A_195 : i32 to index
        %get3A_197 = arith.index_cast %mul3A_166 : i32 to index
        %get3A_198 = tpu.vector_load %arg23[%get3A_196, %get3A_197] {strides = array<i32>} : memref<8x128xf32, #tpu.memory_space<vmem>>, vector<16xf32>,
        %add3A_199 = arith.addf %get3A_194, %get3A_198 : vector<16xf32>
        %swap3A_200 = arith.constant 2 : i32
        %swap3A_201 = arith.index_cast %swap3A_200 : i32 to index
        %swap3A_202 = arith.index_cast %mul3A_166 : i32 to index
        %swap3A_203 = tpu.vector_load %arg24[%swap3A_201, %swap3A_202] {strides = array<i32>} : memref<8x128xf32, #tpu.memory_space<vmem>>, vector<16xf32>,
        tpu.vector_store %arg24[%swap3A_201, %swap3A_202], %add3A_199 {strides = array<i32>} : memref<8x128xf32, #tpu.memory_space<vmem>>, vector<16xf32>,
        %get3A_204 = arith.constant 3 : i32
        %get3A_205 = arith.index_cast %get3A_204 : i32 to index
        %get3A_206 = arith.index_cast %mul3A_166 : i32 to index
        %get3A_207 = tpu.vector_load %arg24[%get3A_205, %get3A_206] {strides = array<i32>} : memref<8x128xf32, #tpu.memory_space<vmem>>, vector<16xf32>,
        %get3A_208 = arith.constant 3 : i32
        %get3A_209 = arith.index_cast %get3A_208 : i32 to index
        %get3A_210 = arith.index_cast %mul3A_166 : i32 to index
        %get3A_211 = tpu.vector_load %arg23[%get3A_209, %get3A_210] {strides = array<i32>} : memref<8x128xf32, #tpu.memory_space<vmem>>, vector<16xf32>,
        %add3A_212 = arith.addf %get3A_207, %get3A_211 : vector<16xf32>
        %swap3A_213 = arith.constant 3 : i32
        %swap3A_214 = arith.index_cast %swap3A_213 : i32 to index
        %swap3A_215 = arith.index_cast %mul3A_166 : i32 to index
        %swap3A_216 = tpu.vector_load %arg24[%swap3A_214, %swap3A_215] {strides = array<i32>} : memref<8x128xf32, #tpu.memory_space<vmem>>, vector<16xf32>,
        tpu.vector_store %arg24[%swap3A_214, %swap3A_215], %add3A_212 {strides = array<i32>} : memref<8x128xf32, #tpu.memory_space<vmem>>, vector<16xf32>,
        %get3A_217 = arith.constant 4 : i32
        %get3A_218 = arith.index_cast %get3A_217 : i32 to index
        %get3A_219 = arith.index_cast %mul3A_166 : i32 to index
        %get3A_220 = tpu.vector_load %arg24[%get3A_218, %get3A_219] {strides = array<i32>} : memref<8x128xf32, #tpu.memory_space<vmem>>, vector<16xf32>,
        %get3A_221 = arith.constant 4 : i32
        %get3A_222 = arith.index_cast %get3A_221 : i32 to index
        %get3A_223 = arith.index_cast %mul3A_166 : i32 to index
        %get3A_224 = tpu.vector_load %arg23[%get3A_222, %get3A_223] {strides = array<i32>} : memref<8x128xf32, #tpu.memory_space<vmem>>, vector<16xf32>,
        %add3A_225 = arith.addf %get3A_220, %get3A_224 : vector<16xf32>
        %swap3A_226 = arith.constant 4 : i32
        %swap3A_227 = arith.index_cast %swap3A_226 : i32 to index
        %swap3A_228 = arith.index_cast %mul3A_166 : i32 to index
        %swap3A_229 = tpu.vector_load %arg24[%swap3A_227, %swap3A_228] {strides = array<i32>} : memref<8x128xf32, #tpu.memory_space<vmem>>, vector<16xf32>,
        tpu.vector_store %arg24[%swap3A_227, %swap3A_228], %add3A_225 {strides = array<i32>} : memref<8x128xf32, #tpu.memory_space<vmem>>, vector<16xf32>,
        %get3A_230 = arith.constant 5 : i32
        %get3A_231 = arith.index_cast %get3A_230 : i32 to index
        %get3A_232 = arith.index_cast %mul3A_166 : i32 to index
        %get3A_233 = tpu.vector_load %arg24[%get3A_231, %get3A_232] {strides = array<i32>} : memref<8x128xf32, #tpu.memory_space<vmem>>, vector<16xf32>,
        %get3A_234 = arith.constant 5 : i32
        %get3A_235 = arith.index_cast %get3A_234 : i32 to index
        %get3A_236 = arith.index_cast %mul3A_166 : i32 to index
        %get3A_237 = tpu.vector_load %arg23[%get3A_235, %get3A_236] {strides = array<i32>} : memref<8x128xf32, #tpu.memory_space<vmem>>, vector<16xf32>,
        %add3A_238 = arith.addf %get3A_233, %get3A_237 : vector<16xf32>
        %swap3A_239 = arith.constant 5 : i32
        %swap3A_240 = arith.index_cast %swap3A_239 : i32 to index
        %swap3A_241 = arith.index_cast %mul3A_166 : i32 to index
        %swap3A_242 = tpu.vector_load %arg24[%swap3A_240, %swap3A_241] {strides = array<i32>} : memref<8x128xf32, #tpu.memory_space<vmem>>, vector<16xf32>,
        tpu.vector_store %arg24[%swap3A_240, %swap3A_241], %add3A_238 {strides = array<i32>} : memref<8x128xf32, #tpu.memory_space<vmem>>, vector<16xf32>,
        %get3A_243 = arith.constant 6 : i32
        %get3A_244 = arith.index_cast %get3A_243 : i32 to index
        %get3A_245 = arith.index_cast %mul3A_166 : i32 to index
        %get3A_246 = tpu.vector_load %arg24[%get3A_244, %get3A_245] {strides = array<i32>} : memref<8x128xf32, #tpu.memory_space<vmem>>, vector<16xf32>,
        %get3A_247 = arith.constant 6 : i32
        %get3A_248 = arith.index_cast %get3A_247 : i32 to index
        %get3A_249 = arith.index_cast %mul3A_166 : i32 to index
        %get3A_250 = tpu.vector_load %arg23[%get3A_248, %get3A_249] {strides = array<i32>} : memref<8x128xf32, #tpu.memory_space<vmem>>, vector<16xf32>,
        %add3A_251 = arith.addf %get3A_246, %get3A_250 : vector<16xf32>
        %swap3A_252 = arith.constant 6 : i32
        %swap3A_253 = arith.index_cast %swap3A_252 : i32 to index
        %swap3A_254 = arith.index_cast %mul3A_166 : i32 to index
        %swap3A_255 = tpu.vector_load %arg24[%swap3A_253, %swap3A_254] {strides = array<i32>} : memref<8x128xf32, #tpu.memory_space<vmem>>, vector<16xf32>,
        tpu.vector_store %arg24[%swap3A_253, %swap3A_254], %add3A_251 {strides = array<i32>} : memref<8x128xf32, #tpu.memory_space<vmem>>, vector<16xf32>,
        %get3A_256 = arith.constant 7 : i32
        %get3A_257 = arith.index_cast %get3A_256 : i32 to index
        %get3A_258 = arith.index_cast %mul3A_166 : i32 to index
        %get3A_259 = tpu.vector_load %arg24[%get3A_257, %get3A_258] {strides = array<i32>} : memref<8x128xf32, #tpu.memory_space<vmem>>, vector<16xf32>,
        %get3A_260 = arith.constant 7 : i32
        %get3A_261 = arith.index_cast %get3A_260 : i32 to index
        %get3A_262 = arith.index_cast %mul3A_166 : i32 to index
        %get3A_263 = tpu.vector_load %arg23[%get3A_261, %get3A_262] {strides = array<i32>} : memref<8x128xf32, #tpu.memory_space<vmem>>, vector<16xf32>,
        %add3A_264 = arith.addf %get3A_259, %get3A_263 : vector<16xf32>
        %swap3A_265 = arith.constant 7 : i32
        %swap3A_266 = arith.index_cast %swap3A_265 : i32 to index
        %swap3A_267 = arith.index_cast %mul3A_166 : i32 to index
        %swap3A_268 = tpu.vector_load %arg24[%swap3A_266, %swap3A_267] {strides = array<i32>} : memref<8x128xf32, #tpu.memory_space<vmem>>, vector<16xf32>,
        tpu.vector_store %arg24[%swap3A_266, %swap3A_267], %add3A_264 {strides = array<i32>} : memref<8x128xf32, #tpu.memory_space<vmem>>, vector<16xf32>,
      }
      %scan3A_128 = arith.constant 8 : i32
      %run_scoped3A_129 = arith.constant 11 : i32
      "tpu.region"() ({
        %run_scoped3A_164 = tpu.sem_alloc : memref<!tpu.dma_semaphore, #tpu.memory_space<semaphore_mem>>
        %dma_start3A_165 = arith.constant 0 : i32
        %dma_start3A_166 = tpu.memref_slice %arg11[%run_scoped3A_129, %mul3A_58, %dma_start3A_165] : memref<16x80x128xf32, #tpu.memory_space<hbm>> -> memref<1x8x128xf32, #tpu.memory_space<hbm>>
        %dma_start3A_167 = tpu.memref_squeeze %dma_start3A_166 : memref<1x8x128xf32, #tpu.memory_space<hbm>> -> memref<8x128xf32, #tpu.memory_space<hbm>>
        %dma_start3A_168 = arith.constant 0 : i32
        %dma_start3A_169 = tpu.memref_slice %arg11[%run_scoped3A_129, %mul3A_58, %dma_start3A_168] : memref<16x80x128xf32, #tpu.memory_space<hbm>> -> memref<1x8x128xf32, #tpu.memory_space<hbm>>
        %dma_start3A_170 = tpu.memref_squeeze %dma_start3A_169 : memref<1x8x128xf32, #tpu.memory_space<hbm>> -> memref<8x128xf32, #tpu.memory_space<hbm>>
        tpu.enqueue_dma source(%dma_start3A_170 : memref<8x128xf32, #tpu.memory_space<hbm>>) target(%arg23 : memref<8x128xf32, #tpu.memory_space<vmem>>) target_semaphore(%run_scoped3A_164 : memref<!tpu.dma_semaphore, #tpu.memory_space<semaphore_mem>>)
        %dma_wait3A_171 = arith.constant 0 : i32
        %dma_wait3A_172 = tpu.memref_slice %arg11[%run_scoped3A_129, %mul3A_58, %dma_wait3A_171] : memref<16x80x128xf32, #tpu.memory_space<hbm>> -> memref<1x8x128xf32, #tpu.memory_space<hbm>>
        %dma_wait3A_173 = tpu.memref_squeeze %dma_wait3A_172 : memref<1x8x128xf32, #tpu.memory_space<hbm>> -> memref<8x128xf32, #tpu.memory_space<hbm>>
        %dma_wait3A_174 = arith.constant 0 : i32
        %dma_wait3A_175 = tpu.memref_slice %arg11[%run_scoped3A_129, %mul3A_58, %dma_wait3A_174] : memref<16x80x128xf32, #tpu.memory_space<hbm>> -> memref<1x8x128xf32, #tpu.memory_space<hbm>>
        %dma_wait3A_176 = tpu.memref_squeeze %dma_wait3A_175 : memref<1x8x128xf32, #tpu.memory_space<hbm>> -> memref<8x128xf32, #tpu.memory_space<hbm>>
        tpu.wait_dma2 semaphore(%run_scoped3A_164 : memref<!tpu.dma_semaphore, #tpu.memory_space<semaphore_mem>>) src(%dma_wait3A_176 : memref<8x128xf32, #tpu.memory_space<hbm>>) dst(%arg23 : memref<8x128xf32, #tpu.memory_space<vmem>>)
        tpu.yield
      }) : () -> ()
      %scan3A_130 = arith.constant 0 : i32
      %scan3A_131 = arith.constant 0 : i32
      %scan3A_132 = arith.constant 8 : i32
      %scan3A_133 = arith.addi %scan3A_131, %scan3A_132 : i32
      %scan3A_134 = arith.constant 1 : i32
      scf.for %scan3A_164 = %scan3A_131 to %scan3A_133 step %scan3A_134  : i32 {
        %mul3A_165 = arith.constant 16 : i32
        %mul3A_166 = arith.muli %scan3A_164, %mul3A_165 : i32
        %get3A = arith.constant 0 : i32
        %get3A_167 = arith.index_cast %get3A : i32 to index
        %get3A_168 = arith.index_cast %mul3A_166 : i32 to index
        %get3A_169 = tpu.vector_load %arg24[%get3A_167, %get3A_168] {strides = array<i32>} : memref<8x128xf32, #tpu.memory_space<vmem>>, vector<16xf32>,
        %get3A_170 = arith.constant 0 : i32
        %get3A_171 = arith.index_cast %get3A_170 : i32 to index
        %get3A_172 = arith.index_cast %mul3A_166 : i32 to index
        %get3A_173 = tpu.vector_load %arg23[%get3A_171, %get3A_172] {strides = array<i32>} : memref<8x128xf32, #tpu.memory_space<vmem>>, vector<16xf32>,
        %add3A_174 = arith.addf %get3A_169, %get3A_173 : vector<16xf32>
        %swap3A = arith.constant 0 : i32
        %swap3A_175 = arith.index_cast %swap3A : i32 to index
        %swap3A_176 = arith.index_cast %mul3A_166 : i32 to index
        %swap3A_177 = tpu.vector_load %arg24[%swap3A_175, %swap3A_176] {strides = array<i32>} : memref<8x128xf32, #tpu.memory_space<vmem>>, vector<16xf32>,
        tpu.vector_store %arg24[%swap3A_175, %swap3A_176], %add3A_174 {strides = array<i32>} : memref<8x128xf32, #tpu.memory_space<vmem>>, vector<16xf32>,
        %get3A_178 = arith.constant 1 : i32
        %get3A_179 = arith.index_cast %get3A_178 : i32 to index
        %get3A_180 = arith.index_cast %mul3A_166 : i32 to index
        %get3A_181 = tpu.vector_load %arg24[%get3A_179, %get3A_180] {strides = array<i32>} : memref<8x128xf32, #tpu.memory_space<vmem>>, vector<16xf32>,
        %get3A_182 = arith.constant 1 : i32
        %get3A_183 = arith.index_cast %get3A_182 : i32 to index
        %get3A_184 = arith.index_cast %mul3A_166 : i32 to index
        %get3A_185 = tpu.vector_load %arg23[%get3A_183, %get3A_184] {strides = array<i32>} : memref<8x128xf32, #tpu.memory_space<vmem>>, vector<16xf32>,
        %add3A_186 = arith.addf %get3A_181, %get3A_185 : vector<16xf32>
        %swap3A_187 = arith.constant 1 : i32
        %swap3A_188 = arith.index_cast %swap3A_187 : i32 to index
        %swap3A_189 = arith.index_cast %mul3A_166 : i32 to index
        %swap3A_190 = tpu.vector_load %arg24[%swap3A_188, %swap3A_189] {strides = array<i32>} : memref<8x128xf32, #tpu.memory_space<vmem>>, vector<16xf32>,
        tpu.vector_store %arg24[%swap3A_188, %swap3A_189], %add3A_186 {strides = array<i32>} : memref<8x128xf32, #tpu.memory_space<vmem>>, vector<16xf32>,
        %get3A_191 = arith.constant 2 : i32
        %get3A_192 = arith.index_cast %get3A_191 : i32 to index
        %get3A_193 = arith.index_cast %mul3A_166 : i32 to index
        %get3A_194 = tpu.vector_load %arg24[%get3A_192, %get3A_193] {strides = array<i32>} : memref<8x128xf32, #tpu.memory_space<vmem>>, vector<16xf32>,
        %get3A_195 = arith.constant 2 : i32
        %get3A_196 = arith.index_cast %get3A_195 : i32 to index
        %get3A_197 = arith.index_cast %mul3A_166 : i32 to index
        %get3A_198 = tpu.vector_load %arg23[%get3A_196, %get3A_197] {strides = array<i32>} : memref<8x128xf32, #tpu.memory_space<vmem>>, vector<16xf32>,
        %add3A_199 = arith.addf %get3A_194, %get3A_198 : vector<16xf32>
        %swap3A_200 = arith.constant 2 : i32
        %swap3A_201 = arith.index_cast %swap3A_200 : i32 to index
        %swap3A_202 = arith.index_cast %mul3A_166 : i32 to index
        %swap3A_203 = tpu.vector_load %arg24[%swap3A_201, %swap3A_202] {strides = array<i32>} : memref<8x128xf32, #tpu.memory_space<vmem>>, vector<16xf32>,
        tpu.vector_store %arg24[%swap3A_201, %swap3A_202], %add3A_199 {strides = array<i32>} : memref<8x128xf32, #tpu.memory_space<vmem>>, vector<16xf32>,
        %get3A_204 = arith.constant 3 : i32
        %get3A_205 = arith.index_cast %get3A_204 : i32 to index
        %get3A_206 = arith.index_cast %mul3A_166 : i32 to index
        %get3A_207 = tpu.vector_load %arg24[%get3A_205, %get3A_206] {strides = array<i32>} : memref<8x128xf32, #tpu.memory_space<vmem>>, vector<16xf32>,
        %get3A_208 = arith.constant 3 : i32
        %get3A_209 = arith.index_cast %get3A_208 : i32 to index
        %get3A_210 = arith.index_cast %mul3A_166 : i32 to index
        %get3A_211 = tpu.vector_load %arg23[%get3A_209, %get3A_210] {strides = array<i32>} : memref<8x128xf32, #tpu.memory_space<vmem>>, vector<16xf32>,
        %add3A_212 = arith.addf %get3A_207, %get3A_211 : vector<16xf32>
        %swap3A_213 = arith.constant 3 : i32
        %swap3A_214 = arith.index_cast %swap3A_213 : i32 to index
        %swap3A_215 = arith.index_cast %mul3A_166 : i32 to index
        %swap3A_216 = tpu.vector_load %arg24[%swap3A_214, %swap3A_215] {strides = array<i32>} : memref<8x128xf32, #tpu.memory_space<vmem>>, vector<16xf32>,
        tpu.vector_store %arg24[%swap3A_214, %swap3A_215], %add3A_212 {strides = array<i32>} : memref<8x128xf32, #tpu.memory_space<vmem>>, vector<16xf32>,
        %get3A_217 = arith.constant 4 : i32
        %get3A_218 = arith.index_cast %get3A_217 : i32 to index
        %get3A_219 = arith.index_cast %mul3A_166 : i32 to index
        %get3A_220 = tpu.vector_load %arg24[%get3A_218, %get3A_219] {strides = array<i32>} : memref<8x128xf32, #tpu.memory_space<vmem>>, vector<16xf32>,
        %get3A_221 = arith.constant 4 : i32
        %get3A_222 = arith.index_cast %get3A_221 : i32 to index
        %get3A_223 = arith.index_cast %mul3A_166 : i32 to index
        %get3A_224 = tpu.vector_load %arg23[%get3A_222, %get3A_223] {strides = array<i32>} : memref<8x128xf32, #tpu.memory_space<vmem>>, vector<16xf32>,
        %add3A_225 = arith.addf %get3A_220, %get3A_224 : vector<16xf32>
        %swap3A_226 = arith.constant 4 : i32
        %swap3A_227 = arith.index_cast %swap3A_226 : i32 to index
        %swap3A_228 = arith.index_cast %mul3A_166 : i32 to index
        %swap3A_229 = tpu.vector_load %arg24[%swap3A_227, %swap3A_228] {strides = array<i32>} : memref<8x128xf32, #tpu.memory_space<vmem>>, vector<16xf32>,
        tpu.vector_store %arg24[%swap3A_227, %swap3A_228], %add3A_225 {strides = array<i32>} : memref<8x128xf32, #tpu.memory_space<vmem>>, vector<16xf32>,
        %get3A_230 = arith.constant 5 : i32
        %get3A_231 = arith.index_cast %get3A_230 : i32 to index
        %get3A_232 = arith.index_cast %mul3A_166 : i32 to index
        %get3A_233 = tpu.vector_load %arg24[%get3A_231, %get3A_232] {strides = array<i32>} : memref<8x128xf32, #tpu.memory_space<vmem>>, vector<16xf32>,
        %get3A_234 = arith.constant 5 : i32
        %get3A_235 = arith.index_cast %get3A_234 : i32 to index
        %get3A_236 = arith.index_cast %mul3A_166 : i32 to index
        %get3A_237 = tpu.vector_load %arg23[%get3A_235, %get3A_236] {strides = array<i32>} : memref<8x128xf32, #tpu.memory_space<vmem>>, vector<16xf32>,
        %add3A_238 = arith.addf %get3A_233, %get3A_237 : vector<16xf32>
        %swap3A_239 = arith.constant 5 : i32
        %swap3A_240 = arith.index_cast %swap3A_239 : i32 to index
        %swap3A_241 = arith.index_cast %mul3A_166 : i32 to index
        %swap3A_242 = tpu.vector_load %arg24[%swap3A_240, %swap3A_241] {strides = array<i32>} : memref<8x128xf32, #tpu.memory_space<vmem>>, vector<16xf32>,
        tpu.vector_store %arg24[%swap3A_240, %swap3A_241], %add3A_238 {strides = array<i32>} : memref<8x128xf32, #tpu.memory_space<vmem>>, vector<16xf32>,
        %get3A_243 = arith.constant 6 : i32
        %get3A_244 = arith.index_cast %get3A_243 : i32 to index
        %get3A_245 = arith.index_cast %mul3A_166 : i32 to index
        %get3A_246 = tpu.vector_load %arg24[%get3A_244, %get3A_245] {strides = array<i32>} : memref<8x128xf32, #tpu.memory_space<vmem>>, vector<16xf32>,
        %get3A_247 = arith.constant 6 : i32
        %get3A_248 = arith.index_cast %get3A_247 : i32 to index
        %get3A_249 = arith.index_cast %mul3A_166 : i32 to index
        %get3A_250 = tpu.vector_load %arg23[%get3A_248, %get3A_249] {strides = array<i32>} : memref<8x128xf32, #tpu.memory_space<vmem>>, vector<16xf32>,
        %add3A_251 = arith.addf %get3A_246, %get3A_250 : vector<16xf32>
        %swap3A_252 = arith.constant 6 : i32
        %swap3A_253 = arith.index_cast %swap3A_252 : i32 to index
        %swap3A_254 = arith.index_cast %mul3A_166 : i32 to index
        %swap3A_255 = tpu.vector_load %arg24[%swap3A_253, %swap3A_254] {strides = array<i32>} : memref<8x128xf32, #tpu.memory_space<vmem>>, vector<16xf32>,
        tpu.vector_store %arg24[%swap3A_253, %swap3A_254], %add3A_251 {strides = array<i32>} : memref<8x128xf32, #tpu.memory_space<vmem>>, vector<16xf32>,
        %get3A_256 = arith.constant 7 : i32
        %get3A_257 = arith.index_cast %get3A_256 : i32 to index
        %get3A_258 = arith.index_cast %mul3A_166 : i32 to index
        %get3A_259 = tpu.vector_load %arg24[%get3A_257, %get3A_258] {strides = array<i32>} : memref<8x128xf32, #tpu.memory_space<vmem>>, vector<16xf32>,
        %get3A_260 = arith.constant 7 : i32
        %get3A_261 = arith.index_cast %get3A_260 : i32 to index
        %get3A_262 = arith.index_cast %mul3A_166 : i32 to index
        %get3A_263 = tpu.vector_load %arg23[%get3A_261, %get3A_262] {strides = array<i32>} : memref<8x128xf32, #tpu.memory_space<vmem>>, vector<16xf32>,
        %add3A_264 = arith.addf %get3A_259, %get3A_263 : vector<16xf32>
        %swap3A_265 = arith.constant 7 : i32
        %swap3A_266 = arith.index_cast %swap3A_265 : i32 to index
        %swap3A_267 = arith.index_cast %mul3A_166 : i32 to index
        %swap3A_268 = tpu.vector_load %arg24[%swap3A_266, %swap3A_267] {strides = array<i32>} : memref<8x128xf32, #tpu.memory_space<vmem>>, vector<16xf32>,
        tpu.vector_store %arg24[%swap3A_266, %swap3A_267], %add3A_264 {strides = array<i32>} : memref<8x128xf32, #tpu.memory_space<vmem>>, vector<16xf32>,
      }
      %scan3A_135 = arith.constant 8 : i32
      %run_scoped3A_136 = arith.constant 12 : i32
      "tpu.region"() ({
        %run_scoped3A_164 = tpu.sem_alloc : memref<!tpu.dma_semaphore, #tpu.memory_space<semaphore_mem>>
        %dma_start3A_165 = arith.constant 0 : i32
        %dma_start3A_166 = tpu.memref_slice %arg11[%run_scoped3A_136, %mul3A_58, %dma_start3A_165] : memref<16x80x128xf32, #tpu.memory_space<hbm>> -> memref<1x8x128xf32, #tpu.memory_space<hbm>>
        %dma_start3A_167 = tpu.memref_squeeze %dma_start3A_166 : memref<1x8x128xf32, #tpu.memory_space<hbm>> -> memref<8x128xf32, #tpu.memory_space<hbm>>
        %dma_start3A_168 = arith.constant 0 : i32
        %dma_start3A_169 = tpu.memref_slice %arg11[%run_scoped3A_136, %mul3A_58, %dma_start3A_168] : memref<16x80x128xf32, #tpu.memory_space<hbm>> -> memref<1x8x128xf32, #tpu.memory_space<hbm>>
        %dma_start3A_170 = tpu.memref_squeeze %dma_start3A_169 : memref<1x8x128xf32, #tpu.memory_space<hbm>> -> memref<8x128xf32, #tpu.memory_space<hbm>>
        tpu.enqueue_dma source(%dma_start3A_170 : memref<8x128xf32, #tpu.memory_space<hbm>>) target(%arg23 : memref<8x128xf32, #tpu.memory_space<vmem>>) target_semaphore(%run_scoped3A_164 : memref<!tpu.dma_semaphore, #tpu.memory_space<semaphore_mem>>)
        %dma_wait3A_171 = arith.constant 0 : i32
        %dma_wait3A_172 = tpu.memref_slice %arg11[%run_scoped3A_136, %mul3A_58, %dma_wait3A_171] : memref<16x80x128xf32, #tpu.memory_space<hbm>> -> memref<1x8x128xf32, #tpu.memory_space<hbm>>
        %dma_wait3A_173 = tpu.memref_squeeze %dma_wait3A_172 : memref<1x8x128xf32, #tpu.memory_space<hbm>> -> memref<8x128xf32, #tpu.memory_space<hbm>>
        %dma_wait3A_174 = arith.constant 0 : i32
        %dma_wait3A_175 = tpu.memref_slice %arg11[%run_scoped3A_136, %mul3A_58, %dma_wait3A_174] : memref<16x80x128xf32, #tpu.memory_space<hbm>> -> memref<1x8x128xf32, #tpu.memory_space<hbm>>
        %dma_wait3A_176 = tpu.memref_squeeze %dma_wait3A_175 : memref<1x8x128xf32, #tpu.memory_space<hbm>> -> memref<8x128xf32, #tpu.memory_space<hbm>>
        tpu.wait_dma2 semaphore(%run_scoped3A_164 : memref<!tpu.dma_semaphore, #tpu.memory_space<semaphore_mem>>) src(%dma_wait3A_176 : memref<8x128xf32, #tpu.memory_space<hbm>>) dst(%arg23 : memref<8x128xf32, #tpu.memory_space<vmem>>)
        tpu.yield
      }) : () -> ()
      %scan3A_137 = arith.constant 0 : i32
      %scan3A_138 = arith.constant 0 : i32
      %scan3A_139 = arith.constant 8 : i32
      %scan3A_140 = arith.addi %scan3A_138, %scan3A_139 : i32
      %scan3A_141 = arith.constant 1 : i32
      scf.for %scan3A_164 = %scan3A_138 to %scan3A_140 step %scan3A_141  : i32 {
        %mul3A_165 = arith.constant 16 : i32
        %mul3A_166 = arith.muli %scan3A_164, %mul3A_165 : i32
        %get3A = arith.constant 0 : i32
        %get3A_167 = arith.index_cast %get3A : i32 to index
        %get3A_168 = arith.index_cast %mul3A_166 : i32 to index
        %get3A_169 = tpu.vector_load %arg24[%get3A_167, %get3A_168] {strides = array<i32>} : memref<8x128xf32, #tpu.memory_space<vmem>>, vector<16xf32>,
        %get3A_170 = arith.constant 0 : i32
        %get3A_171 = arith.index_cast %get3A_170 : i32 to index
        %get3A_172 = arith.index_cast %mul3A_166 : i32 to index
        %get3A_173 = tpu.vector_load %arg23[%get3A_171, %get3A_172] {strides = array<i32>} : memref<8x128xf32, #tpu.memory_space<vmem>>, vector<16xf32>,
        %add3A_174 = arith.addf %get3A_169, %get3A_173 : vector<16xf32>
        %swap3A = arith.constant 0 : i32
        %swap3A_175 = arith.index_cast %swap3A : i32 to index
        %swap3A_176 = arith.index_cast %mul3A_166 : i32 to index
        %swap3A_177 = tpu.vector_load %arg24[%swap3A_175, %swap3A_176] {strides = array<i32>} : memref<8x128xf32, #tpu.memory_space<vmem>>, vector<16xf32>,
        tpu.vector_store %arg24[%swap3A_175, %swap3A_176], %add3A_174 {strides = array<i32>} : memref<8x128xf32, #tpu.memory_space<vmem>>, vector<16xf32>,
        %get3A_178 = arith.constant 1 : i32
        %get3A_179 = arith.index_cast %get3A_178 : i32 to index
        %get3A_180 = arith.index_cast %mul3A_166 : i32 to index
        %get3A_181 = tpu.vector_load %arg24[%get3A_179, %get3A_180] {strides = array<i32>} : memref<8x128xf32, #tpu.memory_space<vmem>>, vector<16xf32>,
        %get3A_182 = arith.constant 1 : i32
        %get3A_183 = arith.index_cast %get3A_182 : i32 to index
        %get3A_184 = arith.index_cast %mul3A_166 : i32 to index
        %get3A_185 = tpu.vector_load %arg23[%get3A_183, %get3A_184] {strides = array<i32>} : memref<8x128xf32, #tpu.memory_space<vmem>>, vector<16xf32>,
        %add3A_186 = arith.addf %get3A_181, %get3A_185 : vector<16xf32>
        %swap3A_187 = arith.constant 1 : i32
        %swap3A_188 = arith.index_cast %swap3A_187 : i32 to index
        %swap3A_189 = arith.index_cast %mul3A_166 : i32 to index
        %swap3A_190 = tpu.vector_load %arg24[%swap3A_188, %swap3A_189] {strides = array<i32>} : memref<8x128xf32, #tpu.memory_space<vmem>>, vector<16xf32>,
        tpu.vector_store %arg24[%swap3A_188, %swap3A_189], %add3A_186 {strides = array<i32>} : memref<8x128xf32, #tpu.memory_space<vmem>>, vector<16xf32>,
        %get3A_191 = arith.constant 2 : i32
        %get3A_192 = arith.index_cast %get3A_191 : i32 to index
        %get3A_193 = arith.index_cast %mul3A_166 : i32 to index
        %get3A_194 = tpu.vector_load %arg24[%get3A_192, %get3A_193] {strides = array<i32>} : memref<8x128xf32, #tpu.memory_space<vmem>>, vector<16xf32>,
        %get3A_195 = arith.constant 2 : i32
        %get3A_196 = arith.index_cast %get3A_195 : i32 to index
        %get3A_197 = arith.index_cast %mul3A_166 : i32 to index
        %get3A_198 = tpu.vector_load %arg23[%get3A_196, %get3A_197] {strides = array<i32>} : memref<8x128xf32, #tpu.memory_space<vmem>>, vector<16xf32>,
        %add3A_199 = arith.addf %get3A_194, %get3A_198 : vector<16xf32>
        %swap3A_200 = arith.constant 2 : i32
        %swap3A_201 = arith.index_cast %swap3A_200 : i32 to index
        %swap3A_202 = arith.index_cast %mul3A_166 : i32 to index
        %swap3A_203 = tpu.vector_load %arg24[%swap3A_201, %swap3A_202] {strides = array<i32>} : memref<8x128xf32, #tpu.memory_space<vmem>>, vector<16xf32>,
        tpu.vector_store %arg24[%swap3A_201, %swap3A_202], %add3A_199 {strides = array<i32>} : memref<8x128xf32, #tpu.memory_space<vmem>>, vector<16xf32>,
        %get3A_204 = arith.constant 3 : i32
        %get3A_205 = arith.index_cast %get3A_204 : i32 to index
        %get3A_206 = arith.index_cast %mul3A_166 : i32 to index
        %get3A_207 = tpu.vector_load %arg24[%get3A_205, %get3A_206] {strides = array<i32>} : memref<8x128xf32, #tpu.memory_space<vmem>>, vector<16xf32>,
        %get3A_208 = arith.constant 3 : i32
        %get3A_209 = arith.index_cast %get3A_208 : i32 to index
        %get3A_210 = arith.index_cast %mul3A_166 : i32 to index
        %get3A_211 = tpu.vector_load %arg23[%get3A_209, %get3A_210] {strides = array<i32>} : memref<8x128xf32, #tpu.memory_space<vmem>>, vector<16xf32>,
        %add3A_212 = arith.addf %get3A_207, %get3A_211 : vector<16xf32>
        %swap3A_213 = arith.constant 3 : i32
        %swap3A_214 = arith.index_cast %swap3A_213 : i32 to index
        %swap3A_215 = arith.index_cast %mul3A_166 : i32 to index
        %swap3A_216 = tpu.vector_load %arg24[%swap3A_214, %swap3A_215] {strides = array<i32>} : memref<8x128xf32, #tpu.memory_space<vmem>>, vector<16xf32>,
        tpu.vector_store %arg24[%swap3A_214, %swap3A_215], %add3A_212 {strides = array<i32>} : memref<8x128xf32, #tpu.memory_space<vmem>>, vector<16xf32>,
        %get3A_217 = arith.constant 4 : i32
        %get3A_218 = arith.index_cast %get3A_217 : i32 to index
        %get3A_219 = arith.index_cast %mul3A_166 : i32 to index
        %get3A_220 = tpu.vector_load %arg24[%get3A_218, %get3A_219] {strides = array<i32>} : memref<8x128xf32, #tpu.memory_space<vmem>>, vector<16xf32>,
        %get3A_221 = arith.constant 4 : i32
        %get3A_222 = arith.index_cast %get3A_221 : i32 to index
        %get3A_223 = arith.index_cast %mul3A_166 : i32 to index
        %get3A_224 = tpu.vector_load %arg23[%get3A_222, %get3A_223] {strides = array<i32>} : memref<8x128xf32, #tpu.memory_space<vmem>>, vector<16xf32>,
        %add3A_225 = arith.addf %get3A_220, %get3A_224 : vector<16xf32>
        %swap3A_226 = arith.constant 4 : i32
        %swap3A_227 = arith.index_cast %swap3A_226 : i32 to index
        %swap3A_228 = arith.index_cast %mul3A_166 : i32 to index
        %swap3A_229 = tpu.vector_load %arg24[%swap3A_227, %swap3A_228] {strides = array<i32>} : memref<8x128xf32, #tpu.memory_space<vmem>>, vector<16xf32>,
        tpu.vector_store %arg24[%swap3A_227, %swap3A_228], %add3A_225 {strides = array<i32>} : memref<8x128xf32, #tpu.memory_space<vmem>>, vector<16xf32>,
        %get3A_230 = arith.constant 5 : i32
        %get3A_231 = arith.index_cast %get3A_230 : i32 to index
        %get3A_232 = arith.index_cast %mul3A_166 : i32 to index
        %get3A_233 = tpu.vector_load %arg24[%get3A_231, %get3A_232] {strides = array<i32>} : memref<8x128xf32, #tpu.memory_space<vmem>>, vector<16xf32>,
        %get3A_234 = arith.constant 5 : i32
        %get3A_235 = arith.index_cast %get3A_234 : i32 to index
        %get3A_236 = arith.index_cast %mul3A_166 : i32 to index
        %get3A_237 = tpu.vector_load %arg23[%get3A_235, %get3A_236] {strides = array<i32>} : memref<8x128xf32, #tpu.memory_space<vmem>>, vector<16xf32>,
        %add3A_238 = arith.addf %get3A_233, %get3A_237 : vector<16xf32>
        %swap3A_239 = arith.constant 5 : i32
        %swap3A_240 = arith.index_cast %swap3A_239 : i32 to index
        %swap3A_241 = arith.index_cast %mul3A_166 : i32 to index
        %swap3A_242 = tpu.vector_load %arg24[%swap3A_240, %swap3A_241] {strides = array<i32>} : memref<8x128xf32, #tpu.memory_space<vmem>>, vector<16xf32>,
        tpu.vector_store %arg24[%swap3A_240, %swap3A_241], %add3A_238 {strides = array<i32>} : memref<8x128xf32, #tpu.memory_space<vmem>>, vector<16xf32>,
        %get3A_243 = arith.constant 6 : i32
        %get3A_244 = arith.index_cast %get3A_243 : i32 to index
        %get3A_245 = arith.index_cast %mul3A_166 : i32 to index
        %get3A_246 = tpu.vector_load %arg24[%get3A_244, %get3A_245] {strides = array<i32>} : memref<8x128xf32, #tpu.memory_space<vmem>>, vector<16xf32>,
        %get3A_247 = arith.constant 6 : i32
        %get3A_248 = arith.index_cast %get3A_247 : i32 to index
        %get3A_249 = arith.index_cast %mul3A_166 : i32 to index
        %get3A_250 = tpu.vector_load %arg23[%get3A_248, %get3A_249] {strides = array<i32>} : memref<8x128xf32, #tpu.memory_space<vmem>>, vector<16xf32>,
        %add3A_251 = arith.addf %get3A_246, %get3A_250 : vector<16xf32>
        %swap3A_252 = arith.constant 6 : i32
        %swap3A_253 = arith.index_cast %swap3A_252 : i32 to index
        %swap3A_254 = arith.index_cast %mul3A_166 : i32 to index
        %swap3A_255 = tpu.vector_load %arg24[%swap3A_253, %swap3A_254] {strides = array<i32>} : memref<8x128xf32, #tpu.memory_space<vmem>>, vector<16xf32>,
        tpu.vector_store %arg24[%swap3A_253, %swap3A_254], %add3A_251 {strides = array<i32>} : memref<8x128xf32, #tpu.memory_space<vmem>>, vector<16xf32>,
        %get3A_256 = arith.constant 7 : i32
        %get3A_257 = arith.index_cast %get3A_256 : i32 to index
        %get3A_258 = arith.index_cast %mul3A_166 : i32 to index
        %get3A_259 = tpu.vector_load %arg24[%get3A_257, %get3A_258] {strides = array<i32>} : memref<8x128xf32, #tpu.memory_space<vmem>>, vector<16xf32>,
        %get3A_260 = arith.constant 7 : i32
        %get3A_261 = arith.index_cast %get3A_260 : i32 to index
        %get3A_262 = arith.index_cast %mul3A_166 : i32 to index
        %get3A_263 = tpu.vector_load %arg23[%get3A_261, %get3A_262] {strides = array<i32>} : memref<8x128xf32, #tpu.memory_space<vmem>>, vector<16xf32>,
        %add3A_264 = arith.addf %get3A_259, %get3A_263 : vector<16xf32>
        %swap3A_265 = arith.constant 7 : i32
        %swap3A_266 = arith.index_cast %swap3A_265 : i32 to index
        %swap3A_267 = arith.index_cast %mul3A_166 : i32 to index
        %swap3A_268 = tpu.vector_load %arg24[%swap3A_266, %swap3A_267] {strides = array<i32>} : memref<8x128xf32, #tpu.memory_space<vmem>>, vector<16xf32>,
        tpu.vector_store %arg24[%swap3A_266, %swap3A_267], %add3A_264 {strides = array<i32>} : memref<8x128xf32, #tpu.memory_space<vmem>>, vector<16xf32>,
      }
      %scan3A_142 = arith.constant 8 : i32
      %run_scoped3A_143 = arith.constant 13 : i32
      "tpu.region"() ({
        %run_scoped3A_164 = tpu.sem_alloc : memref<!tpu.dma_semaphore, #tpu.memory_space<semaphore_mem>>
        %dma_start3A_165 = arith.constant 0 : i32
        %dma_start3A_166 = tpu.memref_slice %arg11[%run_scoped3A_143, %mul3A_58, %dma_start3A_165] : memref<16x80x128xf32, #tpu.memory_space<hbm>> -> memref<1x8x128xf32, #tpu.memory_space<hbm>>
        %dma_start3A_167 = tpu.memref_squeeze %dma_start3A_166 : memref<1x8x128xf32, #tpu.memory_space<hbm>> -> memref<8x128xf32, #tpu.memory_space<hbm>>
        %dma_start3A_168 = arith.constant 0 : i32
        %dma_start3A_169 = tpu.memref_slice %arg11[%run_scoped3A_143, %mul3A_58, %dma_start3A_168] : memref<16x80x128xf32, #tpu.memory_space<hbm>> -> memref<1x8x128xf32, #tpu.memory_space<hbm>>
        %dma_start3A_170 = tpu.memref_squeeze %dma_start3A_169 : memref<1x8x128xf32, #tpu.memory_space<hbm>> -> memref<8x128xf32, #tpu.memory_space<hbm>>
        tpu.enqueue_dma source(%dma_start3A_170 : memref<8x128xf32, #tpu.memory_space<hbm>>) target(%arg23 : memref<8x128xf32, #tpu.memory_space<vmem>>) target_semaphore(%run_scoped3A_164 : memref<!tpu.dma_semaphore, #tpu.memory_space<semaphore_mem>>)
        %dma_wait3A_171 = arith.constant 0 : i32
        %dma_wait3A_172 = tpu.memref_slice %arg11[%run_scoped3A_143, %mul3A_58, %dma_wait3A_171] : memref<16x80x128xf32, #tpu.memory_space<hbm>> -> memref<1x8x128xf32, #tpu.memory_space<hbm>>
        %dma_wait3A_173 = tpu.memref_squeeze %dma_wait3A_172 : memref<1x8x128xf32, #tpu.memory_space<hbm>> -> memref<8x128xf32, #tpu.memory_space<hbm>>
        %dma_wait3A_174 = arith.constant 0 : i32
        %dma_wait3A_175 = tpu.memref_slice %arg11[%run_scoped3A_143, %mul3A_58, %dma_wait3A_174] : memref<16x80x128xf32, #tpu.memory_space<hbm>> -> memref<1x8x128xf32, #tpu.memory_space<hbm>>
        %dma_wait3A_176 = tpu.memref_squeeze %dma_wait3A_175 : memref<1x8x128xf32, #tpu.memory_space<hbm>> -> memref<8x128xf32, #tpu.memory_space<hbm>>
        tpu.wait_dma2 semaphore(%run_scoped3A_164 : memref<!tpu.dma_semaphore, #tpu.memory_space<semaphore_mem>>) src(%dma_wait3A_176 : memref<8x128xf32, #tpu.memory_space<hbm>>) dst(%arg23 : memref<8x128xf32, #tpu.memory_space<vmem>>)
        tpu.yield
      }) : () -> ()
      %scan3A_144 = arith.constant 0 : i32
      %scan3A_145 = arith.constant 0 : i32
      %scan3A_146 = arith.constant 8 : i32
      %scan3A_147 = arith.addi %scan3A_145, %scan3A_146 : i32
      %scan3A_148 = arith.constant 1 : i32
      scf.for %scan3A_164 = %scan3A_145 to %scan3A_147 step %scan3A_148  : i32 {
        %mul3A_165 = arith.constant 16 : i32
        %mul3A_166 = arith.muli %scan3A_164, %mul3A_165 : i32
        %get3A = arith.constant 0 : i32
        %get3A_167 = arith.index_cast %get3A : i32 to index
        %get3A_168 = arith.index_cast %mul3A_166 : i32 to index
        %get3A_169 = tpu.vector_load %arg24[%get3A_167, %get3A_168] {strides = array<i32>} : memref<8x128xf32, #tpu.memory_space<vmem>>, vector<16xf32>,
        %get3A_170 = arith.constant 0 : i32
        %get3A_171 = arith.index_cast %get3A_170 : i32 to index
        %get3A_172 = arith.index_cast %mul3A_166 : i32 to index
        %get3A_173 = tpu.vector_load %arg23[%get3A_171, %get3A_172] {strides = array<i32>} : memref<8x128xf32, #tpu.memory_space<vmem>>, vector<16xf32>,
        %add3A_174 = arith.addf %get3A_169, %get3A_173 : vector<16xf32>
        %swap3A = arith.constant 0 : i32
        %swap3A_175 = arith.index_cast %swap3A : i32 to index
        %swap3A_176 = arith.index_cast %mul3A_166 : i32 to index
        %swap3A_177 = tpu.vector_load %arg24[%swap3A_175, %swap3A_176] {strides = array<i32>} : memref<8x128xf32, #tpu.memory_space<vmem>>, vector<16xf32>,
        tpu.vector_store %arg24[%swap3A_175, %swap3A_176], %add3A_174 {strides = array<i32>} : memref<8x128xf32, #tpu.memory_space<vmem>>, vector<16xf32>,
        %get3A_178 = arith.constant 1 : i32
        %get3A_179 = arith.index_cast %get3A_178 : i32 to index
        %get3A_180 = arith.index_cast %mul3A_166 : i32 to index
        %get3A_181 = tpu.vector_load %arg24[%get3A_179, %get3A_180] {strides = array<i32>} : memref<8x128xf32, #tpu.memory_space<vmem>>, vector<16xf32>,
        %get3A_182 = arith.constant 1 : i32
        %get3A_183 = arith.index_cast %get3A_182 : i32 to index
        %get3A_184 = arith.index_cast %mul3A_166 : i32 to index
        %get3A_185 = tpu.vector_load %arg23[%get3A_183, %get3A_184] {strides = array<i32>} : memref<8x128xf32, #tpu.memory_space<vmem>>, vector<16xf32>,
        %add3A_186 = arith.addf %get3A_181, %get3A_185 : vector<16xf32>
        %swap3A_187 = arith.constant 1 : i32
        %swap3A_188 = arith.index_cast %swap3A_187 : i32 to index
        %swap3A_189 = arith.index_cast %mul3A_166 : i32 to index
        %swap3A_190 = tpu.vector_load %arg24[%swap3A_188, %swap3A_189] {strides = array<i32>} : memref<8x128xf32, #tpu.memory_space<vmem>>, vector<16xf32>,
        tpu.vector_store %arg24[%swap3A_188, %swap3A_189], %add3A_186 {strides = array<i32>} : memref<8x128xf32, #tpu.memory_space<vmem>>, vector<16xf32>,
        %get3A_191 = arith.constant 2 : i32
        %get3A_192 = arith.index_cast %get3A_191 : i32 to index
        %get3A_193 = arith.index_cast %mul3A_166 : i32 to index
        %get3A_194 = tpu.vector_load %arg24[%get3A_192, %get3A_193] {strides = array<i32>} : memref<8x128xf32, #tpu.memory_space<vmem>>, vector<16xf32>,
        %get3A_195 = arith.constant 2 : i32
        %get3A_196 = arith.index_cast %get3A_195 : i32 to index
        %get3A_197 = arith.index_cast %mul3A_166 : i32 to index
        %get3A_198 = tpu.vector_load %arg23[%get3A_196, %get3A_197] {strides = array<i32>} : memref<8x128xf32, #tpu.memory_space<vmem>>, vector<16xf32>,
        %add3A_199 = arith.addf %get3A_194, %get3A_198 : vector<16xf32>
        %swap3A_200 = arith.constant 2 : i32
        %swap3A_201 = arith.index_cast %swap3A_200 : i32 to index
        %swap3A_202 = arith.index_cast %mul3A_166 : i32 to index
        %swap3A_203 = tpu.vector_load %arg24[%swap3A_201, %swap3A_202] {strides = array<i32>} : memref<8x128xf32, #tpu.memory_space<vmem>>, vector<16xf32>,
        tpu.vector_store %arg24[%swap3A_201, %swap3A_202], %add3A_199 {strides = array<i32>} : memref<8x128xf32, #tpu.memory_space<vmem>>, vector<16xf32>,
        %get3A_204 = arith.constant 3 : i32
        %get3A_205 = arith.index_cast %get3A_204 : i32 to index
        %get3A_206 = arith.index_cast %mul3A_166 : i32 to index
        %get3A_207 = tpu.vector_load %arg24[%get3A_205, %get3A_206] {strides = array<i32>} : memref<8x128xf32, #tpu.memory_space<vmem>>, vector<16xf32>,
        %get3A_208 = arith.constant 3 : i32
        %get3A_209 = arith.index_cast %get3A_208 : i32 to index
        %get3A_210 = arith.index_cast %mul3A_166 : i32 to index
        %get3A_211 = tpu.vector_load %arg23[%get3A_209, %get3A_210] {strides = array<i32>} : memref<8x128xf32, #tpu.memory_space<vmem>>, vector<16xf32>,
        %add3A_212 = arith.addf %get3A_207, %get3A_211 : vector<16xf32>
        %swap3A_213 = arith.constant 3 : i32
        %swap3A_214 = arith.index_cast %swap3A_213 : i32 to index
        %swap3A_215 = arith.index_cast %mul3A_166 : i32 to index
        %swap3A_216 = tpu.vector_load %arg24[%swap3A_214, %swap3A_215] {strides = array<i32>} : memref<8x128xf32, #tpu.memory_space<vmem>>, vector<16xf32>,
        tpu.vector_store %arg24[%swap3A_214, %swap3A_215], %add3A_212 {strides = array<i32>} : memref<8x128xf32, #tpu.memory_space<vmem>>, vector<16xf32>,
        %get3A_217 = arith.constant 4 : i32
        %get3A_218 = arith.index_cast %get3A_217 : i32 to index
        %get3A_219 = arith.index_cast %mul3A_166 : i32 to index
        %get3A_220 = tpu.vector_load %arg24[%get3A_218, %get3A_219] {strides = array<i32>} : memref<8x128xf32, #tpu.memory_space<vmem>>, vector<16xf32>,
        %get3A_221 = arith.constant 4 : i32
        %get3A_222 = arith.index_cast %get3A_221 : i32 to index
        %get3A_223 = arith.index_cast %mul3A_166 : i32 to index
        %get3A_224 = tpu.vector_load %arg23[%get3A_222, %get3A_223] {strides = array<i32>} : memref<8x128xf32, #tpu.memory_space<vmem>>, vector<16xf32>,
        %add3A_225 = arith.addf %get3A_220, %get3A_224 : vector<16xf32>
        %swap3A_226 = arith.constant 4 : i32
        %swap3A_227 = arith.index_cast %swap3A_226 : i32 to index
        %swap3A_228 = arith.index_cast %mul3A_166 : i32 to index
        %swap3A_229 = tpu.vector_load %arg24[%swap3A_227, %swap3A_228] {strides = array<i32>} : memref<8x128xf32, #tpu.memory_space<vmem>>, vector<16xf32>,
        tpu.vector_store %arg24[%swap3A_227, %swap3A_228], %add3A_225 {strides = array<i32>} : memref<8x128xf32, #tpu.memory_space<vmem>>, vector<16xf32>,
        %get3A_230 = arith.constant 5 : i32
        %get3A_231 = arith.index_cast %get3A_230 : i32 to index
        %get3A_232 = arith.index_cast %mul3A_166 : i32 to index
        %get3A_233 = tpu.vector_load %arg24[%get3A_231, %get3A_232] {strides = array<i32>} : memref<8x128xf32, #tpu.memory_space<vmem>>, vector<16xf32>,
        %get3A_234 = arith.constant 5 : i32
        %get3A_235 = arith.index_cast %get3A_234 : i32 to index
        %get3A_236 = arith.index_cast %mul3A_166 : i32 to index
        %get3A_237 = tpu.vector_load %arg23[%get3A_235, %get3A_236] {strides = array<i32>} : memref<8x128xf32, #tpu.memory_space<vmem>>, vector<16xf32>,
        %add3A_238 = arith.addf %get3A_233, %get3A_237 : vector<16xf32>
        %swap3A_239 = arith.constant 5 : i32
        %swap3A_240 = arith.index_cast %swap3A_239 : i32 to index
        %swap3A_241 = arith.index_cast %mul3A_166 : i32 to index
        %swap3A_242 = tpu.vector_load %arg24[%swap3A_240, %swap3A_241] {strides = array<i32>} : memref<8x128xf32, #tpu.memory_space<vmem>>, vector<16xf32>,
        tpu.vector_store %arg24[%swap3A_240, %swap3A_241], %add3A_238 {strides = array<i32>} : memref<8x128xf32, #tpu.memory_space<vmem>>, vector<16xf32>,
        %get3A_243 = arith.constant 6 : i32
        %get3A_244 = arith.index_cast %get3A_243 : i32 to index
        %get3A_245 = arith.index_cast %mul3A_166 : i32 to index
        %get3A_246 = tpu.vector_load %arg24[%get3A_244, %get3A_245] {strides = array<i32>} : memref<8x128xf32, #tpu.memory_space<vmem>>, vector<16xf32>,
        %get3A_247 = arith.constant 6 : i32
        %get3A_248 = arith.index_cast %get3A_247 : i32 to index
        %get3A_249 = arith.index_cast %mul3A_166 : i32 to index
        %get3A_250 = tpu.vector_load %arg23[%get3A_248, %get3A_249] {strides = array<i32>} : memref<8x128xf32, #tpu.memory_space<vmem>>, vector<16xf32>,
        %add3A_251 = arith.addf %get3A_246, %get3A_250 : vector<16xf32>
        %swap3A_252 = arith.constant 6 : i32
        %swap3A_253 = arith.index_cast %swap3A_252 : i32 to index
        %swap3A_254 = arith.index_cast %mul3A_166 : i32 to index
        %swap3A_255 = tpu.vector_load %arg24[%swap3A_253, %swap3A_254] {strides = array<i32>} : memref<8x128xf32, #tpu.memory_space<vmem>>, vector<16xf32>,
        tpu.vector_store %arg24[%swap3A_253, %swap3A_254], %add3A_251 {strides = array<i32>} : memref<8x128xf32, #tpu.memory_space<vmem>>, vector<16xf32>,
        %get3A_256 = arith.constant 7 : i32
        %get3A_257 = arith.index_cast %get3A_256 : i32 to index
        %get3A_258 = arith.index_cast %mul3A_166 : i32 to index
        %get3A_259 = tpu.vector_load %arg24[%get3A_257, %get3A_258] {strides = array<i32>} : memref<8x128xf32, #tpu.memory_space<vmem>>, vector<16xf32>,
        %get3A_260 = arith.constant 7 : i32
        %get3A_261 = arith.index_cast %get3A_260 : i32 to index
        %get3A_262 = arith.index_cast %mul3A_166 : i32 to index
        %get3A_263 = tpu.vector_load %arg23[%get3A_261, %get3A_262] {strides = array<i32>} : memref<8x128xf32, #tpu.memory_space<vmem>>, vector<16xf32>,
        %add3A_264 = arith.addf %get3A_259, %get3A_263 : vector<16xf32>
        %swap3A_265 = arith.constant 7 : i32
        %swap3A_266 = arith.index_cast %swap3A_265 : i32 to index
        %swap3A_267 = arith.index_cast %mul3A_166 : i32 to index
        %swap3A_268 = tpu.vector_load %arg24[%swap3A_266, %swap3A_267] {strides = array<i32>} : memref<8x128xf32, #tpu.memory_space<vmem>>, vector<16xf32>,
        tpu.vector_store %arg24[%swap3A_266, %swap3A_267], %add3A_264 {strides = array<i32>} : memref<8x128xf32, #tpu.memory_space<vmem>>, vector<16xf32>,
      }
      %scan3A_149 = arith.constant 8 : i32
      %run_scoped3A_150 = arith.constant 14 : i32
      "tpu.region"() ({
        %run_scoped3A_164 = tpu.sem_alloc : memref<!tpu.dma_semaphore, #tpu.memory_space<semaphore_mem>>
        %dma_start3A_165 = arith.constant 0 : i32
        %dma_start3A_166 = tpu.memref_slice %arg11[%run_scoped3A_150, %mul3A_58, %dma_start3A_165] : memref<16x80x128xf32, #tpu.memory_space<hbm>> -> memref<1x8x128xf32, #tpu.memory_space<hbm>>
        %dma_start3A_167 = tpu.memref_squeeze %dma_start3A_166 : memref<1x8x128xf32, #tpu.memory_space<hbm>> -> memref<8x128xf32, #tpu.memory_space<hbm>>
        %dma_start3A_168 = arith.constant 0 : i32
        %dma_start3A_169 = tpu.memref_slice %arg11[%run_scoped3A_150, %mul3A_58, %dma_start3A_168] : memref<16x80x128xf32, #tpu.memory_space<hbm>> -> memref<1x8x128xf32, #tpu.memory_space<hbm>>
        %dma_start3A_170 = tpu.memref_squeeze %dma_start3A_169 : memref<1x8x128xf32, #tpu.memory_space<hbm>> -> memref<8x128xf32, #tpu.memory_space<hbm>>
        tpu.enqueue_dma source(%dma_start3A_170 : memref<8x128xf32, #tpu.memory_space<hbm>>) target(%arg23 : memref<8x128xf32, #tpu.memory_space<vmem>>) target_semaphore(%run_scoped3A_164 : memref<!tpu.dma_semaphore, #tpu.memory_space<semaphore_mem>>)
        %dma_wait3A_171 = arith.constant 0 : i32
        %dma_wait3A_172 = tpu.memref_slice %arg11[%run_scoped3A_150, %mul3A_58, %dma_wait3A_171] : memref<16x80x128xf32, #tpu.memory_space<hbm>> -> memref<1x8x128xf32, #tpu.memory_space<hbm>>
        %dma_wait3A_173 = tpu.memref_squeeze %dma_wait3A_172 : memref<1x8x128xf32, #tpu.memory_space<hbm>> -> memref<8x128xf32, #tpu.memory_space<hbm>>
        %dma_wait3A_174 = arith.constant 0 : i32
        %dma_wait3A_175 = tpu.memref_slice %arg11[%run_scoped3A_150, %mul3A_58, %dma_wait3A_174] : memref<16x80x128xf32, #tpu.memory_space<hbm>> -> memref<1x8x128xf32, #tpu.memory_space<hbm>>
        %dma_wait3A_176 = tpu.memref_squeeze %dma_wait3A_175 : memref<1x8x128xf32, #tpu.memory_space<hbm>> -> memref<8x128xf32, #tpu.memory_space<hbm>>
        tpu.wait_dma2 semaphore(%run_scoped3A_164 : memref<!tpu.dma_semaphore, #tpu.memory_space<semaphore_mem>>) src(%dma_wait3A_176 : memref<8x128xf32, #tpu.memory_space<hbm>>) dst(%arg23 : memref<8x128xf32, #tpu.memory_space<vmem>>)
        tpu.yield
      }) : () -> ()
      %scan3A_151 = arith.constant 0 : i32
      %scan3A_152 = arith.constant 0 : i32
      %scan3A_153 = arith.constant 8 : i32
      %scan3A_154 = arith.addi %scan3A_152, %scan3A_153 : i32
      %scan3A_155 = arith.constant 1 : i32
      scf.for %scan3A_164 = %scan3A_152 to %scan3A_154 step %scan3A_155  : i32 {
        %mul3A_165 = arith.constant 16 : i32
        %mul3A_166 = arith.muli %scan3A_164, %mul3A_165 : i32
        %get3A = arith.constant 0 : i32
        %get3A_167 = arith.index_cast %get3A : i32 to index
        %get3A_168 = arith.index_cast %mul3A_166 : i32 to index
        %get3A_169 = tpu.vector_load %arg24[%get3A_167, %get3A_168] {strides = array<i32>} : memref<8x128xf32, #tpu.memory_space<vmem>>, vector<16xf32>,
        %get3A_170 = arith.constant 0 : i32
        %get3A_171 = arith.index_cast %get3A_170 : i32 to index
        %get3A_172 = arith.index_cast %mul3A_166 : i32 to index
        %get3A_173 = tpu.vector_load %arg23[%get3A_171, %get3A_172] {strides = array<i32>} : memref<8x128xf32, #tpu.memory_space<vmem>>, vector<16xf32>,
        %add3A_174 = arith.addf %get3A_169, %get3A_173 : vector<16xf32>
        %swap3A = arith.constant 0 : i32
        %swap3A_175 = arith.index_cast %swap3A : i32 to index
        %swap3A_176 = arith.index_cast %mul3A_166 : i32 to index
        %swap3A_177 = tpu.vector_load %arg24[%swap3A_175, %swap3A_176] {strides = array<i32>} : memref<8x128xf32, #tpu.memory_space<vmem>>, vector<16xf32>,
        tpu.vector_store %arg24[%swap3A_175, %swap3A_176], %add3A_174 {strides = array<i32>} : memref<8x128xf32, #tpu.memory_space<vmem>>, vector<16xf32>,
        %get3A_178 = arith.constant 1 : i32
        %get3A_179 = arith.index_cast %get3A_178 : i32 to index
        %get3A_180 = arith.index_cast %mul3A_166 : i32 to index
        %get3A_181 = tpu.vector_load %arg24[%get3A_179, %get3A_180] {strides = array<i32>} : memref<8x128xf32, #tpu.memory_space<vmem>>, vector<16xf32>,
        %get3A_182 = arith.constant 1 : i32
        %get3A_183 = arith.index_cast %get3A_182 : i32 to index
        %get3A_184 = arith.index_cast %mul3A_166 : i32 to index
        %get3A_185 = tpu.vector_load %arg23[%get3A_183, %get3A_184] {strides = array<i32>} : memref<8x128xf32, #tpu.memory_space<vmem>>, vector<16xf32>,
        %add3A_186 = arith.addf %get3A_181, %get3A_185 : vector<16xf32>
        %swap3A_187 = arith.constant 1 : i32
        %swap3A_188 = arith.index_cast %swap3A_187 : i32 to index
        %swap3A_189 = arith.index_cast %mul3A_166 : i32 to index
        %swap3A_190 = tpu.vector_load %arg24[%swap3A_188, %swap3A_189] {strides = array<i32>} : memref<8x128xf32, #tpu.memory_space<vmem>>, vector<16xf32>,
        tpu.vector_store %arg24[%swap3A_188, %swap3A_189], %add3A_186 {strides = array<i32>} : memref<8x128xf32, #tpu.memory_space<vmem>>, vector<16xf32>,
        %get3A_191 = arith.constant 2 : i32
        %get3A_192 = arith.index_cast %get3A_191 : i32 to index
        %get3A_193 = arith.index_cast %mul3A_166 : i32 to index
        %get3A_194 = tpu.vector_load %arg24[%get3A_192, %get3A_193] {strides = array<i32>} : memref<8x128xf32, #tpu.memory_space<vmem>>, vector<16xf32>,
        %get3A_195 = arith.constant 2 : i32
        %get3A_196 = arith.index_cast %get3A_195 : i32 to index
        %get3A_197 = arith.index_cast %mul3A_166 : i32 to index
        %get3A_198 = tpu.vector_load %arg23[%get3A_196, %get3A_197] {strides = array<i32>} : memref<8x128xf32, #tpu.memory_space<vmem>>, vector<16xf32>,
        %add3A_199 = arith.addf %get3A_194, %get3A_198 : vector<16xf32>
        %swap3A_200 = arith.constant 2 : i32
        %swap3A_201 = arith.index_cast %swap3A_200 : i32 to index
        %swap3A_202 = arith.index_cast %mul3A_166 : i32 to index
        %swap3A_203 = tpu.vector_load %arg24[%swap3A_201, %swap3A_202] {strides = array<i32>} : memref<8x128xf32, #tpu.memory_space<vmem>>, vector<16xf32>,
        tpu.vector_store %arg24[%swap3A_201, %swap3A_202], %add3A_199 {strides = array<i32>} : memref<8x128xf32, #tpu.memory_space<vmem>>, vector<16xf32>,
        %get3A_204 = arith.constant 3 : i32
        %get3A_205 = arith.index_cast %get3A_204 : i32 to index
        %get3A_206 = arith.index_cast %mul3A_166 : i32 to index
        %get3A_207 = tpu.vector_load %arg24[%get3A_205, %get3A_206] {strides = array<i32>} : memref<8x128xf32, #tpu.memory_space<vmem>>, vector<16xf32>,
        %get3A_208 = arith.constant 3 : i32
        %get3A_209 = arith.index_cast %get3A_208 : i32 to index
        %get3A_210 = arith.index_cast %mul3A_166 : i32 to index
        %get3A_211 = tpu.vector_load %arg23[%get3A_209, %get3A_210] {strides = array<i32>} : memref<8x128xf32, #tpu.memory_space<vmem>>, vector<16xf32>,
        %add3A_212 = arith.addf %get3A_207, %get3A_211 : vector<16xf32>
        %swap3A_213 = arith.constant 3 : i32
        %swap3A_214 = arith.index_cast %swap3A_213 : i32 to index
        %swap3A_215 = arith.index_cast %mul3A_166 : i32 to index
        %swap3A_216 = tpu.vector_load %arg24[%swap3A_214, %swap3A_215] {strides = array<i32>} : memref<8x128xf32, #tpu.memory_space<vmem>>, vector<16xf32>,
        tpu.vector_store %arg24[%swap3A_214, %swap3A_215], %add3A_212 {strides = array<i32>} : memref<8x128xf32, #tpu.memory_space<vmem>>, vector<16xf32>,
        %get3A_217 = arith.constant 4 : i32
        %get3A_218 = arith.index_cast %get3A_217 : i32 to index
        %get3A_219 = arith.index_cast %mul3A_166 : i32 to index
        %get3A_220 = tpu.vector_load %arg24[%get3A_218, %get3A_219] {strides = array<i32>} : memref<8x128xf32, #tpu.memory_space<vmem>>, vector<16xf32>,
        %get3A_221 = arith.constant 4 : i32
        %get3A_222 = arith.index_cast %get3A_221 : i32 to index
        %get3A_223 = arith.index_cast %mul3A_166 : i32 to index
        %get3A_224 = tpu.vector_load %arg23[%get3A_222, %get3A_223] {strides = array<i32>} : memref<8x128xf32, #tpu.memory_space<vmem>>, vector<16xf32>,
        %add3A_225 = arith.addf %get3A_220, %get3A_224 : vector<16xf32>
        %swap3A_226 = arith.constant 4 : i32
        %swap3A_227 = arith.index_cast %swap3A_226 : i32 to index
        %swap3A_228 = arith.index_cast %mul3A_166 : i32 to index
        %swap3A_229 = tpu.vector_load %arg24[%swap3A_227, %swap3A_228] {strides = array<i32>} : memref<8x128xf32, #tpu.memory_space<vmem>>, vector<16xf32>,
        tpu.vector_store %arg24[%swap3A_227, %swap3A_228], %add3A_225 {strides = array<i32>} : memref<8x128xf32, #tpu.memory_space<vmem>>, vector<16xf32>,
        %get3A_230 = arith.constant 5 : i32
        %get3A_231 = arith.index_cast %get3A_230 : i32 to index
        %get3A_232 = arith.index_cast %mul3A_166 : i32 to index
        %get3A_233 = tpu.vector_load %arg24[%get3A_231, %get3A_232] {strides = array<i32>} : memref<8x128xf32, #tpu.memory_space<vmem>>, vector<16xf32>,
        %get3A_234 = arith.constant 5 : i32
        %get3A_235 = arith.index_cast %get3A_234 : i32 to index
        %get3A_236 = arith.index_cast %mul3A_166 : i32 to index
        %get3A_237 = tpu.vector_load %arg23[%get3A_235, %get3A_236] {strides = array<i32>} : memref<8x128xf32, #tpu.memory_space<vmem>>, vector<16xf32>,
        %add3A_238 = arith.addf %get3A_233, %get3A_237 : vector<16xf32>
        %swap3A_239 = arith.constant 5 : i32
        %swap3A_240 = arith.index_cast %swap3A_239 : i32 to index
        %swap3A_241 = arith.index_cast %mul3A_166 : i32 to index
        %swap3A_242 = tpu.vector_load %arg24[%swap3A_240, %swap3A_241] {strides = array<i32>} : memref<8x128xf32, #tpu.memory_space<vmem>>, vector<16xf32>,
        tpu.vector_store %arg24[%swap3A_240, %swap3A_241], %add3A_238 {strides = array<i32>} : memref<8x128xf32, #tpu.memory_space<vmem>>, vector<16xf32>,
        %get3A_243 = arith.constant 6 : i32
        %get3A_244 = arith.index_cast %get3A_243 : i32 to index
        %get3A_245 = arith.index_cast %mul3A_166 : i32 to index
        %get3A_246 = tpu.vector_load %arg24[%get3A_244, %get3A_245] {strides = array<i32>} : memref<8x128xf32, #tpu.memory_space<vmem>>, vector<16xf32>,
        %get3A_247 = arith.constant 6 : i32
        %get3A_248 = arith.index_cast %get3A_247 : i32 to index
        %get3A_249 = arith.index_cast %mul3A_166 : i32 to index
        %get3A_250 = tpu.vector_load %arg23[%get3A_248, %get3A_249] {strides = array<i32>} : memref<8x128xf32, #tpu.memory_space<vmem>>, vector<16xf32>,
        %add3A_251 = arith.addf %get3A_246, %get3A_250 : vector<16xf32>
        %swap3A_252 = arith.constant 6 : i32
        %swap3A_253 = arith.index_cast %swap3A_252 : i32 to index
        %swap3A_254 = arith.index_cast %mul3A_166 : i32 to index
        %swap3A_255 = tpu.vector_load %arg24[%swap3A_253, %swap3A_254] {strides = array<i32>} : memref<8x128xf32, #tpu.memory_space<vmem>>, vector<16xf32>,
        tpu.vector_store %arg24[%swap3A_253, %swap3A_254], %add3A_251 {strides = array<i32>} : memref<8x128xf32, #tpu.memory_space<vmem>>, vector<16xf32>,
        %get3A_256 = arith.constant 7 : i32
        %get3A_257 = arith.index_cast %get3A_256 : i32 to index
        %get3A_258 = arith.index_cast %mul3A_166 : i32 to index
        %get3A_259 = tpu.vector_load %arg24[%get3A_257, %get3A_258] {strides = array<i32>} : memref<8x128xf32, #tpu.memory_space<vmem>>, vector<16xf32>,
        %get3A_260 = arith.constant 7 : i32
        %get3A_261 = arith.index_cast %get3A_260 : i32 to index
        %get3A_262 = arith.index_cast %mul3A_166 : i32 to index
        %get3A_263 = tpu.vector_load %arg23[%get3A_261, %get3A_262] {strides = array<i32>} : memref<8x128xf32, #tpu.memory_space<vmem>>, vector<16xf32>,
        %add3A_264 = arith.addf %get3A_259, %get3A_263 : vector<16xf32>
        %swap3A_265 = arith.constant 7 : i32
        %swap3A_266 = arith.index_cast %swap3A_265 : i32 to index
        %swap3A_267 = arith.index_cast %mul3A_166 : i32 to index
        %swap3A_268 = tpu.vector_load %arg24[%swap3A_266, %swap3A_267] {strides = array<i32>} : memref<8x128xf32, #tpu.memory_space<vmem>>, vector<16xf32>,
        tpu.vector_store %arg24[%swap3A_266, %swap3A_267], %add3A_264 {strides = array<i32>} : memref<8x128xf32, #tpu.memory_space<vmem>>, vector<16xf32>,
      }
      %scan3A_156 = arith.constant 8 : i32
      %run_scoped3A_157 = arith.constant 15 : i32
      "tpu.region"() ({
        %run_scoped3A_164 = tpu.sem_alloc : memref<!tpu.dma_semaphore, #tpu.memory_space<semaphore_mem>>
        %dma_start3A_165 = arith.constant 0 : i32
        %dma_start3A_166 = tpu.memref_slice %arg11[%run_scoped3A_157, %mul3A_58, %dma_start3A_165] : memref<16x80x128xf32, #tpu.memory_space<hbm>> -> memref<1x8x128xf32, #tpu.memory_space<hbm>>
        %dma_start3A_167 = tpu.memref_squeeze %dma_start3A_166 : memref<1x8x128xf32, #tpu.memory_space<hbm>> -> memref<8x128xf32, #tpu.memory_space<hbm>>
        %dma_start3A_168 = arith.constant 0 : i32
        %dma_start3A_169 = tpu.memref_slice %arg11[%run_scoped3A_157, %mul3A_58, %dma_start3A_168] : memref<16x80x128xf32, #tpu.memory_space<hbm>> -> memref<1x8x128xf32, #tpu.memory_space<hbm>>
        %dma_start3A_170 = tpu.memref_squeeze %dma_start3A_169 : memref<1x8x128xf32, #tpu.memory_space<hbm>> -> memref<8x128xf32, #tpu.memory_space<hbm>>
        tpu.enqueue_dma source(%dma_start3A_170 : memref<8x128xf32, #tpu.memory_space<hbm>>) target(%arg23 : memref<8x128xf32, #tpu.memory_space<vmem>>) target_semaphore(%run_scoped3A_164 : memref<!tpu.dma_semaphore, #tpu.memory_space<semaphore_mem>>)
        %dma_wait3A_171 = arith.constant 0 : i32
        %dma_wait3A_172 = tpu.memref_slice %arg11[%run_scoped3A_157, %mul3A_58, %dma_wait3A_171] : memref<16x80x128xf32, #tpu.memory_space<hbm>> -> memref<1x8x128xf32, #tpu.memory_space<hbm>>
        %dma_wait3A_173 = tpu.memref_squeeze %dma_wait3A_172 : memref<1x8x128xf32, #tpu.memory_space<hbm>> -> memref<8x128xf32, #tpu.memory_space<hbm>>
        %dma_wait3A_174 = arith.constant 0 : i32
        %dma_wait3A_175 = tpu.memref_slice %arg11[%run_scoped3A_157, %mul3A_58, %dma_wait3A_174] : memref<16x80x128xf32, #tpu.memory_space<hbm>> -> memref<1x8x128xf32, #tpu.memory_space<hbm>>
        %dma_wait3A_176 = tpu.memref_squeeze %dma_wait3A_175 : memref<1x8x128xf32, #tpu.memory_space<hbm>> -> memref<8x128xf32, #tpu.memory_space<hbm>>
        tpu.wait_dma2 semaphore(%run_scoped3A_164 : memref<!tpu.dma_semaphore, #tpu.memory_space<semaphore_mem>>) src(%dma_wait3A_176 : memref<8x128xf32, #tpu.memory_space<hbm>>) dst(%arg23 : memref<8x128xf32, #tpu.memory_space<vmem>>)
        tpu.yield
      }) : () -> ()
      %scan3A_158 = arith.constant 0 : i32
      %scan3A_159 = arith.constant 0 : i32
      %scan3A_160 = arith.constant 8 : i32
      %scan3A_161 = arith.addi %scan3A_159, %scan3A_160 : i32
      %scan3A_162 = arith.constant 1 : i32
      scf.for %scan3A_164 = %scan3A_159 to %scan3A_161 step %scan3A_162  : i32 {
        %mul3A_165 = arith.constant 16 : i32
        %mul3A_166 = arith.muli %scan3A_164, %mul3A_165 : i32
        %get3A = arith.constant 0 : i32
        %get3A_167 = arith.index_cast %get3A : i32 to index
        %get3A_168 = arith.index_cast %mul3A_166 : i32 to index
        %get3A_169 = tpu.vector_load %arg24[%get3A_167, %get3A_168] {strides = array<i32>} : memref<8x128xf32, #tpu.memory_space<vmem>>, vector<16xf32>,
        %get3A_170 = arith.constant 0 : i32
        %get3A_171 = arith.index_cast %get3A_170 : i32 to index
        %get3A_172 = arith.index_cast %mul3A_166 : i32 to index
        %get3A_173 = tpu.vector_load %arg23[%get3A_171, %get3A_172] {strides = array<i32>} : memref<8x128xf32, #tpu.memory_space<vmem>>, vector<16xf32>,
        %add3A_174 = arith.addf %get3A_169, %get3A_173 : vector<16xf32>
        %swap3A = arith.constant 0 : i32
        %swap3A_175 = arith.index_cast %swap3A : i32 to index
        %swap3A_176 = arith.index_cast %mul3A_166 : i32 to index
        %swap3A_177 = tpu.vector_load %arg24[%swap3A_175, %swap3A_176] {strides = array<i32>} : memref<8x128xf32, #tpu.memory_space<vmem>>, vector<16xf32>,
        tpu.vector_store %arg24[%swap3A_175, %swap3A_176], %add3A_174 {strides = array<i32>} : memref<8x128xf32, #tpu.memory_space<vmem>>, vector<16xf32>,
        %get3A_178 = arith.constant 1 : i32
        %get3A_179 = arith.index_cast %get3A_178 : i32 to index
        %get3A_180 = arith.index_cast %mul3A_166 : i32 to index
        %get3A_181 = tpu.vector_load %arg24[%get3A_179, %get3A_180] {strides = array<i32>} : memref<8x128xf32, #tpu.memory_space<vmem>>, vector<16xf32>,
        %get3A_182 = arith.constant 1 : i32
        %get3A_183 = arith.index_cast %get3A_182 : i32 to index
        %get3A_184 = arith.index_cast %mul3A_166 : i32 to index
        %get3A_185 = tpu.vector_load %arg23[%get3A_183, %get3A_184] {strides = array<i32>} : memref<8x128xf32, #tpu.memory_space<vmem>>, vector<16xf32>,
        %add3A_186 = arith.addf %get3A_181, %get3A_185 : vector<16xf32>
        %swap3A_187 = arith.constant 1 : i32
        %swap3A_188 = arith.index_cast %swap3A_187 : i32 to index
        %swap3A_189 = arith.index_cast %mul3A_166 : i32 to index
        %swap3A_190 = tpu.vector_load %arg24[%swap3A_188, %swap3A_189] {strides = array<i32>} : memref<8x128xf32, #tpu.memory_space<vmem>>, vector<16xf32>,
        tpu.vector_store %arg24[%swap3A_188, %swap3A_189], %add3A_186 {strides = array<i32>} : memref<8x128xf32, #tpu.memory_space<vmem>>, vector<16xf32>,
        %get3A_191 = arith.constant 2 : i32
        %get3A_192 = arith.index_cast %get3A_191 : i32 to index
        %get3A_193 = arith.index_cast %mul3A_166 : i32 to index
        %get3A_194 = tpu.vector_load %arg24[%get3A_192, %get3A_193] {strides = array<i32>} : memref<8x128xf32, #tpu.memory_space<vmem>>, vector<16xf32>,
        %get3A_195 = arith.constant 2 : i32
        %get3A_196 = arith.index_cast %get3A_195 : i32 to index
        %get3A_197 = arith.index_cast %mul3A_166 : i32 to index
        %get3A_198 = tpu.vector_load %arg23[%get3A_196, %get3A_197] {strides = array<i32>} : memref<8x128xf32, #tpu.memory_space<vmem>>, vector<16xf32>,
        %add3A_199 = arith.addf %get3A_194, %get3A_198 : vector<16xf32>
        %swap3A_200 = arith.constant 2 : i32
        %swap3A_201 = arith.index_cast %swap3A_200 : i32 to index
        %swap3A_202 = arith.index_cast %mul3A_166 : i32 to index
        %swap3A_203 = tpu.vector_load %arg24[%swap3A_201, %swap3A_202] {strides = array<i32>} : memref<8x128xf32, #tpu.memory_space<vmem>>, vector<16xf32>,
        tpu.vector_store %arg24[%swap3A_201, %swap3A_202], %add3A_199 {strides = array<i32>} : memref<8x128xf32, #tpu.memory_space<vmem>>, vector<16xf32>,
        %get3A_204 = arith.constant 3 : i32
        %get3A_205 = arith.index_cast %get3A_204 : i32 to index
        %get3A_206 = arith.index_cast %mul3A_166 : i32 to index
        %get3A_207 = tpu.vector_load %arg24[%get3A_205, %get3A_206] {strides = array<i32>} : memref<8x128xf32, #tpu.memory_space<vmem>>, vector<16xf32>,
        %get3A_208 = arith.constant 3 : i32
        %get3A_209 = arith.index_cast %get3A_208 : i32 to index
        %get3A_210 = arith.index_cast %mul3A_166 : i32 to index
        %get3A_211 = tpu.vector_load %arg23[%get3A_209, %get3A_210] {strides = array<i32>} : memref<8x128xf32, #tpu.memory_space<vmem>>, vector<16xf32>,
        %add3A_212 = arith.addf %get3A_207, %get3A_211 : vector<16xf32>
        %swap3A_213 = arith.constant 3 : i32
        %swap3A_214 = arith.index_cast %swap3A_213 : i32 to index
        %swap3A_215 = arith.index_cast %mul3A_166 : i32 to index
        %swap3A_216 = tpu.vector_load %arg24[%swap3A_214, %swap3A_215] {strides = array<i32>} : memref<8x128xf32, #tpu.memory_space<vmem>>, vector<16xf32>,
        tpu.vector_store %arg24[%swap3A_214, %swap3A_215], %add3A_212 {strides = array<i32>} : memref<8x128xf32, #tpu.memory_space<vmem>>, vector<16xf32>,
        %get3A_217 = arith.constant 4 : i32
        %get3A_218 = arith.index_cast %get3A_217 : i32 to index
        %get3A_219 = arith.index_cast %mul3A_166 : i32 to index
        %get3A_220 = tpu.vector_load %arg24[%get3A_218, %get3A_219] {strides = array<i32>} : memref<8x128xf32, #tpu.memory_space<vmem>>, vector<16xf32>,
        %get3A_221 = arith.constant 4 : i32
        %get3A_222 = arith.index_cast %get3A_221 : i32 to index
        %get3A_223 = arith.index_cast %mul3A_166 : i32 to index
        %get3A_224 = tpu.vector_load %arg23[%get3A_222, %get3A_223] {strides = array<i32>} : memref<8x128xf32, #tpu.memory_space<vmem>>, vector<16xf32>,
        %add3A_225 = arith.addf %get3A_220, %get3A_224 : vector<16xf32>
        %swap3A_226 = arith.constant 4 : i32
        %swap3A_227 = arith.index_cast %swap3A_226 : i32 to index
        %swap3A_228 = arith.index_cast %mul3A_166 : i32 to index
        %swap3A_229 = tpu.vector_load %arg24[%swap3A_227, %swap3A_228] {strides = array<i32>} : memref<8x128xf32, #tpu.memory_space<vmem>>, vector<16xf32>,
        tpu.vector_store %arg24[%swap3A_227, %swap3A_228], %add3A_225 {strides = array<i32>} : memref<8x128xf32, #tpu.memory_space<vmem>>, vector<16xf32>,
        %get3A_230 = arith.constant 5 : i32
        %get3A_231 = arith.index_cast %get3A_230 : i32 to index
        %get3A_232 = arith.index_cast %mul3A_166 : i32 to index
        %get3A_233 = tpu.vector_load %arg24[%get3A_231, %get3A_232] {strides = array<i32>} : memref<8x128xf32, #tpu.memory_space<vmem>>, vector<16xf32>,
        %get3A_234 = arith.constant 5 : i32
        %get3A_235 = arith.index_cast %get3A_234 : i32 to index
        %get3A_236 = arith.index_cast %mul3A_166 : i32 to index
        %get3A_237 = tpu.vector_load %arg23[%get3A_235, %get3A_236] {strides = array<i32>} : memref<8x128xf32, #tpu.memory_space<vmem>>, vector<16xf32>,
        %add3A_238 = arith.addf %get3A_233, %get3A_237 : vector<16xf32>
        %swap3A_239 = arith.constant 5 : i32
        %swap3A_240 = arith.index_cast %swap3A_239 : i32 to index
        %swap3A_241 = arith.index_cast %mul3A_166 : i32 to index
        %swap3A_242 = tpu.vector_load %arg24[%swap3A_240, %swap3A_241] {strides = array<i32>} : memref<8x128xf32, #tpu.memory_space<vmem>>, vector<16xf32>,
        tpu.vector_store %arg24[%swap3A_240, %swap3A_241], %add3A_238 {strides = array<i32>} : memref<8x128xf32, #tpu.memory_space<vmem>>, vector<16xf32>,
        %get3A_243 = arith.constant 6 : i32
        %get3A_244 = arith.index_cast %get3A_243 : i32 to index
        %get3A_245 = arith.index_cast %mul3A_166 : i32 to index
        %get3A_246 = tpu.vector_load %arg24[%get3A_244, %get3A_245] {strides = array<i32>} : memref<8x128xf32, #tpu.memory_space<vmem>>, vector<16xf32>,
        %get3A_247 = arith.constant 6 : i32
        %get3A_248 = arith.index_cast %get3A_247 : i32 to index
        %get3A_249 = arith.index_cast %mul3A_166 : i32 to index
        %get3A_250 = tpu.vector_load %arg23[%get3A_248, %get3A_249] {strides = array<i32>} : memref<8x128xf32, #tpu.memory_space<vmem>>, vector<16xf32>,
        %add3A_251 = arith.addf %get3A_246, %get3A_250 : vector<16xf32>
        %swap3A_252 = arith.constant 6 : i32
        %swap3A_253 = arith.index_cast %swap3A_252 : i32 to index
        %swap3A_254 = arith.index_cast %mul3A_166 : i32 to index
        %swap3A_255 = tpu.vector_load %arg24[%swap3A_253, %swap3A_254] {strides = array<i32>} : memref<8x128xf32, #tpu.memory_space<vmem>>, vector<16xf32>,
        tpu.vector_store %arg24[%swap3A_253, %swap3A_254], %add3A_251 {strides = array<i32>} : memref<8x128xf32, #tpu.memory_space<vmem>>, vector<16xf32>,
        %get3A_256 = arith.constant 7 : i32
        %get3A_257 = arith.index_cast %get3A_256 : i32 to index
        %get3A_258 = arith.index_cast %mul3A_166 : i32 to index
        %get3A_259 = tpu.vector_load %arg24[%get3A_257, %get3A_258] {strides = array<i32>} : memref<8x128xf32, #tpu.memory_space<vmem>>, vector<16xf32>,
        %get3A_260 = arith.constant 7 : i32
        %get3A_261 = arith.index_cast %get3A_260 : i32 to index
        %get3A_262 = arith.index_cast %mul3A_166 : i32 to index
        %get3A_263 = tpu.vector_load %arg23[%get3A_261, %get3A_262] {strides = array<i32>} : memref<8x128xf32, #tpu.memory_space<vmem>>, vector<16xf32>,
        %add3A_264 = arith.addf %get3A_259, %get3A_263 : vector<16xf32>
        %swap3A_265 = arith.constant 7 : i32
        %swap3A_266 = arith.index_cast %swap3A_265 : i32 to index
        %swap3A_267 = arith.index_cast %mul3A_166 : i32 to index
        %swap3A_268 = tpu.vector_load %arg24[%swap3A_266, %swap3A_267] {strides = array<i32>} : memref<8x128xf32, #tpu.memory_space<vmem>>, vector<16xf32>,
        tpu.vector_store %arg24[%swap3A_266, %swap3A_267], %add3A_264 {strides = array<i32>} : memref<8x128xf32, #tpu.memory_space<vmem>>, vector<16xf32>,
      }
      %scan3A_163 = arith.constant 8 : i32
      "tpu.region"() ({
        %run_scoped3A_164 = tpu.sem_alloc : memref<!tpu.dma_semaphore, #tpu.memory_space<semaphore_mem>>
        %dma_start3A_165 = arith.constant 0 : i32
        %dma_start3A_166 = tpu.memref_slice %arg10[%mul3A_58, %dma_start3A_165] : memref<80x128xf32, #tpu.memory_space<hbm>> -> memref<8x128xf32, #tpu.memory_space<hbm>>
        %dma_start3A_167 = arith.constant 0 : i32
        %dma_start3A_168 = tpu.memref_slice %arg10[%mul3A_58, %dma_start3A_167] : memref<80x128xf32, #tpu.memory_space<hbm>> -> memref<8x128xf32, #tpu.memory_space<hbm>>
        tpu.enqueue_dma source(%arg24 : memref<8x128xf32, #tpu.memory_space<vmem>>) target(%dma_start3A_168 : memref<8x128xf32, #tpu.memory_space<hbm>>) target_semaphore(%run_scoped3A_164 : memref<!tpu.dma_semaphore, #tpu.memory_space<semaphore_mem>>)
        %dma_wait3A_169 = arith.constant 0 : i32
        %dma_wait3A_170 = tpu.memref_slice %arg10[%mul3A_58, %dma_wait3A_169] : memref<80x128xf32, #tpu.memory_space<hbm>> -> memref<8x128xf32, #tpu.memory_space<hbm>>
        %dma_wait3A_171 = arith.constant 0 : i32
        %dma_wait3A_172 = tpu.memref_slice %arg10[%mul3A_58, %dma_wait3A_171] : memref<80x128xf32, #tpu.memory_space<hbm>> -> memref<8x128xf32, #tpu.memory_space<hbm>>
        tpu.wait_dma2 semaphore(%run_scoped3A_164 : memref<!tpu.dma_semaphore, #tpu.memory_space<semaphore_mem>>) src(%arg24 : memref<8x128xf32, #tpu.memory_space<vmem>>) dst(%dma_wait3A_172 : memref<8x128xf32, #tpu.memory_space<hbm>>)
        tpu.yield
      }) : () -> ()
    } else {
    }
    return
  }
}

module attributes {stable_mosaic.version = 14 : i64} {
  func.func @_dense_body(%arg0: i32, %arg1: memref<1024x128xf32, #tpu.memory_space<vmem>>, %arg2: memref<1024x128xf32, #tpu.memory_space<vmem>>, %arg3: memref<1024x256xf32, #tpu.memory_space<vmem>>, %arg4: memref<8x128xf32, #tpu.memory_space<vmem>>, %arg5: memref<128x256xf32, #tpu.memory_space<vmem>>, %arg6: memref<128x256xf32, #tpu.memory_space<vmem>>, %arg7: memref<256x256xf32, #tpu.memory_space<vmem>>, %arg8: memref<1024x256xf32, #tpu.memory_space<vmem>>) attributes {dimension_semantics = [#tpu.dimension_semantics<arbitrary>], iteration_bounds = array<i64: 10>, scalar_prefetch = 0 : i64, scratch_operands = 0 : i64, tpu.core_type = #tpu.core_type<tc>, window_params = [{transform_indices = @transform_0, window_bounds = array<i64: 1024, 128>}, {transform_indices = @transform_1, window_bounds = array<i64: 1024, 128>}, {transform_indices = @transform_2, window_bounds = array<i64: 1024, 256>}, {transform_indices = @transform_3, window_bounds = array<i64: 8, 128>}, {pipeline_mode = #tpu.pipeline_mode<synchronous>, transform_indices = @transform_4, window_bounds = array<i64: 128, 256>}, {pipeline_mode = #tpu.pipeline_mode<synchronous>, transform_indices = @transform_5, window_bounds = array<i64: 128, 256>}, {pipeline_mode = #tpu.pipeline_mode<synchronous>, transform_indices = @transform_6, window_bounds = array<i64: 256, 256>}, {transform_indices = @transform_7, window_bounds = array<i64: 1024, 256>}]} {
    %get3A = arith.constant 0 : index
    %get3A_0 = arith.constant 0 : index
    %get3A_1 = vector.load %arg4[%get3A, %get3A_0] : memref<8x128xf32, #tpu.memory_space<vmem>>, vector<8x128xf32>
    %max3A = arith.constant 1.000000e+00 : f32
    %max3A_2 = vector.broadcast %max3A : f32 to vector<8x128xf32>
    %max3A_3 = arith.maximumf %get3A_1, %max3A_2 : vector<8x128xf32>
    %div3A = arith.constant 1.000000e+00 : f32
    %div3A_4 = vector.broadcast %div3A : f32 to vector<8x128xf32>
    %div3A_5 = arith.divf %div3A_4, %max3A_3 : vector<8x128xf32>
    %iota3A = tpu.iota {dimensions = array<i32: 0>} : vector<1024x8xi32>
    %iota3A_6 = tpu.iota {dimensions = array<i32: 1>} : vector<1024x8xi32>
    %jit3A = arith.constant 128 : i32
    %div3A_7 = vector.broadcast %jit3A : i32 to vector<1024x8xi32>
    %div3A_8 = arith.divsi %iota3A, %div3A_7 : vector<1024x8xi32>
    %sign3A = arith.constant 0 : i32
    %sign3A_9 = vector.broadcast %sign3A : i32 to vector<1024x8xi32>
    %sign3A_10 = arith.cmpi sgt, %iota3A, %sign3A_9 : vector<1024x8xi32>
    %sign3A_11 = arith.extui %sign3A_10 : vector<1024x8xi1> to vector<1024x8xi32>
    %sign3A_12 = arith.constant 0 : i32
    %sign3A_13 = vector.broadcast %sign3A_12 : i32 to vector<1024x8xi32>
    %sign3A_14 = arith.cmpi slt, %iota3A, %sign3A_13 : vector<1024x8xi32>
    %sign3A_15 = arith.extui %sign3A_14 : vector<1024x8xi1> to vector<1024x8xi32>
    %sign3A_16 = arith.subi %sign3A_11, %sign3A_15 : vector<1024x8xi32>
    %sign3A_17 = arith.constant 0 : i32
    %sign3A_18 = arith.cmpi sgt, %jit3A, %sign3A_17 : i32
    %sign3A_19 = arith.extui %sign3A_18 : i1 to i32
    %sign3A_20 = arith.constant 0 : i32
    %sign3A_21 = arith.cmpi slt, %jit3A, %sign3A_20 : i32
    %sign3A_22 = arith.extui %sign3A_21 : i1 to i32
    %sign3A_23 = arith.subi %sign3A_19, %sign3A_22 : i32
    %ne3A = vector.broadcast %sign3A_23 : i32 to vector<1024x8xi32>
    %ne3A_24 = arith.cmpi ne, %sign3A_16, %ne3A : vector<1024x8xi32>
    %rem3A = vector.broadcast %jit3A : i32 to vector<1024x8xi32>
    %rem3A_25 = arith.remsi %iota3A, %rem3A : vector<1024x8xi32>
    %ne3A_26 = arith.constant 0 : i32
    %ne3A_27 = vector.broadcast %ne3A_26 : i32 to vector<1024x8xi32>
    %ne3A_28 = arith.cmpi ne, %rem3A_25, %ne3A_27 : vector<1024x8xi32>
    %and3A = arith.andi %ne3A_24, %ne3A_28 : vector<1024x8xi1>
    %sub3A = arith.constant 1 : i32
    %sub3A_29 = vector.broadcast %sub3A : i32 to vector<1024x8xi32>
    %sub3A_30 = arith.subi %div3A_8, %sub3A_29 : vector<1024x8xi32>
    %select_n3A = arith.select %and3A, %sub3A_30, %div3A_8 : vector<1024x8xi1>, vector<1024x8xi32>
    %eq3A = arith.cmpi eq, %select_n3A, %iota3A_6 : vector<1024x8xi32>
    %convert_element_type3A = arith.extui %eq3A : vector<1024x8xi1> to vector<1024x8xi32>
    %convert_element_type3A_31 = arith.sitofp %convert_element_type3A : vector<1024x8xi32> to vector<1024x8xf32>
    %dot_general3A = arith.constant dense<0.000000e+00> : vector<1024x128xf32>
    %dot_general3A_32 = tpu.matmul %convert_element_type3A_31, %div3A_5, %dot_general3A {dimension_numbers = #tpu.dot_dimension_numbers<[1], [0], [0], [1], [0, 0, 1, 1], [], []>, transpose_lhs_hint = false} : vector<1024x8xf32>, vector<8x128xf32>, vector<1024x128xf32> -> vector<1024x128xf32>
    %iota3A_33 = tpu.iota {dimensions = array<i32: 1>} : vector<1024x128xi32>
    %iota3A_34 = tpu.iota {dimensions = array<i32: 0>} : vector<1024x128xi32>
    %jit3A_35 = arith.constant 128 : i32
    %eq3A_36 = arith.constant 0 : i32
    %eq3A_37 = arith.cmpi eq, %jit3A_35, %eq3A_36 : i32
    %jit3A_38 = arith.constant 1 : i32
    %select_n3A_39 = arith.select %eq3A_37, %jit3A_38, %jit3A_35 : i32
    %rem3A_40 = vector.broadcast %select_n3A_39 : i32 to vector<1024x128xi32>
    %rem3A_41 = arith.remsi %iota3A_34, %rem3A_40 : vector<1024x128xi32>
    %ne3A_42 = arith.constant 0 : i32
    %ne3A_43 = vector.broadcast %ne3A_42 : i32 to vector<1024x128xi32>
    %ne3A_44 = arith.cmpi ne, %rem3A_41, %ne3A_43 : vector<1024x128xi32>
    %lt3A = arith.constant 0 : i32
    %lt3A_45 = vector.broadcast %lt3A : i32 to vector<1024x128xi32>
    %lt3A_46 = arith.cmpi slt, %rem3A_41, %lt3A_45 : vector<1024x128xi32>
    %lt3A_47 = arith.constant 0 : i32
    %lt3A_48 = arith.cmpi slt, %select_n3A_39, %lt3A_47 : i32
    %ne3A_49 = vector.broadcast %lt3A_48 : i1 to vector<1024x128xi1>
    %ne3A_50 = vector.broadcast %ne3A_49 : vector<1024x128xi1> to vector<1024x128xi1>
    %ne3A_51 = arith.xori %lt3A_46, %ne3A_50 : vector<1024x128xi1>
    %and3A_52 = arith.andi %ne3A_51, %ne3A_44 : vector<1024x128xi1>
    %add3A = vector.broadcast %select_n3A_39 : i32 to vector<1024x128xi32>
    %add3A_53 = arith.addi %rem3A_41, %add3A : vector<1024x128xi32>
    %select_n3A_54 = arith.select %and3A_52, %add3A_53, %rem3A_41 : vector<1024x128xi1>, vector<1024x128xi32>
    %eq3A_55 = arith.cmpi eq, %iota3A_33, %select_n3A_54 : vector<1024x128xi32>
    %jit3A_56 = arith.constant 0.000000e+00 : f32
    %broadcast_in_dim3A = vector.broadcast %jit3A_56 : f32 to vector<1024x128xf32>
    %select_n3A_57 = arith.select %eq3A_55, %dot_general3A_32, %broadcast_in_dim3A : vector<1024x128xi1>, vector<1024x128xf32>
    %reduce_sum3A = arith.constant dense<0.000000e+00> : vector<1024xf32>
    %reduce_sum3A_58 = vector.multi_reduction <add>, %select_n3A_57, %reduce_sum3A [1] : vector<1024x128xf32> to vector<1024xf32>
    %broadcast_in_dim3A_59 = vector.shape_cast %reduce_sum3A_58 : vector<1024xf32> to vector<1024x1xf32>
    %get3A_60 = arith.constant 0 : index
    %get3A_61 = arith.constant 0 : index
    %get3A_62 = vector.load %arg1[%get3A_60, %get3A_61] : memref<1024x128xf32, #tpu.memory_space<vmem>>, vector<1024x128xf32>
    %mul3A = vector.broadcast %broadcast_in_dim3A_59 : vector<1024x1xf32> to vector<1024x128xf32>
    %mul3A_63 = arith.mulf %get3A_62, %mul3A : vector<1024x128xf32>
    %get3A_64 = arith.constant 0 : index
    %get3A_65 = arith.constant 0 : index
    %get3A_66 = vector.load %arg2[%get3A_64, %get3A_65] : memref<1024x128xf32, #tpu.memory_space<vmem>>, vector<1024x128xf32>
    %mul3A_67 = vector.broadcast %broadcast_in_dim3A_59 : vector<1024x1xf32> to vector<1024x128xf32>
    %mul3A_68 = arith.mulf %get3A_66, %mul3A_67 : vector<1024x128xf32>
    %get3A_69 = arith.constant 0 : index
    %get3A_70 = arith.constant 0 : index
    %get3A_71 = vector.load %arg5[%get3A_69, %get3A_70] : memref<128x256xf32, #tpu.memory_space<vmem>>, vector<128x256xf32>
    %dot_general3A_72 = arith.constant dense<0.000000e+00> : vector<1024x256xf32>
    %dot_general3A_73 = tpu.matmul %mul3A_63, %get3A_71, %dot_general3A_72 {dimension_numbers = #tpu.dot_dimension_numbers<[1], [0], [0], [1], [0, 0, 1, 1], [], []>, precision = #tpu.contract_precision<fp32>, transpose_lhs_hint = false} : vector<1024x128xf32>, vector<128x256xf32>, vector<1024x256xf32> -> vector<1024x256xf32>
    %get3A_74 = arith.constant 0 : index
    %get3A_75 = arith.constant 0 : index
    %get3A_76 = vector.load %arg6[%get3A_74, %get3A_75] : memref<128x256xf32, #tpu.memory_space<vmem>>, vector<128x256xf32>
    %dot_general3A_77 = arith.constant dense<0.000000e+00> : vector<1024x256xf32>
    %dot_general3A_78 = tpu.matmul %mul3A_68, %get3A_76, %dot_general3A_77 {dimension_numbers = #tpu.dot_dimension_numbers<[1], [0], [0], [1], [0, 0, 1, 1], [], []>, precision = #tpu.contract_precision<fp32>, transpose_lhs_hint = false} : vector<1024x128xf32>, vector<128x256xf32>, vector<1024x256xf32> -> vector<1024x256xf32>
    %add3A_79 = arith.addf %dot_general3A_73, %dot_general3A_78 : vector<1024x256xf32>
    %get3A_80 = arith.constant 0 : index
    %get3A_81 = arith.constant 0 : index
    %get3A_82 = vector.load %arg3[%get3A_80, %get3A_81] : memref<1024x256xf32, #tpu.memory_space<vmem>>, vector<1024x256xf32>
    %get3A_83 = arith.constant 0 : index
    %get3A_84 = arith.constant 0 : index
    %get3A_85 = vector.load %arg7[%get3A_83, %get3A_84] : memref<256x256xf32, #tpu.memory_space<vmem>>, vector<256x256xf32>
    %dot_general3A_86 = arith.constant dense<0.000000e+00> : vector<1024x256xf32>
    %dot_general3A_87 = tpu.matmul %get3A_82, %get3A_85, %dot_general3A_86 {dimension_numbers = #tpu.dot_dimension_numbers<[1], [0], [0], [1], [0, 0, 1, 1], [], []>, precision = #tpu.contract_precision<fp32>, transpose_lhs_hint = false} : vector<1024x256xf32>, vector<256x256xf32>, vector<1024x256xf32> -> vector<1024x256xf32>
    %add3A_88 = arith.addf %add3A_79, %dot_general3A_87 : vector<1024x256xf32>
    %max3A_89 = arith.constant 0.000000e+00 : f32
    %max3A_90 = vector.broadcast %max3A_89 : f32 to vector<1024x256xf32>
    %max3A_91 = arith.maximumf %add3A_88, %max3A_90 : vector<1024x256xf32>
    %swap3A = arith.constant 0 : index
    %swap3A_92 = arith.constant 0 : index
    %swap3A_93 = vector.load %arg8[%swap3A, %swap3A_92] : memref<1024x256xf32, #tpu.memory_space<vmem>>, vector<1024x256xf32>
    tpu.vector_store %arg8[%swap3A, %swap3A_92], %max3A_91 {strides = array<i32>} : memref<1024x256xf32, #tpu.memory_space<vmem>>, vector<1024x256xf32>,
    return
  }
  func.func @transform_0(%arg0: i32) -> (i32, i32) {
    %c0_i32 = arith.constant 0 : i32
    %c0_i32_0 = arith.constant 0 : i32
    return %arg0, %c0_i32 : i32, i32
  }
  func.func @transform_1(%arg0: i32) -> (i32, i32) {
    %c0_i32 = arith.constant 0 : i32
    %c0_i32_0 = arith.constant 0 : i32
    return %arg0, %c0_i32 : i32, i32
  }
  func.func @transform_2(%arg0: i32) -> (i32, i32) {
    %c0_i32 = arith.constant 0 : i32
    %c0_i32_0 = arith.constant 0 : i32
    return %arg0, %c0_i32 : i32, i32
  }
  func.func @transform_3(%arg0: i32) -> (i32, i32) {
    %c0_i32 = arith.constant 0 : i32
    %c0_i32_0 = arith.constant 0 : i32
    return %arg0, %c0_i32 : i32, i32
  }
  func.func @transform_4(%arg0: i32) -> (i32, i32) {
    %c0_i32 = arith.constant 0 : i32
    %c0_i32_0 = arith.constant 0 : i32
    %c0_i32_1 = arith.constant 0 : i32
    return %c0_i32, %c0_i32_0 : i32, i32
  }
  func.func @transform_5(%arg0: i32) -> (i32, i32) {
    %c0_i32 = arith.constant 0 : i32
    %c0_i32_0 = arith.constant 0 : i32
    %c0_i32_1 = arith.constant 0 : i32
    return %c0_i32, %c0_i32_0 : i32, i32
  }
  func.func @transform_6(%arg0: i32) -> (i32, i32) {
    %c0_i32 = arith.constant 0 : i32
    %c0_i32_0 = arith.constant 0 : i32
    %c0_i32_1 = arith.constant 0 : i32
    return %c0_i32, %c0_i32_0 : i32, i32
  }
  func.func @transform_7(%arg0: i32) -> (i32, i32) {
    %c0_i32 = arith.constant 0 : i32
    %c0_i32_0 = arith.constant 0 : i32
    return %arg0, %c0_i32 : i32, i32
  }
}

</mosaic_0001>

<sc_bundles>
// kernel: kernel.4.cloned.1.call-start
scs
__scs_entry_jumppad:
0x0: {  	(pc) =	sbr.rel $0x88, $3  }
0x1: {  	(tag) =	ssettag $0x0;
	lr =	simm.s32 $0x1  }
0x2: {  	[smem:$0x3F9D] =	sst lr;
	_ =	strace $0xD0000000  }
0x3: {  	_ = 	snop  }
0x4: {  	_ = 	snop  }
0x5: {  	_ = 	snop  }
0x6: {  	_ = 	snop  }
0x7: {  	_ = 	snop  }
__scs_overlays_trampoline_lowered:
0x8: {  	[smem:$0x3FAC] =	sst s0  }
0x9: {  	[smem:$0x3FAD] =	sst s1  }
0xa: {  	[smem:$0x3FAE] =	sst s2  }
0xb: {  	[smem:$0x3FAF] =	sst s3  }
0xc: {  	[smem:$0x3FB0] =	sst s4  }
0xd: {  	[smem:$0x3FB1] =	sst s5  }
0xe: {  	[smem:$0x3FB2] =	sst s6  }
0xf: {  	[smem:$0x3FB3] =	sst s7  }
0x10: {  	[smem:$0x3FB4] =	sst s8  }
0x11: {  	[smem:$0x3FB5] =	sst s9;
	s0 =	simm.s32 @!p0 $0x0  }
0x12: {  	s1 =	sld [smem:$0x3F9B];
	s0 =	simm.s32 @p0 $0x1  }
0x13: {  	[smem:$0x3FB6] =	sst s0;
	s0 =	simm.s32 @!p1 $0x0  }
0x14: {  	s2 =	sld [smem:$0x3F9A];
	s0 =	simm.s32 @p1 $0x1  }
0x15: {  	[smem:$0x3FB7] =	sst s0;
	s0 =	simm.s32 @!p2 $0x0  }
0x16: {  	s3 =	sld [smem:$0x3FDB];
	s0 =	simm.s32 @p2 $0x1  }
0x17: {  	s4 =	simm.s32 $0x1BF5;
	[smem:$0x3FB9] =	sst s0  }
0x18: {  	s0 =	sld [smem:$0x3F9C];
	_ =	swait.ge [sflag:s4], $0x0  }
0x19: {  	s7 =	sld [smem:$0x3F9D]  }
0x1a: {  	s8 =	sadd.s32 $0xFFFFE003, lr  }
0x1b: {  	s9 =	sadd.s32 $0xFFFFFEF7, lr;
	s5 =	simm.s32 $0xFFFFFFFF;
	p2 =	slt.u32 s8, $0xFFFFF086  }
0x1c: {  	p1 =	slt.u32 s9, $0xF7A;
	s5 =	simm.s32 @!p2 $0x0  }
0x1d: {  	s5 =	simm.s32 @p1 $0x1;
	p0 =	seq.s32 s7, s2  }
0x1e: {  	s7 =	smul.u32 @!p0 $0xF7A, s2;
	p2 =	seq.s32 @!p0 s5, $0x0  }
0x1f: {  	s9 =	smul.u32 $0xF7A, s1;
	s8 =	simm.s32 @!p0 $0x1BF5;
	p2 =	por !p2, p0  }
0x20: {  	[sflag:s8] =	ssyncset.s32 @!p0 $0xFFFFF086;
	s6 =	sadd.s32 @!p0 s3, s7;
	s7 =	simm.s32 @!p0 $0x108  }
0x21: {  	s3 =	sadd.s32 s3, s9;
	s6 =	sadd.s32 @!p0 $0x88, s6;
	s7 =	simm.s32 @p2 $0x1082  }
0x22: {  	[simem:s7], [sflag:s8] =	dma.local @!p0 [hbm:s6], $0xF7A  }
0x23: {  	s9 =	sor.u32 $0xD0000000, s2;
	s6 =	simm.s32 $0x108;
	_ =	swait.ge @!p0 [sflag:s8], $0x0  }
0x24: {  	s3 =	sadd.s32 $0x88, s3;
	s6 =	simm.s32 @!p1 $0x1082;
	[sflag:s4] =	ssyncset.s32 $0xFFFFF086  }
0x25: {  	[simem:s6], [sflag:s4] =	dma.local [hbm:s3], $0xF7A  }
0x26: {  	[smem:$0x3F9D] =	sst s1;
	(tag) =	ssettag s2;
	_ =	strace s9  }
0x27: {  	s1 =	sld [smem:$0x3FAD]  }
0x28: {  	s2 =	sld [smem:$0x3FAE]  }
0x29: {  	s4 =	sld [smem:$0x3FB0]  }
0x2a: {  	p0 =	seq.s32 s5, $0x0;
	s5 =	sld [smem:$0x3FB1]  }
0x2b: {  	s6 =	sld [smem:$0x3FB2]  }
0x2c: {  	s7 =	sld [smem:$0x3FB3]  }
0x2d: {  	s3 =	simm.s32 $0x108;
	s8 =	sld [smem:$0x3FB4]  }
0x2e: {  	s3 =	simm.s32 @!p0 $0x1082;
	s9 =	sld [smem:$0x3FB5]  }
0x2f: {  	lr =	sadd.s32 s0, s3;
	s0 =	sld [smem:$0x3FAC]  }
0x30: {  	s3 =	sld [smem:$0x3FAF]  }
0x31: {  	[smem:$0x3FB8] =	sst s10  }
0x32: {  	s10 =	sld [smem:$0x3FB6];
	_ =	sdelay $0x3  }
0x33: {  	p0 =	seq.s32 s10, $0x1;
	s10 =	sld [smem:$0x3FB8];
	_ =	sdelay $0x3  }
0x34: {  	[smem:$0x3FB8] =	sst s10  }
0x35: {  	s10 =	sld [smem:$0x3FB7];
	_ =	sdelay $0x3  }
0x36: {  	p1 =	seq.s32 s10, $0x1;
	s10 =	sld [smem:$0x3FB8];
	_ =	sdelay $0x3  }
0x37: {  	[smem:$0x3FB8] =	sst s10  }
0x38: {  	s10 =	sld [smem:$0x3FB9]  }
0x39: {  	_ = 	snop;
	(pc) =	sbr.ind lr, $3  }
0x3a: {  	_ = 	snop  }
0x3b: {  	_ = 	snop  }
0x3c: {  	p2 =	seq.s32 s10, $0x1;
	s10 =	sld [smem:$0x3FB8]  }
0x3d: {  	_ =	shalt  }
0x3e: {  	_ =	shalt  }
0x3f: {  	_ =	shalt  }
0x40: {  	_ =	shalt  }
0x41: {  	_ =	shalt  }
0x42: {  	_ =	shalt  }
0x43: {  	_ =	shalt  }
0x44: {  	_ =	shalt  }
0x45: {  	_ =	shalt  }
0x46: {  	_ =	shalt  }
0x47: {  	_ =	shalt  }
0x48: {  	_ =	shalt  }
0x49: {  	_ =	shalt  }
0x4a: {  	_ =	shalt  }
0x4b: {  	_ =	shalt  }
0x4c: {  	_ =	shalt  }
0x4d: {  	_ =	shalt  }
0x4e: {  	_ =	shalt  }
0x4f: {  	_ =	shalt  }
0x50: {  	_ =	shalt  }
0x51: {  	_ =	shalt  }
0x52: {  	_ =	shalt  }
0x53: {  	_ =	shalt  }
0x54: {  	_ =	shalt  }
0x55: {  	_ =	shalt  }
0x56: {  	_ =	shalt  }
0x57: {  	_ =	shalt  }
0x58: {  	_ =	shalt  }
0x59: {  	_ =	shalt  }
0x5a: {  	_ =	shalt  }
0x5b: {  	_ =	shalt  }
0x5c: {  	_ =	shalt  }
0x5d: {  	_ =	shalt  }
0x5e: {  	_ =	shalt  }
0x5f: {  	_ =	shalt  }
0x60: {  	_ =	shalt  }
0x61: {  	_ =	shalt  }
0x62: {  	_ =	shalt  }
0x63: {  	_ =	shalt  }
0x64: {  	_ =	shalt  }
0x65: {  	_ =	shalt  }
0x66: {  	_ =	shalt  }
0x67: {  	_ =	shalt  }
0x68: {  	_ =	shalt  }
0x69: {  	_ =	shalt  }
0x6a: {  	_ =	shalt  }
0x6b: {  	_ =	shalt  }
0x6c: {  	_ =	shalt  }
0x6d: {  	_ =	shalt  }
0x6e: {  	_ =	shalt  }
0x6f: {  	_ =	shalt  }
0x70: {  	_ =	shalt  }
0x71: {  	_ =	shalt  }
0x72: {  	_ =	shalt  }
0x73: {  	_ =	shalt  }
0x74: {  	_ =	shalt  }
0x75: {  	_ =	shalt  }
0x76: {  	_ =	shalt  }
0x77: {  	_ =	shalt  }
0x78: {  	_ =	shalt  }
0x79: {  	_ =	shalt  }
0x7a: {  	_ =	shalt  }
0x7b: {  	_ =	shalt  }
0x7c: {  	_ =	shalt  }
0x7d: {  	_ =	shalt  }
0x7e: {  	_ =	shalt  }
0x7f: {  	_ =	shalt  }
0x80: {  	_ =	shalt  }
0x81: {  	_ =	shalt  }
0x82: {  	_ =	shalt  }
0x83: {  	_ =	shalt  }
0x84: {  	_ =	shalt  }
0x85: {  	_ =	shalt  }
0x86: {  	_ =	shalt  }
0x87: {  	_ =	shalt  }
.Lfunc_end0:
.L_simem_size_0:
called_computation_lowered:
.L_overlay_start_0:
0x88: {  	s2 =	sld [smem:$0x3FD9]  }
0x89: {  	s3 =	sld [smem:$0x3FFE];
	_ =	sdelay $0x1  }
0x8a: {  	s1 =	srdreg.scid  }
0x8b: {  	s0 =	sand.u32 $0x1, s1  }
0x8c: {  	s17 =	sshll.u32 s0, $0xA;
	s2 =	sadd.s32 s3, s2  }
0x8d: {  	s2 =	sadd.s32 s2, s17  }
0x8e: {  	[smem:$0x3FC4] =	sst s2  }
0x8f: {  	_ = 	snop  }
0x90: {  	s2 =	sld [smem:$0x3FD0];
	(tm) =	ssettm $0x1  }
0x91: {  	s18 =	sld [smem:$0x3FFB];
	_ =	sdelay $0x3  }
0x92: {  	_ =	strace s18  }
0x93: {  	s3 =	sld [smem:$0x3FFC];
	_ =	sdelay $0x3  }
0x94: {  	_ =	strace s3  }
0x95: {  	s3 =	sld [smem:$0x3FFD];
	_ =	sdelay $0x3  }
0x96: {  	_ =	strace s3  }
0x97: {  	_ =	strace $0x8FFFFFFF  }
0x98: {  	s19 =	sld [smem:$0x3FDB];
	_ =	sdelay $0x1  }
0x99: {  	s4 =	simm.s32 $_scs_section_size  }
0x9a: {  	s5 =	simm.s32 $_size__tile_overlayer_lowered;
	s6 =	simm.s32 $_tile_overlayer_lowered  }
0x9b: {  	s22 =	simm.s32 $0x1BFF;
	s21 =	sshll.u32 s6, $0x1;
	s3 =	sadd.s32 s4, s19  }
0x9c: {  	s7 =	simm.s32 $0x0;
	s20 =	sshll.u32 s5, $0x1;
	s5 =	sadd.s32 s21, s3  }
0x9d: {  	[timem:s7], [sflag:s22] =	dma.local [hbm:s5], s20  }
0x9e: {  	_ =	swait.ge [sflag:s22], s20  }
0x9f: {  	s4 =	ssub.s32 $0x0, s20;
	[sflag:s22] =	ssyncset.done $0x0  }
0xa0: {  	[sflag:s22] =	ssyncadd.s32 s4;
	_ =	sdelay $0x1  }
0xa1: {  	s23 =	simm.s32 $0x1B8B  }
0xa2: {  	_ =	swait.ge [sflag:s23], $0x1  }
0xa3: {  	[sflag:s23] =	ssyncset.done $0x0  }
0xa4: {  	s25 =	simm.s32 $0x1B8E;
	s24 =	sld [smem:$0x3FFE];
	[sflag:s23] =	ssyncadd.s32 $0xFFFFFFFF  }
0xa5: {  	s26 =	simm.s32 $execute0_lowered;
	[smem:$0x3FD2] =	sst s25  }
0xa6: {  	s5 =	sshll.u32 s26, $0x1;
	_ =	strace $0x80000046;
	[dreg:$0x1] =	wrdreg $0xFFFFFFFF  }
0xa7: {  	s28 =	simm.s32 $_size_execute0_lowered;
	s3 =	sadd.s32 s3, s5;
	[dreg:$0x0] =	wrdreg $0x0  }
0xa8: {  	s5 =	sshll.u32 s28, $0x1;
	[dreg:$0x2] =	wrdreg s3  }
0xa9: {  	[dreg:$0x3] =	wrdreg s5  }
0xaa: {  	[dreg:$0x4] =	wrdreg $0xC0  }
0xab: {  	_ =	task [dreg:s7], $0x5FFFF  }
0xac: {  	[dreg:$0x1] =	wrdreg $0xFFFFFFFF  }
0xad: {  	[dreg:$0x0] =	wrdreg $0x60  }
0xae: {  	[dreg:$0x2] =	wrdreg s24  }
0xaf: {  	[dreg:$0x3] =	wrdreg s2  }
0xb0: {  	[dreg:$0x4] =	wrdreg $0xB4000  }
0xb1: {  	[dreg:$0x5] =	wrdreg $0x9  }
0xb2: {  	_ =	task.clear_ibuf [dreg:s7], $0x6FFFF;
	_ =	strace $0x90000046  }
0xb3: {  	s29 =	simm.s32 $0x9;
	_ =	strace $0x80000048  }
0xb4: {  	_ =	swait.ge [sflag:s29], $0x1  }
0xb5: {  	[sflag:s29] =	ssyncadd.s32 $0xFFFFFFFF  }
0xb6: {  	_ =	strace $0x90000048  }
0xb7: {  	_ =	sfence  }
0xb8: {  	s30 =	sld [smem:$0x0];
	_ =	sdelay $0x2  }
0xb9: {  	s31 =	sshll.u32 s1, $0xD;
	s1 =	sshrl.u32 s1, $0x2  }
0xba: {  	s3 =	sand.u32 $0x4000, s31;
	s1 =	sadd.s32 s1, s30  }
0xbb: {  	s0 =	sor.u32 s3, s0;
	s1 =	sshll.u32 s1, $0x11  }
0xbc: {  	s0 =	sor.u32 s1, s0  }
0xbd: {  	s0 =	sadd.s32 $0x8F2B, s0  }
0xbe: {  	[sflag:s0] =	ssyncadd.remote.s32 $0x1  }
0xbf: {  	_ =	sfence.sel $0xFFFF  }
0xc0: {  	[dreg:$0x0] =	wrdreg $0xFFFFFFFF;
	(pc) =	sbr.abs _section_cstart, $3  }
0xc1: {  	[dreg:$0x1] =	wrdreg $0xFFFFFFFF  }
0xc2: {  	_ =	task.clear_ibuf [dreg:s7], $0x2FFFF;
	_ =	strace $0x9FFFFFFF  }
0xc3: {  	(tm) =	ssettm $0x7FFFFFFF  }
tec
execute0_lowered:
.L_overlay_start_1:
0x0: {  	(tag) =	ssettag $0x1  }
0x1: {  	s0 =	rddreg [dreg:$0x0]  }
0x2: {  	s3 =	rddreg [dreg:$0x1]  }
0x3: {  	s1 =	rddreg [dreg:$0x2]  }
0x4: {  	s2 =	simm.s32 $0x0;
	s15 =	stileid.u32;
	s20 =	srdreg.scid  }
0x5: {  	[smem:$0x7FF] =	sst s2;
	s16 =	sadd.s32 $0x28E00, s0;
	s23 =	sadd.s32 $0x1C00, s0  }
0x6: {  	s6 =	sadd.s32 $0x5A000, s0;
	s7 =	sadd.s32 $0x50000, s0;
	s4 =	smul.u32 $0x2800, s15  }
0x7: {  	s5 =	sadd.s32 $0x64000, s0;
	s19 =	sadd.s32 $0x66800, s0;
	s9 =	sshll.u32 s15, $0x7  }
0x8: {  	s12 =	smul.u32 $0x50000, s15;
	_ =	strace $0x80000047;
	[dreg:$0x6] =	wrdreg s5  }
0x9: {  	s14 =	smul.u32 $0x5000, s15;
	s21 =	sshll.u32 s15, $0x6;
	[dreg:$0x7] =	wrdreg s19  }
0xa: {  	s29 =	smul.u32 $0x500, s15;
	s5 =	sand.u32 $0x1, s20;
	[dreg:$0x5] =	wrdreg s23  }
0xb: {  	s10 =	sadd.s32 s9, s0;
	s28 =	sor.u32 $0x1C0F, s21;
	[dreg:$0x4] =	wrdreg s16  }
0xc: {  	s12 =	sshrl.u32 s12, $0x2;
	s3 =	sadd.s32 s3, s4;
	[dreg:$0x9] =	wrdreg s28  }
0xd: {  	s22 =	sshrl.u32 s14, $0x3;
	s14 =	sor.u32 $0x280, s14;
	[dreg:$0x11] =	wrdreg s3  }
0xe: {  	s8 =	sadd.s32 s4, s0;
	s12 =	sadd.s32 s12, s1;
	[dreg:$0x16] =	wrdreg s14  }
0xf: {  	s0 =	sadd.s32 $0x66E00, s0;
	s24 =	sadd.s32 s6, s22;
	[dreg:$0x8] =	wrdreg s12  }
0x10: {  	p1 =	seq.s32 s5, $0x0;
	s8 =	sadd.s32 $0x6BE00, s8;
	[dreg:$0xa] =	wrdreg s24  }
0x11: {  	s31 =	sadd.s32 s0, s9;
	s0 =	sadd.s32 s0, s29;
	[dreg:$0xe] =	wrdreg s8  }
0x12: {  	s23 =	smov.u32 @p1 s16;
	[dreg:$0x10] =	wrdreg s0  }
0x13: {  	s11 =	ssub.s32 $0x2, s5;
	[smem:$0x7F9] =	sst s23  }
0x14: {  	s25 =	sor.u32 $0x10, s22;
	s12 =	sadd.s32 s7, s22;
	[dreg:$0xf] =	wrdreg s31  }
0x15: {  	s13 =	sshrl.u32 s11, $0x1;
	s26 =	sadd.s32 s6, s25;
	[dreg:$0xb] =	wrdreg s12  }
0x16: {  	s11 =	ssub.s32 s11, s13;
	s13 =	sadd.s32 s7, s25;
	[dreg:$0xc] =	wrdreg s26  }
0x17: {  	s4 =	sadd.s32 $0x500, s31;
	[dreg:$0xd] =	wrdreg s13  }
0x18: {  	s9 =	sadd.s32 $0xA00, s31;
	[dreg:$0x12] =	wrdreg s4  }
0x19: {  	s16 =	sadd.s32 $0xF00, s31;
	[dreg:$0x13] =	wrdreg s9  }
0x1a: {  	s17 =	sadd.s32 $0x1400, s31;
	[dreg:$0x17] =	wrdreg s16  }
0x1b: {  	s30 =	simm.s32 $0x300;
	s18 =	sadd.s32 $0x1900, s31;
	[dreg:$0x18] =	wrdreg s17  }
0x1c: {  	p0 =	sne.s32 s5, $0x0;
	s19 =	sadd.s32 $0x1E00, s31;
	[dreg:$0x19] =	wrdreg s18  }
0x1d: {  	p1 =	sgt.u32 s15, $0x9;
	s20 =	sadd.s32 $0x2300, s31;
	[dreg:$0x1a] =	wrdreg s19  }
0x1e: {  	s14 =	simm.s32 $0x4;
	s21 =	sadd.s32 $0x2800, s31;
	[dreg:$0x1b] =	wrdreg s20  }
0x1f: {  	s15 =	simm.s32 $0xE;
	s22 =	sadd.s32 $0x2D00, s31;
	[dreg:$0x1c] =	wrdreg s21  }
0x20: {  	s23 =	sadd.s32 $0x3200, s31;
	s24 =	sadd.s32 $0x3700, s31;
	[dreg:$0x1d] =	wrdreg s22  }
0x21: {  	s25 =	sadd.s32 $0x3C00, s31;
	s29 =	sadd.s32 $0x4600, s31;
	[dreg:$0x1e] =	wrdreg s23  }
0x22: {  	s0 =	simm.s32 $0x80;
	s8 =	simm.s32 $0x3;
	[dreg:$0x1f] =	wrdreg s24  }
0x23: {  	s12 =	sadd.s32 $0x93E00, s10;
	s13 =	smax.u32 s11, $0x1;
	[smem:$0x7FA] =	sst s25  }
0x24: {  	s26 =	sadd.s32 $0x4100, s31;
	[smem:$0x7FC] =	sst s29;
	s31 =	sadd.s32 $0x4B00, s31  }
0x25: {  	s4 =	simm.s32 $0xF;
	s9 =	simm.s32 $0x280;
	s21 =	simm.s32 $0x400  }
0x26: {  	s22 =	simm.s32 $0x1;
	s16 =	simm.s32 $0xC;
	s18 =	simm.s32 $0x4400  }
.Ltmp0:
0x27: {  	s19 =	simm.s32 $0x2;
	[dreg:$0x14] =	wrdreg s12;
	(pc) =	sbr.rel .LBB2_1-.Ltmp0, $4  }
0x28: {  	s17 =	simm.s32 $0x8;
	s24 =	simm.s32 $0xA;
	[dreg:$0x15] =	wrdreg s13  }
0x29: {  	s25 =	simm.s32 $0x5;
	s11 =	simm.s32 $0x8400;
	[smem:$0x7FB] =	sst s26  }
0x2a: {  	s10 =	simm.s32 $0x0;
	s23 =	simm.s32 $0x100;
	[smem:$0x7FD] =	sst s31  }
0x2b: {  	s12 =	simm.s32 $0xD;
	s13 =	simm.s32 $0x9;
	s26 =	simm.s32 $0x380  }
.LBB2_8:
0x2c: {  	s3 =	simm.s32 $0x6  }
0x2d: {  	_ =	swait.ge [sflag:s3], $0x4000  }
0x2e: {  	[sflag:s3] =	ssyncset.done $0x0  }
0x2f: {  	[sflag:s3] =	ssyncadd.s32 $0xFFFFC000  }
0x30: {  	[bflag:$0x0] =	sbarrier.arrive $0xFFFF  }
0x31: {  	s4 =	sld [smem:$0x7F8]  }
0x32: {  	s28 =	rddreg [dreg:$0x9]  }
0x33: {  	s31 =	rddreg [dreg:$0xe]  }
0x34: {  	[hbm:s31], [sflag:s28] =	dma.local [spmem:s4], $0x2800  }
0x35: {  	s4 =	simm.s32 $0xF  }
0x36: {  	_ =	swait.ge [sflag:s4], $0x2800  }
0x37: {  	[sflag:s4] =	ssyncset.done $0x0  }
0x38: {  	s10 =	sld [smem:$0x7F7];
	[sflag:s4] =	ssyncadd.s32 $0xFFFFD800  }
.LBB2_9:
0x39: {  	_ =	sdelay $0x1  }
0x3a: {  	s3 =	rddreg [dreg:$0x15];
	s10 =	sadd.s32 $0x1, s10  }
0x3b: {  	p2 =	sne.s32 s10, s3  }
.Ltmp1:
0x3c: {  	_ = 	snop;
	(pc) =	sbr.rel @!p2 .LBB2_10-.Ltmp1, $2  }
0x3d: {  	_ =	sdelay $0x2  }
0x3e: {  	s9 =	simm.s32 $0x280  }
.LBB2_1:
0x3f: {  	[smem:$0x7F7] =	sst s10  }
0x40: {  	s3 =	rddreg [dreg:$0x8]  }
0x41: {  	s29 =	rddreg [dreg:$0x6];
	s5 =	sshrl.u32 s3, $0x3  }
0x42: {  	[smem:$0x7F8] =	sst s5  }
0x43: {  	[spmem:s5], [sflag:s28] =	dma.local [hbm:s29], $0x2800  }
0x44: {  	_ =	swait.ge [sflag:s4], $0x2800  }
0x45: {  	s31 =	simm.s32 @!p0 $0x8400;
	[sflag:s4] =	ssyncset.done $0x0  }
0x46: {  	s3 =	simm.s32 @!p0 $0x0;
	[sflag:s4] =	ssyncadd.s32 $0xFFFFD800;
	s4 =	rddreg [dreg:$0x7]  }
0x47: {  	[tilespmem:s31], [sflag:$0xF] =	stream.linear.gather @!p0 [hbm4b:s4+s3], $0x2800, $0x38;
	[tilespmem:$0x1F400] =	vst v63  }
0x48: {  	s3 =	simm.s32 @!p0 $0xF  }
0x49: {  	_ =	swait.ge @!p0 [sflag:s3], $0x2800  }
0x4a: {  	[sflag:s3] =	ssyncset.done @!p0 $0x0  }
0x4b: {  	[sflag:s3] =	ssyncadd.s32 @!p0 $0xFFFFD800  }
0x4c: {  	[bflag:$0x0] =	sbarrier.arrive $0xFFFF  }
0x4d: {  	s5 =	rddreg [dreg:$0xa]  }
0x4e: {  	[tilespmem:s2], [sflag:$0x7] =	stream.linear.gather [hbm4b:s5+s2], $0x80, $0x38;
	[tilespmem:$0x1F400] =	vst v63  }
0x4f: {  	s10 =	rddreg [dreg:$0xb];
	s5 =	simm.s32 $0x200  }
0x50: {  	[tilespmem:s5], [sflag:$0xB] =	stream.linear.gather [hbm4b:s10+s2], $0x80, $0x38;
	[tilespmem:$0x1F400] =	vst v63  }
0x51: {  	s20 =	rddreg [dreg:$0xc]  }
0x52: {  	[tilespmem:s0], [sflag:$0x8] =	stream.linear.gather [hbm4b:s20+s2], $0x80, $0x38;
	[tilespmem:$0x1F400] =	vst v63  }
0x53: {  	s29 =	simm.s32 $0xB;
	s28 =	rddreg [dreg:$0xd]  }
0x54: {  	[tilespmem:s9], [sflag:$0xC] =	stream.linear.gather [hbm4b:s28+s2], $0x80, $0x38;
	[tilespmem:$0x1F400] =	vst v63  }
0x55: {  	_ =	swait.ge [sflag:s29], $0x80  }
.Ltmp2:
0x56: {  	s4 =	rddreg [dreg:$0x4];
	(pc) =	sbr.rel .LBB2_2-.Ltmp2, $4  }
0x57: {  	[sflag:s29] =	ssyncset.done $0x0;
	s3 =	rddreg [dreg:$0x5]  }
0x58: {  	s4 =	smov.u32 @p0 s3;
	[sflag:s29] =	ssyncadd.s32 $0xFFFFFF80  }
0x59: {  	[tilespmem:s21], [sflag:$0x1] =	stream.indirect.gather [hbm4b:s4+s0], $0x80, s5, s0, $0xb8;
	[tilespmem:$0x1F400] =	vst v63  }
0x5a: {  	s10 =	simm.s32 $0x200;
	s3 =	rddreg [dreg:$0x16];
	s5 =	simm.s32 $0x0  }
.LBB2_6:
.Ltmp3:
0x5b: {  	(pc) =	sbr.rel @p2 .LBB2_8-.Ltmp3, $2  }
0x5c: {  	_ =	sdelay $0x2  }
0x5d: {  	s28 =	rddreg [dreg:$0x5]  }
.LBB2_7:
0x5e: {  	s9 =	sshrl.u32 s3, $0x3  }
0x5f: {  	s29 =	sadd.s32 s6, s9  }
0x60: {  	[tilespmem:s0], [sflag:$0x8] =	stream.linear.gather [hbm4b:s29+s2], $0x80, $0x38;
	[tilespmem:$0x1F400] =	vst v63  }
0x61: {  	s20 =	simm.s32 $0x280;
	s9 =	sadd.s32 s7, s9  }
0x62: {  	[tilespmem:s20], [sflag:$0xC] =	stream.linear.gather [hbm4b:s9+s2], $0x80, $0x38;
	[tilespmem:$0x1F400] =	vst v63  }
0x63: {  	s20 =	simm.s32 $0xB  }
0x64: {  	_ =	swait.ge [sflag:s20], $0x80  }
0x65: {  	s3 =	sadd.s32 $0x200, s3;
	[sflag:s20] =	ssyncset.done $0x0  }
0x66: {  	s5 =	sadd.s32 $0xFFFFFFFF, s5;
	s9 =	simm.s32 $0x280;
	[sflag:s20] =	ssyncadd.s32 $0xFFFFFF80  }
0x67: {  	[tilespmem:s21], [sflag:$0x1] =	stream.indirect.gather [hbm4b:s28+s0], $0x80, s10, s0, $0xb8;
	[tilespmem:$0x1F400] =	vst v63  }
.LBB2_2:
0x68: {  	_ =	swait.ge [sflag:s22], $0x4000  }
0x69: {  	[sflag:s22] =	ssyncset.done $0x0  }
0x6a: {  	s20 =	simm.s32 $0x7;
	[sflag:s22] =	ssyncadd.s32 $0xFFFFC000  }
0x6b: {  	_ =	swait.ge [sflag:s20], $0x80  }
0x6c: {  	p2 =	seq.s32 s5, $0x0;
	[sflag:s20] =	ssyncset.done $0x0  }
0x6d: {  	s28 =	simm.s32 @!p2 $0x6;
	[sflag:s20] =	ssyncadd.s32 $0xFFFFFF80  }
0x6e: {  	[spmem:s1] =	stream.indirect.scatter.add.f32 [tilespmem:s21], [sflag:$0x3], $0x80, s2, s0, $0xb8;
	[tilespmem:$0x1F400] =	vst v63  }
0x6f: {  	_ =	swait.ge @!p2 [sflag:s28], $0x4000  }
0x70: {  	[sflag:s28] =	ssyncset.done @!p2 $0x0  }
0x71: {  	[sflag:s28] =	ssyncadd.s32 @!p2 $0xFFFFC000  }
0x72: {  	v0 =	vld @!p0 [tilespmem:$0x0];
	_ =	sdelay $0x4  }
0x73: {  	(xrf1) =	vunique.msk.u32 @!p0 $0xffff, v0;
	_ =	sdelay $0xd  }
0x74: {  	_, v1, vm0 =	vpop @!p0 (xrf1);
	_ =	sdelay $0x3  }
0x75: {  	v1 =	vcvt.s32.f32 @!p0 v1;
	_ =	sdelay $0x1  }
0x76: {  	[tilespmem:v0+s31+$0x0] =	vst.idx.add.f32.msk @!p0 vm0, v1  }
0x77: {  	v0 =	vld @!p0 [tilespmem:$0x10];
	_ =	sdelay $0x4  }
0x78: {  	(xrf1) =	vunique.msk.u32 @!p0 $0xffff, v0;
	_ =	sdelay $0xd  }
0x79: {  	_, v1, vm0 =	vpop @!p0 (xrf1);
	_ =	sdelay $0x3  }
0x7a: {  	v1 =	vcvt.s32.f32 @!p0 v1;
	_ =	sdelay $0x1  }
0x7b: {  	[tilespmem:v0+s31+$0x0] =	vst.idx.add.f32.msk @!p0 vm0, v1  }
0x7c: {  	v0 =	vld @!p0 [tilespmem:$0x20];
	_ =	sdelay $0x4  }
0x7d: {  	(xrf1) =	vunique.msk.u32 @!p0 $0xffff, v0;
	_ =	sdelay $0xd  }
0x7e: {  	_, v1, vm0 =	vpop @!p0 (xrf1);
	_ =	sdelay $0x3  }
0x7f: {  	v1 =	vcvt.s32.f32 @!p0 v1;
	_ =	sdelay $0x1  }
0x80: {  	[tilespmem:v0+s31+$0x0] =	vst.idx.add.f32.msk @!p0 vm0, v1  }
0x81: {  	v0 =	vld @!p0 [tilespmem:$0x30];
	_ =	sdelay $0x4  }
0x82: {  	(xrf1) =	vunique.msk.u32 @!p0 $0xffff, v0;
	_ =	sdelay $0xd  }
0x83: {  	_, v1, vm0 =	vpop @!p0 (xrf1);
	_ =	sdelay $0x3  }
0x84: {  	v1 =	vcvt.s32.f32 @!p0 v1;
	_ =	sdelay $0x1  }
0x85: {  	[tilespmem:v0+s31+$0x0] =	vst.idx.add.f32.msk @!p0 vm0, v1  }
0x86: {  	v0 =	vld @!p0 [tilespmem:$0x40];
	_ =	sdelay $0x4  }
0x87: {  	(xrf1) =	vunique.msk.u32 @!p0 $0xffff, v0;
	_ =	sdelay $0xd  }
0x88: {  	_, v1, vm0 =	vpop @!p0 (xrf1);
	_ =	sdelay $0x3  }
0x89: {  	v1 =	vcvt.s32.f32 @!p0 v1;
	_ =	sdelay $0x1  }
0x8a: {  	[tilespmem:v0+s31+$0x0] =	vst.idx.add.f32.msk @!p0 vm0, v1  }
0x8b: {  	v0 =	vld @!p0 [tilespmem:$0x50];
	_ =	sdelay $0x4  }
0x8c: {  	(xrf1) =	vunique.msk.u32 @!p0 $0xffff, v0;
	_ =	sdelay $0xd  }
0x8d: {  	_, v1, vm0 =	vpop @!p0 (xrf1);
	_ =	sdelay $0x3  }
0x8e: {  	v1 =	vcvt.s32.f32 @!p0 v1;
	_ =	sdelay $0x1  }
0x8f: {  	[tilespmem:v0+s31+$0x0] =	vst.idx.add.f32.msk @!p0 vm0, v1  }
0x90: {  	v0 =	vld @!p0 [tilespmem:$0x60];
	_ =	sdelay $0x4  }
0x91: {  	(xrf1) =	vunique.msk.u32 @!p0 $0xffff, v0;
	_ =	sdelay $0xd  }
0x92: {  	_, v1, vm0 =	vpop @!p0 (xrf1);
	_ =	sdelay $0x3  }
0x93: {  	v1 =	vcvt.s32.f32 @!p0 v1;
	_ =	sdelay $0x1  }
0x94: {  	[tilespmem:v0+s31+$0x0] =	vst.idx.add.f32.msk @!p0 vm0, v1  }
0x95: {  	v0 =	vld @!p0 [tilespmem:$0x70];
	_ =	sdelay $0x4  }
0x96: {  	(xrf1) =	vunique.msk.u32 @!p0 $0xffff, v0;
	_ =	sdelay $0xd  }
0x97: {  	_, v1, vm0 =	vpop @!p0 (xrf1);
	_ =	sdelay $0x3  }
0x98: {  	s20 =	sadd.s32 $0xFFFFFE80, s3;
	v1 =	vcvt.s32.f32 @!p0 v1  }
0x99: {  	s28 =	sshrl.u32 s20, $0x3  }
0x9a: {  	s29 =	sadd.s32 s6, s28;
	[tilespmem:v0+s31+$0x0] =	vst.idx.add.f32.msk @!p0 vm0, v1  }
0x9b: {  	[tilespmem:s23], [sflag:$0x9] =	stream.linear.gather [hbm4b:s29+s2], $0x80, $0x38;
	[tilespmem:$0x1F400] =	vst v63  }
0x9c: {  	s28 =	sadd.s32 s7, s28  }
0x9d: {  	[tilespmem:s30], [sflag:$0xD] =	stream.linear.gather [hbm4b:s28+s2], $0x80, $0x38;
	[tilespmem:$0x1F400] =	vst v63  }
0x9e: {  	_ =	swait.ge [sflag:s16], $0x80  }
0x9f: {  	[sflag:s16] =	ssyncset.done $0x0  }
0xa0: {  	[sflag:s16] =	ssyncadd.s32 $0xFFFFFF80  }
0xa1: {  	[tilespmem:s18], [sflag:$0x2] =	stream.indirect.gather [hbm4b:s4+s0], $0x80, s9, s0, $0xb8;
	[tilespmem:$0x1F400] =	vst v63  }
0xa2: {  	_ =	swait.ge [sflag:s19], $0x4000  }
0xa3: {  	[sflag:s19] =	ssyncset.done $0x0  }
0xa4: {  	[sflag:s19] =	ssyncadd.s32 $0xFFFFC000  }
0xa5: {  	_ =	swait.ge [sflag:s17], $0x80  }
0xa6: {  	[sflag:s17] =	ssyncset.done $0x0  }
0xa7: {  	[sflag:s17] =	ssyncadd.s32 $0xFFFFFF80  }
0xa8: {  	[spmem:s1] =	stream.indirect.scatter.add.f32 [tilespmem:s18], [sflag:$0x4], $0x80, s0, s0, $0xb8;
	[tilespmem:$0x1F400] =	vst v63  }
0xa9: {  	_ =	swait.ge [sflag:s8], $0x4000  }
0xaa: {  	[sflag:s8] =	ssyncset.done $0x0  }
0xab: {  	[sflag:s8] =	ssyncadd.s32 $0xFFFFC000  }
0xac: {  	v0 =	vld @!p0 [tilespmem:$0x80];
	_ =	sdelay $0x4  }
0xad: {  	(xrf1) =	vunique.msk.u32 @!p0 $0xffff, v0;
	_ =	sdelay $0xd  }
0xae: {  	_, v1, vm0 =	vpop @!p0 (xrf1);
	_ =	sdelay $0x3  }
0xaf: {  	v1 =	vcvt.s32.f32 @!p0 v1;
	_ =	sdelay $0x1  }
0xb0: {  	[tilespmem:v0+s31+$0x0] =	vst.idx.add.f32.msk @!p0 vm0, v1  }
0xb1: {  	v0 =	vld @!p0 [tilespmem:$0x90];
	_ =	sdelay $0x4  }
0xb2: {  	(xrf1) =	vunique.msk.u32 @!p0 $0xffff, v0;
	_ =	sdelay $0xd  }
0xb3: {  	_, v1, vm0 =	vpop @!p0 (xrf1);
	_ =	sdelay $0x3  }
0xb4: {  	v1 =	vcvt.s32.f32 @!p0 v1;
	_ =	sdelay $0x1  }
0xb5: {  	[tilespmem:v0+s31+$0x0] =	vst.idx.add.f32.msk @!p0 vm0, v1  }
0xb6: {  	v0 =	vld @!p0 [tilespmem:$0xA0];
	_ =	sdelay $0x4  }
0xb7: {  	(xrf1) =	vunique.msk.u32 @!p0 $0xffff, v0;
	_ =	sdelay $0xd  }
0xb8: {  	_, v1, vm0 =	vpop @!p0 (xrf1);
	_ =	sdelay $0x3  }
0xb9: {  	v1 =	vcvt.s32.f32 @!p0 v1;
	_ =	sdelay $0x1  }
0xba: {  	[tilespmem:v0+s31+$0x0] =	vst.idx.add.f32.msk @!p0 vm0, v1  }
0xbb: {  	v0 =	vld @!p0 [tilespmem:$0xB0];
	_ =	sdelay $0x4  }
0xbc: {  	(xrf1) =	vunique.msk.u32 @!p0 $0xffff, v0;
	_ =	sdelay $0xd  }
0xbd: {  	_, v1, vm0 =	vpop @!p0 (xrf1);
	_ =	sdelay $0x3  }
0xbe: {  	v1 =	vcvt.s32.f32 @!p0 v1;
	_ =	sdelay $0x1  }
0xbf: {  	[tilespmem:v0+s31+$0x0] =	vst.idx.add.f32.msk @!p0 vm0, v1  }
0xc0: {  	v0 =	vld @!p0 [tilespmem:$0xC0];
	_ =	sdelay $0x4  }
0xc1: {  	(xrf1) =	vunique.msk.u32 @!p0 $0xffff, v0;
	_ =	sdelay $0xd  }
0xc2: {  	_, v1, vm0 =	vpop @!p0 (xrf1);
	_ =	sdelay $0x3  }
0xc3: {  	v1 =	vcvt.s32.f32 @!p0 v1;
	_ =	sdelay $0x1  }
0xc4: {  	[tilespmem:v0+s31+$0x0] =	vst.idx.add.f32.msk @!p0 vm0, v1  }
0xc5: {  	v0 =	vld @!p0 [tilespmem:$0xD0];
	_ =	sdelay $0x4  }
0xc6: {  	(xrf1) =	vunique.msk.u32 @!p0 $0xffff, v0;
	_ =	sdelay $0xd  }
0xc7: {  	_, v1, vm0 =	vpop @!p0 (xrf1);
	_ =	sdelay $0x3  }
0xc8: {  	v1 =	vcvt.s32.f32 @!p0 v1;
	_ =	sdelay $0x1  }
0xc9: {  	[tilespmem:v0+s31+$0x0] =	vst.idx.add.f32.msk @!p0 vm0, v1  }
0xca: {  	v0 =	vld @!p0 [tilespmem:$0xE0];
	_ =	sdelay $0x4  }
0xcb: {  	(xrf1) =	vunique.msk.u32 @!p0 $0xffff, v0;
	_ =	sdelay $0xd  }
0xcc: {  	_, v1, vm0 =	vpop @!p0 (xrf1);
	_ =	sdelay $0x3  }
0xcd: {  	v1 =	vcvt.s32.f32 @!p0 v1;
	_ =	sdelay $0x1  }
0xce: {  	[tilespmem:v0+s31+$0x0] =	vst.idx.add.f32.msk @!p0 vm0, v1  }
0xcf: {  	v0 =	vld @!p0 [tilespmem:$0xF0];
	_ =	sdelay $0x4  }
0xd0: {  	(xrf1) =	vunique.msk.u32 @!p0 $0xffff, v0;
	_ =	sdelay $0xd  }
0xd1: {  	_, v1, vm0 =	vpop @!p0 (xrf1);
	_ =	sdelay $0x3  }
0xd2: {  	s29 =	sadd.s32 $0xFFFFFF00, s3;
	v1 =	vcvt.s32.f32 @!p0 v1  }
0xd3: {  	s28 =	sshrl.u32 s29, $0x3  }
0xd4: {  	s20 =	simm.s32 $0x180;
	s9 =	sadd.s32 s6, s28;
	[tilespmem:v0+s31+$0x0] =	vst.idx.add.f32.msk @!p0 vm0, v1  }
0xd5: {  	[tilespmem:s20], [sflag:$0xA] =	stream.linear.gather [hbm4b:s9+s2], $0x80, $0x38;
	[tilespmem:$0x1F400] =	vst v63  }
0xd6: {  	s28 =	sadd.s32 s7, s28  }
0xd7: {  	[tilespmem:s26], [sflag:$0xE] =	stream.linear.gather [hbm4b:s28+s2], $0x80, $0x38;
	[tilespmem:$0x1F400] =	vst v63  }
0xd8: {  	_ =	swait.ge [sflag:s12], $0x80  }
0xd9: {  	[sflag:s12] =	ssyncset.done $0x0  }
0xda: {  	[sflag:s12] =	ssyncadd.s32 $0xFFFFFF80  }
0xdb: {  	[tilespmem:s21], [sflag:$0x1] =	stream.indirect.gather [hbm4b:s4+s0], $0x80, s30, s0, $0xb8;
	[tilespmem:$0x1F400] =	vst v63  }
0xdc: {  	_ =	swait.ge [sflag:s22], $0x4000  }
0xdd: {  	[sflag:s22] =	ssyncset.done $0x0  }
0xde: {  	[sflag:s22] =	ssyncadd.s32 $0xFFFFC000  }
0xdf: {  	_ =	swait.ge [sflag:s13], $0x80  }
0xe0: {  	[sflag:s13] =	ssyncset.done $0x0  }
0xe1: {  	[sflag:s13] =	ssyncadd.s32 $0xFFFFFF80  }
0xe2: {  	[spmem:s1] =	stream.indirect.scatter.add.f32 [tilespmem:s21], [sflag:$0x5], $0x80, s23, s0, $0xb8;
	[tilespmem:$0x1F400] =	vst v63  }
0xe3: {  	_ =	swait.ge [sflag:s14], $0x4000  }
0xe4: {  	[sflag:s14] =	ssyncset.done $0x0  }
0xe5: {  	[sflag:s14] =	ssyncadd.s32 $0xFFFFC000  }
0xe6: {  	v0 =	vld @!p0 [tilespmem:$0x100];
	_ =	sdelay $0x4  }
0xe7: {  	(xrf1) =	vunique.msk.u32 @!p0 $0xffff, v0;
	_ =	sdelay $0xd  }
0xe8: {  	_, v1, vm0 =	vpop @!p0 (xrf1);
	_ =	sdelay $0x3  }
0xe9: {  	v1 =	vcvt.s32.f32 @!p0 v1;
	_ =	sdelay $0x1  }
0xea: {  	[tilespmem:v0+s31+$0x0] =	vst.idx.add.f32.msk @!p0 vm0, v1  }
0xeb: {  	v0 =	vld @!p0 [tilespmem:$0x110];
	_ =	sdelay $0x4  }
0xec: {  	(xrf1) =	vunique.msk.u32 @!p0 $0xffff, v0;
	_ =	sdelay $0xd  }
0xed: {  	_, v1, vm0 =	vpop @!p0 (xrf1);
	_ =	sdelay $0x3  }
0xee: {  	v1 =	vcvt.s32.f32 @!p0 v1;
	_ =	sdelay $0x1  }
0xef: {  	[tilespmem:v0+s31+$0x0] =	vst.idx.add.f32.msk @!p0 vm0, v1  }
0xf0: {  	v0 =	vld @!p0 [tilespmem:$0x120];
	_ =	sdelay $0x4  }
0xf1: {  	(xrf1) =	vunique.msk.u32 @!p0 $0xffff, v0;
	_ =	sdelay $0xd  }
0xf2: {  	_, v1, vm0 =	vpop @!p0 (xrf1);
	_ =	sdelay $0x3  }
0xf3: {  	v1 =	vcvt.s32.f32 @!p0 v1;
	_ =	sdelay $0x1  }
0xf4: {  	[tilespmem:v0+s31+$0x0] =	vst.idx.add.f32.msk @!p0 vm0, v1  }
0xf5: {  	v0 =	vld @!p0 [tilespmem:$0x130];
	_ =	sdelay $0x4  }
0xf6: {  	(xrf1) =	vunique.msk.u32 @!p0 $0xffff, v0;
	_ =	sdelay $0xd  }
0xf7: {  	_, v1, vm0 =	vpop @!p0 (xrf1);
	_ =	sdelay $0x3  }
0xf8: {  	v1 =	vcvt.s32.f32 @!p0 v1;
	_ =	sdelay $0x1  }
0xf9: {  	[tilespmem:v0+s31+$0x0] =	vst.idx.add.f32.msk @!p0 vm0, v1  }
0xfa: {  	v0 =	vld @!p0 [tilespmem:$0x140];
	_ =	sdelay $0x4  }
0xfb: {  	(xrf1) =	vunique.msk.u32 @!p0 $0xffff, v0;
	_ =	sdelay $0xd  }
0xfc: {  	_, v1, vm0 =	vpop @!p0 (xrf1);
	_ =	sdelay $0x3  }
0xfd: {  	v1 =	vcvt.s32.f32 @!p0 v1;
	_ =	sdelay $0x1  }
0xfe: {  	[tilespmem:v0+s31+$0x0] =	vst.idx.add.f32.msk @!p0 vm0, v1  }
0xff: {  	v0 =	vld @!p0 [tilespmem:$0x150];
	_ =	sdelay $0x4  }
0x100: {  	(xrf1) =	vunique.msk.u32 @!p0 $0xffff, v0;
	_ =	sdelay $0xd  }
0x101: {  	_, v1, vm0 =	vpop @!p0 (xrf1);
	_ =	sdelay $0x3  }
0x102: {  	v1 =	vcvt.s32.f32 @!p0 v1;
	_ =	sdelay $0x1  }
0x103: {  	[tilespmem:v0+s31+$0x0] =	vst.idx.add.f32.msk @!p0 vm0, v1  }
0x104: {  	v0 =	vld @!p0 [tilespmem:$0x160];
	_ =	sdelay $0x4  }
0x105: {  	(xrf1) =	vunique.msk.u32 @!p0 $0xffff, v0;
	_ =	sdelay $0xd  }
0x106: {  	_, v1, vm0 =	vpop @!p0 (xrf1);
	_ =	sdelay $0x3  }
0x107: {  	v1 =	vcvt.s32.f32 @!p0 v1;
	_ =	sdelay $0x1  }
0x108: {  	[tilespmem:v0+s31+$0x0] =	vst.idx.add.f32.msk @!p0 vm0, v1  }
0x109: {  	v0 =	vld @!p0 [tilespmem:$0x170];
	_ =	sdelay $0x4  }
0x10a: {  	(xrf1) =	vunique.msk.u32 @!p0 $0xffff, v0;
	_ =	sdelay $0xd  }
0x10b: {  	_, v1, vm0 =	vpop @!p0 (xrf1);
	_ =	sdelay $0x2  }
0x10c: {  	p2 =	seq.s32 s5, $0xFFFFFFD9  }
0x10d: {  	s28 =	sadd.s32 @!p2 $0xFFFFFF80, s3;
	v1 =	vcvt.s32.f32 @!p0 v1  }
0x10e: {  	s28 =	sshrl.u32 @!p2 s28, $0x3  }
0x10f: {  	s9 =	simm.s32 @!p2 $0x0;
	s29 =	sadd.s32 @!p2 s6, s28;
	[tilespmem:v0+s31+$0x0] =	vst.idx.add.f32.msk @!p0 vm0, v1  }
0x110: {  	[tilespmem:s9], [sflag:$0x7] =	stream.linear.gather @!p2 [hbm4b:s29+s9], $0x80, $0x38;
	[tilespmem:$0x1F400] =	vst v63  }
0x111: {  	s28 =	sadd.s32 @!p2 s7, s28;
	s29 =	simm.s32 @!p2 $0x200  }
0x112: {  	[tilespmem:s29], [sflag:$0xB] =	stream.linear.gather @!p2 [hbm4b:s28+s9], $0x80, $0x38;
	[tilespmem:$0x1F400] =	vst v63  }
0x113: {  	_ =	swait.ge [sflag:s15], $0x80  }
0x114: {  	s29 =	sld [smem:$0x7F9]  }
0x115: {  	[sflag:s15] =	ssyncset.done $0x0  }
0x116: {  	[sflag:s15] =	ssyncadd.s32 $0xFFFFFF80  }
0x117: {  	[tilespmem:s18], [sflag:$0x2] =	stream.indirect.gather [hbm4b:s29+s0], $0x80, s26, s0, $0xb8;
	[tilespmem:$0x1F400] =	vst v63  }
0x118: {  	_ =	swait.ge [sflag:s19], $0x4000  }
0x119: {  	[sflag:s19] =	ssyncset.done $0x0  }
0x11a: {  	[sflag:s19] =	ssyncadd.s32 $0xFFFFC000  }
0x11b: {  	_ =	swait.ge [sflag:s24], $0x80  }
0x11c: {  	[sflag:s24] =	ssyncset.done $0x0  }
.Ltmp4:
0x11d: {  	[sflag:s24] =	ssyncadd.s32 $0xFFFFFF80;
	(pc) =	sbr.rel @p0 .LBB2_6-.Ltmp4, $4  }
0x11e: {  	[spmem:s1] =	stream.indirect.scatter.add.f32 [tilespmem:s18], [sflag:$0x6], $0x80, s20, s0, $0xb8;
	[tilespmem:$0x1F400] =	vst v63  }
0x11f: {  	_ =	swait.ge [sflag:s25], $0x4000  }
0x120: {  	[sflag:s25] =	ssyncset.done $0x0  }
0x121: {  	[sflag:s25] =	ssyncadd.s32 $0xFFFFC000  }
0x122: {  	v0 =	vld [tilespmem:$0x180];
	_ =	sdelay $0x4  }
0x123: {  	(xrf1) =	vunique.msk.u32 $0xffff, v0;
	_ =	sdelay $0xd  }
0x124: {  	_, v1, vm0 =	vpop (xrf1);
	_ =	sdelay $0x3  }
0x125: {  	v1 =	vcvt.s32.f32 v1;
	_ =	sdelay $0x1  }
0x126: {  	[tilespmem:v0+s11+$0x0] =	vst.idx.add.f32.msk vm0, v1  }
0x127: {  	v0 =	vld [tilespmem:$0x190];
	_ =	sdelay $0x4  }
0x128: {  	(xrf1) =	vunique.msk.u32 $0xffff, v0;
	_ =	sdelay $0xd  }
0x129: {  	_, v1, vm0 =	vpop (xrf1);
	_ =	sdelay $0x3  }
0x12a: {  	v1 =	vcvt.s32.f32 v1;
	_ =	sdelay $0x1  }
0x12b: {  	[tilespmem:v0+s11+$0x0] =	vst.idx.add.f32.msk vm0, v1  }
0x12c: {  	v0 =	vld [tilespmem:$0x1A0];
	_ =	sdelay $0x4  }
0x12d: {  	(xrf1) =	vunique.msk.u32 $0xffff, v0;
	_ =	sdelay $0xd  }
0x12e: {  	_, v1, vm0 =	vpop (xrf1);
	_ =	sdelay $0x3  }
0x12f: {  	v1 =	vcvt.s32.f32 v1;
	_ =	sdelay $0x1  }
0x130: {  	[tilespmem:v0+s11+$0x0] =	vst.idx.add.f32.msk vm0, v1  }
0x131: {  	v0 =	vld [tilespmem:$0x1B0];
	_ =	sdelay $0x4  }
0x132: {  	(xrf1) =	vunique.msk.u32 $0xffff, v0;
	_ =	sdelay $0xd  }
0x133: {  	_, v1, vm0 =	vpop (xrf1);
	_ =	sdelay $0x3  }
0x134: {  	v1 =	vcvt.s32.f32 v1;
	_ =	sdelay $0x1  }
0x135: {  	[tilespmem:v0+s11+$0x0] =	vst.idx.add.f32.msk vm0, v1  }
0x136: {  	v0 =	vld [tilespmem:$0x1C0];
	_ =	sdelay $0x4  }
0x137: {  	(xrf1) =	vunique.msk.u32 $0xffff, v0;
	_ =	sdelay $0xd  }
0x138: {  	_, v1, vm0 =	vpop (xrf1);
	_ =	sdelay $0x3  }
0x139: {  	v1 =	vcvt.s32.f32 v1;
	_ =	sdelay $0x1  }
0x13a: {  	[tilespmem:v0+s11+$0x0] =	vst.idx.add.f32.msk vm0, v1  }
0x13b: {  	v0 =	vld [tilespmem:$0x1D0];
	_ =	sdelay $0x4  }
0x13c: {  	(xrf1) =	vunique.msk.u32 $0xffff, v0;
	_ =	sdelay $0xd  }
0x13d: {  	_, v1, vm0 =	vpop (xrf1);
	_ =	sdelay $0x3  }
0x13e: {  	v1 =	vcvt.s32.f32 v1;
	_ =	sdelay $0x1  }
0x13f: {  	[tilespmem:v0+s11+$0x0] =	vst.idx.add.f32.msk vm0, v1  }
0x140: {  	v0 =	vld [tilespmem:$0x1E0];
	_ =	sdelay $0x4  }
0x141: {  	(xrf1) =	vunique.msk.u32 $0xffff, v0;
	_ =	sdelay $0xd  }
0x142: {  	_, v1, vm0 =	vpop (xrf1);
	_ =	sdelay $0x3  }
0x143: {  	v1 =	vcvt.s32.f32 v1;
	_ =	sdelay $0x1  }
0x144: {  	[tilespmem:v0+s11+$0x0] =	vst.idx.add.f32.msk vm0, v1  }
0x145: {  	v0 =	vld [tilespmem:$0x1F0];
	_ =	sdelay $0x4  }
0x146: {  	(xrf1) =	vunique.msk.u32 $0xffff, v0;
	_ =	sdelay $0xd  }
0x147: {  	_, v1, vm0 =	vpop (xrf1);
	_ =	sdelay $0x1  }
.Ltmp5:
0x148: {  	_ = 	snop;
	(pc) =	sbr.rel @!p2 .LBB2_7-.Ltmp5, $3  }
0x149: {  	_ = 	snop  }
0x14a: {  	v1 =	vcvt.s32.f32 v1;
	_ =	sdelay $0x1  }
0x14b: {  	s28 =	rddreg [dreg:$0x4];
	[tilespmem:v0+s11+$0x0] =	vst.idx.add.f32.msk vm0, v1  }
0x14c: {  	s3 =	simm.s32 $0x6  }
0x14d: {  	_ =	swait.ge [sflag:s3], $0x4000  }
0x14e: {  	[sflag:s3] =	ssyncset.done $0x0  }
0x14f: {  	s4 =	simm.s32 $0xF;
	s29 =	rddreg [dreg:$0x10];
	[sflag:s3] =	ssyncadd.s32 $0xFFFFC000  }
0x150: {  	[hbm4b:s29+s2] =	stream.linear.scatter [tilespmem:s11], [sflag:$0xF], $0x2800, $0x38;
	[tilespmem:$0x1F400] =	vst v63  }
0x151: {  	_ =	swait.ge [sflag:s4], $0x2800  }
0x152: {  	[sflag:s4] =	ssyncset.done $0x0  }
0x153: {  	[sflag:s4] =	ssyncadd.s32 $0xFFFFD800  }
0x154: {  	[bflag:$0x0] =	sbarrier.arrive $0xFFFF  }
0x155: {  	s5 =	sld [smem:$0x7F8]  }
0x156: {  	s28 =	rddreg [dreg:$0x9]  }
.Ltmp6:
0x157: {  	s31 =	rddreg [dreg:$0x11];
	(pc) =	sbr.rel @p1 .LBB2_9-.Ltmp6, $4  }
0x158: {  	[hbm:s31], [sflag:s28] =	dma.local [spmem:s5], $0x2800  }
0x159: {  	_ =	swait.ge [sflag:s4], $0x2800  }
0x15a: {  	[sflag:s4] =	ssyncset.done $0x0  }
0x15b: {  	s10 =	sld [smem:$0x7F7];
	[sflag:s4] =	ssyncadd.s32 $0xFFFFD800  }
0x15c: {  	s3 =	rddreg [dreg:$0xf];
	s5 =	simm.s32 $0xB000  }
0x15d: {  	[tilespmem:s5], [sflag:$0xF] =	stream.linear.gather [hbm4b:s3+s2], $0x400, $0x38;
	[tilespmem:$0x1F400] =	vst v63  }
0x15e: {  	_ =	swait.ge [sflag:s4], $0x400  }
0x15f: {  	[sflag:s4] =	ssyncset.done $0x0  }
0x160: {  	s9 =	simm.s32 $0xAC00;
	s31 =	rddreg [dreg:$0x12];
	[sflag:s4] =	ssyncadd.s32 $0xFFFFFC00  }
0x161: {  	[tilespmem:s9], [sflag:$0xF] =	stream.linear.gather [hbm4b:s31+s2], $0x400, $0x38;
	[tilespmem:$0x1F400] =	vst v63  }
0x162: {  	_ =	swait.ge [sflag:s4], $0x400  }
0x163: {  	[sflag:s4] =	ssyncset.done $0x0  }
0x164: {  	[sflag:s4] =	ssyncadd.s32 $0xFFFFFC00  }
0x165: {  	v0 =	vld [tilespmem:$0xB000]  }
0x166: {  	v1 =	vld [tilespmem:$0xAC00]  }
0x167: {  	v2 =	vld [tilespmem:$0xB080]  }
0x168: {  	v3 =	vld [tilespmem:$0xAC80]  }
0x169: {  	v4 =	vld [tilespmem:$0xB100]  }
0x16a: {  	v5 =	vld [tilespmem:$0xAD00]  }
0x16b: {  	v6 =	vld [tilespmem:$0xB180]  }
0x16c: {  	v7 =	vld [tilespmem:$0xAD80]  }
0x16d: {  	v8 =	vld [tilespmem:$0xB200]  }
0x16e: {  	v9 =	vld [tilespmem:$0xAE00]  }
0x16f: {  	v10 =	vld [tilespmem:$0xB280]  }
0x170: {  	v11 =	vld [tilespmem:$0xAE80]  }
0x171: {  	v12 =	vld [tilespmem:$0xB300]  }
0x172: {  	v13 =	vld [tilespmem:$0xAF00]  }
0x173: {  	v14 =	vld [tilespmem:$0xB380]  }
0x174: {  	v15 =	vld [tilespmem:$0xAF80]  }
0x175: {  	v16 =	vld [tilespmem:$0xB010]  }
0x176: {  	v17 =	vld [tilespmem:$0xAC10]  }
0x177: {  	v18 =	vld [tilespmem:$0xB090]  }
0x178: {  	v19 =	vld [tilespmem:$0xAC90]  }
0x179: {  	v20 =	vld [tilespmem:$0xB110]  }
0x17a: {  	v21 =	vld [tilespmem:$0xAD10]  }
0x17b: {  	v22 =	vld [tilespmem:$0xB190]  }
0x17c: {  	v23 =	vld [tilespmem:$0xAD90]  }
0x17d: {  	v24 =	vld [tilespmem:$0xB210]  }
0x17e: {  	v25 =	vld [tilespmem:$0xAE10]  }
0x17f: {  	v26 =	vld [tilespmem:$0xB290]  }
0x180: {  	v27 =	vld [tilespmem:$0xAE90]  }
0x181: {  	v28 =	vld [tilespmem:$0xB310]  }
0x182: {  	v29 =	vld [tilespmem:$0xAF10]  }
0x183: {  	v30 =	vld [tilespmem:$0xB390]  }
0x184: {  	v31 =	vld [tilespmem:$0xAF90]  }
0x185: {  	v32 =	vld [tilespmem:$0xB020]  }
0x186: {  	v33 =	vld [tilespmem:$0xAC20]  }
0x187: {  	v34 =	vld [tilespmem:$0xB0A0]  }
0x188: {  	v35 =	vld [tilespmem:$0xACA0]  }
0x189: {  	v36 =	vld [tilespmem:$0xB120]  }
0x18a: {  	v37 =	vld [tilespmem:$0xAD20]  }
0x18b: {  	v38 =	vld [tilespmem:$0xB1A0]  }
0x18c: {  	v39 =	vld [tilespmem:$0xADA0]  }
0x18d: {  	v40 =	vld [tilespmem:$0xB220]  }
0x18e: {  	v41 =	vld [tilespmem:$0xAE20]  }
0x18f: {  	v42 =	vld [tilespmem:$0xB2A0]  }
0x190: {  	v43 =	vld [tilespmem:$0xAEA0]  }
0x191: {  	v44 =	vld [tilespmem:$0xB320]  }
0x192: {  	v45 =	vld [tilespmem:$0xAF20]  }
0x193: {  	v46 =	vld [tilespmem:$0xB3A0]  }
0x194: {  	v47 =	vld [tilespmem:$0xAFA0]  }
0x195: {  	v48 =	vld [tilespmem:$0xB030]  }
0x196: {  	v49 =	vld [tilespmem:$0xAC30]  }
0x197: {  	v50 =	vld [tilespmem:$0xB0B0]  }
0x198: {  	v51 =	vld [tilespmem:$0xACB0]  }
0x199: {  	v52 =	vld [tilespmem:$0xB130]  }
0x19a: {  	v53 =	vld [tilespmem:$0xAD30]  }
0x19b: {  	v54 =	vld [tilespmem:$0xB1B0]  }
0x19c: {  	v55 =	vld [tilespmem:$0xADB0]  }
0x19d: {  	v56 =	vld [tilespmem:$0xB230]  }
0x19e: {  	v57 =	vld [tilespmem:$0xAE30]  }
0x19f: {  	v58 =	vld [tilespmem:$0xB2B0]  }
0x1a0: {  	v59 =	vld [tilespmem:$0xAEB0]  }
0x1a1: {  	v60 =	vld [tilespmem:$0xB330]  }
0x1a2: {  	v62 =	vld [tilespmem:$0xB3B0];
	_ =	sdelay $0x2  }
0x1a3: {  	v61 =	vld [tilespmem:$0xAF30]  }
0x1a4: {  	v63 =	vld [tilespmem:$0xAFB0]  }
0x1a5: {  	[tilespmem:$0x1FC40] =	vst v62;
	v62 =	vld [tilespmem:$0xB040]  }
0x1a6: {  	v0 =	vadd.f32 v1, v0;
	v1 =	vld [tilespmem:$0xAD40]  }
0x1a7: {  	v2 =	vadd.f32 v3, v2;
	v3 =	vld [tilespmem:$0xB1C0]  }
0x1a8: {  	v9 =	vadd.f32 v9, v8;
	v8 =	vld [tilespmem:$0xAEC0]  }
0x1a9: {  	v13 =	vadd.f32 v13, v12;
	v12 =	vld [tilespmem:$0xAFC0]  }
0x1aa: {  	v15 =	vadd.f32 v15, v14;
	v14 =	vld [tilespmem:$0xAC50]  }
0x1ab: {  	v17 =	vadd.f32 v17, v16;
	v16 =	vld [tilespmem:$0xACD0]  }
0x1ac: {  	v19 =	vadd.f32 v19, v18;
	v18 =	vld [tilespmem:$0xAD50]  }
0x1ad: {  	v21 =	vadd.f32 v21, v20;
	v20 =	vld [tilespmem:$0xADD0];
	[tilespmem:$0xB000] =	vst v0  }
0x1ae: {  	v23 =	vadd.f32 v23, v22;
	v22 =	vld [tilespmem:$0xAE50];
	[tilespmem:$0xB080] =	vst v2  }
0x1af: {  	v25 =	vadd.f32 v25, v24;
	v24 =	vld [tilespmem:$0xAED0];
	[tilespmem:$0xB200] =	vst v9  }
0x1b0: {  	v27 =	vadd.f32 v27, v26;
	v26 =	vld [tilespmem:$0xAF50];
	[tilespmem:$0xB300] =	vst v13  }
0x1b1: {  	v29 =	vadd.f32 v29, v28;
	v28 =	vld [tilespmem:$0xAFD0];
	[tilespmem:$0xB380] =	vst v15  }
0x1b2: {  	v31 =	vadd.f32 v31, v30;
	v30 =	vld [tilespmem:$0xAC60];
	[tilespmem:$0xB010] =	vst v17  }
0x1b3: {  	v33 =	vadd.f32 v33, v32;
	v32 =	vld [tilespmem:$0xACE0];
	[tilespmem:$0xB090] =	vst v19  }
0x1b4: {  	v41 =	vadd.f32 v41, v40;
	v40 =	vld [tilespmem:$0xAD60];
	[tilespmem:$0xB110] =	vst v21  }
0x1b5: {  	v37 =	vadd.f32 v37, v36;
	v36 =	vadd.f32 v61, v60;
	v61 =	vld [tilespmem:$0xAFE0];
	[tilespmem:$0xB190] =	vst v23  }
0x1b6: {  	v0 =	vadd.f32 v5, v4;
	v4 =	vld [tilespmem:$0xADC0];
	[tilespmem:$0xB210] =	vst v25  }
0x1b7: {  	v5 =	vld [tilespmem:$0xB240];
	[tilespmem:$0xB290] =	vst v27  }
0x1b8: {  	v9 =	vld [tilespmem:$0xB340];
	[tilespmem:$0xB310] =	vst v29  }
0x1b9: {  	v35 =	vadd.f32 v35, v34;
	v13 =	vld [tilespmem:$0xB050];
	[tilespmem:$0xB390] =	vst v31  }
0x1ba: {  	v15 =	vld [tilespmem:$0xB0D0];
	[tilespmem:$0xB020] =	vst v33  }
0x1bb: {  	v39 =	vadd.f32 v39, v38;
	v17 =	vld [tilespmem:$0xB150];
	[tilespmem:$0xB0A0] =	vst v35  }
0x1bc: {  	v19 =	vld [tilespmem:$0xB1D0];
	[tilespmem:$0xB120] =	vst v37  }
0x1bd: {  	v43 =	vadd.f32 v43, v42;
	v21 =	vld [tilespmem:$0xB250];
	[tilespmem:$0xB1A0] =	vst v39  }
0x1be: {  	v45 =	vadd.f32 v45, v44;
	v23 =	vld [tilespmem:$0xB2D0];
	[tilespmem:$0xB220] =	vst v41  }
0x1bf: {  	v47 =	vadd.f32 v47, v46;
	[tilespmem:$0xB2A0] =	vst v43;
	v25 =	vld [tilespmem:$0xB350]  }
0x1c0: {  	v49 =	vadd.f32 v49, v48;
	[tilespmem:$0xB320] =	vst v45;
	v27 =	vld [tilespmem:$0xB3D0]  }
0x1c1: {  	[tilespmem:$0xB3A0] =	vst v47;
	v29 =	vld [tilespmem:$0xB060]  }
0x1c2: {  	v51 =	vadd.f32 v51, v50;
	[tilespmem:$0xB030] =	vst v49;
	v31 =	vld [tilespmem:$0xB0E0]  }
0x1c3: {  	v53 =	vadd.f32 v53, v52;
	[tilespmem:$0x1FC50] =	vst v62;
	v62 =	vld [tilespmem:$0xAC40]  }
0x1c4: {  	v55 =	vadd.f32 v55, v54;
	[tilespmem:$0xB0B0] =	vst v51;
	v37 =	vld [tilespmem:$0x1FC40]  }
0x1c5: {  	v57 =	vadd.f32 v57, v56;
	[tilespmem:$0xB130] =	vst v53;
	v33 =	vld [tilespmem:$0xB160]  }
0x1c6: {  	[tilespmem:$0xB1B0] =	vst v55;
	v43 =	vld [tilespmem:$0xB1E0]  }
0x1c7: {  	[tilespmem:$0xB230] =	vst v57;
	v45 =	vld [tilespmem:$0xADE0]  }
0x1c8: {  	[tilespmem:$0x1FC60] =	vst v62;
	v62 =	vld [tilespmem:$0xB0C0]  }
0x1c9: {  	[tilespmem:$0xB330] =	vst v36;
	v47 =	vld [tilespmem:$0xB260];
	v2 =	vadd.f32 v63, v37  }
0x1ca: {  	v49 =	vld [tilespmem:$0xAE60];
	[tilespmem:$0xB100] =	vst v0;
	v46 =	vadd.f32 v4, v3  }
0x1cb: {  	v51 =	vld [tilespmem:$0xB2E0];
	[tilespmem:$0xB3B0] =	vst v2  }
0x1cc: {  	v53 =	vld [tilespmem:$0xAEE0];
	v56 =	vadd.f32 v14, v13;
	[tilespmem:$0xB1C0] =	vst v46  }
0x1cd: {  	v60 =	vadd.f32 v18, v17;
	[tilespmem:$0x1FC70] =	vst v62;
	v62 =	vld [tilespmem:$0xACC0]  }
0x1ce: {  	v55 =	vld [tilespmem:$0xB360];
	v21 =	vadd.f32 v22, v21;
	[tilespmem:$0xB050] =	vst v56  }
0x1cf: {  	v57 =	vld [tilespmem:$0xAF60];
	v23 =	vadd.f32 v24, v23;
	[tilespmem:$0xB150] =	vst v60  }
0x1d0: {  	v38 =	vld [tilespmem:$0x1FC50];
	[tilespmem:$0xB250] =	vst v21  }
0x1d1: {  	v25 =	vadd.f32 v26, v25;
	[tilespmem:$0xB2D0] =	vst v23;
	v39 =	vld [tilespmem:$0x1FC60]  }
0x1d2: {  	v27 =	vadd.f32 v28, v27;
	[tilespmem:$0x1FC80] =	vst v62;
	v62 =	vld [tilespmem:$0xB140]  }
0x1d3: {  	v63 =	vld [tilespmem:$0xB070];
	v36 =	vadd.f32 v30, v29;
	[tilespmem:$0xB350] =	vst v25  }
0x1d4: {  	v40 =	vadd.f32 v40, v33;
	[tilespmem:$0xB3D0] =	vst v27;
	v41 =	vld [tilespmem:$0x1FC70]  }
0x1d5: {  	[tilespmem:$0xB060] =	vst v36;
	v42 =	vld [tilespmem:$0x1FC80]  }
0x1d6: {  	v22 =	vld [tilespmem:$0xAC70];
	[tilespmem:$0xB160] =	vst v40;
	v0 =	vadd.f32 v39, v38  }
0x1d7: {  	v24 =	vld [tilespmem:$0xB0F0];
	[tilespmem:$0x1FC90] =	vst v62;
	v62 =	vadd.f32 v7, v6  }
0x1d8: {  	v38 =	vadd.f32 v32, v31;
	[tilespmem:$0xB040] =	vst v0;
	v6 =	vld [tilespmem:$0xAE40]  }
0x1d9: {  	v7 =	vld [tilespmem:$0xB2C0];
	[tilespmem:$0xB180] =	vst v62;
	v62 =	vadd.f32 v11, v10  }
0x1da: {  	[tilespmem:$0xB0E0] =	vst v38;
	v2 =	vadd.f32 v42, v41;
	v44 =	vld [tilespmem:$0x1FC90]  }
0x1db: {  	v26 =	vld [tilespmem:$0xACF0];
	[tilespmem:$0xB280] =	vst v62;
	v62 =	vadd.f32 v59, v58  }
0x1dc: {  	v28 =	vld [tilespmem:$0xB170];
	[tilespmem:$0xB0C0] =	vst v2;
	v58 =	vadd.f32 v16, v15  }
0x1dd: {  	v37 =	vld [tilespmem:$0xAD70];
	v48 =	vadd.f32 v6, v5;
	[tilespmem:$0xB2B0] =	vst v62  }
0x1de: {  	v46 =	vld [tilespmem:$0xB2F0];
	v50 =	vadd.f32 v8, v7;
	[tilespmem:$0xB0D0] =	vst v58  }
0x1df: {  	v56 =	vld [tilespmem:$0xAFF0];
	v0 =	vadd.f32 v1, v44;
	[tilespmem:$0xB240] =	vst v48  }
0x1e0: {  	v39 =	vld [tilespmem:$0xB1F0];
	v62 =	vadd.f32 v20, v19;
	[tilespmem:$0xB2C0] =	vst v50  }
0x1e1: {  	v41 =	vld [tilespmem:$0xADF0];
	v1 =	vadd.f32 v45, v43;
	[tilespmem:$0xB140] =	vst v0  }
0x1e2: {  	v10 =	vld [tilespmem:$0xAF40];
	v43 =	vadd.f32 v49, v47;
	[tilespmem:$0xB1D0] =	vst v62  }
0x1e3: {  	v11 =	vld [tilespmem:$0xB3C0];
	v45 =	vadd.f32 v53, v51;
	[tilespmem:$0xB1E0] =	vst v1  }
0x1e4: {  	v42 =	vld [tilespmem:$0xB270];
	v47 =	vadd.f32 v57, v55;
	[tilespmem:$0xB260] =	vst v43  }
0x1e5: {  	v59 =	vld [tilespmem:$0xB3E0];
	v51 =	vadd.f32 v22, v63;
	[tilespmem:$0xB2E0] =	vst v45  }
0x1e6: {  	v44 =	vld [tilespmem:$0xAE70];
	v53 =	vadd.f32 v26, v24;
	[tilespmem:$0xB360] =	vst v47  }
0x1e7: {  	v52 =	vadd.f32 v10, v9;
	v48 =	vld [tilespmem:$0xAEF0];
	[tilespmem:$0xB070] =	vst v51  }
0x1e8: {  	v54 =	vadd.f32 v12, v11;
	v50 =	vld [tilespmem:$0xB370];
	[tilespmem:$0xB0F0] =	vst v53  }
0x1e9: {  	v55 =	vadd.f32 v37, v28;
	[tilespmem:$0xB340] =	vst v52;
	v52 =	vld [tilespmem:$0xAF70]  }
0x1ea: {  	v57 =	vadd.f32 v41, v39;
	[tilespmem:$0xB3C0] =	vst v54;
	v54 =	vld [tilespmem:$0xB3F0]  }
0x1eb: {  	[tilespmem:$0xB170] =	vst v55;
	v49 =	vadd.f32 v61, v59  }
0x1ec: {  	[tilespmem:$0xB1F0] =	vst v57;
	v58 =	vadd.f32 v44, v42  }
0x1ed: {  	[tilespmem:$0xB3E0] =	vst v49;
	v59 =	vadd.f32 v48, v46  }
0x1ee: {  	[tilespmem:$0xB270] =	vst v58;
	v60 =	vadd.f32 v52, v50  }
0x1ef: {  	[tilespmem:$0xB2F0] =	vst v59;
	v61 =	vadd.f32 v56, v54  }
0x1f0: {  	[tilespmem:$0xB370] =	vst v60  }
0x1f1: {  	s20 =	rddreg [dreg:$0x13];
	[tilespmem:$0xB3F0] =	vst v61  }
0x1f2: {  	[tilespmem:s9], [sflag:$0xF] =	stream.linear.gather [hbm4b:s20+s2], $0x400, $0x38;
	[tilespmem:$0x1F400] =	vst v63  }
0x1f3: {  	_ =	swait.ge [sflag:s4], $0x400  }
0x1f4: {  	[sflag:s4] =	ssyncset.done $0x0  }
0x1f5: {  	[sflag:s4] =	ssyncadd.s32 $0xFFFFFC00  }
0x1f6: {  	v0 =	vld [tilespmem:$0xB000]  }
0x1f7: {  	v1 =	vld [tilespmem:$0xAC00]  }
0x1f8: {  	v2 =	vld [tilespmem:$0xB080]  }
0x1f9: {  	v3 =	vld [tilespmem:$0xAC80]  }
0x1fa: {  	v4 =	vld [tilespmem:$0xB100]  }
0x1fb: {  	v5 =	vld [tilespmem:$0xAD00]  }
0x1fc: {  	v6 =	vld [tilespmem:$0xB180]  }
0x1fd: {  	v7 =	vld [tilespmem:$0xAD80]  }
0x1fe: {  	v8 =	vld [tilespmem:$0xB200]  }
0x1ff: {  	v9 =	vld [tilespmem:$0xAE00]  }
0x200: {  	v10 =	vld [tilespmem:$0xB280]  }
0x201: {  	v11 =	vld [tilespmem:$0xAE80]  }
0x202: {  	v12 =	vld [tilespmem:$0xB300]  }
0x203: {  	v13 =	vld [tilespmem:$0xAF00]  }
0x204: {  	v14 =	vld [tilespmem:$0xB380]  }
0x205: {  	v15 =	vld [tilespmem:$0xAF80]  }
0x206: {  	v16 =	vld [tilespmem:$0xB010]  }
0x207: {  	v17 =	vld [tilespmem:$0xAC10]  }
0x208: {  	v18 =	vld [tilespmem:$0xB090]  }
0x209: {  	v19 =	vld [tilespmem:$0xAC90]  }
0x20a: {  	v20 =	vld [tilespmem:$0xB110]  }
0x20b: {  	v21 =	vld [tilespmem:$0xAD10]  }
0x20c: {  	v22 =	vld [tilespmem:$0xB190]  }
0x20d: {  	v23 =	vld [tilespmem:$0xAD90]  }
0x20e: {  	v24 =	vld [tilespmem:$0xB210]  }
0x20f: {  	v25 =	vld [tilespmem:$0xAE10]  }
0x210: {  	v26 =	vld [tilespmem:$0xB290]  }
0x211: {  	v27 =	vld [tilespmem:$0xAE90]  }
0x212: {  	v28 =	vld [tilespmem:$0xB310]  }
0x213: {  	v29 =	vld [tilespmem:$0xAF10]  }
0x214: {  	v30 =	vld [tilespmem:$0xB390]  }
0x215: {  	v31 =	vld [tilespmem:$0xAF90]  }
0x216: {  	v32 =	vld [tilespmem:$0xB020]  }
0x217: {  	v33 =	vld [tilespmem:$0xAC20]  }
0x218: {  	v34 =	vld [tilespmem:$0xB0A0]  }
0x219: {  	v35 =	vld [tilespmem:$0xACA0]  }
0x21a: {  	v36 =	vld [tilespmem:$0xB120]  }
0x21b: {  	v37 =	vld [tilespmem:$0xAD20]  }
0x21c: {  	v38 =	vld [tilespmem:$0xB1A0]  }
0x21d: {  	v39 =	vld [tilespmem:$0xADA0]  }
0x21e: {  	v40 =	vld [tilespmem:$0xB220]  }
0x21f: {  	v41 =	vld [tilespmem:$0xAE20]  }
0x220: {  	v42 =	vld [tilespmem:$0xB2A0]  }
0x221: {  	v43 =	vld [tilespmem:$0xAEA0]  }
0x222: {  	v44 =	vld [tilespmem:$0xB320]  }
0x223: {  	v45 =	vld [tilespmem:$0xAF20]  }
0x224: {  	v46 =	vld [tilespmem:$0xB3A0]  }
0x225: {  	v47 =	vld [tilespmem:$0xAFA0]  }
0x226: {  	v48 =	vld [tilespmem:$0xB030]  }
0x227: {  	v49 =	vld [tilespmem:$0xAC30]  }
0x228: {  	v50 =	vld [tilespmem:$0xB0B0]  }
0x229: {  	v51 =	vld [tilespmem:$0xACB0]  }
0x22a: {  	v52 =	vld [tilespmem:$0xB130]  }
0x22b: {  	v53 =	vld [tilespmem:$0xAD30]  }
0x22c: {  	v54 =	vld [tilespmem:$0xB1B0]  }
0x22d: {  	v55 =	vld [tilespmem:$0xADB0]  }
0x22e: {  	v56 =	vld [tilespmem:$0xB230]  }
0x22f: {  	v57 =	vld [tilespmem:$0xAE30]  }
0x230: {  	v58 =	vld [tilespmem:$0xB2B0]  }
0x231: {  	v62 =	vld [tilespmem:$0xB3B0]  }
0x232: {  	v59 =	vld [tilespmem:$0xAEB0]  }
0x233: {  	v60 =	vld [tilespmem:$0xB330]  }
0x234: {  	v61 =	vld [tilespmem:$0xAF30]  }
0x235: {  	v63 =	vld [tilespmem:$0xAFB0]  }
0x236: {  	[tilespmem:$0x1FCA0] =	vst v62;
	v62 =	vld [tilespmem:$0xB040]  }
0x237: {  	v0 =	vadd.f32 v1, v0;
	v1 =	vld [tilespmem:$0xAD40]  }
0x238: {  	v2 =	vadd.f32 v3, v2;
	v3 =	vld [tilespmem:$0xB1C0]  }
0x239: {  	v9 =	vadd.f32 v9, v8;
	v8 =	vld [tilespmem:$0xAEC0]  }
0x23a: {  	v13 =	vadd.f32 v13, v12;
	v12 =	vld [tilespmem:$0xAFC0]  }
0x23b: {  	v15 =	vadd.f32 v15, v14;
	v14 =	vld [tilespmem:$0xAC50]  }
0x23c: {  	v19 =	vadd.f32 v19, v18;
	v18 =	vld [tilespmem:$0xAD50]  }
0x23d: {  	v21 =	vadd.f32 v21, v20;
	v20 =	vld [tilespmem:$0xADD0]  }
0x23e: {  	v23 =	vadd.f32 v23, v22;
	v22 =	vld [tilespmem:$0xAE50];
	[tilespmem:$0xB000] =	vst v0  }
0x23f: {  	v17 =	vadd.f32 v17, v16;
	v25 =	vadd.f32 v25, v24;
	v24 =	vld [tilespmem:$0xAED0];
	[tilespmem:$0xB080] =	vst v2  }
0x240: {  	v27 =	vadd.f32 v27, v26;
	v29 =	vadd.f32 v29, v28;
	v26 =	vld [tilespmem:$0xAF50];
	[tilespmem:$0xB200] =	vst v9  }
0x241: {  	v31 =	vadd.f32 v31, v30;
	v32 =	vadd.f32 v33, v32;
	v28 =	vld [tilespmem:$0xAFD0];
	[tilespmem:$0xB300] =	vst v13  }
0x242: {  	v33 =	vadd.f32 v35, v34;
	v35 =	vadd.f32 v39, v38;
	v30 =	vld [tilespmem:$0xAC60];
	[tilespmem:$0xB380] =	vst v15  }
0x243: {  	v38 =	vadd.f32 v45, v44;
	v44 =	vadd.f32 v57, v56;
	v57 =	vld [tilespmem:$0xAEE0];
	[tilespmem:$0xB010] =	vst v17  }
0x244: {  	v45 =	vadd.f32 v59, v58;
	v59 =	vld [tilespmem:$0xB360];
	[tilespmem:$0xB090] =	vst v19  }
0x245: {  	v39 =	vadd.f32 v47, v46;
	v46 =	vadd.f32 v61, v60;
	v61 =	vld [tilespmem:$0xAF60];
	[tilespmem:$0xB110] =	vst v21  }
0x246: {  	v47 =	vld [tilespmem:$0x1FCA0];
	[tilespmem:$0xB190] =	vst v23  }
0x247: {  	v0 =	vadd.f32 v5, v4;
	v4 =	vld [tilespmem:$0xADC0];
	[tilespmem:$0xB210] =	vst v25  }
0x248: {  	v5 =	vld [tilespmem:$0xB240];
	[tilespmem:$0xB290] =	vst v27  }
0x249: {  	v9 =	vld [tilespmem:$0xB340];
	[tilespmem:$0xB310] =	vst v29  }
0x24a: {  	v13 =	vld [tilespmem:$0xB050];
	[tilespmem:$0xB390] =	vst v31  }
0x24b: {  	v34 =	vadd.f32 v37, v36;
	v15 =	vld [tilespmem:$0xB0D0];
	[tilespmem:$0xB020] =	vst v32  }
0x24c: {  	v17 =	vld [tilespmem:$0xB150];
	[tilespmem:$0xB0A0] =	vst v33  }
0x24d: {  	v36 =	vadd.f32 v41, v40;
	v19 =	vld [tilespmem:$0xB1D0];
	[tilespmem:$0xB120] =	vst v34  }
0x24e: {  	v37 =	vadd.f32 v43, v42;
	v21 =	vld [tilespmem:$0xB250];
	[tilespmem:$0xB1A0] =	vst v35  }
0x24f: {  	v23 =	vld [tilespmem:$0xB2D0];
	[tilespmem:$0xB220] =	vst v36  }
0x250: {  	[tilespmem:$0xB2A0] =	vst v37;
	v25 =	vld [tilespmem:$0xB350]  }
0x251: {  	v40 =	vadd.f32 v49, v48;
	[tilespmem:$0xB320] =	vst v38;
	v27 =	vld [tilespmem:$0xB3D0]  }
0x252: {  	v41 =	vadd.f32 v51, v50;
	[tilespmem:$0xB3A0] =	vst v39;
	v29 =	vld [tilespmem:$0xB060]  }
0x253: {  	v42 =	vadd.f32 v53, v52;
	[tilespmem:$0xB030] =	vst v40;
	v31 =	vld [tilespmem:$0xB0E0]  }
0x254: {  	v43 =	vadd.f32 v55, v54;
	[tilespmem:$0xB0B0] =	vst v41;
	v32 =	vld [tilespmem:$0xACE0]  }
0x255: {  	[tilespmem:$0xB130] =	vst v42;
	v33 =	vld [tilespmem:$0xB160]  }
0x256: {  	[tilespmem:$0xB1B0] =	vst v43;
	v34 =	vld [tilespmem:$0xAD60]  }
0x257: {  	[tilespmem:$0xB230] =	vst v44;
	v35 =	vld [tilespmem:$0xB1E0]  }
0x258: {  	[tilespmem:$0xB2B0] =	vst v45;
	v37 =	vld [tilespmem:$0xAFE0]  }
0x259: {  	[tilespmem:$0xB330] =	vst v46;
	v39 =	vld [tilespmem:$0xB070]  }
0x25a: {  	[tilespmem:$0x1FCB0] =	vst v62;
	v62 =	vld [tilespmem:$0xAC40];
	v59 =	vadd.f32 v61, v59  }
0x25b: {  	v41 =	vld [tilespmem:$0xAC70];
	[tilespmem:$0xB100] =	vst v0;
	v2 =	vadd.f32 v63, v47  }
0x25c: {  	v43 =	vld [tilespmem:$0xB0F0];
	v53 =	vadd.f32 v4, v3;
	[tilespmem:$0xB360] =	vst v59  }
0x25d: {  	v45 =	vld [tilespmem:$0xACF0];
	[tilespmem:$0xB3B0] =	vst v2  }
0x25e: {  	v48 =	vld [tilespmem:$0x1FCB0];
	v60 =	vadd.f32 v14, v13;
	[tilespmem:$0xB1C0] =	vst v53  }
0x25f: {  	v36 =	vadd.f32 v18, v17;
	[tilespmem:$0x1FCC0] =	vst v62;
	v62 =	vld [tilespmem:$0xB0C0]  }
0x260: {  	v63 =	vld [tilespmem:$0xB3E0];
	v38 =	vadd.f32 v20, v19;
	[tilespmem:$0xB050] =	vst v60  }
0x261: {  	v47 =	vld [tilespmem:$0xB170];
	v40 =	vadd.f32 v22, v21;
	[tilespmem:$0xB150] =	vst v36  }
0x262: {  	v20 =	vld [tilespmem:$0xB3F0];
	[tilespmem:$0xB1D0] =	vst v38  }
0x263: {  	v42 =	vadd.f32 v24, v23;
	[tilespmem:$0xB250] =	vst v40;
	v49 =	vld [tilespmem:$0x1FCC0]  }
0x264: {  	v44 =	vadd.f32 v26, v25;
	[tilespmem:$0x1FCD0] =	vst v62;
	v62 =	vld [tilespmem:$0xACC0]  }
0x265: {  	v46 =	vadd.f32 v28, v27;
	v22 =	vld [tilespmem:$0xAFF0];
	[tilespmem:$0xB2D0] =	vst v42  }
0x266: {  	v3 =	vld [tilespmem:$0xB260];
	v19 =	vadd.f32 v45, v43;
	[tilespmem:$0xB350] =	vst v44  }
0x267: {  	v4 =	vld [tilespmem:$0xAE60];
	[tilespmem:$0xB3D0] =	vst v46  }
0x268: {  	[tilespmem:$0xB0F0] =	vst v19;
	v61 =	vadd.f32 v37, v63;
	v0 =	vadd.f32 v49, v48;
	v49 =	vld [tilespmem:$0xAD70]  }
0x269: {  	v63 =	vadd.f32 v41, v39;
	[tilespmem:$0x1FCE0] =	vst v62;
	v62 =	vld [tilespmem:$0xB140]  }
0x26a: {  	v27 =	vadd.f32 v22, v20;
	[tilespmem:$0xB3E0] =	vst v61;
	v50 =	vld [tilespmem:$0x1FCD0]  }
0x26b: {  	[tilespmem:$0xB070] =	vst v63;
	v51 =	vld [tilespmem:$0x1FCE0]  }
0x26c: {  	v53 =	vld [tilespmem:$0xADF0];
	[tilespmem:$0xB3F0] =	vst v27  }
0x26d: {  	v60 =	vld [tilespmem:$0xAEF0];
	v48 =	vadd.f32 v30, v29;
	[tilespmem:$0xB040] =	vst v0  }
0x26e: {  	v21 =	vadd.f32 v49, v47;
	[tilespmem:$0x1FCF0] =	vst v62;
	v62 =	vadd.f32 v7, v6;
	v6 =	vld [tilespmem:$0xAE40]  }
0x26f: {  	[tilespmem:$0xB060] =	vst v48;
	v7 =	vld [tilespmem:$0xB2C0]  }
0x270: {  	[tilespmem:$0xB170] =	vst v21;
	v2 =	vadd.f32 v51, v50;
	v52 =	vld [tilespmem:$0x1FCF0]  }
0x271: {  	v50 =	vadd.f32 v32, v31;
	v51 =	vld [tilespmem:$0xB1F0];
	[tilespmem:$0xB180] =	vst v62  }
0x272: {  	v62 =	vadd.f32 v11, v10;
	v10 =	vld [tilespmem:$0xAF40];
	[tilespmem:$0xB0C0] =	vst v2  }
0x273: {  	v11 =	vld [tilespmem:$0xB3C0];
	[tilespmem:$0xB0E0] =	vst v50;
	v54 =	vadd.f32 v6, v5  }
0x274: {  	[tilespmem:$0xB280] =	vst v62;
	v62 =	vld [tilespmem:$0xACD0];
	v55 =	vadd.f32 v8, v7  }
0x275: {  	v5 =	vld [tilespmem:$0xB2E0];
	v0 =	vadd.f32 v1, v52;
	[tilespmem:$0xB240] =	vst v54  }
0x276: {  	v1 =	vld [tilespmem:$0xADE0];
	v52 =	vadd.f32 v34, v33;
	[tilespmem:$0xB2C0] =	vst v55  }
0x277: {  	v56 =	vadd.f32 v10, v9;
	v54 =	vld [tilespmem:$0xB270];
	[tilespmem:$0xB140] =	vst v0  }
0x278: {  	v58 =	vadd.f32 v12, v11;
	v12 =	vld [tilespmem:$0xAF70];
	[tilespmem:$0xB160] =	vst v52  }
0x279: {  	[tilespmem:$0xB340] =	vst v56;
	v62 =	vadd.f32 v62, v15;
	v56 =	vld [tilespmem:$0xAE70]  }
0x27a: {  	v23 =	vadd.f32 v53, v51;
	[tilespmem:$0xB3C0] =	vst v58;
	v58 =	vld [tilespmem:$0xB2F0]  }
0x27b: {  	v55 =	vadd.f32 v4, v3;
	[tilespmem:$0xB0D0] =	vst v62;
	v62 =	vld [tilespmem:$0xB370]  }
0x27c: {  	[tilespmem:$0xB1F0] =	vst v23;
	v57 =	vadd.f32 v57, v5  }
0x27d: {  	[tilespmem:$0xB260] =	vst v55;
	v1 =	vadd.f32 v1, v35  }
0x27e: {  	[tilespmem:$0xB2E0] =	vst v57;
	v24 =	vadd.f32 v56, v54  }
0x27f: {  	[tilespmem:$0xB1E0] =	vst v1;
	v25 =	vadd.f32 v60, v58  }
0x280: {  	[tilespmem:$0xB270] =	vst v24;
	v26 =	vadd.f32 v12, v62  }
0x281: {  	[tilespmem:$0xB2F0] =	vst v25  }
0x282: {  	s29 =	rddreg [dreg:$0x17];
	[tilespmem:$0xB370] =	vst v26  }
0x283: {  	[tilespmem:s9], [sflag:$0xF] =	stream.linear.gather [hbm4b:s29+s2], $0x400, $0x38;
	[tilespmem:$0x1F400] =	vst v63  }
0x284: {  	_ =	swait.ge [sflag:s4], $0x400  }
0x285: {  	[sflag:s4] =	ssyncset.done $0x0  }
0x286: {  	[sflag:s4] =	ssyncadd.s32 $0xFFFFFC00  }
0x287: {  	v28 =	vld [tilespmem:$0xB000]  }
0x288: {  	v29 =	vld [tilespmem:$0xAC00]  }
0x289: {  	v30 =	vld [tilespmem:$0xB080]  }
0x28a: {  	v31 =	vld [tilespmem:$0xAC80]  }
0x28b: {  	v32 =	vld [tilespmem:$0xB100]  }
0x28c: {  	v33 =	vld [tilespmem:$0xAD00]  }
0x28d: {  	v34 =	vld [tilespmem:$0xB180]  }
0x28e: {  	v35 =	vld [tilespmem:$0xAD80]  }
0x28f: {  	v36 =	vld [tilespmem:$0xB200]  }
0x290: {  	v37 =	vld [tilespmem:$0xAE00]  }
0x291: {  	v38 =	vld [tilespmem:$0xB280]  }
0x292: {  	v39 =	vld [tilespmem:$0xAE80]  }
0x293: {  	v40 =	vld [tilespmem:$0xB300]  }
0x294: {  	v41 =	vld [tilespmem:$0xAF00]  }
0x295: {  	v42 =	vld [tilespmem:$0xB380]  }
0x296: {  	v43 =	vld [tilespmem:$0xAF80]  }
0x297: {  	v44 =	vld [tilespmem:$0xB010]  }
0x298: {  	v45 =	vld [tilespmem:$0xAC10]  }
0x299: {  	v46 =	vld [tilespmem:$0xB090]  }
0x29a: {  	v48 =	vld [tilespmem:$0xAC90]  }
0x29b: {  	v50 =	vld [tilespmem:$0xB110]  }
0x29c: {  	v52 =	vld [tilespmem:$0xAD10]  }
0x29d: {  	v54 =	vld [tilespmem:$0xB190]  }
0x29e: {  	v56 =	vld [tilespmem:$0xAD90]  }
0x29f: {  	v1 =	vld [tilespmem:$0xAE10]  }
0x2a0: {  	v3 =	vld [tilespmem:$0xAE90]  }
0x2a1: {  	v4 =	vld [tilespmem:$0xB310]  }
0x2a2: {  	v62 =	vld [tilespmem:$0xAF10]  }
0x2a3: {  	v6 =	vld [tilespmem:$0xB390]  }
0x2a4: {  	v63 =	vld [tilespmem:$0xAF90]  }
0x2a5: {  	v8 =	vld [tilespmem:$0xB020]  }
0x2a6: {  	v9 =	vld [tilespmem:$0xAC20]  }
0x2a7: {  	v10 =	vld [tilespmem:$0xB0A0]  }
0x2a8: {  	v11 =	vld [tilespmem:$0xACA0]  }
0x2a9: {  	v12 =	vld [tilespmem:$0xB120]  }
0x2aa: {  	v14 =	vld [tilespmem:$0xB1A0]  }
0x2ab: {  	v16 =	vld [tilespmem:$0xB220]  }
0x2ac: {  	v17 =	vld [tilespmem:$0xAE20]  }
0x2ad: {  	v18 =	vld [tilespmem:$0xB2A0]  }
0x2ae: {  	v19 =	vld [tilespmem:$0xAEA0]  }
0x2af: {  	v20 =	vld [tilespmem:$0xB320]  }
0x2b0: {  	v21 =	vld [tilespmem:$0xAF20]  }
0x2b1: {  	v22 =	vld [tilespmem:$0xB3A0]  }
0x2b2: {  	v23 =	vld [tilespmem:$0xAFA0]  }
0x2b3: {  	v24 =	vld [tilespmem:$0xB030]  }
0x2b4: {  	v25 =	vld [tilespmem:$0xAC30]  }
0x2b5: {  	v26 =	vld [tilespmem:$0xB0B0]  }
0x2b6: {  	v27 =	vld [tilespmem:$0xACB0]  }
0x2b7: {  	v5 =	vld [tilespmem:$0xB150]  }
0x2b8: {  	v7 =	vld [tilespmem:$0xB1D0]  }
0x2b9: {  	v13 =	vld [tilespmem:$0xB350]  }
0x2ba: {  	v15 =	vld [tilespmem:$0xB3D0]  }
0x2bb: {  	v0 =	vadd.f32 v29, v28;
	v28 =	vld [tilespmem:$0xB130]  }
0x2bc: {  	v29 =	vld [tilespmem:$0xAD30]  }
0x2bd: {  	v2 =	vadd.f32 v31, v30;
	v30 =	vld [tilespmem:$0xB1B0]  }
0x2be: {  	v31 =	vld [tilespmem:$0xADB0]  }
0x2bf: {  	v47 =	vadd.f32 v33, v32;
	v32 =	vld [tilespmem:$0xB230]  }
0x2c0: {  	v33 =	vld [tilespmem:$0xAE30]  }
0x2c1: {  	v49 =	vadd.f32 v35, v34;
	v34 =	vld [tilespmem:$0xB2B0]  }
0x2c2: {  	v35 =	vld [tilespmem:$0xAEB0]  }
0x2c3: {  	v51 =	vadd.f32 v37, v36;
	v36 =	vld [tilespmem:$0xB330]  }
0x2c4: {  	v37 =	vld [tilespmem:$0xAF30]  }
0x2c5: {  	v53 =	vadd.f32 v39, v38;
	v38 =	vld [tilespmem:$0xB3B0]  }
0x2c6: {  	v39 =	vld [tilespmem:$0xAFB0]  }
0x2c7: {  	v55 =	vadd.f32 v41, v40;
	v40 =	vld [tilespmem:$0xB040]  }
0x2c8: {  	v41 =	vld [tilespmem:$0xAC40]  }
0x2c9: {  	v57 =	vadd.f32 v43, v42;
	v42 =	vld [tilespmem:$0xB0C0]  }
0x2ca: {  	v43 =	vld [tilespmem:$0xACC0]  }
0x2cb: {  	v58 =	vadd.f32 v45, v44;
	v44 =	vld [tilespmem:$0xB140]  }
0x2cc: {  	v45 =	vld [tilespmem:$0xAD40]  }
0x2cd: {  	v59 =	vadd.f32 v48, v46;
	v46 =	vld [tilespmem:$0xB1C0];
	[tilespmem:$0xB000] =	vst v0  }
0x2ce: {  	v48 =	vld [tilespmem:$0xB240];
	[tilespmem:$0xB080] =	vst v2  }
0x2cf: {  	v60 =	vadd.f32 v52, v50;
	v50 =	vld [tilespmem:$0xB2C0];
	[tilespmem:$0xB100] =	vst v47  }
0x2d0: {  	v52 =	vld [tilespmem:$0xB340];
	[tilespmem:$0xB180] =	vst v49  }
0x2d1: {  	v61 =	vadd.f32 v56, v54;
	v54 =	vld [tilespmem:$0xB3C0];
	[tilespmem:$0xB200] =	vst v51  }
0x2d2: {  	v56 =	vld [tilespmem:$0xB050];
	[tilespmem:$0xB280] =	vst v53  }
0x2d3: {  	v62 =	vadd.f32 v62, v4;
	v4 =	vld [tilespmem:$0xACD0];
	[tilespmem:$0xB300] =	vst v55  }
0x2d4: {  	v63 =	vadd.f32 v63, v6;
	v6 =	vld [tilespmem:$0xAD50];
	[tilespmem:$0xB380] =	vst v57  }
0x2d5: {  	v19 =	vadd.f32 v19, v18;
	v18 =	vld [tilespmem:$0xAC60];
	[tilespmem:$0xB010] =	vst v58  }
0x2d6: {  	v21 =	vadd.f32 v21, v20;
	v20 =	vld [tilespmem:$0xACE0];
	[tilespmem:$0xB090] =	vst v59  }
0x2d7: {  	[tilespmem:$0xB110] =	vst v60;
	v0 =	vld [tilespmem:$0xB210]  }
0x2d8: {  	[tilespmem:$0xB190] =	vst v61;
	v2 =	vld [tilespmem:$0xB290]  }
0x2d9: {  	v60 =	vld [tilespmem:$0xAD20];
	[tilespmem:$0xB310] =	vst v62  }
0x2da: {  	v61 =	vld [tilespmem:$0xADA0];
	[tilespmem:$0xB390] =	vst v63  }
0x2db: {  	v23 =	vadd.f32 v23, v22;
	v47 =	vld [tilespmem:$0xADC0];
	[tilespmem:$0xB2A0] =	vst v19  }
0x2dc: {  	v25 =	vadd.f32 v25, v24;
	v49 =	vld [tilespmem:$0xAE40];
	[tilespmem:$0xB320] =	vst v21  }
0x2dd: {  	v27 =	vadd.f32 v27, v26;
	v51 =	vld [tilespmem:$0xAEC0];
	[tilespmem:$0xB3A0] =	vst v23  }
0x2de: {  	v53 =	vld [tilespmem:$0xAF40];
	v57 =	vadd.f32 v9, v8;
	[tilespmem:$0xB030] =	vst v25  }
0x2df: {  	v55 =	vld [tilespmem:$0xAFC0];
	v58 =	vadd.f32 v11, v10;
	[tilespmem:$0xB0B0] =	vst v27  }
0x2e0: {  	v9 =	vld [tilespmem:$0xB250];
	v62 =	vadd.f32 v17, v16;
	[tilespmem:$0xB020] =	vst v57  }
0x2e1: {  	v63 =	vld [tilespmem:$0xAE50];
	[tilespmem:$0xB0A0] =	vst v58;
	v29 =	vadd.f32 v29, v28  }
0x2e2: {  	v11 =	vld [tilespmem:$0xB2D0];
	[tilespmem:$0xB220] =	vst v62;
	v31 =	vadd.f32 v31, v30  }
0x2e3: {  	v16 =	vld [tilespmem:$0xAFD0];
	v33 =	vadd.f32 v33, v32;
	[tilespmem:$0xB130] =	vst v29  }
0x2e4: {  	v17 =	vld [tilespmem:$0xB060];
	v35 =	vadd.f32 v35, v34;
	[tilespmem:$0xB1B0] =	vst v31  }
0x2e5: {  	v19 =	vld [tilespmem:$0xB0E0];
	v37 =	vadd.f32 v37, v36;
	[tilespmem:$0xB230] =	vst v33  }
0x2e6: {  	v21 =	vld [tilespmem:$0xB160];
	v38 =	vadd.f32 v39, v38;
	[tilespmem:$0xB2B0] =	vst v35  }
0x2e7: {  	v23 =	vld [tilespmem:$0xB1E0];
	v39 =	vadd.f32 v41, v40;
	[tilespmem:$0xB330] =	vst v37  }
0x2e8: {  	v40 =	vld [tilespmem:$0xAD60];
	v41 =	vadd.f32 v43, v42;
	[tilespmem:$0xB3B0] =	vst v38  }
0x2e9: {  	v42 =	vadd.f32 v45, v44;
	v43 =	vld [tilespmem:$0xADE0];
	[tilespmem:$0xB040] =	vst v39  }
0x2ea: {  	v45 =	vld [tilespmem:$0xB260];
	v0 =	vadd.f32 v1, v0;
	[tilespmem:$0xB0C0] =	vst v41  }
0x2eb: {  	v1 =	vld [tilespmem:$0xAC50];
	v2 =	vadd.f32 v3, v2;
	[tilespmem:$0xB140] =	vst v42  }
0x2ec: {  	v3 =	vld [tilespmem:$0xB0D0];
	v59 =	vadd.f32 v60, v12;
	[tilespmem:$0xB210] =	vst v0  }
0x2ed: {  	v60 =	vld [tilespmem:$0xADD0];
	v61 =	vadd.f32 v61, v14;
	[tilespmem:$0xB290] =	vst v2  }
0x2ee: {  	v12 =	vld [tilespmem:$0xAED0];
	v44 =	vadd.f32 v47, v46;
	[tilespmem:$0xB120] =	vst v59  }
0x2ef: {  	v14 =	vld [tilespmem:$0xAF50];
	v46 =	vadd.f32 v49, v48;
	[tilespmem:$0xB1A0] =	vst v61  }
0x2f0: {  	v47 =	vld [tilespmem:$0xAE60];
	[tilespmem:$0xB1C0] =	vst v44  }
0x2f1: {  	v48 =	vadd.f32 v51, v50;
	v49 =	vld [tilespmem:$0xB2E0];
	[tilespmem:$0xB240] =	vst v46  }
0x2f2: {  	v50 =	vadd.f32 v53, v52;
	v51 =	vld [tilespmem:$0xAEE0]  }
0x2f3: {  	v52 =	vadd.f32 v55, v54;
	[tilespmem:$0xB2C0] =	vst v48;
	v53 =	vld [tilespmem:$0xB360]  }
0x2f4: {  	v58 =	vadd.f32 v6, v5;
	[tilespmem:$0xB340] =	vst v50;
	v55 =	vld [tilespmem:$0xAF60]  }
0x2f5: {  	v62 =	vadd.f32 v63, v9;
	[tilespmem:$0xB3C0] =	vst v52;
	v57 =	vld [tilespmem:$0xB3E0]  }
0x2f6: {  	v34 =	vadd.f32 v16, v15;
	v59 =	vld [tilespmem:$0xAFE0];
	[tilespmem:$0xB150] =	vst v58  }
0x2f7: {  	v36 =	vadd.f32 v18, v17;
	v61 =	vld [tilespmem:$0xB070];
	[tilespmem:$0xB250] =	vst v62  }
0x2f8: {  	v38 =	vadd.f32 v20, v19;
	v63 =	vld [tilespmem:$0xAC70];
	[tilespmem:$0xB3D0] =	vst v34  }
0x2f9: {  	v31 =	vld [tilespmem:$0xB0F0];
	[tilespmem:$0xB060] =	vst v36;
	v40 =	vadd.f32 v40, v21  }
0x2fa: {  	v33 =	vld [tilespmem:$0xACF0];
	[tilespmem:$0xB0E0] =	vst v38;
	v42 =	vadd.f32 v43, v23  }
0x2fb: {  	v35 =	vld [tilespmem:$0xB170];
	v54 =	vadd.f32 v1, v56;
	[tilespmem:$0xB160] =	vst v40  }
0x2fc: {  	v37 =	vld [tilespmem:$0xAD70];
	v56 =	vadd.f32 v4, v3;
	[tilespmem:$0xB1E0] =	vst v42  }
0x2fd: {  	v39 =	vld [tilespmem:$0xB1F0];
	v60 =	vadd.f32 v60, v7;
	[tilespmem:$0xB050] =	vst v54  }
0x2fe: {  	v41 =	vld [tilespmem:$0xADF0];
	v30 =	vadd.f32 v12, v11;
	[tilespmem:$0xB0D0] =	vst v56  }
0x2ff: {  	v43 =	vld [tilespmem:$0xB270];
	v32 =	vadd.f32 v14, v13;
	[tilespmem:$0xB1D0] =	vst v60  }
0x300: {  	v44 =	vadd.f32 v47, v45;
	v45 =	vld [tilespmem:$0xAE70];
	[tilespmem:$0xB2D0] =	vst v30  }
0x301: {  	v47 =	vld [tilespmem:$0xB2F0];
	[tilespmem:$0xB350] =	vst v32;
	v46 =	vadd.f32 v51, v49  }
0x302: {  	[tilespmem:$0xB260] =	vst v44;
	v48 =	vadd.f32 v55, v53;
	v49 =	vld [tilespmem:$0xAEF0]  }
0x303: {  	v50 =	vadd.f32 v59, v57;
	v51 =	vld [tilespmem:$0xB370];
	[tilespmem:$0xB2E0] =	vst v46  }
0x304: {  	v52 =	vadd.f32 v63, v61;
	v53 =	vld [tilespmem:$0xAF70];
	[tilespmem:$0xB360] =	vst v48  }
0x305: {  	v54 =	vadd.f32 v33, v31;
	v55 =	vld [tilespmem:$0xB3F0];
	[tilespmem:$0xB3E0] =	vst v50  }
0x306: {  	v56 =	vadd.f32 v37, v35;
	v57 =	vld [tilespmem:$0xAFF0];
	[tilespmem:$0xB070] =	vst v52  }
0x307: {  	v58 =	vadd.f32 v41, v39;
	[tilespmem:$0xB0F0] =	vst v54  }
0x308: {  	[tilespmem:$0xB170] =	vst v56;
	v59 =	vadd.f32 v45, v43  }
0x309: {  	[tilespmem:$0xB1F0] =	vst v58;
	v1 =	vadd.f32 v49, v47  }
0x30a: {  	[tilespmem:$0xB270] =	vst v59;
	v60 =	vadd.f32 v53, v51  }
0x30b: {  	v61 =	vadd.f32 v57, v55;
	[tilespmem:$0xB2F0] =	vst v1  }
0x30c: {  	[tilespmem:$0xB370] =	vst v60  }
0x30d: {  	s31 =	rddreg [dreg:$0x18];
	[tilespmem:$0xB3F0] =	vst v61  }
0x30e: {  	[tilespmem:s9], [sflag:$0xF] =	stream.linear.gather [hbm4b:s31+s2], $0x400, $0x38;
	[tilespmem:$0x1F400] =	vst v63  }
0x30f: {  	_ =	swait.ge [sflag:s4], $0x400  }
0x310: {  	[sflag:s4] =	ssyncset.done $0x0  }
0x311: {  	[sflag:s4] =	ssyncadd.s32 $0xFFFFFC00  }
0x312: {  	v0 =	vld [tilespmem:$0xB000]  }
0x313: {  	v1 =	vld [tilespmem:$0xAC00]  }
0x314: {  	v2 =	vld [tilespmem:$0xB080]  }
0x315: {  	v3 =	vld [tilespmem:$0xAC80]  }
0x316: {  	v4 =	vld [tilespmem:$0xB100]  }
0x317: {  	v5 =	vld [tilespmem:$0xAD00]  }
0x318: {  	v6 =	vld [tilespmem:$0xB180]  }
0x319: {  	v7 =	vld [tilespmem:$0xAD80]  }
0x31a: {  	v8 =	vld [tilespmem:$0xB200]  }
0x31b: {  	v9 =	vld [tilespmem:$0xAE00]  }
0x31c: {  	v10 =	vld [tilespmem:$0xB280]  }
0x31d: {  	v11 =	vld [tilespmem:$0xAE80]  }
0x31e: {  	v12 =	vld [tilespmem:$0xB300]  }
0x31f: {  	v13 =	vld [tilespmem:$0xAF00]  }
0x320: {  	v14 =	vld [tilespmem:$0xB380]  }
0x321: {  	v15 =	vld [tilespmem:$0xAF80]  }
0x322: {  	v16 =	vld [tilespmem:$0xB010]  }
0x323: {  	v17 =	vld [tilespmem:$0xAC10]  }
0x324: {  	v18 =	vld [tilespmem:$0xB090]  }
0x325: {  	v19 =	vld [tilespmem:$0xAC90]  }
0x326: {  	v20 =	vld [tilespmem:$0xB110]  }
0x327: {  	v21 =	vld [tilespmem:$0xAD10]  }
0x328: {  	v22 =	vld [tilespmem:$0xB190]  }
0x329: {  	v23 =	vld [tilespmem:$0xAD90]  }
0x32a: {  	v24 =	vld [tilespmem:$0xB210]  }
0x32b: {  	v25 =	vld [tilespmem:$0xAE10]  }
0x32c: {  	v26 =	vld [tilespmem:$0xB290]  }
0x32d: {  	v27 =	vld [tilespmem:$0xAE90]  }
0x32e: {  	v28 =	vld [tilespmem:$0xB310]  }
0x32f: {  	v29 =	vld [tilespmem:$0xAF10]  }
0x330: {  	v30 =	vld [tilespmem:$0xB390]  }
0x331: {  	v31 =	vld [tilespmem:$0xAF90]  }
0x332: {  	v32 =	vld [tilespmem:$0xB020]  }
0x333: {  	v33 =	vld [tilespmem:$0xAC20]  }
0x334: {  	v34 =	vld [tilespmem:$0xB0A0]  }
0x335: {  	v35 =	vld [tilespmem:$0xACA0]  }
0x336: {  	v36 =	vld [tilespmem:$0xB120]  }
0x337: {  	v37 =	vld [tilespmem:$0xAD20]  }
0x338: {  	v38 =	vld [tilespmem:$0xB1A0]  }
0x339: {  	v39 =	vld [tilespmem:$0xADA0]  }
0x33a: {  	v40 =	vld [tilespmem:$0xB220]  }
0x33b: {  	v41 =	vld [tilespmem:$0xAE20]  }
0x33c: {  	v42 =	vld [tilespmem:$0xB2A0]  }
0x33d: {  	v43 =	vld [tilespmem:$0xAEA0]  }
0x33e: {  	v44 =	vld [tilespmem:$0xB320]  }
0x33f: {  	v45 =	vld [tilespmem:$0xAF20]  }
0x340: {  	v46 =	vld [tilespmem:$0xB3A0]  }
0x341: {  	v47 =	vld [tilespmem:$0xAFA0]  }
0x342: {  	v48 =	vld [tilespmem:$0xB030]  }
0x343: {  	v49 =	vld [tilespmem:$0xAC30]  }
0x344: {  	v50 =	vld [tilespmem:$0xB0B0]  }
0x345: {  	v51 =	vld [tilespmem:$0xACB0]  }
0x346: {  	v52 =	vld [tilespmem:$0xB130]  }
0x347: {  	v53 =	vld [tilespmem:$0xAD30]  }
0x348: {  	v54 =	vld [tilespmem:$0xB1B0]  }
0x349: {  	v55 =	vld [tilespmem:$0xADB0]  }
0x34a: {  	v56 =	vld [tilespmem:$0xB230]  }
0x34b: {  	v57 =	vld [tilespmem:$0xAE30]  }
0x34c: {  	v58 =	vld [tilespmem:$0xB2B0]  }
0x34d: {  	v62 =	vld [tilespmem:$0xB3B0]  }
0x34e: {  	v59 =	vld [tilespmem:$0xAEB0]  }
0x34f: {  	v60 =	vld [tilespmem:$0xB330]  }
0x350: {  	v61 =	vld [tilespmem:$0xAF30]  }
0x351: {  	v63 =	vld [tilespmem:$0xAFB0]  }
0x352: {  	[tilespmem:$0x1FD00] =	vst v62;
	v62 =	vld [tilespmem:$0xB040]  }
0x353: {  	v0 =	vadd.f32 v1, v0;
	v1 =	vld [tilespmem:$0xAD40]  }
0x354: {  	v2 =	vadd.f32 v3, v2;
	v3 =	vld [tilespmem:$0xB1C0]  }
0x355: {  	v9 =	vadd.f32 v9, v8;
	v8 =	vld [tilespmem:$0xAEC0]  }
0x356: {  	v13 =	vadd.f32 v13, v12;
	v12 =	vld [tilespmem:$0xAFC0]  }
0x357: {  	v15 =	vadd.f32 v15, v14;
	v14 =	vld [tilespmem:$0xAC50]  }
0x358: {  	v17 =	vadd.f32 v17, v16;
	v16 =	vld [tilespmem:$0xACD0]  }
0x359: {  	v19 =	vadd.f32 v19, v18;
	v18 =	vld [tilespmem:$0xAD50]  }
0x35a: {  	v21 =	vadd.f32 v21, v20;
	v20 =	vld [tilespmem:$0xADD0];
	[tilespmem:$0xB000] =	vst v0  }
0x35b: {  	v23 =	vadd.f32 v23, v22;
	v22 =	vld [tilespmem:$0xAE50];
	[tilespmem:$0xB080] =	vst v2  }
0x35c: {  	v25 =	vadd.f32 v25, v24;
	v24 =	vld [tilespmem:$0xAED0];
	[tilespmem:$0xB200] =	vst v9  }
0x35d: {  	v27 =	vadd.f32 v27, v26;
	v26 =	vld [tilespmem:$0xAF50];
	[tilespmem:$0xB300] =	vst v13  }
0x35e: {  	v29 =	vadd.f32 v29, v28;
	v28 =	vld [tilespmem:$0xAFD0];
	[tilespmem:$0xB380] =	vst v15  }
0x35f: {  	v31 =	vadd.f32 v31, v30;
	v30 =	vld [tilespmem:$0xAC60];
	[tilespmem:$0xB010] =	vst v17  }
0x360: {  	v33 =	vadd.f32 v33, v32;
	v32 =	vld [tilespmem:$0xACE0];
	[tilespmem:$0xB090] =	vst v19  }
0x361: {  	v41 =	vadd.f32 v41, v40;
	v40 =	vld [tilespmem:$0xAD60];
	[tilespmem:$0xB110] =	vst v21  }
0x362: {  	v35 =	vadd.f32 v35, v34;
	v34 =	vld [tilespmem:$0xADF0];
	[tilespmem:$0xB190] =	vst v23  }
0x363: {  	v37 =	vadd.f32 v37, v36;
	v36 =	vld [tilespmem:$0x1FD00];
	[tilespmem:$0xB210] =	vst v25  }
0x364: {  	v0 =	vadd.f32 v5, v4;
	v4 =	vld [tilespmem:$0xADC0];
	[tilespmem:$0xB290] =	vst v27  }
0x365: {  	v5 =	vld [tilespmem:$0xB240];
	[tilespmem:$0xB310] =	vst v29  }
0x366: {  	v9 =	vld [tilespmem:$0xB340];
	[tilespmem:$0xB390] =	vst v31  }
0x367: {  	v13 =	vld [tilespmem:$0xB050];
	[tilespmem:$0xB020] =	vst v33  }
0x368: {  	v39 =	vadd.f32 v39, v38;
	v15 =	vld [tilespmem:$0xB0D0];
	[tilespmem:$0xB0A0] =	vst v35  }
0x369: {  	v17 =	vld [tilespmem:$0xB150];
	[tilespmem:$0xB120] =	vst v37  }
0x36a: {  	v43 =	vadd.f32 v43, v42;
	v19 =	vld [tilespmem:$0xB1D0];
	[tilespmem:$0xB1A0] =	vst v39  }
0x36b: {  	v45 =	vadd.f32 v45, v44;
	v21 =	vld [tilespmem:$0xB250];
	[tilespmem:$0xB220] =	vst v41  }
0x36c: {  	v47 =	vadd.f32 v47, v46;
	v23 =	vld [tilespmem:$0xB2D0];
	[tilespmem:$0xB2A0] =	vst v43  }
0x36d: {  	v49 =	vadd.f32 v49, v48;
	v25 =	vld [tilespmem:$0xB350];
	[tilespmem:$0xB320] =	vst v45  }
0x36e: {  	v51 =	vadd.f32 v51, v50;
	[tilespmem:$0xB3A0] =	vst v47;
	v27 =	vld [tilespmem:$0xB3D0]  }
0x36f: {  	v53 =	vadd.f32 v53, v52;
	[tilespmem:$0xB030] =	vst v49;
	v29 =	vld [tilespmem:$0xB060]  }
0x370: {  	v55 =	vadd.f32 v55, v54;
	[tilespmem:$0xB0B0] =	vst v51;
	v31 =	vld [tilespmem:$0xB0E0]  }
0x371: {  	v57 =	vadd.f32 v57, v56;
	[tilespmem:$0xB130] =	vst v53;
	v37 =	vld [tilespmem:$0xB160]  }
0x372: {  	v59 =	vadd.f32 v59, v58;
	[tilespmem:$0xB1B0] =	vst v55;
	v43 =	vld [tilespmem:$0xB1E0]  }
0x373: {  	[tilespmem:$0xB230] =	vst v57;
	v45 =	vld [tilespmem:$0xADE0]  }
0x374: {  	[tilespmem:$0xB2B0] =	vst v59;
	v47 =	vld [tilespmem:$0xB260]  }
0x375: {  	v49 =	vld [tilespmem:$0xAE60];
	[tilespmem:$0xB100] =	vst v0;
	v2 =	vadd.f32 v63, v36  }
0x376: {  	[tilespmem:$0x1FD10] =	vst v62;
	v62 =	vld [tilespmem:$0xAC40];
	v46 =	vadd.f32 v4, v3  }
0x377: {  	v51 =	vld [tilespmem:$0xB2E0];
	v56 =	vadd.f32 v14, v13;
	[tilespmem:$0xB3B0] =	vst v2  }
0x378: {  	v53 =	vld [tilespmem:$0xAEE0];
	v58 =	vadd.f32 v16, v15;
	[tilespmem:$0xB1C0] =	vst v46  }
0x379: {  	v55 =	vld [tilespmem:$0xB360];
	[tilespmem:$0xB050] =	vst v56  }
0x37a: {  	v38 =	vld [tilespmem:$0x1FD10];
	v21 =	vadd.f32 v22, v21;
	[tilespmem:$0xB0D0] =	vst v58  }
0x37b: {  	v23 =	vadd.f32 v24, v23;
	[tilespmem:$0x1FD20] =	vst v62;
	v62 =	vld [tilespmem:$0xB0C0]  }
0x37c: {  	v24 =	vld [tilespmem:$0xB0F0];
	v25 =	vadd.f32 v26, v25;
	[tilespmem:$0xB250] =	vst v21  }
0x37d: {  	v26 =	vld [tilespmem:$0xACF0];
	v27 =	vadd.f32 v28, v27;
	[tilespmem:$0xB2D0] =	vst v23  }
0x37e: {  	v28 =	vld [tilespmem:$0xB170];
	[tilespmem:$0xB350] =	vst v25  }
0x37f: {  	v29 =	vadd.f32 v30, v29;
	v30 =	vld [tilespmem:$0xAD70];
	[tilespmem:$0xB3D0] =	vst v27  }
0x380: {  	v31 =	vadd.f32 v32, v31;
	[tilespmem:$0x1FD30] =	vst v62;
	v62 =	vld [tilespmem:$0xACC0]  }
0x381: {  	v33 =	vadd.f32 v40, v37;
	[tilespmem:$0xB060] =	vst v29;
	v39 =	vld [tilespmem:$0x1FD20]  }
0x382: {  	v57 =	vld [tilespmem:$0xAF60];
	v37 =	vadd.f32 v49, v47;
	[tilespmem:$0xB0E0] =	vst v31  }
0x383: {  	v32 =	vld [tilespmem:$0xB1F0];
	[tilespmem:$0xB160] =	vst v33  }
0x384: {  	[tilespmem:$0xB260] =	vst v37;
	v47 =	vadd.f32 v26, v24;
	v41 =	vld [tilespmem:$0x1FD30]  }
0x385: {  	v49 =	vadd.f32 v30, v28;
	[tilespmem:$0x1FD40] =	vst v62;
	v62 =	vld [tilespmem:$0xB140]  }
0x386: {  	[tilespmem:$0xB0F0] =	vst v47;
	v0 =	vadd.f32 v39, v38;
	v42 =	vld [tilespmem:$0x1FD40]  }
0x387: {  	v59 =	vld [tilespmem:$0xB3E0];
	[tilespmem:$0xB170] =	vst v49;
	v39 =	vadd.f32 v53, v51  }
0x388: {  	v63 =	vld [tilespmem:$0xB070];
	[tilespmem:$0xB040] =	vst v0  }
0x389: {  	v36 =	vld [tilespmem:$0xB270];
	v51 =	vadd.f32 v34, v32;
	[tilespmem:$0xB2E0] =	vst v39  }
0x38a: {  	v22 =	vld [tilespmem:$0xAC70];
	[tilespmem:$0x1FD50] =	vst v62;
	v62 =	vadd.f32 v7, v6  }
0x38b: {  	[tilespmem:$0xB1F0] =	vst v51;
	v6 =	vld [tilespmem:$0xAE40];
	v2 =	vadd.f32 v42, v41  }
0x38c: {  	v7 =	vld [tilespmem:$0xB2C0];
	[tilespmem:$0xB180] =	vst v62;
	v62 =	vadd.f32 v11, v10  }
0x38d: {  	v44 =	vld [tilespmem:$0x1FD50];
	v41 =	vadd.f32 v57, v55;
	[tilespmem:$0xB0C0] =	vst v2  }
0x38e: {  	v40 =	vld [tilespmem:$0xB2F0];
	[tilespmem:$0xB280] =	vst v62;
	v62 =	vadd.f32 v61, v60  }
0x38f: {  	v46 =	vld [tilespmem:$0xAF70];
	[tilespmem:$0xB360] =	vst v41;
	v60 =	vadd.f32 v18, v17  }
0x390: {  	v38 =	vld [tilespmem:$0xAE70];
	v48 =	vadd.f32 v6, v5;
	[tilespmem:$0xB330] =	vst v62  }
0x391: {  	v42 =	vld [tilespmem:$0xAEF0];
	v50 =	vadd.f32 v8, v7;
	[tilespmem:$0xB150] =	vst v60  }
0x392: {  	v10 =	vld [tilespmem:$0xAF40];
	v0 =	vadd.f32 v1, v44;
	[tilespmem:$0xB240] =	vst v48  }
0x393: {  	v11 =	vld [tilespmem:$0xB3C0];
	v62 =	vadd.f32 v20, v19;
	[tilespmem:$0xB2C0] =	vst v50  }
0x394: {  	v61 =	vld [tilespmem:$0xAFE0];
	v1 =	vadd.f32 v45, v43;
	[tilespmem:$0xB140] =	vst v0  }
0x395: {  	v44 =	vld [tilespmem:$0xB370];
	v45 =	vadd.f32 v22, v63;
	[tilespmem:$0xB1D0] =	vst v62  }
0x396: {  	v53 =	vadd.f32 v42, v40;
	v48 =	vld [tilespmem:$0xB3F0];
	[tilespmem:$0xB1E0] =	vst v1  }
0x397: {  	v52 =	vadd.f32 v10, v9;
	v50 =	vld [tilespmem:$0xAFF0];
	[tilespmem:$0xB070] =	vst v45  }
0x398: {  	v54 =	vadd.f32 v12, v11;
	[tilespmem:$0xB2F0] =	vst v53  }
0x399: {  	[tilespmem:$0xB340] =	vst v52;
	v43 =	vadd.f32 v61, v59  }
0x39a: {  	[tilespmem:$0xB3C0] =	vst v54;
	v52 =	vadd.f32 v38, v36  }
0x39b: {  	[tilespmem:$0xB3E0] =	vst v43;
	v54 =	vadd.f32 v46, v44  }
0x39c: {  	[tilespmem:$0xB270] =	vst v52;
	v55 =	vadd.f32 v50, v48  }
0x39d: {  	[tilespmem:$0xB370] =	vst v54  }
0x39e: {  	s20 =	rddreg [dreg:$0x19];
	[tilespmem:$0xB3F0] =	vst v55  }
0x39f: {  	[tilespmem:s9], [sflag:$0xF] =	stream.linear.gather [hbm4b:s20+s2], $0x400, $0x38;
	[tilespmem:$0x1F400] =	vst v63  }
0x3a0: {  	_ =	swait.ge [sflag:s4], $0x400  }
0x3a1: {  	[sflag:s4] =	ssyncset.done $0x0  }
0x3a2: {  	[sflag:s4] =	ssyncadd.s32 $0xFFFFFC00  }
0x3a3: {  	v0 =	vld [tilespmem:$0xB000]  }
0x3a4: {  	v56 =	vld [tilespmem:$0xAC00]  }
0x3a5: {  	v2 =	vld [tilespmem:$0xB080]  }
0x3a6: {  	v3 =	vld [tilespmem:$0xAC80]  }
0x3a7: {  	v4 =	vld [tilespmem:$0xB100]  }
0x3a8: {  	v57 =	vld [tilespmem:$0xAD00]  }
0x3a9: {  	v6 =	vld [tilespmem:$0xB180]  }
0x3aa: {  	v58 =	vld [tilespmem:$0xAD80]  }
0x3ab: {  	v59 =	vld [tilespmem:$0xB200]  }
0x3ac: {  	v60 =	vld [tilespmem:$0xAE00]  }
0x3ad: {  	v10 =	vld [tilespmem:$0xB280]  }
0x3ae: {  	v61 =	vld [tilespmem:$0xAE80]  }
0x3af: {  	v62 =	vld [tilespmem:$0xB300]  }
0x3b0: {  	v63 =	vld [tilespmem:$0xAF00]  }
0x3b1: {  	v14 =	vld [tilespmem:$0xB380]  }
0x3b2: {  	v15 =	vld [tilespmem:$0xAF80]  }
0x3b3: {  	v16 =	vld [tilespmem:$0xB010]  }
0x3b4: {  	v17 =	vld [tilespmem:$0xAC10]  }
0x3b5: {  	v18 =	vld [tilespmem:$0xB090]  }
0x3b6: {  	v19 =	vld [tilespmem:$0xAC90]  }
0x3b7: {  	v20 =	vld [tilespmem:$0xB110]  }
0x3b8: {  	v21 =	vld [tilespmem:$0xAD10]  }
0x3b9: {  	v22 =	vld [tilespmem:$0xB190]  }
0x3ba: {  	v23 =	vld [tilespmem:$0xAD90]  }
0x3bb: {  	v24 =	vld [tilespmem:$0xB210]  }
0x3bc: {  	v25 =	vld [tilespmem:$0xAE10]  }
0x3bd: {  	v26 =	vld [tilespmem:$0xB290]  }
0x3be: {  	v27 =	vld [tilespmem:$0xAE90]  }
0x3bf: {  	v28 =	vld [tilespmem:$0xB310]  }
0x3c0: {  	v29 =	vld [tilespmem:$0xAF10]  }
0x3c1: {  	v30 =	vld [tilespmem:$0xB390]  }
0x3c2: {  	v31 =	vld [tilespmem:$0xAF90]  }
0x3c3: {  	v32 =	vld [tilespmem:$0xB020]  }
0x3c4: {  	v33 =	vld [tilespmem:$0xAC20]  }
0x3c5: {  	v34 =	vld [tilespmem:$0xB0A0]  }
0x3c6: {  	v35 =	vld [tilespmem:$0xACA0]  }
0x3c7: {  	v36 =	vld [tilespmem:$0xB120]  }
0x3c8: {  	v37 =	vld [tilespmem:$0xAD20]  }
0x3c9: {  	v38 =	vld [tilespmem:$0xB1A0]  }
0x3ca: {  	v39 =	vld [tilespmem:$0xADA0]  }
0x3cb: {  	v40 =	vld [tilespmem:$0xB220]  }
0x3cc: {  	v41 =	vld [tilespmem:$0xAE20]  }
0x3cd: {  	v42 =	vld [tilespmem:$0xB2A0]  }
0x3ce: {  	v43 =	vld [tilespmem:$0xAEA0]  }
0x3cf: {  	v44 =	vld [tilespmem:$0xB320]  }
0x3d0: {  	v45 =	vld [tilespmem:$0xAF20]  }
0x3d1: {  	v46 =	vld [tilespmem:$0xB3A0]  }
0x3d2: {  	v47 =	vld [tilespmem:$0xAFA0]  }
0x3d3: {  	v48 =	vld [tilespmem:$0xB030]  }
0x3d4: {  	v49 =	vld [tilespmem:$0xAC30]  }
0x3d5: {  	v50 =	vld [tilespmem:$0xB0B0]  }
0x3d6: {  	v51 =	vld [tilespmem:$0xACB0]  }
0x3d7: {  	v52 =	vld [tilespmem:$0xB130]  }
0x3d8: {  	v5 =	vld [tilespmem:$0xB230]  }
0x3d9: {  	v7 =	vld [tilespmem:$0xB2B0]  }
0x3da: {  	v9 =	vld [tilespmem:$0xB330]  }
0x3db: {  	v11 =	vld [tilespmem:$0xB3B0]  }
0x3dc: {  	v12 =	vld [tilespmem:$0xAFB0]  }
0x3dd: {  	v13 =	vld [tilespmem:$0xB040]  }
0x3de: {  	v53 =	vld [tilespmem:$0xAF40]  }
0x3df: {  	v55 =	vld [tilespmem:$0xB3C0]  }
0x3e0: {  	v0 =	vadd.f32 v56, v0;
	v56 =	vld [tilespmem:$0xAD30]  }
0x3e1: {  	v2 =	vadd.f32 v3, v2;
	v3 =	vld [tilespmem:$0xB1B0]  }
0x3e2: {  	v57 =	vadd.f32 v57, v4;
	v4 =	vld [tilespmem:$0xADB0]  }
0x3e3: {  	v59 =	vadd.f32 v60, v59;
	v60 =	vld [tilespmem:$0xAE30]  }
0x3e4: {  	v62 =	vadd.f32 v63, v62;
	v63 =	vld [tilespmem:$0xAEB0]  }
0x3e5: {  	v61 =	vadd.f32 v61, v10;
	v10 =	vld [tilespmem:$0xAF30]  }
0x3e6: {  	v15 =	vadd.f32 v15, v14;
	v14 =	vld [tilespmem:$0xAC40]  }
0x3e7: {  	v17 =	vadd.f32 v17, v16;
	v16 =	vld [tilespmem:$0xACC0]  }
0x3e8: {  	v19 =	vadd.f32 v19, v18;
	v18 =	vld [tilespmem:$0xAD40]  }
0x3e9: {  	v36 =	vadd.f32 v37, v36;
	v37 =	vld [tilespmem:$0xADC0]  }
0x3ea: {  	v38 =	vadd.f32 v39, v38;
	v39 =	vld [tilespmem:$0xB240];
	[tilespmem:$0xB000] =	vst v0  }
0x3eb: {  	v58 =	vadd.f32 v58, v6;
	v40 =	vadd.f32 v41, v40;
	v41 =	vld [tilespmem:$0xAE40];
	[tilespmem:$0xB080] =	vst v2  }
0x3ec: {  	v42 =	vadd.f32 v43, v42;
	v43 =	vld [tilespmem:$0xB2C0];
	[tilespmem:$0xB100] =	vst v57  }
0x3ed: {  	v44 =	vadd.f32 v45, v44;
	v45 =	vld [tilespmem:$0xAEC0];
	[tilespmem:$0xB180] =	vst v58  }
0x3ee: {  	v46 =	vadd.f32 v47, v46;
	v47 =	vld [tilespmem:$0xB340];
	[tilespmem:$0xB200] =	vst v59  }
0x3ef: {  	v29 =	vadd.f32 v29, v28;
	v28 =	vld [tilespmem:$0xACD0];
	[tilespmem:$0xB280] =	vst v61  }
0x3f0: {  	v31 =	vadd.f32 v31, v30;
	v30 =	vld [tilespmem:$0xB150];
	[tilespmem:$0xB300] =	vst v62  }
0x3f1: {  	v33 =	vadd.f32 v33, v32;
	v32 =	vld [tilespmem:$0xAD50];
	[tilespmem:$0xB380] =	vst v15  }
0x3f2: {  	v21 =	vadd.f32 v21, v20;
	v35 =	vadd.f32 v35, v34;
	v34 =	vld [tilespmem:$0xB1D0];
	[tilespmem:$0xB010] =	vst v17  }
0x3f3: {  	v23 =	vadd.f32 v23, v22;
	v54 =	vadd.f32 v51, v50;
	v51 =	vld [tilespmem:$0xAFD0];
	[tilespmem:$0xB090] =	vst v19  }
0x3f4: {  	v25 =	vadd.f32 v25, v24;
	v24 =	vld [tilespmem:$0xADE0];
	[tilespmem:$0xB110] =	vst v21  }
0x3f5: {  	v27 =	vadd.f32 v27, v26;
	v26 =	vld [tilespmem:$0xAE60];
	[tilespmem:$0xB190] =	vst v23  }
0x3f6: {  	v15 =	vld [tilespmem:$0xB0C0];
	[tilespmem:$0xB210] =	vst v25  }
0x3f7: {  	[tilespmem:$0xB290] =	vst v27;
	v17 =	vld [tilespmem:$0xB140]  }
0x3f8: {  	[tilespmem:$0xB310] =	vst v29;
	v19 =	vld [tilespmem:$0xB1C0]  }
0x3f9: {  	[tilespmem:$0xB390] =	vst v31;
	v57 =	vld [tilespmem:$0xAFC0]  }
0x3fa: {  	[tilespmem:$0xB020] =	vst v33;
	v59 =	vld [tilespmem:$0xB050]  }
0x3fb: {  	[tilespmem:$0xB0A0] =	vst v35;
	v61 =	vld [tilespmem:$0xAC50]  }
0x3fc: {  	[tilespmem:$0xB120] =	vst v36;
	v36 =	vld [tilespmem:$0xADD0]  }
0x3fd: {  	[tilespmem:$0xB1A0] =	vst v38;
	v38 =	vld [tilespmem:$0xB250]  }
0x3fe: {  	[tilespmem:$0xB220] =	vst v40;
	v40 =	vld [tilespmem:$0xAE50]  }
0x3ff: {  	v49 =	vadd.f32 v49, v48;
	[tilespmem:$0xB2A0] =	vst v42;
	v42 =	vld [tilespmem:$0xB2D0]  }
0x400: {  	[tilespmem:$0xB320] =	vst v44;
	v44 =	vld [tilespmem:$0xAED0]  }
0x401: {  	[tilespmem:$0xB030] =	vst v49;
	v49 =	vld [tilespmem:$0xB3D0]  }
0x402: {  	[tilespmem:$0xB3A0] =	vst v46;
	v29 =	vadd.f32 v12, v11;
	v25 =	vld [tilespmem:$0xB260]  }
0x403: {  	[tilespmem:$0xB0B0] =	vst v54;
	v27 =	vld [tilespmem:$0xB2E0];
	v56 =	vadd.f32 v56, v52  }
0x404: {  	[tilespmem:$0xB3B0] =	vst v29;
	v29 =	vld [tilespmem:$0xB360];
	v58 =	vadd.f32 v4, v3  }
0x405: {  	v60 =	vadd.f32 v60, v5;
	v62 =	vadd.f32 v63, v7;
	v63 =	vld [tilespmem:$0xB0D0];
	[tilespmem:$0xB130] =	vst v56  }
0x406: {  	v39 =	vadd.f32 v41, v39;
	v41 =	vadd.f32 v45, v43;
	v45 =	vld [tilespmem:$0xB350];
	[tilespmem:$0xB1B0] =	vst v58  }
0x407: {  	v10 =	vadd.f32 v10, v9;
	v43 =	vadd.f32 v53, v47;
	v47 =	vld [tilespmem:$0xAF50];
	[tilespmem:$0xB230] =	vst v60  }
0x408: {  	v31 =	vadd.f32 v14, v13;
	v50 =	vadd.f32 v32, v30;
	v30 =	vld [tilespmem:$0xAF60];
	[tilespmem:$0xB2B0] =	vst v62  }
0x409: {  	v32 =	vld [tilespmem:$0xAFE0];
	[tilespmem:$0xB330] =	vst v10  }
0x40a: {  	[tilespmem:$0xB040] =	vst v31;
	v1 =	vadd.f32 v57, v55;
	v57 =	vld [tilespmem:$0xB060]  }
0x40b: {  	[tilespmem:$0xB240] =	vst v39;
	v58 =	vld [tilespmem:$0xAC60]  }
0x40c: {  	[tilespmem:$0xB2C0] =	vst v41;
	v46 =	vadd.f32 v61, v59;
	v59 =	vld [tilespmem:$0xB0E0]  }
0x40d: {  	v33 =	vadd.f32 v16, v15;
	[tilespmem:$0xB340] =	vst v43;
	v60 =	vld [tilespmem:$0xACE0]  }
0x40e: {  	v35 =	vadd.f32 v18, v17;
	[tilespmem:$0xB150] =	vst v50;
	v61 =	vld [tilespmem:$0xB160]  }
0x40f: {  	v37 =	vadd.f32 v37, v19;
	v62 =	vld [tilespmem:$0xAD60];
	[tilespmem:$0xB0C0] =	vst v33  }
0x410: {  	v31 =	vld [tilespmem:$0xB3E0];
	[tilespmem:$0xB140] =	vst v35  }
0x411: {  	v52 =	vadd.f32 v36, v34;
	v34 =	vld [tilespmem:$0xAC70];
	[tilespmem:$0xB1C0] =	vst v37  }
0x412: {  	v36 =	vld [tilespmem:$0xACF0];
	[tilespmem:$0xB3C0] =	vst v1  }
0x413: {  	v53 =	vadd.f32 v40, v38;
	v38 =	vld [tilespmem:$0xAD70];
	[tilespmem:$0xB050] =	vst v46  }
0x414: {  	v54 =	vadd.f32 v44, v42;
	v39 =	vld [tilespmem:$0xB1F0];
	[tilespmem:$0xB1D0] =	vst v52  }
0x415: {  	v56 =	vadd.f32 v51, v49;
	v41 =	vld [tilespmem:$0xADF0];
	[tilespmem:$0xB250] =	vst v53  }
0x416: {  	v43 =	vld [tilespmem:$0xB270];
	v44 =	vadd.f32 v26, v25;
	[tilespmem:$0xB2D0] =	vst v54  }
0x417: {  	v49 =	vld [tilespmem:$0xAEF0];
	[tilespmem:$0xB3D0] =	vst v56;
	v48 =	vadd.f32 v28, v63  }
0x418: {  	v51 =	vld [tilespmem:$0xB370];
	[tilespmem:$0xB260] =	vst v44;
	v55 =	vadd.f32 v47, v45  }
0x419: {  	v33 =	vld [tilespmem:$0xB070];
	[tilespmem:$0xB0D0] =	vst v48;
	v0 =	vadd.f32 v58, v57  }
0x41a: {  	v35 =	vld [tilespmem:$0xB0F0];
	[tilespmem:$0xB350] =	vst v55;
	v2 =	vadd.f32 v60, v59  }
0x41b: {  	v37 =	vld [tilespmem:$0xB170];
	v40 =	vadd.f32 v62, v61;
	[tilespmem:$0xB060] =	vst v0  }
0x41c: {  	v53 =	vld [tilespmem:$0xAF70];
	v48 =	vadd.f32 v30, v29;
	[tilespmem:$0xB0E0] =	vst v2  }
0x41d: {  	v63 =	vld [tilespmem:$0xB1E0];
	v50 =	vadd.f32 v32, v31;
	[tilespmem:$0xB160] =	vst v40  }
0x41e: {  	v28 =	vld [tilespmem:$0xAEE0];
	v58 =	vadd.f32 v41, v39;
	[tilespmem:$0xB360] =	vst v48  }
0x41f: {  	v45 =	vld [tilespmem:$0xAE70];
	v52 =	vadd.f32 v34, v33;
	[tilespmem:$0xB3E0] =	vst v50  }
0x420: {  	v47 =	vld [tilespmem:$0xB2F0];
	v54 =	vadd.f32 v36, v35;
	[tilespmem:$0xB1F0] =	vst v58  }
0x421: {  	v55 =	vld [tilespmem:$0xB3F0];
	v56 =	vadd.f32 v38, v37;
	[tilespmem:$0xB070] =	vst v52  }
0x422: {  	v57 =	vld [tilespmem:$0xAFF0];
	v61 =	vadd.f32 v53, v51;
	[tilespmem:$0xB0F0] =	vst v54  }
0x423: {  	v42 =	vadd.f32 v24, v63;
	[tilespmem:$0xB170] =	vst v56  }
0x424: {  	v46 =	vadd.f32 v28, v27;
	[tilespmem:$0xB370] =	vst v61  }
0x425: {  	v59 =	vadd.f32 v45, v43;
	[tilespmem:$0xB1E0] =	vst v42  }
0x426: {  	v60 =	vadd.f32 v49, v47;
	[tilespmem:$0xB2E0] =	vst v46  }
0x427: {  	[tilespmem:$0xB270] =	vst v59;
	v1 =	vadd.f32 v57, v55  }
0x428: {  	[tilespmem:$0xB2F0] =	vst v60  }
0x429: {  	s29 =	rddreg [dreg:$0x1a];
	[tilespmem:$0xB3F0] =	vst v1  }
0x42a: {  	[tilespmem:s9], [sflag:$0xF] =	stream.linear.gather [hbm4b:s29+s2], $0x400, $0x38;
	[tilespmem:$0x1F400] =	vst v63  }
0x42b: {  	_ =	swait.ge [sflag:s4], $0x400  }
0x42c: {  	[sflag:s4] =	ssyncset.done $0x0  }
0x42d: {  	[sflag:s4] =	ssyncadd.s32 $0xFFFFFC00  }
0x42e: {  	v0 =	vld [tilespmem:$0xB000]  }
0x42f: {  	v1 =	vld [tilespmem:$0xAC00]  }
0x430: {  	v2 =	vld [tilespmem:$0xB080]  }
0x431: {  	v3 =	vld [tilespmem:$0xAC80]  }
0x432: {  	v4 =	vld [tilespmem:$0xB100]  }
0x433: {  	v5 =	vld [tilespmem:$0xAD00]  }
0x434: {  	v6 =	vld [tilespmem:$0xB180]  }
0x435: {  	v7 =	vld [tilespmem:$0xAD80]  }
0x436: {  	v8 =	vld [tilespmem:$0xB200]  }
0x437: {  	v9 =	vld [tilespmem:$0xAE00]  }
0x438: {  	v10 =	vld [tilespmem:$0xB280]  }
0x439: {  	v11 =	vld [tilespmem:$0xAE80]  }
0x43a: {  	v12 =	vld [tilespmem:$0xB300]  }
0x43b: {  	v13 =	vld [tilespmem:$0xAF00]  }
0x43c: {  	v14 =	vld [tilespmem:$0xB380]  }
0x43d: {  	v15 =	vld [tilespmem:$0xAF80]  }
0x43e: {  	v16 =	vld [tilespmem:$0xB010]  }
0x43f: {  	v17 =	vld [tilespmem:$0xAC10]  }
0x440: {  	v18 =	vld [tilespmem:$0xB090]  }
0x441: {  	v19 =	vld [tilespmem:$0xAC90]  }
0x442: {  	v20 =	vld [tilespmem:$0xB110]  }
0x443: {  	v21 =	vld [tilespmem:$0xAD10]  }
0x444: {  	v22 =	vld [tilespmem:$0xB190]  }
0x445: {  	v23 =	vld [tilespmem:$0xAD90]  }
0x446: {  	v24 =	vld [tilespmem:$0xB210]  }
0x447: {  	v25 =	vld [tilespmem:$0xAE10]  }
0x448: {  	v26 =	vld [tilespmem:$0xB290]  }
0x449: {  	v27 =	vld [tilespmem:$0xAE90]  }
0x44a: {  	v28 =	vld [tilespmem:$0xB310]  }
0x44b: {  	v29 =	vld [tilespmem:$0xAF10]  }
0x44c: {  	v30 =	vld [tilespmem:$0xB390]  }
0x44d: {  	v31 =	vld [tilespmem:$0xAF90]  }
0x44e: {  	v32 =	vld [tilespmem:$0xB020]  }
0x44f: {  	v33 =	vld [tilespmem:$0xAC20]  }
0x450: {  	v34 =	vld [tilespmem:$0xB0A0]  }
0x451: {  	v35 =	vld [tilespmem:$0xACA0]  }
0x452: {  	v36 =	vld [tilespmem:$0xB120]  }
0x453: {  	v37 =	vld [tilespmem:$0xAD20]  }
0x454: {  	v38 =	vld [tilespmem:$0xB1A0]  }
0x455: {  	v39 =	vld [tilespmem:$0xADA0]  }
0x456: {  	v40 =	vld [tilespmem:$0xB220]  }
0x457: {  	v41 =	vld [tilespmem:$0xAE20]  }
0x458: {  	v42 =	vld [tilespmem:$0xB2A0]  }
0x459: {  	v43 =	vld [tilespmem:$0xAEA0]  }
0x45a: {  	v44 =	vld [tilespmem:$0xB320]  }
0x45b: {  	v45 =	vld [tilespmem:$0xAF20]  }
0x45c: {  	v46 =	vld [tilespmem:$0xB3A0]  }
0x45d: {  	v47 =	vld [tilespmem:$0xAFA0]  }
0x45e: {  	v48 =	vld [tilespmem:$0xB030]  }
0x45f: {  	v49 =	vld [tilespmem:$0xAC30]  }
0x460: {  	v50 =	vld [tilespmem:$0xB0B0]  }
0x461: {  	v51 =	vld [tilespmem:$0xACB0]  }
0x462: {  	v52 =	vld [tilespmem:$0xB130]  }
0x463: {  	v53 =	vld [tilespmem:$0xAD30]  }
0x464: {  	v54 =	vld [tilespmem:$0xB1B0]  }
0x465: {  	v55 =	vld [tilespmem:$0xADB0]  }
0x466: {  	v56 =	vld [tilespmem:$0xB230]  }
0x467: {  	v57 =	vld [tilespmem:$0xAE30]  }
0x468: {  	v58 =	vld [tilespmem:$0xB2B0]  }
0x469: {  	v62 =	vld [tilespmem:$0xB3B0]  }
0x46a: {  	v59 =	vld [tilespmem:$0xAEB0]  }
0x46b: {  	v60 =	vld [tilespmem:$0xB330]  }
0x46c: {  	v61 =	vld [tilespmem:$0xAF30]  }
0x46d: {  	v63 =	vld [tilespmem:$0xAFB0]  }
0x46e: {  	[tilespmem:$0x1FD60] =	vst v62;
	v62 =	vld [tilespmem:$0xB040]  }
0x46f: {  	v0 =	vadd.f32 v1, v0;
	v1 =	vld [tilespmem:$0xAD40]  }
0x470: {  	v2 =	vadd.f32 v3, v2;
	v3 =	vld [tilespmem:$0xB1C0]  }
0x471: {  	v9 =	vadd.f32 v9, v8;
	v8 =	vld [tilespmem:$0xAEC0]  }
0x472: {  	v13 =	vadd.f32 v13, v12;
	v12 =	vld [tilespmem:$0xAFC0]  }
0x473: {  	v15 =	vadd.f32 v15, v14;
	v14 =	vld [tilespmem:$0xAC50]  }
0x474: {  	v17 =	vadd.f32 v17, v16;
	v16 =	vld [tilespmem:$0xACD0]  }
0x475: {  	v19 =	vadd.f32 v19, v18;
	v18 =	vld [tilespmem:$0xAD50]  }
0x476: {  	v21 =	vadd.f32 v21, v20;
	v20 =	vld [tilespmem:$0xADD0];
	[tilespmem:$0xB000] =	vst v0  }
0x477: {  	v23 =	vadd.f32 v23, v22;
	v22 =	vld [tilespmem:$0xAE50];
	[tilespmem:$0xB080] =	vst v2  }
0x478: {  	v25 =	vadd.f32 v25, v24;
	v24 =	vld [tilespmem:$0xAED0];
	[tilespmem:$0xB200] =	vst v9  }
0x479: {  	v27 =	vadd.f32 v27, v26;
	v26 =	vld [tilespmem:$0xAF50];
	[tilespmem:$0xB300] =	vst v13  }
0x47a: {  	v29 =	vadd.f32 v29, v28;
	v28 =	vld [tilespmem:$0xAFD0];
	[tilespmem:$0xB380] =	vst v15  }
0x47b: {  	v31 =	vadd.f32 v31, v30;
	v30 =	vld [tilespmem:$0xAC60];
	[tilespmem:$0xB010] =	vst v17  }
0x47c: {  	v33 =	vadd.f32 v33, v32;
	v32 =	vld [tilespmem:$0xACE0];
	[tilespmem:$0xB090] =	vst v19  }
0x47d: {  	v41 =	vadd.f32 v41, v40;
	v40 =	vld [tilespmem:$0xAD60];
	[tilespmem:$0xB110] =	vst v21  }
0x47e: {  	v37 =	vadd.f32 v37, v36;
	v36 =	vadd.f32 v61, v60;
	v61 =	vld [tilespmem:$0xAFE0];
	[tilespmem:$0xB190] =	vst v23  }
0x47f: {  	v0 =	vadd.f32 v5, v4;
	v4 =	vld [tilespmem:$0xADC0];
	[tilespmem:$0xB210] =	vst v25  }
0x480: {  	v5 =	vld [tilespmem:$0xB240];
	[tilespmem:$0xB290] =	vst v27  }
0x481: {  	v9 =	vld [tilespmem:$0xB340];
	[tilespmem:$0xB310] =	vst v29  }
0x482: {  	v35 =	vadd.f32 v35, v34;
	v13 =	vld [tilespmem:$0xB050];
	[tilespmem:$0xB390] =	vst v31  }
0x483: {  	v15 =	vld [tilespmem:$0xB0D0];
	[tilespmem:$0xB020] =	vst v33  }
0x484: {  	v39 =	vadd.f32 v39, v38;
	v17 =	vld [tilespmem:$0xB150];
	[tilespmem:$0xB0A0] =	vst v35  }
0x485: {  	v19 =	vld [tilespmem:$0xB1D0];
	[tilespmem:$0xB120] =	vst v37  }
0x486: {  	v43 =	vadd.f32 v43, v42;
	v21 =	vld [tilespmem:$0xB250];
	[tilespmem:$0xB1A0] =	vst v39  }
0x487: {  	v45 =	vadd.f32 v45, v44;
	v23 =	vld [tilespmem:$0xB2D0];
	[tilespmem:$0xB220] =	vst v41  }
0x488: {  	v47 =	vadd.f32 v47, v46;
	[tilespmem:$0xB2A0] =	vst v43;
	v25 =	vld [tilespmem:$0xB350]  }
0x489: {  	v49 =	vadd.f32 v49, v48;
	[tilespmem:$0xB320] =	vst v45;
	v27 =	vld [tilespmem:$0xB3D0]  }
0x48a: {  	[tilespmem:$0xB3A0] =	vst v47;
	v29 =	vld [tilespmem:$0xB060]  }
0x48b: {  	v51 =	vadd.f32 v51, v50;
	[tilespmem:$0xB030] =	vst v49;
	v31 =	vld [tilespmem:$0xB0E0]  }
0x48c: {  	v53 =	vadd.f32 v53, v52;
	[tilespmem:$0x1FD70] =	vst v62;
	v62 =	vld [tilespmem:$0xAC40]  }
0x48d: {  	v55 =	vadd.f32 v55, v54;
	[tilespmem:$0xB0B0] =	vst v51;
	v37 =	vld [tilespmem:$0x1FD60]  }
0x48e: {  	v57 =	vadd.f32 v57, v56;
	[tilespmem:$0xB130] =	vst v53;
	v33 =	vld [tilespmem:$0xB160]  }
0x48f: {  	[tilespmem:$0xB1B0] =	vst v55;
	v43 =	vld [tilespmem:$0xB1E0]  }
0x490: {  	[tilespmem:$0xB230] =	vst v57;
	v45 =	vld [tilespmem:$0xADE0]  }
0x491: {  	[tilespmem:$0x1FD80] =	vst v62;
	v62 =	vld [tilespmem:$0xB0C0]  }
0x492: {  	[tilespmem:$0xB330] =	vst v36;
	v47 =	vld [tilespmem:$0xB260];
	v2 =	vadd.f32 v63, v37  }
0x493: {  	v49 =	vld [tilespmem:$0xAE60];
	[tilespmem:$0xB100] =	vst v0;
	v46 =	vadd.f32 v4, v3  }
0x494: {  	v51 =	vld [tilespmem:$0xB2E0];
	[tilespmem:$0xB3B0] =	vst v2  }
0x495: {  	v53 =	vld [tilespmem:$0xAEE0];
	v56 =	vadd.f32 v14, v13;
	[tilespmem:$0xB1C0] =	vst v46  }
0x496: {  	v60 =	vadd.f32 v18, v17;
	[tilespmem:$0x1FD90] =	vst v62;
	v62 =	vld [tilespmem:$0xACC0]  }
0x497: {  	v55 =	vld [tilespmem:$0xB360];
	v21 =	vadd.f32 v22, v21;
	[tilespmem:$0xB050] =	vst v56  }
0x498: {  	v57 =	vld [tilespmem:$0xAF60];
	v23 =	vadd.f32 v24, v23;
	[tilespmem:$0xB150] =	vst v60  }
0x499: {  	v38 =	vld [tilespmem:$0x1FD70];
	[tilespmem:$0xB250] =	vst v21  }
0x49a: {  	v25 =	vadd.f32 v26, v25;
	[tilespmem:$0xB2D0] =	vst v23;
	v39 =	vld [tilespmem:$0x1FD80]  }
0x49b: {  	v27 =	vadd.f32 v28, v27;
	[tilespmem:$0x1FDA0] =	vst v62;
	v62 =	vld [tilespmem:$0xB140]  }
0x49c: {  	v63 =	vld [tilespmem:$0xB070];
	v36 =	vadd.f32 v30, v29;
	[tilespmem:$0xB350] =	vst v25  }
0x49d: {  	v40 =	vadd.f32 v40, v33;
	[tilespmem:$0xB3D0] =	vst v27;
	v41 =	vld [tilespmem:$0x1FD90]  }
0x49e: {  	[tilespmem:$0xB060] =	vst v36;
	v42 =	vld [tilespmem:$0x1FDA0]  }
0x49f: {  	v22 =	vld [tilespmem:$0xAC70];
	[tilespmem:$0xB160] =	vst v40;
	v0 =	vadd.f32 v39, v38  }
0x4a0: {  	v24 =	vld [tilespmem:$0xB0F0];
	[tilespmem:$0x1FDB0] =	vst v62;
	v62 =	vadd.f32 v7, v6  }
0x4a1: {  	v38 =	vadd.f32 v32, v31;
	[tilespmem:$0xB040] =	vst v0;
	v6 =	vld [tilespmem:$0xAE40]  }
0x4a2: {  	v7 =	vld [tilespmem:$0xB2C0];
	[tilespmem:$0xB180] =	vst v62;
	v62 =	vadd.f32 v11, v10  }
0x4a3: {  	[tilespmem:$0xB0E0] =	vst v38;
	v2 =	vadd.f32 v42, v41;
	v44 =	vld [tilespmem:$0x1FDB0]  }
0x4a4: {  	v26 =	vld [tilespmem:$0xACF0];
	[tilespmem:$0xB280] =	vst v62;
	v62 =	vadd.f32 v59, v58  }
0x4a5: {  	v28 =	vld [tilespmem:$0xB170];
	[tilespmem:$0xB0C0] =	vst v2;
	v58 =	vadd.f32 v16, v15  }
0x4a6: {  	v37 =	vld [tilespmem:$0xAD70];
	v48 =	vadd.f32 v6, v5;
	[tilespmem:$0xB2B0] =	vst v62  }
0x4a7: {  	v46 =	vld [tilespmem:$0xB2F0];
	v50 =	vadd.f32 v8, v7;
	[tilespmem:$0xB0D0] =	vst v58  }
0x4a8: {  	v56 =	vld [tilespmem:$0xAFF0];
	v0 =	vadd.f32 v1, v44;
	[tilespmem:$0xB240] =	vst v48  }
0x4a9: {  	v39 =	vld [tilespmem:$0xB1F0];
	v62 =	vadd.f32 v20, v19;
	[tilespmem:$0xB2C0] =	vst v50  }
0x4aa: {  	v41 =	vld [tilespmem:$0xADF0];
	v1 =	vadd.f32 v45, v43;
	[tilespmem:$0xB140] =	vst v0  }
0x4ab: {  	v10 =	vld [tilespmem:$0xAF40];
	v43 =	vadd.f32 v49, v47;
	[tilespmem:$0xB1D0] =	vst v62  }
0x4ac: {  	v11 =	vld [tilespmem:$0xB3C0];
	v45 =	vadd.f32 v53, v51;
	[tilespmem:$0xB1E0] =	vst v1  }
0x4ad: {  	v42 =	vld [tilespmem:$0xB270];
	v47 =	vadd.f32 v57, v55;
	[tilespmem:$0xB260] =	vst v43  }
0x4ae: {  	v59 =	vld [tilespmem:$0xB3E0];
	v51 =	vadd.f32 v22, v63;
	[tilespmem:$0xB2E0] =	vst v45  }
0x4af: {  	v44 =	vld [tilespmem:$0xAE70];
	v53 =	vadd.f32 v26, v24;
	[tilespmem:$0xB360] =	vst v47  }
0x4b0: {  	v52 =	vadd.f32 v10, v9;
	v48 =	vld [tilespmem:$0xAEF0];
	[tilespmem:$0xB070] =	vst v51  }
0x4b1: {  	v54 =	vadd.f32 v12, v11;
	v50 =	vld [tilespmem:$0xB370];
	[tilespmem:$0xB0F0] =	vst v53  }
0x4b2: {  	v55 =	vadd.f32 v37, v28;
	[tilespmem:$0xB340] =	vst v52;
	v52 =	vld [tilespmem:$0xAF70]  }
0x4b3: {  	v57 =	vadd.f32 v41, v39;
	[tilespmem:$0xB3C0] =	vst v54;
	v54 =	vld [tilespmem:$0xB3F0]  }
0x4b4: {  	[tilespmem:$0xB170] =	vst v55;
	v49 =	vadd.f32 v61, v59  }
0x4b5: {  	[tilespmem:$0xB1F0] =	vst v57;
	v58 =	vadd.f32 v44, v42  }
0x4b6: {  	[tilespmem:$0xB3E0] =	vst v49;
	v59 =	vadd.f32 v48, v46  }
0x4b7: {  	[tilespmem:$0xB270] =	vst v58;
	v60 =	vadd.f32 v52, v50  }
0x4b8: {  	[tilespmem:$0xB2F0] =	vst v59;
	v61 =	vadd.f32 v56, v54  }
0x4b9: {  	[tilespmem:$0xB370] =	vst v60  }
0x4ba: {  	s31 =	rddreg [dreg:$0x1b];
	[tilespmem:$0xB3F0] =	vst v61  }
0x4bb: {  	[tilespmem:s9], [sflag:$0xF] =	stream.linear.gather [hbm4b:s31+s2], $0x400, $0x38;
	[tilespmem:$0x1F400] =	vst v63  }
0x4bc: {  	_ =	swait.ge [sflag:s4], $0x400  }
0x4bd: {  	[sflag:s4] =	ssyncset.done $0x0  }
0x4be: {  	[sflag:s4] =	ssyncadd.s32 $0xFFFFFC00  }
0x4bf: {  	v0 =	vld [tilespmem:$0xB000]  }
0x4c0: {  	v1 =	vld [tilespmem:$0xAC00]  }
0x4c1: {  	v2 =	vld [tilespmem:$0xB080]  }
0x4c2: {  	v3 =	vld [tilespmem:$0xAC80]  }
0x4c3: {  	v4 =	vld [tilespmem:$0xB100]  }
0x4c4: {  	v5 =	vld [tilespmem:$0xAD00]  }
0x4c5: {  	v6 =	vld [tilespmem:$0xB180]  }
0x4c6: {  	v7 =	vld [tilespmem:$0xAD80]  }
0x4c7: {  	v8 =	vld [tilespmem:$0xB200]  }
0x4c8: {  	v9 =	vld [tilespmem:$0xAE00]  }
0x4c9: {  	v10 =	vld [tilespmem:$0xB280]  }
0x4ca: {  	v11 =	vld [tilespmem:$0xAE80]  }
0x4cb: {  	v12 =	vld [tilespmem:$0xB300]  }
0x4cc: {  	v13 =	vld [tilespmem:$0xAF00]  }
0x4cd: {  	v14 =	vld [tilespmem:$0xB380]  }
0x4ce: {  	v15 =	vld [tilespmem:$0xAF80]  }
0x4cf: {  	v16 =	vld [tilespmem:$0xB010]  }
0x4d0: {  	v17 =	vld [tilespmem:$0xAC10]  }
0x4d1: {  	v18 =	vld [tilespmem:$0xB090]  }
0x4d2: {  	v19 =	vld [tilespmem:$0xAC90]  }
0x4d3: {  	v20 =	vld [tilespmem:$0xB110]  }
0x4d4: {  	v21 =	vld [tilespmem:$0xAD10]  }
0x4d5: {  	v22 =	vld [tilespmem:$0xB190]  }
0x4d6: {  	v23 =	vld [tilespmem:$0xAD90]  }
0x4d7: {  	v24 =	vld [tilespmem:$0xB210]  }
0x4d8: {  	v25 =	vld [tilespmem:$0xAE10]  }
0x4d9: {  	v26 =	vld [tilespmem:$0xB290]  }
0x4da: {  	v27 =	vld [tilespmem:$0xAE90]  }
0x4db: {  	v28 =	vld [tilespmem:$0xB310]  }
0x4dc: {  	v29 =	vld [tilespmem:$0xAF10]  }
0x4dd: {  	v30 =	vld [tilespmem:$0xB390]  }
0x4de: {  	v31 =	vld [tilespmem:$0xAF90]  }
0x4df: {  	v32 =	vld [tilespmem:$0xB020]  }
0x4e0: {  	v33 =	vld [tilespmem:$0xAC20]  }
0x4e1: {  	v34 =	vld [tilespmem:$0xB0A0]  }
0x4e2: {  	v35 =	vld [tilespmem:$0xACA0]  }
0x4e3: {  	v36 =	vld [tilespmem:$0xB120]  }
0x4e4: {  	v37 =	vld [tilespmem:$0xAD20]  }
0x4e5: {  	v38 =	vld [tilespmem:$0xB1A0]  }
0x4e6: {  	v39 =	vld [tilespmem:$0xADA0]  }
0x4e7: {  	v40 =	vld [tilespmem:$0xB220]  }
0x4e8: {  	v41 =	vld [tilespmem:$0xAE20]  }
0x4e9: {  	v42 =	vld [tilespmem:$0xB2A0]  }
0x4ea: {  	v43 =	vld [tilespmem:$0xAEA0]  }
0x4eb: {  	v44 =	vld [tilespmem:$0xB320]  }
0x4ec: {  	v45 =	vld [tilespmem:$0xAF20]  }
0x4ed: {  	v46 =	vld [tilespmem:$0xB3A0]  }
0x4ee: {  	v47 =	vld [tilespmem:$0xAFA0]  }
0x4ef: {  	v48 =	vld [tilespmem:$0xB030]  }
0x4f0: {  	v49 =	vld [tilespmem:$0xAC30]  }
0x4f1: {  	v50 =	vld [tilespmem:$0xB0B0]  }
0x4f2: {  	v51 =	vld [tilespmem:$0xACB0]  }
0x4f3: {  	v52 =	vld [tilespmem:$0xB130]  }
0x4f4: {  	v53 =	vld [tilespmem:$0xAD30]  }
0x4f5: {  	v54 =	vld [tilespmem:$0xB1B0]  }
0x4f6: {  	v55 =	vld [tilespmem:$0xADB0]  }
0x4f7: {  	v56 =	vld [tilespmem:$0xB230]  }
0x4f8: {  	v57 =	vld [tilespmem:$0xAE30]  }
0x4f9: {  	v58 =	vld [tilespmem:$0xB2B0]  }
0x4fa: {  	v62 =	vld [tilespmem:$0xB3B0]  }
0x4fb: {  	v59 =	vld [tilespmem:$0xAEB0]  }
0x4fc: {  	v60 =	vld [tilespmem:$0xB330]  }
0x4fd: {  	v61 =	vld [tilespmem:$0xAF30]  }
0x4fe: {  	v63 =	vld [tilespmem:$0xAFB0]  }
0x4ff: {  	[tilespmem:$0x1FDC0] =	vst v62;
	v62 =	vld [tilespmem:$0xB040]  }
0x500: {  	v0 =	vadd.f32 v1, v0;
	v1 =	vld [tilespmem:$0xAD40]  }
0x501: {  	v2 =	vadd.f32 v3, v2;
	v3 =	vld [tilespmem:$0xB1C0]  }
0x502: {  	v9 =	vadd.f32 v9, v8;
	v8 =	vld [tilespmem:$0xAEC0]  }
0x503: {  	v13 =	vadd.f32 v13, v12;
	v12 =	vld [tilespmem:$0xAFC0]  }
0x504: {  	v15 =	vadd.f32 v15, v14;
	v14 =	vld [tilespmem:$0xAC50]  }
0x505: {  	v17 =	vadd.f32 v17, v16;
	v16 =	vld [tilespmem:$0xACD0]  }
0x506: {  	v19 =	vadd.f32 v19, v18;
	v18 =	vld [tilespmem:$0xAD50]  }
0x507: {  	v21 =	vadd.f32 v21, v20;
	v20 =	vld [tilespmem:$0xADD0];
	[tilespmem:$0xB000] =	vst v0  }
0x508: {  	v23 =	vadd.f32 v23, v22;
	v22 =	vld [tilespmem:$0xAE50];
	[tilespmem:$0xB080] =	vst v2  }
0x509: {  	v25 =	vadd.f32 v25, v24;
	v24 =	vld [tilespmem:$0xAED0];
	[tilespmem:$0xB200] =	vst v9  }
0x50a: {  	v27 =	vadd.f32 v27, v26;
	v26 =	vld [tilespmem:$0xAF50];
	[tilespmem:$0xB300] =	vst v13  }
0x50b: {  	v29 =	vadd.f32 v29, v28;
	v28 =	vld [tilespmem:$0xAFD0];
	[tilespmem:$0xB380] =	vst v15  }
0x50c: {  	v31 =	vadd.f32 v31, v30;
	v30 =	vld [tilespmem:$0xAC60];
	[tilespmem:$0xB010] =	vst v17  }
0x50d: {  	v33 =	vadd.f32 v33, v32;
	v32 =	vld [tilespmem:$0xACE0];
	[tilespmem:$0xB090] =	vst v19  }
0x50e: {  	v35 =	vadd.f32 v35, v34;
	v50 =	vadd.f32 v51, v50;
	v34 =	vld [tilespmem:$0xAD60];
	[tilespmem:$0xB110] =	vst v21  }
0x50f: {  	v51 =	vadd.f32 v53, v52;
	v53 =	vadd.f32 v57, v56;
	v56 =	vld [tilespmem:$0x1FDC0];
	[tilespmem:$0xB190] =	vst v23  }
0x510: {  	v0 =	vadd.f32 v5, v4;
	v4 =	vld [tilespmem:$0xADC0];
	[tilespmem:$0xB210] =	vst v25  }
0x511: {  	v5 =	vld [tilespmem:$0xB240];
	[tilespmem:$0xB290] =	vst v27  }
0x512: {  	v9 =	vld [tilespmem:$0xB340];
	[tilespmem:$0xB310] =	vst v29  }
0x513: {  	v13 =	vld [tilespmem:$0xB050];
	[tilespmem:$0xB390] =	vst v31  }
0x514: {  	v37 =	vadd.f32 v37, v36;
	v15 =	vld [tilespmem:$0xB0D0];
	[tilespmem:$0xB020] =	vst v33  }
0x515: {  	v39 =	vadd.f32 v39, v38;
	v17 =	vld [tilespmem:$0xB150];
	[tilespmem:$0xB0A0] =	vst v35  }
0x516: {  	v41 =	vadd.f32 v41, v40;
	v19 =	vld [tilespmem:$0xB1D0];
	[tilespmem:$0xB120] =	vst v37  }
0x517: {  	v43 =	vadd.f32 v43, v42;
	v21 =	vld [tilespmem:$0xB250];
	[tilespmem:$0xB1A0] =	vst v39  }
0x518: {  	v45 =	vadd.f32 v45, v44;
	v23 =	vld [tilespmem:$0xB2D0];
	[tilespmem:$0xB220] =	vst v41  }
0x519: {  	v47 =	vadd.f32 v47, v46;
	[tilespmem:$0xB2A0] =	vst v43;
	v25 =	vld [tilespmem:$0xB350]  }
0x51a: {  	v49 =	vadd.f32 v49, v48;
	[tilespmem:$0xB320] =	vst v45;
	v27 =	vld [tilespmem:$0xB3D0]  }
0x51b: {  	[tilespmem:$0xB3A0] =	vst v47;
	v29 =	vld [tilespmem:$0xB060]  }
0x51c: {  	[tilespmem:$0xB030] =	vst v49;
	v31 =	vld [tilespmem:$0xB0E0]  }
0x51d: {  	v52 =	vadd.f32 v55, v54;
	[tilespmem:$0xB0B0] =	vst v50;
	v33 =	vld [tilespmem:$0xB160]  }
0x51e: {  	[tilespmem:$0xB130] =	vst v51;
	v35 =	vld [tilespmem:$0xB1E0]  }
0x51f: {  	v54 =	vadd.f32 v59, v58;
	[tilespmem:$0xB1B0] =	vst v52;
	v37 =	vld [tilespmem:$0xB2E0]  }
0x520: {  	v55 =	vadd.f32 v61, v60;
	[tilespmem:$0xB230] =	vst v53;
	v39 =	vld [tilespmem:$0xAEE0]  }
0x521: {  	[tilespmem:$0xB2B0] =	vst v54;
	v41 =	vld [tilespmem:$0xB360]  }
0x522: {  	[tilespmem:$0xB330] =	vst v55;
	v43 =	vld [tilespmem:$0xAF60]  }
0x523: {  	v45 =	vld [tilespmem:$0xB3E0];
	[tilespmem:$0xB100] =	vst v0;
	v2 =	vadd.f32 v63, v56  }
0x524: {  	[tilespmem:$0x1FDD0] =	vst v62;
	v62 =	vld [tilespmem:$0xAC40];
	v42 =	vadd.f32 v14, v13  }
0x525: {  	v47 =	vld [tilespmem:$0xAFE0];
	v44 =	vadd.f32 v16, v15;
	[tilespmem:$0xB3B0] =	vst v2  }
0x526: {  	v49 =	vld [tilespmem:$0xB070];
	v46 =	vadd.f32 v18, v17;
	[tilespmem:$0xB050] =	vst v42  }
0x527: {  	v51 =	vld [tilespmem:$0xAC70];
	[tilespmem:$0xB0D0] =	vst v44  }
0x528: {  	v53 =	vld [tilespmem:$0xB0F0];
	v48 =	vadd.f32 v20, v19;
	[tilespmem:$0xB150] =	vst v46  }
0x529: {  	v50 =	vadd.f32 v22, v21;
	[tilespmem:$0x1FDE0] =	vst v62;
	v62 =	vld [tilespmem:$0xB0C0]  }
0x52a: {  	v55 =	vld [tilespmem:$0xACF0];
	v52 =	vadd.f32 v24, v23;
	[tilespmem:$0xB1D0] =	vst v48  }
0x52b: {  	v57 =	vld [tilespmem:$0x1FDD0];
	v54 =	vadd.f32 v26, v25;
	[tilespmem:$0xB250] =	vst v50  }
0x52c: {  	v19 =	vld [tilespmem:$0xB270];
	[tilespmem:$0xB2D0] =	vst v52  }
0x52d: {  	v56 =	vadd.f32 v28, v27;
	[tilespmem:$0xB350] =	vst v54;
	v58 =	vld [tilespmem:$0x1FDE0]  }
0x52e: {  	v22 =	vadd.f32 v39, v37;
	[tilespmem:$0x1FDF0] =	vst v62;
	v62 =	vld [tilespmem:$0xACC0]  }
0x52f: {  	v21 =	vld [tilespmem:$0xAE70];
	v24 =	vadd.f32 v43, v41;
	[tilespmem:$0xB3D0] =	vst v56  }
0x530: {  	v26 =	vadd.f32 v47, v45;
	v27 =	vld [tilespmem:$0xB370];
	[tilespmem:$0xB2E0] =	vst v22  }
0x531: {  	v28 =	vadd.f32 v51, v49;
	[tilespmem:$0xB360] =	vst v24;
	v59 =	vld [tilespmem:$0x1FDF0]  }
0x532: {  	[tilespmem:$0xB3E0] =	vst v26;
	v0 =	vadd.f32 v58, v57;
	v58 =	vadd.f32 v30, v29;
	v29 =	vld [tilespmem:$0xAF70]  }
0x533: {  	[tilespmem:$0x1FE00] =	vst v62;
	v62 =	vld [tilespmem:$0xB140]  }
0x534: {  	[tilespmem:$0xB070] =	vst v28;
	v60 =	vld [tilespmem:$0x1FE00]  }
0x535: {  	v23 =	vld [tilespmem:$0xB2F0];
	v30 =	vadd.f32 v55, v53;
	[tilespmem:$0xB040] =	vst v0  }
0x536: {  	v25 =	vld [tilespmem:$0xAEF0];
	[tilespmem:$0xB060] =	vst v58  }
0x537: {  	v57 =	vld [tilespmem:$0xB170];
	[tilespmem:$0xB0F0] =	vst v30;
	v37 =	vadd.f32 v29, v27  }
0x538: {  	[tilespmem:$0x1FE10] =	vst v62;
	v62 =	vadd.f32 v7, v6;
	v6 =	vld [tilespmem:$0xAE40]  }
0x539: {  	[tilespmem:$0xB370] =	vst v37;
	v7 =	vld [tilespmem:$0xB2C0];
	v2 =	vadd.f32 v60, v59  }
0x53a: {  	v61 =	vld [tilespmem:$0x1FE10];
	[tilespmem:$0xB180] =	vst v62;
	v62 =	vadd.f32 v11, v10  }
0x53b: {  	v59 =	vld [tilespmem:$0xAD70];
	v60 =	vadd.f32 v32, v31;
	[tilespmem:$0xB0C0] =	vst v2  }
0x53c: {  	v31 =	vld [tilespmem:$0xB3F0];
	[tilespmem:$0xB280] =	vst v62;
	v62 =	vadd.f32 v4, v3  }
0x53d: {  	v10 =	vld [tilespmem:$0xAF40];
	[tilespmem:$0xB0E0] =	vst v60;
	v63 =	vadd.f32 v6, v5  }
0x53e: {  	v11 =	vld [tilespmem:$0xB3C0];
	v36 =	vadd.f32 v8, v7;
	[tilespmem:$0xB1C0] =	vst v62  }
0x53f: {  	v3 =	vld [tilespmem:$0xB260];
	v0 =	vadd.f32 v1, v61;
	[tilespmem:$0xB240] =	vst v63  }
0x540: {  	v4 =	vld [tilespmem:$0xAE60];
	v62 =	vadd.f32 v34, v33;
	[tilespmem:$0xB2C0] =	vst v36  }
0x541: {  	v1 =	vld [tilespmem:$0xADE0];
	v32 =	vadd.f32 v59, v57;
	[tilespmem:$0xB140] =	vst v0  }
0x542: {  	v61 =	vld [tilespmem:$0xB1F0];
	v38 =	vadd.f32 v10, v9;
	[tilespmem:$0xB160] =	vst v62  }
0x543: {  	v33 =	vld [tilespmem:$0xAFF0];
	v40 =	vadd.f32 v12, v11;
	[tilespmem:$0xB170] =	vst v32  }
0x544: {  	v63 =	vld [tilespmem:$0xADF0];
	v36 =	vadd.f32 v25, v23;
	[tilespmem:$0xB340] =	vst v38  }
0x545: {  	[tilespmem:$0xB3C0] =	vst v40;
	v20 =	vadd.f32 v4, v3  }
0x546: {  	[tilespmem:$0xB2F0] =	vst v36;
	v1 =	vadd.f32 v1, v35  }
0x547: {  	[tilespmem:$0xB260] =	vst v20;
	v35 =	vadd.f32 v21, v19  }
0x548: {  	v38 =	vadd.f32 v33, v31;
	[tilespmem:$0xB1E0] =	vst v1  }
0x549: {  	v34 =	vadd.f32 v63, v61;
	[tilespmem:$0xB270] =	vst v35  }
0x54a: {  	[tilespmem:$0xB3F0] =	vst v38  }
0x54b: {  	s20 =	rddreg [dreg:$0x1c];
	[tilespmem:$0xB1F0] =	vst v34  }
0x54c: {  	[tilespmem:s9], [sflag:$0xF] =	stream.linear.gather [hbm4b:s20+s2], $0x400, $0x38;
	[tilespmem:$0x1F400] =	vst v63  }
0x54d: {  	_ =	swait.ge [sflag:s4], $0x400  }
0x54e: {  	[sflag:s4] =	ssyncset.done $0x0  }
0x54f: {  	[sflag:s4] =	ssyncadd.s32 $0xFFFFFC00  }
0x550: {  	v39 =	vld [tilespmem:$0xB000]  }
0x551: {  	v40 =	vld [tilespmem:$0xAC00]  }
0x552: {  	v41 =	vld [tilespmem:$0xB080]  }
0x553: {  	v42 =	vld [tilespmem:$0xAC80]  }
0x554: {  	v43 =	vld [tilespmem:$0xB100]  }
0x555: {  	v44 =	vld [tilespmem:$0xAD00]  }
0x556: {  	v45 =	vld [tilespmem:$0xB180]  }
0x557: {  	v46 =	vld [tilespmem:$0xAD80]  }
0x558: {  	v47 =	vld [tilespmem:$0xB200]  }
0x559: {  	v48 =	vld [tilespmem:$0xAE00]  }
0x55a: {  	v49 =	vld [tilespmem:$0xB280]  }
0x55b: {  	v50 =	vld [tilespmem:$0xAE80]  }
0x55c: {  	v51 =	vld [tilespmem:$0xB300]  }
0x55d: {  	v52 =	vld [tilespmem:$0xAF00]  }
0x55e: {  	v53 =	vld [tilespmem:$0xB380]  }
0x55f: {  	v54 =	vld [tilespmem:$0xAF80]  }
0x560: {  	v55 =	vld [tilespmem:$0xB010]  }
0x561: {  	v56 =	vld [tilespmem:$0xAC10]  }
0x562: {  	v57 =	vld [tilespmem:$0xB090]  }
0x563: {  	v58 =	vld [tilespmem:$0xAC90]  }
0x564: {  	v59 =	vld [tilespmem:$0xB110]  }
0x565: {  	v60 =	vld [tilespmem:$0xAD10]  }
0x566: {  	v61 =	vld [tilespmem:$0xB190]  }
0x567: {  	v62 =	vld [tilespmem:$0xAD90]  }
0x568: {  	v63 =	vld [tilespmem:$0xB210]  }
0x569: {  	v27 =	vld [tilespmem:$0xAE10]  }
0x56a: {  	v28 =	vld [tilespmem:$0xB290]  }
0x56b: {  	v30 =	vld [tilespmem:$0xAE90]  }
0x56c: {  	v32 =	vld [tilespmem:$0xB310]  }
0x56d: {  	v34 =	vld [tilespmem:$0xAF10]  }
0x56e: {  	v36 =	vld [tilespmem:$0xB390]  }
0x56f: {  	v38 =	vld [tilespmem:$0xAF90]  }
0x570: {  	v1 =	vld [tilespmem:$0xAE20]  }
0x571: {  	v3 =	vld [tilespmem:$0xAEA0]  }
0x572: {  	v4 =	vld [tilespmem:$0xB320]  }
0x573: {  	v6 =	vld [tilespmem:$0xB3A0]  }
0x574: {  	v8 =	vld [tilespmem:$0xB030]  }
0x575: {  	v10 =	vld [tilespmem:$0xB0B0]  }
0x576: {  	v12 =	vld [tilespmem:$0xB130]  }
0x577: {  	v13 =	vld [tilespmem:$0xAD30]  }
0x578: {  	v14 =	vld [tilespmem:$0xB1B0]  }
0x579: {  	v15 =	vld [tilespmem:$0xADB0]  }
0x57a: {  	v16 =	vld [tilespmem:$0xB230]  }
0x57b: {  	v17 =	vld [tilespmem:$0xAE30]  }
0x57c: {  	v18 =	vld [tilespmem:$0xB2B0]  }
0x57d: {  	v19 =	vld [tilespmem:$0xAEB0]  }
0x57e: {  	v20 =	vld [tilespmem:$0xB330]  }
0x57f: {  	v21 =	vld [tilespmem:$0xAF30]  }
0x580: {  	v22 =	vld [tilespmem:$0xB3B0]  }
0x581: {  	v23 =	vld [tilespmem:$0xAFB0]  }
0x582: {  	v24 =	vld [tilespmem:$0xB040]  }
0x583: {  	v25 =	vld [tilespmem:$0xAC40]  }
0x584: {  	v26 =	vld [tilespmem:$0xB0C0]  }
0x585: {  	v5 =	vld [tilespmem:$0xB350]  }
0x586: {  	v7 =	vld [tilespmem:$0xB3D0]  }
0x587: {  	v9 =	vld [tilespmem:$0xB060]  }
0x588: {  	v11 =	vld [tilespmem:$0xB0E0]  }
0x589: {  	v0 =	vadd.f32 v40, v39;
	v40 =	vld [tilespmem:$0xB020]  }
0x58a: {  	v2 =	vadd.f32 v42, v41;
	v42 =	vld [tilespmem:$0xAC20]  }
0x58b: {  	v29 =	vadd.f32 v44, v43;
	v44 =	vld [tilespmem:$0xB0A0]  }
0x58c: {  	v31 =	vadd.f32 v46, v45;
	v46 =	vld [tilespmem:$0xACA0]  }
0x58d: {  	v33 =	vadd.f32 v48, v47;
	v48 =	vld [tilespmem:$0xB120]  }
0x58e: {  	v35 =	vadd.f32 v50, v49;
	v50 =	vld [tilespmem:$0xAD20]  }
0x58f: {  	v37 =	vadd.f32 v52, v51;
	v52 =	vld [tilespmem:$0xB1A0]  }
0x590: {  	v39 =	vadd.f32 v54, v53;
	v54 =	vld [tilespmem:$0xADA0]  }
0x591: {  	v45 =	vadd.f32 v60, v59;
	v60 =	vld [tilespmem:$0xAF20]  }
0x592: {  	v47 =	vadd.f32 v62, v61;
	v61 =	vld [tilespmem:$0xAFA0]  }
0x593: {  	v62 =	vld [tilespmem:$0xAC30]  }
0x594: {  	v49 =	vadd.f32 v27, v63;
	v63 =	vld [tilespmem:$0xACB0]  }
0x595: {  	v27 =	vld [tilespmem:$0xACC0]  }
0x596: {  	v51 =	vadd.f32 v30, v28;
	v28 =	vld [tilespmem:$0xB140];
	[tilespmem:$0xB000] =	vst v0  }
0x597: {  	v30 =	vld [tilespmem:$0xB1C0];
	[tilespmem:$0xB080] =	vst v2  }
0x598: {  	v53 =	vadd.f32 v34, v32;
	v32 =	vld [tilespmem:$0xB240];
	[tilespmem:$0xB100] =	vst v29  }
0x599: {  	v34 =	vld [tilespmem:$0xB2C0];
	[tilespmem:$0xB180] =	vst v31  }
0x59a: {  	[tilespmem:$0xB200] =	vst v33;
	v0 =	vld [tilespmem:$0xB220]  }
0x59b: {  	[tilespmem:$0xB280] =	vst v35;
	v2 =	vld [tilespmem:$0xB2A0]  }
0x59c: {  	v41 =	vadd.f32 v56, v55;
	[tilespmem:$0xB300] =	vst v37;
	v29 =	vld [tilespmem:$0xAD40]  }
0x59d: {  	v43 =	vadd.f32 v58, v57;
	[tilespmem:$0xB380] =	vst v39;
	v31 =	vld [tilespmem:$0xADC0]  }
0x59e: {  	[tilespmem:$0xB010] =	vst v41;
	v33 =	vld [tilespmem:$0xAE40]  }
0x59f: {  	v55 =	vadd.f32 v38, v36;
	[tilespmem:$0xB090] =	vst v43;
	v35 =	vld [tilespmem:$0xAEC0]  }
0x5a0: {  	[tilespmem:$0xB310] =	vst v53;
	v53 =	vld [tilespmem:$0xAF40]  }
0x5a1: {  	[tilespmem:$0xB390] =	vst v55;
	v55 =	vld [tilespmem:$0xAFC0]  }
0x5a2: {  	[tilespmem:$0xB110] =	vst v45;
	v45 =	vld [tilespmem:$0xAD50]  }
0x5a3: {  	[tilespmem:$0xB190] =	vst v47;
	v47 =	vld [tilespmem:$0xADD0]  }
0x5a4: {  	v13 =	vadd.f32 v13, v12;
	[tilespmem:$0xB210] =	vst v49;
	v59 =	vadd.f32 v54, v52;
	v52 =	vld [tilespmem:$0xB340]  }
0x5a5: {  	v15 =	vadd.f32 v15, v14;
	[tilespmem:$0xB290] =	vst v51;
	v54 =	vld [tilespmem:$0xB3C0]  }
0x5a6: {  	v17 =	vadd.f32 v17, v16;
	[tilespmem:$0xB130] =	vst v13;
	v57 =	vadd.f32 v46, v44;
	v44 =	vld [tilespmem:$0xB150]  }
0x5a7: {  	[tilespmem:$0xB1B0] =	vst v15;
	v56 =	vadd.f32 v42, v40;
	v46 =	vld [tilespmem:$0xB1D0]  }
0x5a8: {  	[tilespmem:$0xB230] =	vst v17;
	v58 =	vadd.f32 v50, v48;
	v48 =	vld [tilespmem:$0xB250]  }
0x5a9: {  	v60 =	vadd.f32 v60, v4;
	v4 =	vld [tilespmem:$0xAED0];
	[tilespmem:$0xB020] =	vst v56  }
0x5aa: {  	v61 =	vadd.f32 v61, v6;
	v6 =	vld [tilespmem:$0xAF50];
	[tilespmem:$0xB0A0] =	vst v57  }
0x5ab: {  	v62 =	vadd.f32 v62, v8;
	v8 =	vld [tilespmem:$0xAFD0];
	[tilespmem:$0xB120] =	vst v58  }
0x5ac: {  	v63 =	vadd.f32 v63, v10;
	v10 =	vld [tilespmem:$0xAC60];
	[tilespmem:$0xB1A0] =	vst v59  }
0x5ad: {  	v56 =	vld [tilespmem:$0xB050];
	[tilespmem:$0xB320] =	vst v60  }
0x5ae: {  	v57 =	vld [tilespmem:$0xAC50];
	[tilespmem:$0xB3A0] =	vst v61  }
0x5af: {  	v58 =	vld [tilespmem:$0xB0D0];
	v0 =	vadd.f32 v1, v0;
	[tilespmem:$0xB030] =	vst v62  }
0x5b0: {  	v59 =	vld [tilespmem:$0xACD0];
	v2 =	vadd.f32 v3, v2;
	[tilespmem:$0xB0B0] =	vst v63  }
0x5b1: {  	v1 =	vld [tilespmem:$0xAE50];
	[tilespmem:$0xB220] =	vst v0  }
0x5b2: {  	v19 =	vadd.f32 v19, v18;
	v3 =	vld [tilespmem:$0xB2D0];
	[tilespmem:$0xB2A0] =	vst v2  }
0x5b3: {  	v21 =	vadd.f32 v21, v20;
	v12 =	vld [tilespmem:$0xACE0]  }
0x5b4: {  	v23 =	vadd.f32 v23, v22;
	[tilespmem:$0xB2B0] =	vst v19;
	v13 =	vld [tilespmem:$0xB160]  }
0x5b5: {  	v25 =	vadd.f32 v25, v24;
	[tilespmem:$0xB330] =	vst v21;
	v14 =	vld [tilespmem:$0xAD60]  }
0x5b6: {  	v27 =	vadd.f32 v27, v26;
	[tilespmem:$0xB3B0] =	vst v23;
	v15 =	vld [tilespmem:$0xB1E0]  }
0x5b7: {  	v29 =	vadd.f32 v29, v28;
	[tilespmem:$0xB040] =	vst v25;
	v16 =	vld [tilespmem:$0xADE0]  }
0x5b8: {  	v31 =	vadd.f32 v31, v30;
	[tilespmem:$0xB0C0] =	vst v27;
	v17 =	vld [tilespmem:$0xB260]  }
0x5b9: {  	v33 =	vadd.f32 v33, v32;
	[tilespmem:$0xB140] =	vst v29;
	v49 =	vld [tilespmem:$0xAE60]  }
0x5ba: {  	v50 =	vadd.f32 v35, v34;
	[tilespmem:$0xB1C0] =	vst v31;
	v51 =	vld [tilespmem:$0xB2E0]  }
0x5bb: {  	[tilespmem:$0xB240] =	vst v33;
	v52 =	vadd.f32 v53, v52;
	v53 =	vld [tilespmem:$0xAEE0]  }
0x5bc: {  	[tilespmem:$0xB2C0] =	vst v50;
	v54 =	vadd.f32 v55, v54;
	v55 =	vld [tilespmem:$0xB360]  }
0x5bd: {  	v60 =	vadd.f32 v45, v44;
	v61 =	vld [tilespmem:$0xAFE0];
	[tilespmem:$0xB340] =	vst v52  }
0x5be: {  	v62 =	vadd.f32 v47, v46;
	v63 =	vld [tilespmem:$0xB070];
	[tilespmem:$0xB3C0] =	vst v54  }
0x5bf: {  	v28 =	vld [tilespmem:$0xAC70];
	v31 =	vadd.f32 v6, v5;
	[tilespmem:$0xB150] =	vst v60  }
0x5c0: {  	v30 =	vld [tilespmem:$0xB0F0];
	v33 =	vadd.f32 v8, v7;
	[tilespmem:$0xB1D0] =	vst v62  }
0x5c1: {  	v32 =	vld [tilespmem:$0xACF0];
	v35 =	vadd.f32 v10, v9;
	[tilespmem:$0xB350] =	vst v31  }
0x5c2: {  	v34 =	vld [tilespmem:$0xB170];
	v56 =	vadd.f32 v57, v56;
	[tilespmem:$0xB3D0] =	vst v33  }
0x5c3: {  	v36 =	vld [tilespmem:$0xAD70];
	v58 =	vadd.f32 v59, v58;
	[tilespmem:$0xB060] =	vst v35  }
0x5c4: {  	v38 =	vld [tilespmem:$0xB1F0];
	v27 =	vadd.f32 v1, v48;
	[tilespmem:$0xB050] =	vst v56  }
0x5c5: {  	v40 =	vld [tilespmem:$0xADF0];
	v29 =	vadd.f32 v4, v3;
	[tilespmem:$0xB0D0] =	vst v58  }
0x5c6: {  	v42 =	vld [tilespmem:$0xB270];
	[tilespmem:$0xB250] =	vst v27;
	v37 =	vadd.f32 v12, v11  }
0x5c7: {  	v44 =	vld [tilespmem:$0xAE70];
	[tilespmem:$0xB2D0] =	vst v29;
	v39 =	vadd.f32 v14, v13  }
0x5c8: {  	v46 =	vld [tilespmem:$0xB2F0];
	v41 =	vadd.f32 v16, v15;
	[tilespmem:$0xB0E0] =	vst v37  }
0x5c9: {  	v57 =	vld [tilespmem:$0xAF60];
	v43 =	vadd.f32 v49, v17;
	[tilespmem:$0xB160] =	vst v39  }
0x5ca: {  	v59 =	vld [tilespmem:$0xB3E0];
	v45 =	vadd.f32 v53, v51;
	[tilespmem:$0xB1E0] =	vst v41  }
0x5cb: {  	v50 =	vld [tilespmem:$0xB370];
	v51 =	vadd.f32 v28, v63;
	[tilespmem:$0xB260] =	vst v43  }
0x5cc: {  	v48 =	vld [tilespmem:$0xAEF0];
	v53 =	vadd.f32 v32, v30;
	[tilespmem:$0xB2E0] =	vst v45  }
0x5cd: {  	v52 =	vld [tilespmem:$0xAF70];
	v58 =	vadd.f32 v44, v42;
	[tilespmem:$0xB070] =	vst v51  }
0x5ce: {  	v54 =	vld [tilespmem:$0xB3F0];
	v47 =	vadd.f32 v57, v55;
	[tilespmem:$0xB0F0] =	vst v53  }
0x5cf: {  	v56 =	vld [tilespmem:$0xAFF0];
	v49 =	vadd.f32 v61, v59;
	[tilespmem:$0xB270] =	vst v58  }
0x5d0: {  	v55 =	vadd.f32 v36, v34;
	[tilespmem:$0xB360] =	vst v47  }
0x5d1: {  	v57 =	vadd.f32 v40, v38;
	[tilespmem:$0xB3E0] =	vst v49  }
0x5d2: {  	v59 =	vadd.f32 v48, v46;
	[tilespmem:$0xB170] =	vst v55  }
0x5d3: {  	v60 =	vadd.f32 v52, v50;
	[tilespmem:$0xB1F0] =	vst v57  }
0x5d4: {  	[tilespmem:$0xB2F0] =	vst v59;
	v61 =	vadd.f32 v56, v54  }
0x5d5: {  	[tilespmem:$0xB370] =	vst v60  }
0x5d6: {  	s29 =	rddreg [dreg:$0x1d];
	[tilespmem:$0xB3F0] =	vst v61  }
0x5d7: {  	[tilespmem:s9], [sflag:$0xF] =	stream.linear.gather [hbm4b:s29+s2], $0x400, $0x38;
	[tilespmem:$0x1F400] =	vst v63  }
0x5d8: {  	_ =	swait.ge [sflag:s4], $0x400  }
0x5d9: {  	[sflag:s4] =	ssyncset.done $0x0  }
0x5da: {  	[sflag:s4] =	ssyncadd.s32 $0xFFFFFC00  }
0x5db: {  	v0 =	vld [tilespmem:$0xB000]  }
0x5dc: {  	v1 =	vld [tilespmem:$0xAC00]  }
0x5dd: {  	v2 =	vld [tilespmem:$0xB080]  }
0x5de: {  	v3 =	vld [tilespmem:$0xAC80]  }
0x5df: {  	v4 =	vld [tilespmem:$0xB100]  }
0x5e0: {  	v5 =	vld [tilespmem:$0xAD00]  }
0x5e1: {  	v6 =	vld [tilespmem:$0xB180]  }
0x5e2: {  	v7 =	vld [tilespmem:$0xAD80]  }
0x5e3: {  	v8 =	vld [tilespmem:$0xB200]  }
0x5e4: {  	v9 =	vld [tilespmem:$0xAE00]  }
0x5e5: {  	v10 =	vld [tilespmem:$0xB280]  }
0x5e6: {  	v11 =	vld [tilespmem:$0xAE80]  }
0x5e7: {  	v12 =	vld [tilespmem:$0xB300]  }
0x5e8: {  	v13 =	vld [tilespmem:$0xAF00]  }
0x5e9: {  	v14 =	vld [tilespmem:$0xB380]  }
0x5ea: {  	v15 =	vld [tilespmem:$0xAF80]  }
0x5eb: {  	v16 =	vld [tilespmem:$0xB010]  }
0x5ec: {  	v17 =	vld [tilespmem:$0xAC10]  }
0x5ed: {  	v18 =	vld [tilespmem:$0xB090]  }
0x5ee: {  	v19 =	vld [tilespmem:$0xAC90]  }
0x5ef: {  	v20 =	vld [tilespmem:$0xB110]  }
0x5f0: {  	v21 =	vld [tilespmem:$0xAD10]  }
0x5f1: {  	v22 =	vld [tilespmem:$0xB190]  }
0x5f2: {  	v23 =	vld [tilespmem:$0xAD90]  }
0x5f3: {  	v24 =	vld [tilespmem:$0xB210]  }
0x5f4: {  	v25 =	vld [tilespmem:$0xAE10]  }
0x5f5: {  	v26 =	vld [tilespmem:$0xB290]  }
0x5f6: {  	v27 =	vld [tilespmem:$0xAE90]  }
0x5f7: {  	v28 =	vld [tilespmem:$0xB310]  }
0x5f8: {  	v29 =	vld [tilespmem:$0xAF10]  }
0x5f9: {  	v30 =	vld [tilespmem:$0xB390]  }
0x5fa: {  	v31 =	vld [tilespmem:$0xAF90]  }
0x5fb: {  	v32 =	vld [tilespmem:$0xB020]  }
0x5fc: {  	v33 =	vld [tilespmem:$0xAC20]  }
0x5fd: {  	v34 =	vld [tilespmem:$0xB0A0]  }
0x5fe: {  	v35 =	vld [tilespmem:$0xACA0]  }
0x5ff: {  	v36 =	vld [tilespmem:$0xB120]  }
0x600: {  	v37 =	vld [tilespmem:$0xAD20]  }
0x601: {  	v38 =	vld [tilespmem:$0xB1A0]  }
0x602: {  	v39 =	vld [tilespmem:$0xADA0]  }
0x603: {  	v40 =	vld [tilespmem:$0xB220]  }
0x604: {  	v41 =	vld [tilespmem:$0xAE20]  }
0x605: {  	v42 =	vld [tilespmem:$0xB2A0]  }
0x606: {  	v43 =	vld [tilespmem:$0xAEA0]  }
0x607: {  	v44 =	vld [tilespmem:$0xB320]  }
0x608: {  	v45 =	vld [tilespmem:$0xAF20]  }
0x609: {  	v46 =	vld [tilespmem:$0xB3A0]  }
0x60a: {  	v47 =	vld [tilespmem:$0xAFA0]  }
0x60b: {  	v48 =	vld [tilespmem:$0xB030]  }
0x60c: {  	v49 =	vld [tilespmem:$0xAC30]  }
0x60d: {  	v50 =	vld [tilespmem:$0xB0B0]  }
0x60e: {  	v51 =	vld [tilespmem:$0xACB0]  }
0x60f: {  	v52 =	vld [tilespmem:$0xB130]  }
0x610: {  	v53 =	vld [tilespmem:$0xAD30]  }
0x611: {  	v54 =	vld [tilespmem:$0xB1B0]  }
0x612: {  	v55 =	vld [tilespmem:$0xADB0]  }
0x613: {  	v56 =	vld [tilespmem:$0xB230]  }
0x614: {  	v57 =	vld [tilespmem:$0xAE30]  }
0x615: {  	v58 =	vld [tilespmem:$0xB2B0]  }
0x616: {  	v62 =	vld [tilespmem:$0xB3B0]  }
0x617: {  	v59 =	vld [tilespmem:$0xAEB0]  }
0x618: {  	v60 =	vld [tilespmem:$0xB330]  }
0x619: {  	v61 =	vld [tilespmem:$0xAF30]  }
0x61a: {  	v63 =	vld [tilespmem:$0xAFB0]  }
0x61b: {  	[tilespmem:$0x1FE20] =	vst v62;
	v62 =	vld [tilespmem:$0xB040]  }
0x61c: {  	v0 =	vadd.f32 v1, v0;
	v1 =	vld [tilespmem:$0xAD40]  }
0x61d: {  	v2 =	vadd.f32 v3, v2;
	v3 =	vld [tilespmem:$0xB1C0]  }
0x61e: {  	v9 =	vadd.f32 v9, v8;
	v8 =	vld [tilespmem:$0xAEC0]  }
0x61f: {  	v13 =	vadd.f32 v13, v12;
	v12 =	vld [tilespmem:$0xAFC0]  }
0x620: {  	v15 =	vadd.f32 v15, v14;
	v14 =	vld [tilespmem:$0xAC50]  }
0x621: {  	v17 =	vadd.f32 v17, v16;
	v16 =	vld [tilespmem:$0xACD0]  }
0x622: {  	v19 =	vadd.f32 v19, v18;
	v18 =	vld [tilespmem:$0xAD50]  }
0x623: {  	v21 =	vadd.f32 v21, v20;
	v20 =	vld [tilespmem:$0xADD0];
	[tilespmem:$0xB000] =	vst v0  }
0x624: {  	v23 =	vadd.f32 v23, v22;
	v22 =	vld [tilespmem:$0xAE50];
	[tilespmem:$0xB080] =	vst v2  }
0x625: {  	v25 =	vadd.f32 v25, v24;
	v24 =	vld [tilespmem:$0xAED0];
	[tilespmem:$0xB200] =	vst v9  }
0x626: {  	v27 =	vadd.f32 v27, v26;
	v26 =	vld [tilespmem:$0xAF50];
	[tilespmem:$0xB300] =	vst v13  }
0x627: {  	v29 =	vadd.f32 v29, v28;
	v28 =	vld [tilespmem:$0xAFD0];
	[tilespmem:$0xB380] =	vst v15  }
0x628: {  	v31 =	vadd.f32 v31, v30;
	v30 =	vld [tilespmem:$0xAC60];
	[tilespmem:$0xB010] =	vst v17  }
0x629: {  	v33 =	vadd.f32 v33, v32;
	v32 =	vld [tilespmem:$0xACE0];
	[tilespmem:$0xB090] =	vst v19  }
0x62a: {  	v41 =	vadd.f32 v41, v40;
	v40 =	vld [tilespmem:$0xAD60];
	[tilespmem:$0xB110] =	vst v21  }
0x62b: {  	v37 =	vadd.f32 v37, v36;
	v36 =	vadd.f32 v61, v60;
	v61 =	vld [tilespmem:$0xAFE0];
	[tilespmem:$0xB190] =	vst v23  }
0x62c: {  	v0 =	vadd.f32 v5, v4;
	v4 =	vld [tilespmem:$0xADC0];
	[tilespmem:$0xB210] =	vst v25  }
0x62d: {  	v5 =	vld [tilespmem:$0xB240];
	[tilespmem:$0xB290] =	vst v27  }
0x62e: {  	v9 =	vld [tilespmem:$0xB340];
	[tilespmem:$0xB310] =	vst v29  }
0x62f: {  	v35 =	vadd.f32 v35, v34;
	v13 =	vld [tilespmem:$0xB050];
	[tilespmem:$0xB390] =	vst v31  }
0x630: {  	v15 =	vld [tilespmem:$0xB0D0];
	[tilespmem:$0xB020] =	vst v33  }
0x631: {  	v39 =	vadd.f32 v39, v38;
	v17 =	vld [tilespmem:$0xB150];
	[tilespmem:$0xB0A0] =	vst v35  }
0x632: {  	v19 =	vld [tilespmem:$0xB1D0];
	[tilespmem:$0xB120] =	vst v37  }
0x633: {  	v43 =	vadd.f32 v43, v42;
	v21 =	vld [tilespmem:$0xB250];
	[tilespmem:$0xB1A0] =	vst v39  }
0x634: {  	v45 =	vadd.f32 v45, v44;
	v23 =	vld [tilespmem:$0xB2D0];
	[tilespmem:$0xB220] =	vst v41  }
0x635: {  	v47 =	vadd.f32 v47, v46;
	[tilespmem:$0xB2A0] =	vst v43;
	v25 =	vld [tilespmem:$0xB350]  }
0x636: {  	v49 =	vadd.f32 v49, v48;
	[tilespmem:$0xB320] =	vst v45;
	v27 =	vld [tilespmem:$0xB3D0]  }
0x637: {  	[tilespmem:$0xB3A0] =	vst v47;
	v29 =	vld [tilespmem:$0xB060]  }
0x638: {  	v51 =	vadd.f32 v51, v50;
	[tilespmem:$0xB030] =	vst v49;
	v31 =	vld [tilespmem:$0xB0E0]  }
0x639: {  	v53 =	vadd.f32 v53, v52;
	[tilespmem:$0x1FE30] =	vst v62;
	v62 =	vld [tilespmem:$0xAC40]  }
0x63a: {  	v55 =	vadd.f32 v55, v54;
	[tilespmem:$0xB0B0] =	vst v51;
	v37 =	vld [tilespmem:$0x1FE20]  }
0x63b: {  	v57 =	vadd.f32 v57, v56;
	[tilespmem:$0xB130] =	vst v53;
	v33 =	vld [tilespmem:$0xB160]  }
0x63c: {  	[tilespmem:$0xB1B0] =	vst v55;
	v43 =	vld [tilespmem:$0xB1E0]  }
0x63d: {  	[tilespmem:$0xB230] =	vst v57;
	v45 =	vld [tilespmem:$0xADE0]  }
0x63e: {  	[tilespmem:$0x1FE40] =	vst v62;
	v62 =	vld [tilespmem:$0xB0C0]  }
0x63f: {  	[tilespmem:$0xB330] =	vst v36;
	v47 =	vld [tilespmem:$0xB260];
	v2 =	vadd.f32 v63, v37  }
0x640: {  	v49 =	vld [tilespmem:$0xAE60];
	[tilespmem:$0xB100] =	vst v0;
	v46 =	vadd.f32 v4, v3  }
0x641: {  	v51 =	vld [tilespmem:$0xB2E0];
	[tilespmem:$0xB3B0] =	vst v2  }
0x642: {  	v53 =	vld [tilespmem:$0xAEE0];
	v56 =	vadd.f32 v14, v13;
	[tilespmem:$0xB1C0] =	vst v46  }
0x643: {  	v60 =	vadd.f32 v18, v17;
	[tilespmem:$0x1FE50] =	vst v62;
	v62 =	vld [tilespmem:$0xACC0]  }
0x644: {  	v55 =	vld [tilespmem:$0xB360];
	v21 =	vadd.f32 v22, v21;
	[tilespmem:$0xB050] =	vst v56  }
0x645: {  	v57 =	vld [tilespmem:$0xAF60];
	v23 =	vadd.f32 v24, v23;
	[tilespmem:$0xB150] =	vst v60  }
0x646: {  	v38 =	vld [tilespmem:$0x1FE30];
	[tilespmem:$0xB250] =	vst v21  }
0x647: {  	v25 =	vadd.f32 v26, v25;
	[tilespmem:$0xB2D0] =	vst v23;
	v39 =	vld [tilespmem:$0x1FE40]  }
0x648: {  	v27 =	vadd.f32 v28, v27;
	[tilespmem:$0x1FE60] =	vst v62;
	v62 =	vld [tilespmem:$0xB140]  }
0x649: {  	v63 =	vld [tilespmem:$0xB070];
	v36 =	vadd.f32 v30, v29;
	[tilespmem:$0xB350] =	vst v25  }
0x64a: {  	v40 =	vadd.f32 v40, v33;
	[tilespmem:$0xB3D0] =	vst v27;
	v41 =	vld [tilespmem:$0x1FE50]  }
0x64b: {  	[tilespmem:$0xB060] =	vst v36;
	v42 =	vld [tilespmem:$0x1FE60]  }
0x64c: {  	v22 =	vld [tilespmem:$0xAC70];
	[tilespmem:$0xB160] =	vst v40;
	v0 =	vadd.f32 v39, v38  }
0x64d: {  	v24 =	vld [tilespmem:$0xB0F0];
	[tilespmem:$0x1FE70] =	vst v62;
	v62 =	vadd.f32 v7, v6  }
0x64e: {  	v38 =	vadd.f32 v32, v31;
	[tilespmem:$0xB040] =	vst v0;
	v6 =	vld [tilespmem:$0xAE40]  }
0x64f: {  	v7 =	vld [tilespmem:$0xB2C0];
	[tilespmem:$0xB180] =	vst v62;
	v62 =	vadd.f32 v11, v10  }
0x650: {  	[tilespmem:$0xB0E0] =	vst v38;
	v2 =	vadd.f32 v42, v41;
	v44 =	vld [tilespmem:$0x1FE70]  }
0x651: {  	v26 =	vld [tilespmem:$0xACF0];
	[tilespmem:$0xB280] =	vst v62;
	v62 =	vadd.f32 v59, v58  }
0x652: {  	v28 =	vld [tilespmem:$0xB170];
	[tilespmem:$0xB0C0] =	vst v2;
	v58 =	vadd.f32 v16, v15  }
0x653: {  	v37 =	vld [tilespmem:$0xAD70];
	v48 =	vadd.f32 v6, v5;
	[tilespmem:$0xB2B0] =	vst v62  }
0x654: {  	v46 =	vld [tilespmem:$0xB2F0];
	v50 =	vadd.f32 v8, v7;
	[tilespmem:$0xB0D0] =	vst v58  }
0x655: {  	v56 =	vld [tilespmem:$0xAFF0];
	v0 =	vadd.f32 v1, v44;
	[tilespmem:$0xB240] =	vst v48  }
0x656: {  	v39 =	vld [tilespmem:$0xB1F0];
	v62 =	vadd.f32 v20, v19;
	[tilespmem:$0xB2C0] =	vst v50  }
0x657: {  	v41 =	vld [tilespmem:$0xADF0];
	v1 =	vadd.f32 v45, v43;
	[tilespmem:$0xB140] =	vst v0  }
0x658: {  	v10 =	vld [tilespmem:$0xAF40];
	v43 =	vadd.f32 v49, v47;
	[tilespmem:$0xB1D0] =	vst v62  }
0x659: {  	v11 =	vld [tilespmem:$0xB3C0];
	v45 =	vadd.f32 v53, v51;
	[tilespmem:$0xB1E0] =	vst v1  }
0x65a: {  	v42 =	vld [tilespmem:$0xB270];
	v47 =	vadd.f32 v57, v55;
	[tilespmem:$0xB260] =	vst v43  }
0x65b: {  	v59 =	vld [tilespmem:$0xB3E0];
	v51 =	vadd.f32 v22, v63;
	[tilespmem:$0xB2E0] =	vst v45  }
0x65c: {  	v44 =	vld [tilespmem:$0xAE70];
	v53 =	vadd.f32 v26, v24;
	[tilespmem:$0xB360] =	vst v47  }
0x65d: {  	v52 =	vadd.f32 v10, v9;
	v48 =	vld [tilespmem:$0xAEF0];
	[tilespmem:$0xB070] =	vst v51  }
0x65e: {  	v54 =	vadd.f32 v12, v11;
	v50 =	vld [tilespmem:$0xB370];
	[tilespmem:$0xB0F0] =	vst v53  }
0x65f: {  	v55 =	vadd.f32 v37, v28;
	[tilespmem:$0xB340] =	vst v52;
	v52 =	vld [tilespmem:$0xAF70]  }
0x660: {  	v57 =	vadd.f32 v41, v39;
	[tilespmem:$0xB3C0] =	vst v54;
	v54 =	vld [tilespmem:$0xB3F0]  }
0x661: {  	[tilespmem:$0xB170] =	vst v55;
	v49 =	vadd.f32 v61, v59  }
0x662: {  	[tilespmem:$0xB1F0] =	vst v57;
	v58 =	vadd.f32 v44, v42  }
0x663: {  	[tilespmem:$0xB3E0] =	vst v49;
	v59 =	vadd.f32 v48, v46  }
0x664: {  	[tilespmem:$0xB270] =	vst v58;
	v60 =	vadd.f32 v52, v50  }
0x665: {  	[tilespmem:$0xB2F0] =	vst v59;
	v61 =	vadd.f32 v56, v54  }
0x666: {  	[tilespmem:$0xB370] =	vst v60  }
0x667: {  	s31 =	rddreg [dreg:$0x1e];
	[tilespmem:$0xB3F0] =	vst v61  }
0x668: {  	[tilespmem:s9], [sflag:$0xF] =	stream.linear.gather [hbm4b:s31+s2], $0x400, $0x38;
	[tilespmem:$0x1F400] =	vst v63  }
0x669: {  	_ =	swait.ge [sflag:s4], $0x400  }
0x66a: {  	[sflag:s4] =	ssyncset.done $0x0  }
0x66b: {  	[sflag:s4] =	ssyncadd.s32 $0xFFFFFC00  }
0x66c: {  	v0 =	vld [tilespmem:$0xB000]  }
0x66d: {  	v1 =	vld [tilespmem:$0xAC00]  }
0x66e: {  	v2 =	vld [tilespmem:$0xB080]  }
0x66f: {  	v3 =	vld [tilespmem:$0xAC80]  }
0x670: {  	v4 =	vld [tilespmem:$0xB100]  }
0x671: {  	v5 =	vld [tilespmem:$0xAD00]  }
0x672: {  	v6 =	vld [tilespmem:$0xB180]  }
0x673: {  	v7 =	vld [tilespmem:$0xAD80]  }
0x674: {  	v8 =	vld [tilespmem:$0xB200]  }
0x675: {  	v9 =	vld [tilespmem:$0xAE00]  }
0x676: {  	v10 =	vld [tilespmem:$0xB280]  }
0x677: {  	v11 =	vld [tilespmem:$0xAE80]  }
0x678: {  	v12 =	vld [tilespmem:$0xB300]  }
0x679: {  	v13 =	vld [tilespmem:$0xAF00]  }
0x67a: {  	v14 =	vld [tilespmem:$0xB380]  }
0x67b: {  	v15 =	vld [tilespmem:$0xAF80]  }
0x67c: {  	v16 =	vld [tilespmem:$0xB010]  }
0x67d: {  	v17 =	vld [tilespmem:$0xAC10]  }
0x67e: {  	v18 =	vld [tilespmem:$0xB090]  }
0x67f: {  	v19 =	vld [tilespmem:$0xAC90]  }
0x680: {  	v20 =	vld [tilespmem:$0xB110]  }
0x681: {  	v21 =	vld [tilespmem:$0xAD10]  }
0x682: {  	v22 =	vld [tilespmem:$0xB190]  }
0x683: {  	v23 =	vld [tilespmem:$0xAD90]  }
0x684: {  	v24 =	vld [tilespmem:$0xB210]  }
0x685: {  	v25 =	vld [tilespmem:$0xAE10]  }
0x686: {  	v26 =	vld [tilespmem:$0xB290]  }
0x687: {  	v27 =	vld [tilespmem:$0xAE90]  }
0x688: {  	v28 =	vld [tilespmem:$0xB310]  }
0x689: {  	v29 =	vld [tilespmem:$0xAF10]  }
0x68a: {  	v30 =	vld [tilespmem:$0xB390]  }
0x68b: {  	v31 =	vld [tilespmem:$0xAF90]  }
0x68c: {  	v32 =	vld [tilespmem:$0xB020]  }
0x68d: {  	v33 =	vld [tilespmem:$0xAC20]  }
0x68e: {  	v34 =	vld [tilespmem:$0xB0A0]  }
0x68f: {  	v35 =	vld [tilespmem:$0xACA0]  }
0x690: {  	v36 =	vld [tilespmem:$0xB120]  }
0x691: {  	v37 =	vld [tilespmem:$0xAD20]  }
0x692: {  	v38 =	vld [tilespmem:$0xB1A0]  }
0x693: {  	v39 =	vld [tilespmem:$0xADA0]  }
0x694: {  	v40 =	vld [tilespmem:$0xB220]  }
0x695: {  	v41 =	vld [tilespmem:$0xAE20]  }
0x696: {  	v42 =	vld [tilespmem:$0xB2A0]  }
0x697: {  	v43 =	vld [tilespmem:$0xAEA0]  }
0x698: {  	v44 =	vld [tilespmem:$0xB320]  }
0x699: {  	v45 =	vld [tilespmem:$0xAF20]  }
0x69a: {  	v46 =	vld [tilespmem:$0xB3A0]  }
0x69b: {  	v47 =	vld [tilespmem:$0xAFA0]  }
0x69c: {  	v48 =	vld [tilespmem:$0xB030]  }
0x69d: {  	v49 =	vld [tilespmem:$0xAC30]  }
0x69e: {  	v50 =	vld [tilespmem:$0xB0B0]  }
0x69f: {  	v51 =	vld [tilespmem:$0xACB0]  }
0x6a0: {  	v52 =	vld [tilespmem:$0xB130]  }
0x6a1: {  	v53 =	vld [tilespmem:$0xAD30]  }
0x6a2: {  	v54 =	vld [tilespmem:$0xB1B0]  }
0x6a3: {  	v55 =	vld [tilespmem:$0xADB0]  }
0x6a4: {  	v56 =	vld [tilespmem:$0xB230]  }
0x6a5: {  	v57 =	vld [tilespmem:$0xAE30]  }
0x6a6: {  	v58 =	vld [tilespmem:$0xB2B0]  }
0x6a7: {  	v59 =	vld [tilespmem:$0xAEB0]  }
0x6a8: {  	v60 =	vld [tilespmem:$0xB330]  }
0x6a9: {  	v61 =	vld [tilespmem:$0xAF30]  }
0x6aa: {  	v0 =	vadd.f32 v1, v0;
	v1 =	vld [tilespmem:$0xB3B0]  }
0x6ab: {  	v2 =	vadd.f32 v3, v2;
	v3 =	vld [tilespmem:$0xAFB0]  }
0x6ac: {  	v62 =	vadd.f32 v5, v4;
	v4 =	vld [tilespmem:$0xB040]  }
0x6ad: {  	v5 =	vld [tilespmem:$0xAC40]  }
0x6ae: {  	v63 =	vadd.f32 v7, v6;
	v6 =	vld [tilespmem:$0xB0C0]  }
0x6af: {  	v7 =	vld [tilespmem:$0xACC0]  }
0x6b0: {  	v13 =	vadd.f32 v13, v12;
	v12 =	vld [tilespmem:$0xB240]  }
0x6b1: {  	v15 =	vadd.f32 v15, v14;
	v14 =	vld [tilespmem:$0xB2C0]  }
0x6b2: {  	v17 =	vadd.f32 v17, v16;
	v16 =	vld [tilespmem:$0xB340]  }
0x6b3: {  	v19 =	vadd.f32 v19, v18;
	v18 =	vld [tilespmem:$0xB3C0];
	[tilespmem:$0xB000] =	vst v0  }
0x6b4: {  	v21 =	vadd.f32 v21, v20;
	v20 =	vld [tilespmem:$0xB050];
	[tilespmem:$0xB080] =	vst v2  }
0x6b5: {  	v23 =	vadd.f32 v23, v22;
	v22 =	vld [tilespmem:$0xB0D0];
	[tilespmem:$0xB100] =	vst v62  }
0x6b6: {  	v25 =	vadd.f32 v25, v24;
	v24 =	vld [tilespmem:$0xB150];
	[tilespmem:$0xB180] =	vst v63  }
0x6b7: {  	v27 =	vadd.f32 v27, v26;
	v26 =	vld [tilespmem:$0xB1D0];
	[tilespmem:$0xB300] =	vst v13  }
0x6b8: {  	v29 =	vadd.f32 v29, v28;
	v28 =	vld [tilespmem:$0xB250];
	[tilespmem:$0xB380] =	vst v15  }
0x6b9: {  	v37 =	vadd.f32 v37, v36;
	v36 =	vld [tilespmem:$0xB2D0];
	[tilespmem:$0xB010] =	vst v17  }
0x6ba: {  	v39 =	vadd.f32 v39, v38;
	v38 =	vld [tilespmem:$0xAED0];
	[tilespmem:$0xB090] =	vst v19  }
0x6bb: {  	v41 =	vadd.f32 v41, v40;
	v40 =	vld [tilespmem:$0xB350];
	[tilespmem:$0xB110] =	vst v21  }
0x6bc: {  	v33 =	vadd.f32 v33, v32;
	v32 =	vadd.f32 v51, v50;
	v51 =	vld [tilespmem:$0xB0E0];
	[tilespmem:$0xB190] =	vst v23  }
0x6bd: {  	v35 =	vadd.f32 v35, v34;
	v34 =	vadd.f32 v55, v54;
	v55 =	vld [tilespmem:$0xB160];
	[tilespmem:$0xB210] =	vst v25  }
0x6be: {  	v31 =	vadd.f32 v31, v30;
	v62 =	vadd.f32 v9, v8;
	v8 =	vld [tilespmem:$0xB140];
	[tilespmem:$0xB290] =	vst v27  }
0x6bf: {  	v9 =	vld [tilespmem:$0xAD40];
	[tilespmem:$0xB310] =	vst v29  }
0x6c0: {  	v63 =	vadd.f32 v11, v10;
	v10 =	vld [tilespmem:$0xB1C0];
	[tilespmem:$0xB390] =	vst v31  }
0x6c1: {  	v11 =	vld [tilespmem:$0xADC0];
	[tilespmem:$0xB020] =	vst v33  }
0x6c2: {  	v13 =	vld [tilespmem:$0xAE40];
	[tilespmem:$0xB0A0] =	vst v35  }
0x6c3: {  	v15 =	vld [tilespmem:$0xAEC0];
	[tilespmem:$0xB120] =	vst v37  }
0x6c4: {  	v43 =	vadd.f32 v43, v42;
	v17 =	vld [tilespmem:$0xAF40];
	[tilespmem:$0xB1A0] =	vst v39  }
0x6c5: {  	v45 =	vadd.f32 v45, v44;
	v19 =	vld [tilespmem:$0xAFC0];
	[tilespmem:$0xB220] =	vst v41  }
0x6c6: {  	v21 =	vld [tilespmem:$0xAC50];
	[tilespmem:$0xB2A0] =	vst v43  }
0x6c7: {  	v23 =	vld [tilespmem:$0xACD0];
	[tilespmem:$0xB320] =	vst v45  }
0x6c8: {  	v27 =	vld [tilespmem:$0xADD0];
	[tilespmem:$0xB0B0] =	vst v32  }
0x6c9: {  	v29 =	vld [tilespmem:$0xAE50];
	[tilespmem:$0xB1B0] =	vst v34  }
0x6ca: {  	v31 =	vadd.f32 v49, v48;
	v41 =	vld [tilespmem:$0xAF50];
	[tilespmem:$0xB200] =	vst v62  }
0x6cb: {  	v33 =	vadd.f32 v53, v52;
	v43 =	vld [tilespmem:$0xB3D0];
	[tilespmem:$0xB280] =	vst v63  }
0x6cc: {  	v35 =	vadd.f32 v57, v56;
	v45 =	vld [tilespmem:$0xAFD0];
	[tilespmem:$0xB030] =	vst v31  }
0x6cd: {  	v37 =	vadd.f32 v59, v58;
	v49 =	vld [tilespmem:$0xAC60];
	[tilespmem:$0xB130] =	vst v33  }
0x6ce: {  	v39 =	vadd.f32 v61, v60;
	v53 =	vld [tilespmem:$0xACE0];
	[tilespmem:$0xB230] =	vst v35  }
0x6cf: {  	v57 =	vld [tilespmem:$0xAD60];
	v62 =	vadd.f32 v47, v46;
	[tilespmem:$0xB2B0] =	vst v37  }
0x6d0: {  	v59 =	vld [tilespmem:$0xB1E0];
	[tilespmem:$0xB330] =	vst v39;
	v1 =	vadd.f32 v3, v1  }
0x6d1: {  	v61 =	vld [tilespmem:$0xADE0];
	v42 =	vadd.f32 v5, v4;
	[tilespmem:$0xB3A0] =	vst v62  }
0x6d2: {  	v25 =	vld [tilespmem:$0xAEE0];
	v44 =	vadd.f32 v7, v6;
	[tilespmem:$0xB3B0] =	vst v1  }
0x6d3: {  	v63 =	vld [tilespmem:$0xAD50];
	[tilespmem:$0xB040] =	vst v42;
	v46 =	vadd.f32 v9, v8  }
0x6d4: {  	v47 =	vld [tilespmem:$0xB060];
	[tilespmem:$0xB0C0] =	vst v44;
	v48 =	vadd.f32 v11, v10  }
0x6d5: {  	v31 =	vld [tilespmem:$0xB3E0];
	v50 =	vadd.f32 v13, v12;
	[tilespmem:$0xB140] =	vst v46  }
0x6d6: {  	v33 =	vld [tilespmem:$0xAFE0];
	v52 =	vadd.f32 v15, v14;
	[tilespmem:$0xB1C0] =	vst v48  }
0x6d7: {  	v35 =	vld [tilespmem:$0xB070];
	v54 =	vadd.f32 v17, v16;
	[tilespmem:$0xB240] =	vst v50  }
0x6d8: {  	v37 =	vld [tilespmem:$0xAC70];
	v56 =	vadd.f32 v19, v18;
	[tilespmem:$0xB2C0] =	vst v52  }
0x6d9: {  	v58 =	vadd.f32 v21, v20;
	v21 =	vld [tilespmem:$0xAE60];
	[tilespmem:$0xB340] =	vst v54  }
0x6da: {  	v60 =	vadd.f32 v23, v22;
	v23 =	vld [tilespmem:$0xB2E0];
	[tilespmem:$0xB3C0] =	vst v56  }
0x6db: {  	v20 =	vadd.f32 v27, v26;
	v27 =	vld [tilespmem:$0xB360];
	[tilespmem:$0xB050] =	vst v58  }
0x6dc: {  	v22 =	vadd.f32 v29, v28;
	v29 =	vld [tilespmem:$0xAF60];
	[tilespmem:$0xB0D0] =	vst v60  }
0x6dd: {  	v26 =	vadd.f32 v41, v40;
	v28 =	vadd.f32 v45, v43;
	v43 =	vld [tilespmem:$0xB0F0];
	[tilespmem:$0xB1D0] =	vst v20  }
0x6de: {  	v44 =	vld [tilespmem:$0xACF0];
	[tilespmem:$0xB250] =	vst v22  }
0x6df: {  	v32 =	vadd.f32 v53, v51;
	v45 =	vld [tilespmem:$0xB170];
	[tilespmem:$0xB350] =	vst v26  }
0x6e0: {  	v34 =	vadd.f32 v57, v55;
	v51 =	vld [tilespmem:$0xB2F0];
	[tilespmem:$0xB3D0] =	vst v28  }
0x6e1: {  	v53 =	vld [tilespmem:$0xB370];
	v62 =	vadd.f32 v63, v24;
	[tilespmem:$0xB0E0] =	vst v32  }
0x6e2: {  	v55 =	vld [tilespmem:$0xB3F0];
	v24 =	vadd.f32 v38, v36;
	[tilespmem:$0xB160] =	vst v34  }
0x6e3: {  	v63 =	vld [tilespmem:$0xB260];
	v30 =	vadd.f32 v49, v47;
	[tilespmem:$0xB150] =	vst v62  }
0x6e4: {  	v36 =	vadd.f32 v61, v59;
	v46 =	vld [tilespmem:$0xAD70];
	[tilespmem:$0xB2D0] =	vst v24  }
0x6e5: {  	v41 =	vadd.f32 v33, v31;
	v47 =	vld [tilespmem:$0xB1F0];
	[tilespmem:$0xB060] =	vst v30  }
0x6e6: {  	v42 =	vadd.f32 v37, v35;
	v48 =	vld [tilespmem:$0xADF0];
	[tilespmem:$0xB1E0] =	vst v36  }
0x6e7: {  	v49 =	vld [tilespmem:$0xB270];
	[tilespmem:$0xB3E0] =	vst v41;
	v39 =	vadd.f32 v25, v23  }
0x6e8: {  	v50 =	vld [tilespmem:$0xAE70];
	[tilespmem:$0xB070] =	vst v42;
	v40 =	vadd.f32 v29, v27  }
0x6e9: {  	v52 =	vld [tilespmem:$0xAEF0];
	v0 =	vadd.f32 v44, v43;
	[tilespmem:$0xB2E0] =	vst v39  }
0x6ea: {  	v54 =	vld [tilespmem:$0xAF70];
	v38 =	vadd.f32 v21, v63;
	[tilespmem:$0xB360] =	vst v40  }
0x6eb: {  	v56 =	vld [tilespmem:$0xAFF0];
	v2 =	vadd.f32 v46, v45;
	[tilespmem:$0xB0F0] =	vst v0  }
0x6ec: {  	v57 =	vadd.f32 v48, v47;
	[tilespmem:$0xB260] =	vst v38  }
0x6ed: {  	v58 =	vadd.f32 v50, v49;
	[tilespmem:$0xB170] =	vst v2  }
0x6ee: {  	v59 =	vadd.f32 v52, v51;
	[tilespmem:$0xB1F0] =	vst v57  }
0x6ef: {  	v60 =	vadd.f32 v54, v53;
	[tilespmem:$0xB270] =	vst v58  }
0x6f0: {  	v61 =	vadd.f32 v56, v55;
	[tilespmem:$0xB2F0] =	vst v59  }
0x6f1: {  	[tilespmem:$0xB370] =	vst v60  }
0x6f2: {  	s20 =	rddreg [dreg:$0x1f];
	[tilespmem:$0xB3F0] =	vst v61  }
0x6f3: {  	[tilespmem:s9], [sflag:$0xF] =	stream.linear.gather [hbm4b:s20+s2], $0x400, $0x38;
	[tilespmem:$0x1F400] =	vst v63  }
0x6f4: {  	_ =	swait.ge [sflag:s4], $0x400  }
0x6f5: {  	[sflag:s4] =	ssyncset.done $0x0  }
0x6f6: {  	[sflag:s4] =	ssyncadd.s32 $0xFFFFFC00  }
0x6f7: {  	v0 =	vld [tilespmem:$0xB000]  }
0x6f8: {  	v1 =	vld [tilespmem:$0xAC00]  }
0x6f9: {  	v2 =	vld [tilespmem:$0xB080]  }
0x6fa: {  	v3 =	vld [tilespmem:$0xAC80]  }
0x6fb: {  	v4 =	vld [tilespmem:$0xB100]  }
0x6fc: {  	v5 =	vld [tilespmem:$0xAD00]  }
0x6fd: {  	v6 =	vld [tilespmem:$0xB180]  }
0x6fe: {  	v7 =	vld [tilespmem:$0xAD80]  }
0x6ff: {  	v8 =	vld [tilespmem:$0xB200]  }
0x700: {  	v9 =	vld [tilespmem:$0xAE00]  }
0x701: {  	v10 =	vld [tilespmem:$0xB280]  }
0x702: {  	v11 =	vld [tilespmem:$0xAE80]  }
0x703: {  	v12 =	vld [tilespmem:$0xB300]  }
0x704: {  	v13 =	vld [tilespmem:$0xAF00]  }
0x705: {  	v14 =	vld [tilespmem:$0xB380]  }
0x706: {  	v15 =	vld [tilespmem:$0xAF80]  }
0x707: {  	v16 =	vld [tilespmem:$0xB010]  }
0x708: {  	v17 =	vld [tilespmem:$0xAC10]  }
0x709: {  	v18 =	vld [tilespmem:$0xB090]  }
0x70a: {  	v19 =	vld [tilespmem:$0xAC90]  }
0x70b: {  	v20 =	vld [tilespmem:$0xB110]  }
0x70c: {  	v21 =	vld [tilespmem:$0xAD10]  }
0x70d: {  	v22 =	vld [tilespmem:$0xB190]  }
0x70e: {  	v23 =	vld [tilespmem:$0xAD90]  }
0x70f: {  	v24 =	vld [tilespmem:$0xB210]  }
0x710: {  	v25 =	vld [tilespmem:$0xAE10]  }
0x711: {  	v26 =	vld [tilespmem:$0xB290]  }
0x712: {  	v27 =	vld [tilespmem:$0xAE90]  }
0x713: {  	v28 =	vld [tilespmem:$0xB310]  }
0x714: {  	v29 =	vld [tilespmem:$0xAF10]  }
0x715: {  	v30 =	vld [tilespmem:$0xB390]  }
0x716: {  	v31 =	vld [tilespmem:$0xAF90]  }
0x717: {  	v32 =	vld [tilespmem:$0xB020]  }
0x718: {  	v33 =	vld [tilespmem:$0xAC20]  }
0x719: {  	v34 =	vld [tilespmem:$0xB0A0]  }
0x71a: {  	v35 =	vld [tilespmem:$0xACA0]  }
0x71b: {  	v36 =	vld [tilespmem:$0xB120]  }
0x71c: {  	v37 =	vld [tilespmem:$0xAD20]  }
0x71d: {  	v38 =	vld [tilespmem:$0xB1A0]  }
0x71e: {  	v39 =	vld [tilespmem:$0xADA0]  }
0x71f: {  	v40 =	vld [tilespmem:$0xB220]  }
0x720: {  	v41 =	vld [tilespmem:$0xAE20]  }
0x721: {  	v42 =	vld [tilespmem:$0xB2A0]  }
0x722: {  	v43 =	vld [tilespmem:$0xAEA0]  }
0x723: {  	v44 =	vld [tilespmem:$0xB320]  }
0x724: {  	v45 =	vld [tilespmem:$0xAF20]  }
0x725: {  	v46 =	vld [tilespmem:$0xB3A0]  }
0x726: {  	v47 =	vld [tilespmem:$0xAFA0]  }
0x727: {  	v48 =	vld [tilespmem:$0xB030]  }
0x728: {  	v49 =	vld [tilespmem:$0xAC30]  }
0x729: {  	v50 =	vld [tilespmem:$0xB0B0]  }
0x72a: {  	v51 =	vld [tilespmem:$0xACB0]  }
0x72b: {  	v52 =	vld [tilespmem:$0xB130]  }
0x72c: {  	v53 =	vld [tilespmem:$0xAD30]  }
0x72d: {  	v54 =	vld [tilespmem:$0xB1B0]  }
0x72e: {  	v55 =	vld [tilespmem:$0xADB0]  }
0x72f: {  	v56 =	vld [tilespmem:$0xB230]  }
0x730: {  	v57 =	vld [tilespmem:$0xAE30]  }
0x731: {  	v58 =	vld [tilespmem:$0xB2B0]  }
0x732: {  	v62 =	vld [tilespmem:$0xB3B0]  }
0x733: {  	v59 =	vld [tilespmem:$0xAEB0]  }
0x734: {  	v60 =	vld [tilespmem:$0xB330]  }
0x735: {  	v61 =	vld [tilespmem:$0xAF30]  }
0x736: {  	v63 =	vld [tilespmem:$0xAFB0]  }
0x737: {  	[tilespmem:$0x1FE80] =	vst v62;
	v62 =	vld [tilespmem:$0xB040]  }
0x738: {  	v0 =	vadd.f32 v1, v0;
	v1 =	vld [tilespmem:$0xAD40]  }
0x739: {  	v2 =	vadd.f32 v3, v2;
	v3 =	vld [tilespmem:$0xB1C0]  }
0x73a: {  	v9 =	vadd.f32 v9, v8;
	v8 =	vld [tilespmem:$0xAEC0]  }
0x73b: {  	v13 =	vadd.f32 v13, v12;
	v12 =	vld [tilespmem:$0xAFC0]  }
0x73c: {  	v15 =	vadd.f32 v15, v14;
	v14 =	vld [tilespmem:$0xAC50]  }
0x73d: {  	v17 =	vadd.f32 v17, v16;
	v16 =	vld [tilespmem:$0xACD0]  }
0x73e: {  	v19 =	vadd.f32 v19, v18;
	v18 =	vld [tilespmem:$0xAD50]  }
0x73f: {  	v21 =	vadd.f32 v21, v20;
	v20 =	vld [tilespmem:$0xADD0];
	[tilespmem:$0xB000] =	vst v0  }
0x740: {  	v23 =	vadd.f32 v23, v22;
	v22 =	vld [tilespmem:$0xAE50];
	[tilespmem:$0xB080] =	vst v2  }
0x741: {  	v25 =	vadd.f32 v25, v24;
	v24 =	vld [tilespmem:$0xAED0];
	[tilespmem:$0xB200] =	vst v9  }
0x742: {  	v27 =	vadd.f32 v27, v26;
	v26 =	vld [tilespmem:$0xAF50];
	[tilespmem:$0xB300] =	vst v13  }
0x743: {  	v29 =	vadd.f32 v29, v28;
	v28 =	vld [tilespmem:$0xAFD0];
	[tilespmem:$0xB380] =	vst v15  }
0x744: {  	v31 =	vadd.f32 v31, v30;
	v30 =	vld [tilespmem:$0xAC60];
	[tilespmem:$0xB010] =	vst v17  }
0x745: {  	v33 =	vadd.f32 v33, v32;
	v32 =	vld [tilespmem:$0xACE0];
	[tilespmem:$0xB090] =	vst v19  }
0x746: {  	v41 =	vadd.f32 v41, v40;
	v40 =	vld [tilespmem:$0xAD60];
	[tilespmem:$0xB110] =	vst v21  }
0x747: {  	v37 =	vadd.f32 v37, v36;
	v36 =	vadd.f32 v61, v60;
	v61 =	vld [tilespmem:$0xAFE0];
	[tilespmem:$0xB190] =	vst v23  }
0x748: {  	v0 =	vadd.f32 v5, v4;
	v4 =	vld [tilespmem:$0xADC0];
	[tilespmem:$0xB210] =	vst v25  }
0x749: {  	v5 =	vld [tilespmem:$0xB240];
	[tilespmem:$0xB290] =	vst v27  }
0x74a: {  	v9 =	vld [tilespmem:$0xB340];
	[tilespmem:$0xB310] =	vst v29  }
0x74b: {  	v35 =	vadd.f32 v35, v34;
	v13 =	vld [tilespmem:$0xB050];
	[tilespmem:$0xB390] =	vst v31  }
0x74c: {  	v15 =	vld [tilespmem:$0xB0D0];
	[tilespmem:$0xB020] =	vst v33  }
0x74d: {  	v39 =	vadd.f32 v39, v38;
	v17 =	vld [tilespmem:$0xB150];
	[tilespmem:$0xB0A0] =	vst v35  }
0x74e: {  	v19 =	vld [tilespmem:$0xB1D0];
	[tilespmem:$0xB120] =	vst v37  }
0x74f: {  	v43 =	vadd.f32 v43, v42;
	v21 =	vld [tilespmem:$0xB250];
	[tilespmem:$0xB1A0] =	vst v39  }
0x750: {  	v45 =	vadd.f32 v45, v44;
	v23 =	vld [tilespmem:$0xB2D0];
	[tilespmem:$0xB220] =	vst v41  }
0x751: {  	v47 =	vadd.f32 v47, v46;
	[tilespmem:$0xB2A0] =	vst v43;
	v25 =	vld [tilespmem:$0xB350]  }
0x752: {  	v49 =	vadd.f32 v49, v48;
	[tilespmem:$0xB320] =	vst v45;
	v27 =	vld [tilespmem:$0xB3D0]  }
0x753: {  	[tilespmem:$0xB3A0] =	vst v47;
	v29 =	vld [tilespmem:$0xB060]  }
0x754: {  	v51 =	vadd.f32 v51, v50;
	[tilespmem:$0xB030] =	vst v49;
	v31 =	vld [tilespmem:$0xB0E0]  }
0x755: {  	v53 =	vadd.f32 v53, v52;
	[tilespmem:$0x1FE90] =	vst v62;
	v62 =	vld [tilespmem:$0xAC40]  }
0x756: {  	v55 =	vadd.f32 v55, v54;
	[tilespmem:$0xB0B0] =	vst v51;
	v37 =	vld [tilespmem:$0x1FE80]  }
0x757: {  	v57 =	vadd.f32 v57, v56;
	[tilespmem:$0xB130] =	vst v53;
	v33 =	vld [tilespmem:$0xB160]  }
0x758: {  	[tilespmem:$0xB1B0] =	vst v55;
	v43 =	vld [tilespmem:$0xB1E0]  }
0x759: {  	[tilespmem:$0xB230] =	vst v57;
	v45 =	vld [tilespmem:$0xADE0]  }
0x75a: {  	[tilespmem:$0x1FEA0] =	vst v62;
	v62 =	vld [tilespmem:$0xB0C0]  }
0x75b: {  	[tilespmem:$0xB330] =	vst v36;
	v47 =	vld [tilespmem:$0xB260];
	v2 =	vadd.f32 v63, v37  }
0x75c: {  	v49 =	vld [tilespmem:$0xAE60];
	[tilespmem:$0xB100] =	vst v0;
	v46 =	vadd.f32 v4, v3  }
0x75d: {  	v51 =	vld [tilespmem:$0xB2E0];
	[tilespmem:$0xB3B0] =	vst v2  }
0x75e: {  	v53 =	vld [tilespmem:$0xAEE0];
	v56 =	vadd.f32 v14, v13;
	[tilespmem:$0xB1C0] =	vst v46  }
0x75f: {  	v60 =	vadd.f32 v18, v17;
	[tilespmem:$0x1FEB0] =	vst v62;
	v62 =	vld [tilespmem:$0xACC0]  }
0x760: {  	v55 =	vld [tilespmem:$0xB360];
	v21 =	vadd.f32 v22, v21;
	[tilespmem:$0xB050] =	vst v56  }
0x761: {  	v57 =	vld [tilespmem:$0xAF60];
	v23 =	vadd.f32 v24, v23;
	[tilespmem:$0xB150] =	vst v60  }
0x762: {  	v38 =	vld [tilespmem:$0x1FE90];
	[tilespmem:$0xB250] =	vst v21  }
0x763: {  	v25 =	vadd.f32 v26, v25;
	[tilespmem:$0xB2D0] =	vst v23;
	v39 =	vld [tilespmem:$0x1FEA0]  }
0x764: {  	v27 =	vadd.f32 v28, v27;
	[tilespmem:$0x1FEC0] =	vst v62;
	v62 =	vld [tilespmem:$0xB140]  }
0x765: {  	v63 =	vld [tilespmem:$0xB070];
	v36 =	vadd.f32 v30, v29;
	[tilespmem:$0xB350] =	vst v25  }
0x766: {  	v40 =	vadd.f32 v40, v33;
	[tilespmem:$0xB3D0] =	vst v27;
	v41 =	vld [tilespmem:$0x1FEB0]  }
0x767: {  	[tilespmem:$0xB060] =	vst v36;
	v42 =	vld [tilespmem:$0x1FEC0]  }
0x768: {  	v22 =	vld [tilespmem:$0xAC70];
	[tilespmem:$0xB160] =	vst v40;
	v0 =	vadd.f32 v39, v38  }
0x769: {  	v24 =	vld [tilespmem:$0xB0F0];
	[tilespmem:$0x1FED0] =	vst v62;
	v62 =	vadd.f32 v7, v6  }
0x76a: {  	v38 =	vadd.f32 v32, v31;
	[tilespmem:$0xB040] =	vst v0;
	v6 =	vld [tilespmem:$0xAE40]  }
0x76b: {  	v7 =	vld [tilespmem:$0xB2C0];
	[tilespmem:$0xB180] =	vst v62;
	v62 =	vadd.f32 v11, v10  }
0x76c: {  	[tilespmem:$0xB0E0] =	vst v38;
	v2 =	vadd.f32 v42, v41;
	v44 =	vld [tilespmem:$0x1FED0]  }
0x76d: {  	v26 =	vld [tilespmem:$0xACF0];
	[tilespmem:$0xB280] =	vst v62;
	v62 =	vadd.f32 v59, v58  }
0x76e: {  	v28 =	vld [tilespmem:$0xB170];
	[tilespmem:$0xB0C0] =	vst v2;
	v58 =	vadd.f32 v16, v15  }
0x76f: {  	v37 =	vld [tilespmem:$0xAD70];
	v48 =	vadd.f32 v6, v5;
	[tilespmem:$0xB2B0] =	vst v62  }
0x770: {  	v46 =	vld [tilespmem:$0xB2F0];
	v50 =	vadd.f32 v8, v7;
	[tilespmem:$0xB0D0] =	vst v58  }
0x771: {  	v56 =	vld [tilespmem:$0xAFF0];
	v0 =	vadd.f32 v1, v44;
	[tilespmem:$0xB240] =	vst v48  }
0x772: {  	v39 =	vld [tilespmem:$0xB1F0];
	v62 =	vadd.f32 v20, v19;
	[tilespmem:$0xB2C0] =	vst v50  }
0x773: {  	v41 =	vld [tilespmem:$0xADF0];
	v1 =	vadd.f32 v45, v43;
	[tilespmem:$0xB140] =	vst v0  }
0x774: {  	v10 =	vld [tilespmem:$0xAF40];
	v43 =	vadd.f32 v49, v47;
	[tilespmem:$0xB1D0] =	vst v62  }
0x775: {  	v11 =	vld [tilespmem:$0xB3C0];
	v45 =	vadd.f32 v53, v51;
	[tilespmem:$0xB1E0] =	vst v1  }
0x776: {  	v42 =	vld [tilespmem:$0xB270];
	v47 =	vadd.f32 v57, v55;
	[tilespmem:$0xB260] =	vst v43  }
0x777: {  	v59 =	vld [tilespmem:$0xB3E0];
	v51 =	vadd.f32 v22, v63;
	[tilespmem:$0xB2E0] =	vst v45  }
0x778: {  	v44 =	vld [tilespmem:$0xAE70];
	v53 =	vadd.f32 v26, v24;
	[tilespmem:$0xB360] =	vst v47  }
0x779: {  	v52 =	vadd.f32 v10, v9;
	v48 =	vld [tilespmem:$0xAEF0];
	[tilespmem:$0xB070] =	vst v51  }
0x77a: {  	v54 =	vadd.f32 v12, v11;
	v50 =	vld [tilespmem:$0xB370];
	[tilespmem:$0xB0F0] =	vst v53  }
0x77b: {  	v55 =	vadd.f32 v37, v28;
	[tilespmem:$0xB340] =	vst v52;
	v52 =	vld [tilespmem:$0xAF70]  }
0x77c: {  	v57 =	vadd.f32 v41, v39;
	[tilespmem:$0xB3C0] =	vst v54;
	v54 =	vld [tilespmem:$0xB3F0]  }
0x77d: {  	[tilespmem:$0xB170] =	vst v55;
	v49 =	vadd.f32 v61, v59  }
0x77e: {  	[tilespmem:$0xB1F0] =	vst v57;
	v58 =	vadd.f32 v44, v42  }
0x77f: {  	[tilespmem:$0xB3E0] =	vst v49;
	v59 =	vadd.f32 v48, v46  }
0x780: {  	[tilespmem:$0xB270] =	vst v58;
	v60 =	vadd.f32 v52, v50  }
0x781: {  	s29 =	sld [smem:$0x7FA];
	[tilespmem:$0xB2F0] =	vst v59;
	v61 =	vadd.f32 v56, v54  }
0x782: {  	[tilespmem:$0xB370] =	vst v60  }
0x783: {  	[tilespmem:$0xB3F0] =	vst v61  }
0x784: {  	[tilespmem:s9], [sflag:$0xF] =	stream.linear.gather [hbm4b:s29+s2], $0x400, $0x38;
	[tilespmem:$0x1F400] =	vst v63  }
0x785: {  	_ =	swait.ge [sflag:s4], $0x400  }
0x786: {  	[sflag:s4] =	ssyncset.done $0x0  }
0x787: {  	[sflag:s4] =	ssyncadd.s32 $0xFFFFFC00  }
0x788: {  	v0 =	vld [tilespmem:$0xB000]  }
0x789: {  	v1 =	vld [tilespmem:$0xAC00]  }
0x78a: {  	v2 =	vld [tilespmem:$0xB080]  }
0x78b: {  	v3 =	vld [tilespmem:$0xAC80]  }
0x78c: {  	v4 =	vld [tilespmem:$0xB100]  }
0x78d: {  	v5 =	vld [tilespmem:$0xAD00]  }
0x78e: {  	v6 =	vld [tilespmem:$0xB180]  }
0x78f: {  	v7 =	vld [tilespmem:$0xAD80]  }
0x790: {  	v8 =	vld [tilespmem:$0xB200]  }
0x791: {  	v9 =	vld [tilespmem:$0xAE00]  }
0x792: {  	v10 =	vld [tilespmem:$0xB280]  }
0x793: {  	v11 =	vld [tilespmem:$0xAE80]  }
0x794: {  	v12 =	vld [tilespmem:$0xB300]  }
0x795: {  	v13 =	vld [tilespmem:$0xAF00]  }
0x796: {  	v14 =	vld [tilespmem:$0xB380]  }
0x797: {  	v15 =	vld [tilespmem:$0xAF80]  }
0x798: {  	v16 =	vld [tilespmem:$0xB010]  }
0x799: {  	v17 =	vld [tilespmem:$0xAC10]  }
0x79a: {  	v18 =	vld [tilespmem:$0xB090]  }
0x79b: {  	v19 =	vld [tilespmem:$0xAC90]  }
0x79c: {  	v20 =	vld [tilespmem:$0xB110]  }
0x79d: {  	v21 =	vld [tilespmem:$0xAD10]  }
0x79e: {  	v22 =	vld [tilespmem:$0xB190]  }
0x79f: {  	v23 =	vld [tilespmem:$0xAD90]  }
0x7a0: {  	v24 =	vld [tilespmem:$0xB210]  }
0x7a1: {  	v25 =	vld [tilespmem:$0xAE10]  }
0x7a2: {  	v26 =	vld [tilespmem:$0xB290]  }
0x7a3: {  	v27 =	vld [tilespmem:$0xAE90]  }
0x7a4: {  	v28 =	vld [tilespmem:$0xB310]  }
0x7a5: {  	v29 =	vld [tilespmem:$0xAF10]  }
0x7a6: {  	v30 =	vld [tilespmem:$0xB390]  }
0x7a7: {  	v31 =	vld [tilespmem:$0xAF90]  }
0x7a8: {  	v32 =	vld [tilespmem:$0xB020]  }
0x7a9: {  	v33 =	vld [tilespmem:$0xAC20]  }
0x7aa: {  	v34 =	vld [tilespmem:$0xB0A0]  }
0x7ab: {  	v35 =	vld [tilespmem:$0xACA0]  }
0x7ac: {  	v36 =	vld [tilespmem:$0xB120]  }
0x7ad: {  	v37 =	vld [tilespmem:$0xAD20]  }
0x7ae: {  	v38 =	vld [tilespmem:$0xB1A0]  }
0x7af: {  	v39 =	vld [tilespmem:$0xADA0]  }
0x7b0: {  	v40 =	vld [tilespmem:$0xB220]  }
0x7b1: {  	v41 =	vld [tilespmem:$0xAE20]  }
0x7b2: {  	v42 =	vld [tilespmem:$0xB2A0]  }
0x7b3: {  	v43 =	vld [tilespmem:$0xAEA0]  }
0x7b4: {  	v44 =	vld [tilespmem:$0xB320]  }
0x7b5: {  	v45 =	vld [tilespmem:$0xAF20]  }
0x7b6: {  	v46 =	vld [tilespmem:$0xB3A0]  }
0x7b7: {  	v47 =	vld [tilespmem:$0xAFA0]  }
0x7b8: {  	v48 =	vld [tilespmem:$0xB030]  }
0x7b9: {  	v49 =	vld [tilespmem:$0xAC30]  }
0x7ba: {  	v50 =	vld [tilespmem:$0xB0B0]  }
0x7bb: {  	v51 =	vld [tilespmem:$0xACB0]  }
0x7bc: {  	v52 =	vld [tilespmem:$0xB130]  }
0x7bd: {  	v53 =	vld [tilespmem:$0xAD30]  }
0x7be: {  	v54 =	vld [tilespmem:$0xB1B0]  }
0x7bf: {  	v55 =	vld [tilespmem:$0xADB0]  }
0x7c0: {  	v56 =	vld [tilespmem:$0xB230]  }
0x7c1: {  	v57 =	vld [tilespmem:$0xAE30]  }
0x7c2: {  	v58 =	vld [tilespmem:$0xB2B0]  }
0x7c3: {  	v62 =	vld [tilespmem:$0xB3B0]  }
0x7c4: {  	v59 =	vld [tilespmem:$0xAEB0]  }
0x7c5: {  	v60 =	vld [tilespmem:$0xB330]  }
0x7c6: {  	v61 =	vld [tilespmem:$0xAF30]  }
0x7c7: {  	v63 =	vld [tilespmem:$0xAFB0]  }
0x7c8: {  	[tilespmem:$0x1FEE0] =	vst v62;
	v62 =	vld [tilespmem:$0xB040]  }
0x7c9: {  	v0 =	vadd.f32 v1, v0;
	v1 =	vld [tilespmem:$0xAD40]  }
0x7ca: {  	v2 =	vadd.f32 v3, v2;
	v3 =	vld [tilespmem:$0xB1C0]  }
0x7cb: {  	v9 =	vadd.f32 v9, v8;
	v8 =	vld [tilespmem:$0xAEC0]  }
0x7cc: {  	v13 =	vadd.f32 v13, v12;
	v12 =	vld [tilespmem:$0xAFC0]  }
0x7cd: {  	v15 =	vadd.f32 v15, v14;
	v14 =	vld [tilespmem:$0xAC50]  }
0x7ce: {  	v17 =	vadd.f32 v17, v16;
	v16 =	vld [tilespmem:$0xACD0]  }
0x7cf: {  	v19 =	vadd.f32 v19, v18;
	v18 =	vld [tilespmem:$0xAD50]  }
0x7d0: {  	v21 =	vadd.f32 v21, v20;
	v20 =	vld [tilespmem:$0xADD0];
	[tilespmem:$0xB000] =	vst v0  }
0x7d1: {  	v23 =	vadd.f32 v23, v22;
	v22 =	vld [tilespmem:$0xAE50];
	[tilespmem:$0xB080] =	vst v2  }
0x7d2: {  	v25 =	vadd.f32 v25, v24;
	v24 =	vld [tilespmem:$0xAED0];
	[tilespmem:$0xB200] =	vst v9  }
0x7d3: {  	v27 =	vadd.f32 v27, v26;
	v26 =	vld [tilespmem:$0xAF50];
	[tilespmem:$0xB300] =	vst v13  }
0x7d4: {  	v29 =	vadd.f32 v29, v28;
	v28 =	vld [tilespmem:$0xAFD0];
	[tilespmem:$0xB380] =	vst v15  }
0x7d5: {  	v31 =	vadd.f32 v31, v30;
	v30 =	vld [tilespmem:$0xAC60];
	[tilespmem:$0xB010] =	vst v17  }
0x7d6: {  	v33 =	vadd.f32 v33, v32;
	v32 =	vld [tilespmem:$0xACE0];
	[tilespmem:$0xB090] =	vst v19  }
0x7d7: {  	v35 =	vadd.f32 v35, v34;
	v34 =	vld [tilespmem:$0xAD60];
	[tilespmem:$0xB110] =	vst v21  }
0x7d8: {  	v56 =	vadd.f32 v57, v56;
	v57 =	vadd.f32 v59, v58;
	v59 =	vld [tilespmem:$0x1FEE0];
	[tilespmem:$0xB190] =	vst v23  }
0x7d9: {  	v0 =	vadd.f32 v5, v4;
	v4 =	vld [tilespmem:$0xADC0];
	[tilespmem:$0xB210] =	vst v25  }
0x7da: {  	v5 =	vld [tilespmem:$0xB240];
	[tilespmem:$0xB290] =	vst v27  }
0x7db: {  	v9 =	vld [tilespmem:$0xB340];
	[tilespmem:$0xB310] =	vst v29  }
0x7dc: {  	v13 =	vld [tilespmem:$0xB050];
	[tilespmem:$0xB390] =	vst v31  }
0x7dd: {  	v37 =	vadd.f32 v37, v36;
	v15 =	vld [tilespmem:$0xB0D0];
	[tilespmem:$0xB020] =	vst v33  }
0x7de: {  	v39 =	vadd.f32 v39, v38;
	v17 =	vld [tilespmem:$0xB150];
	[tilespmem:$0xB0A0] =	vst v35  }
0x7df: {  	v41 =	vadd.f32 v41, v40;
	v19 =	vld [tilespmem:$0xB1D0];
	[tilespmem:$0xB120] =	vst v37  }
0x7e0: {  	v43 =	vadd.f32 v43, v42;
	v21 =	vld [tilespmem:$0xB250];
	[tilespmem:$0xB1A0] =	vst v39  }
0x7e1: {  	v45 =	vadd.f32 v45, v44;
	v23 =	vld [tilespmem:$0xB2D0];
	[tilespmem:$0xB220] =	vst v41  }
0x7e2: {  	v47 =	vadd.f32 v47, v46;
	[tilespmem:$0xB2A0] =	vst v43;
	v25 =	vld [tilespmem:$0xB350]  }
0x7e3: {  	v49 =	vadd.f32 v49, v48;
	[tilespmem:$0xB320] =	vst v45;
	v27 =	vld [tilespmem:$0xB3D0]  }
0x7e4: {  	v51 =	vadd.f32 v51, v50;
	[tilespmem:$0xB3A0] =	vst v47;
	v29 =	vld [tilespmem:$0xB060]  }
0x7e5: {  	v53 =	vadd.f32 v53, v52;
	[tilespmem:$0xB030] =	vst v49;
	v31 =	vld [tilespmem:$0xB0E0]  }
0x7e6: {  	v55 =	vadd.f32 v55, v54;
	[tilespmem:$0xB0B0] =	vst v51;
	v33 =	vld [tilespmem:$0xB160]  }
0x7e7: {  	[tilespmem:$0xB130] =	vst v53;
	v35 =	vld [tilespmem:$0xB1E0]  }
0x7e8: {  	[tilespmem:$0xB1B0] =	vst v55;
	v37 =	vld [tilespmem:$0xADE0]  }
0x7e9: {  	[tilespmem:$0xB230] =	vst v56;
	v39 =	vld [tilespmem:$0xB260]  }
0x7ea: {  	v58 =	vadd.f32 v61, v60;
	[tilespmem:$0x1FEF0] =	vst v62;
	v62 =	vld [tilespmem:$0xAC40]  }
0x7eb: {  	[tilespmem:$0xB2B0] =	vst v57;
	v41 =	vld [tilespmem:$0xAE60]  }
0x7ec: {  	[tilespmem:$0xB330] =	vst v58;
	v43 =	vld [tilespmem:$0xB2E0];
	v2 =	vadd.f32 v63, v59  }
0x7ed: {  	v45 =	vld [tilespmem:$0xAEE0];
	[tilespmem:$0xB100] =	vst v0  }
0x7ee: {  	v47 =	vld [tilespmem:$0xB360];
	v38 =	vadd.f32 v4, v3;
	[tilespmem:$0xB3B0] =	vst v2  }
0x7ef: {  	v48 =	vadd.f32 v14, v13;
	[tilespmem:$0x1FF00] =	vst v62;
	v62 =	vld [tilespmem:$0xB0C0]  }
0x7f0: {  	v49 =	vld [tilespmem:$0xAF60];
	v50 =	vadd.f32 v16, v15;
	[tilespmem:$0xB1C0] =	vst v38  }
0x7f1: {  	v51 =	vld [tilespmem:$0xB3E0];
	v52 =	vadd.f32 v18, v17;
	[tilespmem:$0xB050] =	vst v48  }
0x7f2: {  	v53 =	vld [tilespmem:$0xAFE0];
	[tilespmem:$0xB0D0] =	vst v50  }
0x7f3: {  	v55 =	vld [tilespmem:$0xB070];
	v54 =	vadd.f32 v20, v19;
	[tilespmem:$0xB150] =	vst v52  }
0x7f4: {  	v56 =	vadd.f32 v22, v21;
	[tilespmem:$0x1FF10] =	vst v62;
	v62 =	vld [tilespmem:$0xACC0]  }
0x7f5: {  	v57 =	vld [tilespmem:$0xAC70];
	v58 =	vadd.f32 v24, v23;
	[tilespmem:$0xB1D0] =	vst v54  }
0x7f6: {  	v60 =	vld [tilespmem:$0x1FEF0];
	v20 =	vadd.f32 v30, v29;
	[tilespmem:$0xB250] =	vst v56  }
0x7f7: {  	v30 =	vld [tilespmem:$0xB2F0];
	[tilespmem:$0xB2D0] =	vst v58  }
0x7f8: {  	v22 =	vadd.f32 v32, v31;
	v32 =	vld [tilespmem:$0xAEF0];
	[tilespmem:$0xB060] =	vst v20  }
0x7f9: {  	v24 =	vadd.f32 v34, v33;
	[tilespmem:$0x1FF20] =	vst v62;
	v62 =	vld [tilespmem:$0xB140]  }
0x7fa: {  	v29 =	vadd.f32 v45, v43;
	[tilespmem:$0xB0E0] =	vst v22;
	v61 =	vld [tilespmem:$0x1FF00]  }
0x7fb: {  	v59 =	vld [tilespmem:$0xB0F0];
	v31 =	vadd.f32 v49, v47;
	[tilespmem:$0xB160] =	vst v24  }
0x7fc: {  	v21 =	vld [tilespmem:$0xAD70];
	[tilespmem:$0xB2E0] =	vst v29  }
0x7fd: {  	v23 =	vld [tilespmem:$0xB1F0];
	v33 =	vadd.f32 v53, v51;
	[tilespmem:$0xB360] =	vst v31  }
0x7fe: {  	v43 =	vadd.f32 v32, v30;
	[tilespmem:$0x1FF30] =	vst v62;
	v62 =	vadd.f32 v7, v6;
	v6 =	vld [tilespmem:$0xAE40]  }
0x7ff: {  	[tilespmem:$0xB3E0] =	vst v33;
	v0 =	vadd.f32 v61, v60;
	v7 =	vld [tilespmem:$0xB2C0]  }
0x800: {  	[tilespmem:$0xB2F0] =	vst v43;
	v36 =	vld [tilespmem:$0x1FF30]  }
0x801: {  	v34 =	vld [tilespmem:$0xB370];
	v60 =	vadd.f32 v26, v25;
	[tilespmem:$0xB040] =	vst v0  }
0x802: {  	v61 =	vld [tilespmem:$0xACF0];
	[tilespmem:$0xB180] =	vst v62;
	v62 =	vadd.f32 v11, v10  }
0x803: {  	[tilespmem:$0xB350] =	vst v60;
	v63 =	vld [tilespmem:$0x1FF20];
	v40 =	vadd.f32 v6, v5  }
0x804: {  	v10 =	vld [tilespmem:$0xAF40];
	[tilespmem:$0xB280] =	vst v62;
	v42 =	vadd.f32 v8, v7  }
0x805: {  	v11 =	vld [tilespmem:$0xB3C0];
	v0 =	vadd.f32 v1, v36;
	[tilespmem:$0xB240] =	vst v40  }
0x806: {  	v62 =	vld [tilespmem:$0x1FF10];
	v1 =	vadd.f32 v37, v35;
	[tilespmem:$0xB2C0] =	vst v42  }
0x807: {  	v38 =	vld [tilespmem:$0xB3F0];
	v35 =	vadd.f32 v57, v55;
	[tilespmem:$0xB140] =	vst v0  }
0x808: {  	v25 =	vld [tilespmem:$0xADF0];
	v37 =	vadd.f32 v61, v59;
	[tilespmem:$0xB1E0] =	vst v1  }
0x809: {  	v26 =	vld [tilespmem:$0xB270];
	v44 =	vadd.f32 v10, v9;
	[tilespmem:$0xB070] =	vst v35  }
0x80a: {  	v36 =	vld [tilespmem:$0xAF70];
	v46 =	vadd.f32 v12, v11;
	[tilespmem:$0xB0F0] =	vst v37  }
0x80b: {  	v40 =	vld [tilespmem:$0xAFF0];
	v2 =	vadd.f32 v63, v62;
	[tilespmem:$0xB340] =	vst v44  }
0x80c: {  	[tilespmem:$0xB3C0] =	vst v46;
	v62 =	vadd.f32 v28, v27;
	v63 =	vld [tilespmem:$0xB170]  }
0x80d: {  	v27 =	vadd.f32 v41, v39;
	v28 =	vld [tilespmem:$0xAE70];
	[tilespmem:$0xB0C0] =	vst v2  }
0x80e: {  	v41 =	vadd.f32 v25, v23;
	[tilespmem:$0xB3D0] =	vst v62  }
0x80f: {  	[tilespmem:$0xB260] =	vst v27;
	v44 =	vadd.f32 v36, v34  }
0x810: {  	[tilespmem:$0xB1F0] =	vst v41;
	v45 =	vadd.f32 v40, v38  }
0x811: {  	[tilespmem:$0xB370] =	vst v44;
	v39 =	vadd.f32 v21, v63  }
0x812: {  	s31 =	sld [smem:$0x7FB];
	v42 =	vadd.f32 v28, v26;
	[tilespmem:$0xB3F0] =	vst v45  }
0x813: {  	[tilespmem:$0xB170] =	vst v39  }
0x814: {  	[tilespmem:$0xB270] =	vst v42  }
0x815: {  	[tilespmem:s9], [sflag:$0xF] =	stream.linear.gather [hbm4b:s31+s2], $0x400, $0x38;
	[tilespmem:$0x1F400] =	vst v63  }
0x816: {  	_ =	swait.ge [sflag:s4], $0x400  }
0x817: {  	[sflag:s4] =	ssyncset.done $0x0  }
0x818: {  	[sflag:s4] =	ssyncadd.s32 $0xFFFFFC00  }
0x819: {  	v0 =	vld [tilespmem:$0xB000]  }
0x81a: {  	v46 =	vld [tilespmem:$0xAC00]  }
0x81b: {  	v2 =	vld [tilespmem:$0xB080]  }
0x81c: {  	v47 =	vld [tilespmem:$0xAC80]  }
0x81d: {  	v48 =	vld [tilespmem:$0xB100]  }
0x81e: {  	v49 =	vld [tilespmem:$0xAD00]  }
0x81f: {  	v50 =	vld [tilespmem:$0xB180]  }
0x820: {  	v51 =	vld [tilespmem:$0xAD80]  }
0x821: {  	v52 =	vld [tilespmem:$0xB200]  }
0x822: {  	v53 =	vld [tilespmem:$0xAE00]  }
0x823: {  	v54 =	vld [tilespmem:$0xB280]  }
0x824: {  	v55 =	vld [tilespmem:$0xAE80]  }
0x825: {  	v56 =	vld [tilespmem:$0xB300]  }
0x826: {  	v57 =	vld [tilespmem:$0xAF00]  }
0x827: {  	v58 =	vld [tilespmem:$0xB380]  }
0x828: {  	v59 =	vld [tilespmem:$0xAF80]  }
0x829: {  	v60 =	vld [tilespmem:$0xB010]  }
0x82a: {  	v61 =	vld [tilespmem:$0xAC10]  }
0x82b: {  	v62 =	vld [tilespmem:$0xB090]  }
0x82c: {  	v63 =	vld [tilespmem:$0xAC90]  }
0x82d: {  	v20 =	vld [tilespmem:$0xB110]  }
0x82e: {  	v21 =	vld [tilespmem:$0xAD10]  }
0x82f: {  	v22 =	vld [tilespmem:$0xB190]  }
0x830: {  	v36 =	vld [tilespmem:$0xAD90]  }
0x831: {  	v37 =	vld [tilespmem:$0xB210]  }
0x832: {  	v38 =	vld [tilespmem:$0xAE10]  }
0x833: {  	v39 =	vld [tilespmem:$0xB290]  }
0x834: {  	v40 =	vld [tilespmem:$0xAE90]  }
0x835: {  	v41 =	vld [tilespmem:$0xB310]  }
0x836: {  	v42 =	vld [tilespmem:$0xAF10]  }
0x837: {  	v43 =	vld [tilespmem:$0xB390]  }
0x838: {  	v44 =	vld [tilespmem:$0xAF90]  }
0x839: {  	v45 =	vld [tilespmem:$0xB020]  }
0x83a: {  	v33 =	vld [tilespmem:$0xAEA0]  }
0x83b: {  	v35 =	vld [tilespmem:$0xB320]  }
0x83c: {  	v1 =	vld [tilespmem:$0xAE30]  }
0x83d: {  	v3 =	vld [tilespmem:$0xAEB0]  }
0x83e: {  	v4 =	vld [tilespmem:$0xB330]  }
0x83f: {  	v6 =	vld [tilespmem:$0xB3B0]  }
0x840: {  	v7 =	vld [tilespmem:$0xAFB0]  }
0x841: {  	v26 =	vld [tilespmem:$0xB0D0]  }
0x842: {  	v0 =	vadd.f32 v46, v0;
	v46 =	vld [tilespmem:$0xAC20]  }
0x843: {  	v2 =	vadd.f32 v47, v2;
	v47 =	vld [tilespmem:$0xB0A0]  }
0x844: {  	v48 =	vadd.f32 v49, v48;
	v49 =	vld [tilespmem:$0xACA0]  }
0x845: {  	v50 =	vadd.f32 v51, v50;
	v51 =	vld [tilespmem:$0xB120]  }
0x846: {  	v52 =	vadd.f32 v53, v52;
	v53 =	vld [tilespmem:$0xAD20]  }
0x847: {  	v54 =	vadd.f32 v55, v54;
	v55 =	vld [tilespmem:$0xB1A0]  }
0x848: {  	v56 =	vadd.f32 v57, v56;
	v57 =	vld [tilespmem:$0xADA0]  }
0x849: {  	v58 =	vadd.f32 v59, v58;
	v59 =	vld [tilespmem:$0xB220]  }
0x84a: {  	v60 =	vadd.f32 v61, v60;
	v61 =	vld [tilespmem:$0xAE20]  }
0x84b: {  	v62 =	vadd.f32 v63, v62;
	v63 =	vld [tilespmem:$0xB2A0]  }
0x84c: {  	v34 =	vadd.f32 v36, v22;
	v36 =	vadd.f32 v38, v37;
	v37 =	vld [tilespmem:$0xAF20]  }
0x84d: {  	v38 =	vadd.f32 v40, v39;
	v39 =	vld [tilespmem:$0xB3A0]  }
0x84e: {  	v40 =	vadd.f32 v42, v41;
	v41 =	vld [tilespmem:$0xAFA0]  }
0x84f: {  	v42 =	vadd.f32 v44, v43;
	v43 =	vld [tilespmem:$0xB030]  }
0x850: {  	[tilespmem:$0xB000] =	vst v0;
	v0 =	vld [tilespmem:$0xB230]  }
0x851: {  	[tilespmem:$0xB080] =	vst v2;
	v2 =	vld [tilespmem:$0xB2B0]  }
0x852: {  	v44 =	vadd.f32 v46, v45;
	v45 =	vld [tilespmem:$0xAC30]  }
0x853: {  	[tilespmem:$0xB100] =	vst v48;
	v46 =	vadd.f32 v49, v47;
	v47 =	vld [tilespmem:$0xB0B0]  }
0x854: {  	[tilespmem:$0xB180] =	vst v50;
	v49 =	vld [tilespmem:$0xACB0]  }
0x855: {  	[tilespmem:$0xB200] =	vst v52;
	v48 =	vadd.f32 v53, v51;
	v51 =	vld [tilespmem:$0xB130]  }
0x856: {  	[tilespmem:$0xB280] =	vst v54;
	v53 =	vld [tilespmem:$0xAD30]  }
0x857: {  	[tilespmem:$0xB300] =	vst v56;
	v50 =	vadd.f32 v57, v55;
	v55 =	vld [tilespmem:$0xB1B0]  }
0x858: {  	[tilespmem:$0xB380] =	vst v58;
	v57 =	vld [tilespmem:$0xADB0]  }
0x859: {  	[tilespmem:$0xB010] =	vst v60;
	v54 =	vadd.f32 v33, v63;
	v63 =	vld [tilespmem:$0xAF30]  }
0x85a: {  	[tilespmem:$0xB020] =	vst v44;
	v44 =	vld [tilespmem:$0xB040]  }
0x85b: {  	[tilespmem:$0xB0A0] =	vst v46;
	v46 =	vld [tilespmem:$0xB0C0]  }
0x85c: {  	v52 =	vadd.f32 v61, v59;
	[tilespmem:$0xB120] =	vst v48;
	v48 =	vld [tilespmem:$0xB140]  }
0x85d: {  	[tilespmem:$0xB1A0] =	vst v50;
	v50 =	vld [tilespmem:$0xB1C0]  }
0x85e: {  	v56 =	vadd.f32 v37, v35;
	[tilespmem:$0xB220] =	vst v52;
	v52 =	vld [tilespmem:$0xB240]  }
0x85f: {  	v58 =	vadd.f32 v41, v39;
	[tilespmem:$0xB2A0] =	vst v54;
	v54 =	vld [tilespmem:$0xB2C0]  }
0x860: {  	[tilespmem:$0xB320] =	vst v56;
	v56 =	vld [tilespmem:$0xB340]  }
0x861: {  	v21 =	vadd.f32 v21, v20;
	[tilespmem:$0xB3A0] =	vst v58;
	v58 =	vld [tilespmem:$0xB3C0]  }
0x862: {  	[tilespmem:$0xB090] =	vst v62;
	v59 =	vadd.f32 v45, v43;
	v45 =	vld [tilespmem:$0xAC40]  }
0x863: {  	[tilespmem:$0xB110] =	vst v21;
	v60 =	vadd.f32 v49, v47;
	v47 =	vld [tilespmem:$0xACC0]  }
0x864: {  	[tilespmem:$0xB190] =	vst v34;
	v49 =	vld [tilespmem:$0xAD40]  }
0x865: {  	[tilespmem:$0xB210] =	vst v36;
	v61 =	vadd.f32 v53, v51;
	v51 =	vld [tilespmem:$0xADC0]  }
0x866: {  	[tilespmem:$0xB290] =	vst v38;
	v53 =	vld [tilespmem:$0xAE40]  }
0x867: {  	[tilespmem:$0xB310] =	vst v40;
	v62 =	vadd.f32 v57, v55;
	v55 =	vld [tilespmem:$0xAEC0]  }
0x868: {  	[tilespmem:$0xB390] =	vst v42;
	v57 =	vld [tilespmem:$0xAF40]  }
0x869: {  	[tilespmem:$0xB030] =	vst v59;
	v59 =	vld [tilespmem:$0xAFC0]  }
0x86a: {  	[tilespmem:$0xB0B0] =	vst v60;
	v60 =	vld [tilespmem:$0xB050]  }
0x86b: {  	[tilespmem:$0xB130] =	vst v61;
	v61 =	vld [tilespmem:$0xAC50]  }
0x86c: {  	[tilespmem:$0xB1B0] =	vst v62;
	v62 =	vld [tilespmem:$0xACD0]  }
0x86d: {  	v28 =	vld [tilespmem:$0xB150]  }
0x86e: {  	v29 =	vld [tilespmem:$0xAD50]  }
0x86f: {  	v30 =	vld [tilespmem:$0xB1D0]  }
0x870: {  	v31 =	vld [tilespmem:$0xADD0]  }
0x871: {  	v32 =	vld [tilespmem:$0xB250]  }
0x872: {  	v33 =	vld [tilespmem:$0xAE50]  }
0x873: {  	v34 =	vld [tilespmem:$0xB2D0]  }
0x874: {  	v35 =	vld [tilespmem:$0xAED0]  }
0x875: {  	v36 =	vld [tilespmem:$0xB350]  }
0x876: {  	v37 =	vld [tilespmem:$0xAF50]  }
0x877: {  	v38 =	vld [tilespmem:$0xB3D0]  }
0x878: {  	v39 =	vld [tilespmem:$0xAFD0]  }
0x879: {  	v40 =	vld [tilespmem:$0xB060]  }
0x87a: {  	v0 =	vadd.f32 v1, v0;
	v1 =	vld [tilespmem:$0xAC60]  }
0x87b: {  	v2 =	vadd.f32 v3, v2;
	v3 =	vld [tilespmem:$0xB0E0]  }
0x87c: {  	v63 =	vadd.f32 v63, v4;
	[tilespmem:$0xB230] =	vst v0;
	v41 =	vld [tilespmem:$0xACE0]  }
0x87d: {  	v42 =	vadd.f32 v7, v6;
	[tilespmem:$0xB2B0] =	vst v2;
	v43 =	vld [tilespmem:$0xB160]  }
0x87e: {  	[tilespmem:$0xB330] =	vst v63;
	v63 =	vld [tilespmem:$0xB3E0];
	v44 =	vadd.f32 v45, v44  }
0x87f: {  	[tilespmem:$0xB3B0] =	vst v42;
	v25 =	vld [tilespmem:$0xAFE0];
	v46 =	vadd.f32 v47, v46  }
0x880: {  	v27 =	vld [tilespmem:$0xB070];
	v48 =	vadd.f32 v49, v48;
	[tilespmem:$0xB040] =	vst v44  }
0x881: {  	v45 =	vld [tilespmem:$0xAD60];
	v50 =	vadd.f32 v51, v50;
	[tilespmem:$0xB0C0] =	vst v46  }
0x882: {  	v47 =	vld [tilespmem:$0xB1E0];
	v52 =	vadd.f32 v53, v52;
	[tilespmem:$0xB140] =	vst v48  }
0x883: {  	v49 =	vld [tilespmem:$0xADE0];
	v54 =	vadd.f32 v55, v54;
	[tilespmem:$0xB1C0] =	vst v50  }
0x884: {  	v51 =	vld [tilespmem:$0xB260];
	v56 =	vadd.f32 v57, v56;
	[tilespmem:$0xB240] =	vst v52  }
0x885: {  	v53 =	vld [tilespmem:$0xAE60];
	[tilespmem:$0xB2C0] =	vst v54;
	v58 =	vadd.f32 v59, v58  }
0x886: {  	v55 =	vld [tilespmem:$0xB2E0];
	[tilespmem:$0xB340] =	vst v56;
	v60 =	vadd.f32 v61, v60  }
0x887: {  	v57 =	vld [tilespmem:$0xAEE0];
	v62 =	vadd.f32 v62, v26;
	[tilespmem:$0xB3C0] =	vst v58  }
0x888: {  	v59 =	vld [tilespmem:$0xB360];
	v24 =	vadd.f32 v29, v28;
	[tilespmem:$0xB050] =	vst v60  }
0x889: {  	v61 =	vld [tilespmem:$0xAF60];
	v26 =	vadd.f32 v31, v30;
	[tilespmem:$0xB0D0] =	vst v62  }
0x88a: {  	v28 =	vadd.f32 v33, v32;
	v29 =	vld [tilespmem:$0xAC70];
	[tilespmem:$0xB150] =	vst v24  }
0x88b: {  	v30 =	vadd.f32 v35, v34;
	v31 =	vld [tilespmem:$0xB0F0];
	[tilespmem:$0xB1D0] =	vst v26  }
0x88c: {  	v32 =	vadd.f32 v37, v36;
	v33 =	vld [tilespmem:$0xACF0];
	[tilespmem:$0xB250] =	vst v28  }
0x88d: {  	v34 =	vadd.f32 v39, v38;
	v35 =	vld [tilespmem:$0xB170];
	[tilespmem:$0xB2D0] =	vst v30  }
0x88e: {  	v36 =	vadd.f32 v1, v40;
	v37 =	vld [tilespmem:$0xAD70];
	[tilespmem:$0xB350] =	vst v32  }
0x88f: {  	v38 =	vadd.f32 v41, v3;
	v39 =	vld [tilespmem:$0xB1F0];
	[tilespmem:$0xB3D0] =	vst v34  }
0x890: {  	v41 =	vld [tilespmem:$0xADF0];
	v50 =	vadd.f32 v25, v63;
	[tilespmem:$0xB060] =	vst v36  }
0x891: {  	v40 =	vadd.f32 v45, v43;
	[tilespmem:$0xB0E0] =	vst v38;
	v43 =	vld [tilespmem:$0xB270]  }
0x892: {  	v42 =	vadd.f32 v49, v47;
	v45 =	vld [tilespmem:$0xAE70];
	[tilespmem:$0xB3E0] =	vst v50  }
0x893: {  	v44 =	vadd.f32 v53, v51;
	v47 =	vld [tilespmem:$0xB2F0];
	[tilespmem:$0xB160] =	vst v40  }
0x894: {  	v46 =	vadd.f32 v57, v55;
	v49 =	vld [tilespmem:$0xAEF0];
	[tilespmem:$0xB1E0] =	vst v42  }
0x895: {  	v51 =	vld [tilespmem:$0xB370];
	[tilespmem:$0xB260] =	vst v44;
	v48 =	vadd.f32 v61, v59  }
0x896: {  	v53 =	vld [tilespmem:$0xAF70];
	[tilespmem:$0xB2E0] =	vst v46;
	v52 =	vadd.f32 v29, v27  }
0x897: {  	v55 =	vld [tilespmem:$0xB3F0];
	v54 =	vadd.f32 v33, v31;
	[tilespmem:$0xB360] =	vst v48  }
0x898: {  	v57 =	vld [tilespmem:$0xAFF0];
	v56 =	vadd.f32 v37, v35;
	[tilespmem:$0xB070] =	vst v52  }
0x899: {  	v58 =	vadd.f32 v41, v39;
	[tilespmem:$0xB0F0] =	vst v54  }
0x89a: {  	[tilespmem:$0xB170] =	vst v56;
	v59 =	vadd.f32 v45, v43  }
0x89b: {  	[tilespmem:$0xB1F0] =	vst v58;
	v60 =	vadd.f32 v49, v47  }
0x89c: {  	v61 =	vadd.f32 v53, v51;
	[tilespmem:$0xB270] =	vst v59  }
0x89d: {  	s20 =	sld [smem:$0x7FC];
	v1 =	vadd.f32 v57, v55;
	[tilespmem:$0xB2F0] =	vst v60  }
0x89e: {  	[tilespmem:$0xB370] =	vst v61  }
0x89f: {  	[tilespmem:$0xB3F0] =	vst v1  }
0x8a0: {  	[tilespmem:s9], [sflag:$0xF] =	stream.linear.gather [hbm4b:s20+s2], $0x400, $0x38;
	[tilespmem:$0x1F400] =	vst v63  }
0x8a1: {  	_ =	swait.ge [sflag:s4], $0x400  }
0x8a2: {  	[sflag:s4] =	ssyncset.done $0x0  }
0x8a3: {  	[sflag:s4] =	ssyncadd.s32 $0xFFFFFC00  }
0x8a4: {  	v0 =	vld [tilespmem:$0xB000]  }
0x8a5: {  	v1 =	vld [tilespmem:$0xAC00]  }
0x8a6: {  	v2 =	vld [tilespmem:$0xB080]  }
0x8a7: {  	v3 =	vld [tilespmem:$0xAC80]  }
0x8a8: {  	v4 =	vld [tilespmem:$0xB100]  }
0x8a9: {  	v5 =	vld [tilespmem:$0xAD00]  }
0x8aa: {  	v6 =	vld [tilespmem:$0xB180]  }
0x8ab: {  	v7 =	vld [tilespmem:$0xAD80]  }
0x8ac: {  	v8 =	vld [tilespmem:$0xB200]  }
0x8ad: {  	v9 =	vld [tilespmem:$0xAE00]  }
0x8ae: {  	v10 =	vld [tilespmem:$0xB280]  }
0x8af: {  	v11 =	vld [tilespmem:$0xAE80]  }
0x8b0: {  	v12 =	vld [tilespmem:$0xB300]  }
0x8b1: {  	v13 =	vld [tilespmem:$0xAF00]  }
0x8b2: {  	v14 =	vld [tilespmem:$0xB380]  }
0x8b3: {  	v15 =	vld [tilespmem:$0xAF80]  }
0x8b4: {  	v16 =	vld [tilespmem:$0xB010]  }
0x8b5: {  	v17 =	vld [tilespmem:$0xAC10]  }
0x8b6: {  	v18 =	vld [tilespmem:$0xB090]  }
0x8b7: {  	v19 =	vld [tilespmem:$0xAC90]  }
0x8b8: {  	v20 =	vld [tilespmem:$0xB110]  }
0x8b9: {  	v21 =	vld [tilespmem:$0xAD10]  }
0x8ba: {  	v22 =	vld [tilespmem:$0xB190]  }
0x8bb: {  	v23 =	vld [tilespmem:$0xAD90]  }
0x8bc: {  	v24 =	vld [tilespmem:$0xB210]  }
0x8bd: {  	v25 =	vld [tilespmem:$0xAE10]  }
0x8be: {  	v26 =	vld [tilespmem:$0xB290]  }
0x8bf: {  	v27 =	vld [tilespmem:$0xAE90]  }
0x8c0: {  	v28 =	vld [tilespmem:$0xB310]  }
0x8c1: {  	v29 =	vld [tilespmem:$0xAF10]  }
0x8c2: {  	v30 =	vld [tilespmem:$0xB390]  }
0x8c3: {  	v31 =	vld [tilespmem:$0xAF90]  }
0x8c4: {  	v32 =	vld [tilespmem:$0xB020]  }
0x8c5: {  	v33 =	vld [tilespmem:$0xAC20]  }
0x8c6: {  	v34 =	vld [tilespmem:$0xB0A0]  }
0x8c7: {  	v35 =	vld [tilespmem:$0xACA0]  }
0x8c8: {  	v36 =	vld [tilespmem:$0xB120]  }
0x8c9: {  	v37 =	vld [tilespmem:$0xAD20]  }
0x8ca: {  	v38 =	vld [tilespmem:$0xB1A0]  }
0x8cb: {  	v39 =	vld [tilespmem:$0xADA0]  }
0x8cc: {  	v40 =	vld [tilespmem:$0xB220]  }
0x8cd: {  	v41 =	vld [tilespmem:$0xAE20]  }
0x8ce: {  	v42 =	vld [tilespmem:$0xB2A0]  }
0x8cf: {  	v43 =	vld [tilespmem:$0xAEA0]  }
0x8d0: {  	v44 =	vld [tilespmem:$0xB320]  }
0x8d1: {  	v45 =	vld [tilespmem:$0xAF20]  }
0x8d2: {  	v46 =	vld [tilespmem:$0xB3A0]  }
0x8d3: {  	v47 =	vld [tilespmem:$0xAFA0]  }
0x8d4: {  	v48 =	vld [tilespmem:$0xB030]  }
0x8d5: {  	v49 =	vld [tilespmem:$0xAC30]  }
0x8d6: {  	v50 =	vld [tilespmem:$0xB0B0]  }
0x8d7: {  	v51 =	vld [tilespmem:$0xACB0]  }
0x8d8: {  	v52 =	vld [tilespmem:$0xB130]  }
0x8d9: {  	v53 =	vld [tilespmem:$0xAD30]  }
0x8da: {  	v54 =	vld [tilespmem:$0xB1B0]  }
0x8db: {  	v55 =	vld [tilespmem:$0xADB0]  }
0x8dc: {  	v56 =	vld [tilespmem:$0xB230]  }
0x8dd: {  	v57 =	vld [tilespmem:$0xAE30]  }
0x8de: {  	v58 =	vld [tilespmem:$0xB2B0]  }
0x8df: {  	v62 =	vld [tilespmem:$0xB3B0]  }
0x8e0: {  	v59 =	vld [tilespmem:$0xAEB0]  }
0x8e1: {  	v60 =	vld [tilespmem:$0xB330]  }
0x8e2: {  	v61 =	vld [tilespmem:$0xAF30]  }
0x8e3: {  	v63 =	vld [tilespmem:$0xAFB0]  }
0x8e4: {  	[tilespmem:$0x1FF40] =	vst v62;
	v62 =	vld [tilespmem:$0xB040]  }
0x8e5: {  	v0 =	vadd.f32 v1, v0;
	v1 =	vld [tilespmem:$0xAD40]  }
0x8e6: {  	v2 =	vadd.f32 v3, v2;
	v3 =	vld [tilespmem:$0xB1C0]  }
0x8e7: {  	v9 =	vadd.f32 v9, v8;
	v8 =	vld [tilespmem:$0xAEC0]  }
0x8e8: {  	v13 =	vadd.f32 v13, v12;
	v12 =	vld [tilespmem:$0xAFC0]  }
0x8e9: {  	v15 =	vadd.f32 v15, v14;
	v14 =	vld [tilespmem:$0xAC50]  }
0x8ea: {  	v17 =	vadd.f32 v17, v16;
	v16 =	vld [tilespmem:$0xACD0]  }
0x8eb: {  	v19 =	vadd.f32 v19, v18;
	v18 =	vld [tilespmem:$0xAD50]  }
0x8ec: {  	v21 =	vadd.f32 v21, v20;
	v20 =	vld [tilespmem:$0xADD0];
	[tilespmem:$0xB000] =	vst v0  }
0x8ed: {  	v23 =	vadd.f32 v23, v22;
	v22 =	vld [tilespmem:$0xAE50];
	[tilespmem:$0xB080] =	vst v2  }
0x8ee: {  	v25 =	vadd.f32 v25, v24;
	v24 =	vld [tilespmem:$0xAED0];
	[tilespmem:$0xB200] =	vst v9  }
0x8ef: {  	v27 =	vadd.f32 v27, v26;
	v26 =	vld [tilespmem:$0xAF50];
	[tilespmem:$0xB300] =	vst v13  }
0x8f0: {  	v29 =	vadd.f32 v29, v28;
	v28 =	vld [tilespmem:$0xAFD0];
	[tilespmem:$0xB380] =	vst v15  }
0x8f1: {  	v31 =	vadd.f32 v31, v30;
	v30 =	vld [tilespmem:$0xAC60];
	[tilespmem:$0xB010] =	vst v17  }
0x8f2: {  	v33 =	vadd.f32 v33, v32;
	v32 =	vld [tilespmem:$0xACE0];
	[tilespmem:$0xB090] =	vst v19  }
0x8f3: {  	v41 =	vadd.f32 v41, v40;
	v40 =	vld [tilespmem:$0xAD60];
	[tilespmem:$0xB110] =	vst v21  }
0x8f4: {  	v37 =	vadd.f32 v37, v36;
	v36 =	vadd.f32 v61, v60;
	v61 =	vld [tilespmem:$0xAFE0];
	[tilespmem:$0xB190] =	vst v23  }
0x8f5: {  	v0 =	vadd.f32 v5, v4;
	v4 =	vld [tilespmem:$0xADC0];
	[tilespmem:$0xB210] =	vst v25  }
0x8f6: {  	v5 =	vld [tilespmem:$0xB240];
	[tilespmem:$0xB290] =	vst v27  }
0x8f7: {  	v9 =	vld [tilespmem:$0xB340];
	[tilespmem:$0xB310] =	vst v29  }
0x8f8: {  	v35 =	vadd.f32 v35, v34;
	v13 =	vld [tilespmem:$0xB050];
	[tilespmem:$0xB390] =	vst v31  }
0x8f9: {  	v15 =	vld [tilespmem:$0xB0D0];
	[tilespmem:$0xB020] =	vst v33  }
0x8fa: {  	v39 =	vadd.f32 v39, v38;
	v17 =	vld [tilespmem:$0xB150];
	[tilespmem:$0xB0A0] =	vst v35  }
0x8fb: {  	v19 =	vld [tilespmem:$0xB1D0];
	[tilespmem:$0xB120] =	vst v37  }
0x8fc: {  	v43 =	vadd.f32 v43, v42;
	v21 =	vld [tilespmem:$0xB250];
	[tilespmem:$0xB1A0] =	vst v39  }
0x8fd: {  	v45 =	vadd.f32 v45, v44;
	v23 =	vld [tilespmem:$0xB2D0];
	[tilespmem:$0xB220] =	vst v41  }
0x8fe: {  	v47 =	vadd.f32 v47, v46;
	[tilespmem:$0xB2A0] =	vst v43;
	v25 =	vld [tilespmem:$0xB350]  }
0x8ff: {  	v49 =	vadd.f32 v49, v48;
	[tilespmem:$0xB320] =	vst v45;
	v27 =	vld [tilespmem:$0xB3D0]  }
0x900: {  	[tilespmem:$0xB3A0] =	vst v47;
	v29 =	vld [tilespmem:$0xB060]  }
0x901: {  	v51 =	vadd.f32 v51, v50;
	[tilespmem:$0xB030] =	vst v49;
	v31 =	vld [tilespmem:$0xB0E0]  }
0x902: {  	v53 =	vadd.f32 v53, v52;
	[tilespmem:$0x1FF50] =	vst v62;
	v62 =	vld [tilespmem:$0xAC40]  }
0x903: {  	v55 =	vadd.f32 v55, v54;
	[tilespmem:$0xB0B0] =	vst v51;
	v37 =	vld [tilespmem:$0x1FF40]  }
0x904: {  	v57 =	vadd.f32 v57, v56;
	[tilespmem:$0xB130] =	vst v53;
	v33 =	vld [tilespmem:$0xB160]  }
0x905: {  	[tilespmem:$0xB1B0] =	vst v55;
	v43 =	vld [tilespmem:$0xB1E0]  }
0x906: {  	[tilespmem:$0xB230] =	vst v57;
	v45 =	vld [tilespmem:$0xADE0]  }
0x907: {  	[tilespmem:$0x1FF60] =	vst v62;
	v62 =	vld [tilespmem:$0xB0C0]  }
0x908: {  	[tilespmem:$0xB330] =	vst v36;
	v47 =	vld [tilespmem:$0xB260];
	v2 =	vadd.f32 v63, v37  }
0x909: {  	v49 =	vld [tilespmem:$0xAE60];
	[tilespmem:$0xB100] =	vst v0;
	v46 =	vadd.f32 v4, v3  }
0x90a: {  	v51 =	vld [tilespmem:$0xB2E0];
	[tilespmem:$0xB3B0] =	vst v2  }
0x90b: {  	v53 =	vld [tilespmem:$0xAEE0];
	v56 =	vadd.f32 v14, v13;
	[tilespmem:$0xB1C0] =	vst v46  }
0x90c: {  	v60 =	vadd.f32 v18, v17;
	[tilespmem:$0x1FF70] =	vst v62;
	v62 =	vld [tilespmem:$0xACC0]  }
0x90d: {  	v55 =	vld [tilespmem:$0xB360];
	v21 =	vadd.f32 v22, v21;
	[tilespmem:$0xB050] =	vst v56  }
0x90e: {  	v57 =	vld [tilespmem:$0xAF60];
	v23 =	vadd.f32 v24, v23;
	[tilespmem:$0xB150] =	vst v60  }
0x90f: {  	v38 =	vld [tilespmem:$0x1FF50];
	[tilespmem:$0xB250] =	vst v21  }
0x910: {  	v25 =	vadd.f32 v26, v25;
	[tilespmem:$0xB2D0] =	vst v23;
	v39 =	vld [tilespmem:$0x1FF60]  }
0x911: {  	v27 =	vadd.f32 v28, v27;
	[tilespmem:$0x1FF80] =	vst v62;
	v62 =	vld [tilespmem:$0xB140]  }
0x912: {  	v63 =	vld [tilespmem:$0xB070];
	v36 =	vadd.f32 v30, v29;
	[tilespmem:$0xB350] =	vst v25  }
0x913: {  	v40 =	vadd.f32 v40, v33;
	[tilespmem:$0xB3D0] =	vst v27;
	v41 =	vld [tilespmem:$0x1FF70]  }
0x914: {  	[tilespmem:$0xB060] =	vst v36;
	v42 =	vld [tilespmem:$0x1FF80]  }
0x915: {  	v22 =	vld [tilespmem:$0xAC70];
	[tilespmem:$0xB160] =	vst v40;
	v0 =	vadd.f32 v39, v38  }
0x916: {  	v24 =	vld [tilespmem:$0xB0F0];
	[tilespmem:$0x1FF90] =	vst v62;
	v62 =	vadd.f32 v7, v6  }
0x917: {  	v38 =	vadd.f32 v32, v31;
	[tilespmem:$0xB040] =	vst v0;
	v6 =	vld [tilespmem:$0xAE40]  }
0x918: {  	v7 =	vld [tilespmem:$0xB2C0];
	[tilespmem:$0xB180] =	vst v62;
	v62 =	vadd.f32 v11, v10  }
0x919: {  	[tilespmem:$0xB0E0] =	vst v38;
	v2 =	vadd.f32 v42, v41;
	v44 =	vld [tilespmem:$0x1FF90]  }
0x91a: {  	v26 =	vld [tilespmem:$0xACF0];
	[tilespmem:$0xB280] =	vst v62;
	v62 =	vadd.f32 v59, v58  }
0x91b: {  	v28 =	vld [tilespmem:$0xB170];
	[tilespmem:$0xB0C0] =	vst v2;
	v58 =	vadd.f32 v16, v15  }
0x91c: {  	v37 =	vld [tilespmem:$0xAD70];
	v48 =	vadd.f32 v6, v5;
	[tilespmem:$0xB2B0] =	vst v62  }
0x91d: {  	v46 =	vld [tilespmem:$0xB2F0];
	v50 =	vadd.f32 v8, v7;
	[tilespmem:$0xB0D0] =	vst v58  }
0x91e: {  	v56 =	vld [tilespmem:$0xAFF0];
	v0 =	vadd.f32 v1, v44;
	[tilespmem:$0xB240] =	vst v48  }
0x91f: {  	v39 =	vld [tilespmem:$0xB1F0];
	v62 =	vadd.f32 v20, v19;
	[tilespmem:$0xB2C0] =	vst v50  }
0x920: {  	v41 =	vld [tilespmem:$0xADF0];
	v1 =	vadd.f32 v45, v43;
	[tilespmem:$0xB140] =	vst v0  }
0x921: {  	v10 =	vld [tilespmem:$0xAF40];
	v43 =	vadd.f32 v49, v47;
	[tilespmem:$0xB1D0] =	vst v62  }
0x922: {  	v11 =	vld [tilespmem:$0xB3C0];
	v45 =	vadd.f32 v53, v51;
	[tilespmem:$0xB1E0] =	vst v1  }
0x923: {  	v42 =	vld [tilespmem:$0xB270];
	v47 =	vadd.f32 v57, v55;
	[tilespmem:$0xB260] =	vst v43  }
0x924: {  	v59 =	vld [tilespmem:$0xB3E0];
	v51 =	vadd.f32 v22, v63;
	[tilespmem:$0xB2E0] =	vst v45  }
0x925: {  	v44 =	vld [tilespmem:$0xAE70];
	v53 =	vadd.f32 v26, v24;
	[tilespmem:$0xB360] =	vst v47  }
0x926: {  	v52 =	vadd.f32 v10, v9;
	v48 =	vld [tilespmem:$0xAEF0];
	[tilespmem:$0xB070] =	vst v51  }
0x927: {  	v54 =	vadd.f32 v12, v11;
	v50 =	vld [tilespmem:$0xB370];
	[tilespmem:$0xB0F0] =	vst v53  }
0x928: {  	v55 =	vadd.f32 v37, v28;
	[tilespmem:$0xB340] =	vst v52;
	v52 =	vld [tilespmem:$0xAF70]  }
0x929: {  	v57 =	vadd.f32 v41, v39;
	[tilespmem:$0xB3C0] =	vst v54;
	v54 =	vld [tilespmem:$0xB3F0]  }
0x92a: {  	[tilespmem:$0xB170] =	vst v55;
	v49 =	vadd.f32 v61, v59  }
0x92b: {  	[tilespmem:$0xB1F0] =	vst v57;
	v58 =	vadd.f32 v44, v42  }
0x92c: {  	[tilespmem:$0xB3E0] =	vst v49;
	v59 =	vadd.f32 v48, v46  }
0x92d: {  	[tilespmem:$0xB270] =	vst v58;
	v60 =	vadd.f32 v52, v50  }
0x92e: {  	s29 =	sld [smem:$0x7FD];
	[tilespmem:$0xB2F0] =	vst v59;
	v61 =	vadd.f32 v56, v54  }
0x92f: {  	[tilespmem:$0xB370] =	vst v60  }
0x930: {  	[tilespmem:$0xB3F0] =	vst v61  }
0x931: {  	[tilespmem:s9], [sflag:$0xF] =	stream.linear.gather [hbm4b:s29+s2], $0x400, $0x38;
	[tilespmem:$0x1F400] =	vst v63  }
0x932: {  	_ =	swait.ge [sflag:s4], $0x400  }
0x933: {  	[sflag:s4] =	ssyncset.done $0x0  }
0x934: {  	[sflag:s4] =	ssyncadd.s32 $0xFFFFFC00  }
0x935: {  	v0 =	vld [tilespmem:$0xB000]  }
0x936: {  	v1 =	vld [tilespmem:$0xAC00]  }
0x937: {  	v2 =	vld [tilespmem:$0xB080]  }
0x938: {  	v3 =	vld [tilespmem:$0xAC80]  }
0x939: {  	v4 =	vld [tilespmem:$0xB100]  }
0x93a: {  	v5 =	vld [tilespmem:$0xAD00]  }
0x93b: {  	v6 =	vld [tilespmem:$0xB180]  }
0x93c: {  	v7 =	vld [tilespmem:$0xAD80]  }
0x93d: {  	v8 =	vld [tilespmem:$0xB200]  }
0x93e: {  	v9 =	vld [tilespmem:$0xAE00]  }
0x93f: {  	v10 =	vld [tilespmem:$0xB280]  }
0x940: {  	v11 =	vld [tilespmem:$0xAE80]  }
0x941: {  	v12 =	vld [tilespmem:$0xB300]  }
0x942: {  	v13 =	vld [tilespmem:$0xAF00]  }
0x943: {  	v14 =	vld [tilespmem:$0xB380]  }
0x944: {  	v15 =	vld [tilespmem:$0xAF80]  }
0x945: {  	v16 =	vld [tilespmem:$0xB010]  }
0x946: {  	v17 =	vld [tilespmem:$0xAC10]  }
0x947: {  	v18 =	vld [tilespmem:$0xB090]  }
0x948: {  	v19 =	vld [tilespmem:$0xAC90]  }
0x949: {  	v20 =	vld [tilespmem:$0xB110]  }
0x94a: {  	v21 =	vld [tilespmem:$0xAD10]  }
0x94b: {  	v22 =	vld [tilespmem:$0xB190]  }
0x94c: {  	v23 =	vld [tilespmem:$0xAD90]  }
0x94d: {  	v24 =	vld [tilespmem:$0xB210]  }
0x94e: {  	v25 =	vld [tilespmem:$0xAE10]  }
0x94f: {  	v26 =	vld [tilespmem:$0xB290]  }
0x950: {  	v27 =	vld [tilespmem:$0xAE90]  }
0x951: {  	v28 =	vld [tilespmem:$0xB310]  }
0x952: {  	v29 =	vld [tilespmem:$0xAF10]  }
0x953: {  	v30 =	vld [tilespmem:$0xB390]  }
0x954: {  	v31 =	vld [tilespmem:$0xAF90]  }
0x955: {  	v32 =	vld [tilespmem:$0xB020]  }
0x956: {  	v33 =	vld [tilespmem:$0xAC20]  }
0x957: {  	v34 =	vld [tilespmem:$0xB0A0]  }
0x958: {  	v35 =	vld [tilespmem:$0xACA0]  }
0x959: {  	v36 =	vld [tilespmem:$0xB120]  }
0x95a: {  	v37 =	vld [tilespmem:$0xAD20]  }
0x95b: {  	v38 =	vld [tilespmem:$0xB1A0]  }
0x95c: {  	v39 =	vld [tilespmem:$0xADA0]  }
0x95d: {  	v40 =	vld [tilespmem:$0xB220]  }
0x95e: {  	v41 =	vld [tilespmem:$0xAE20]  }
0x95f: {  	v42 =	vld [tilespmem:$0xB2A0]  }
0x960: {  	v43 =	vld [tilespmem:$0xAEA0]  }
0x961: {  	v44 =	vld [tilespmem:$0xB320]  }
0x962: {  	v45 =	vld [tilespmem:$0xAF20]  }
0x963: {  	v46 =	vld [tilespmem:$0xB3A0]  }
0x964: {  	v47 =	vld [tilespmem:$0xAFA0]  }
0x965: {  	v48 =	vld [tilespmem:$0xB030]  }
0x966: {  	v49 =	vld [tilespmem:$0xAC30]  }
0x967: {  	v50 =	vld [tilespmem:$0xB0B0]  }
0x968: {  	v51 =	vld [tilespmem:$0xACB0]  }
0x969: {  	v52 =	vld [tilespmem:$0xB130]  }
0x96a: {  	v53 =	vld [tilespmem:$0xAD30]  }
0x96b: {  	v54 =	vld [tilespmem:$0xB1B0]  }
0x96c: {  	v55 =	vld [tilespmem:$0xADB0]  }
0x96d: {  	v56 =	vld [tilespmem:$0xB230]  }
0x96e: {  	v57 =	vld [tilespmem:$0xAE30]  }
0x96f: {  	v58 =	vld [tilespmem:$0xB2B0]  }
0x970: {  	v62 =	vld [tilespmem:$0xB3B0]  }
0x971: {  	v59 =	vld [tilespmem:$0xAEB0]  }
0x972: {  	v60 =	vld [tilespmem:$0xB330]  }
0x973: {  	v61 =	vld [tilespmem:$0xAF30]  }
0x974: {  	v63 =	vld [tilespmem:$0xAFB0]  }
0x975: {  	[tilespmem:$0x1FFA0] =	vst v62;
	v62 =	vld [tilespmem:$0xB040]  }
0x976: {  	v0 =	vadd.f32 v1, v0;
	v1 =	vld [tilespmem:$0xAD40]  }
0x977: {  	v2 =	vadd.f32 v3, v2;
	v3 =	vld [tilespmem:$0xB1C0]  }
0x978: {  	v9 =	vadd.f32 v9, v8;
	v8 =	vld [tilespmem:$0xAEC0]  }
0x979: {  	v13 =	vadd.f32 v13, v12;
	v12 =	vld [tilespmem:$0xAFC0]  }
0x97a: {  	v15 =	vadd.f32 v15, v14;
	v14 =	vld [tilespmem:$0xAC50]  }
0x97b: {  	v17 =	vadd.f32 v17, v16;
	v16 =	vld [tilespmem:$0xACD0]  }
0x97c: {  	v19 =	vadd.f32 v19, v18;
	v18 =	vld [tilespmem:$0xAD50]  }
0x97d: {  	v23 =	vadd.f32 v23, v22;
	v22 =	vld [tilespmem:$0xAE50];
	[tilespmem:$0xB000] =	vst v0  }
0x97e: {  	v25 =	vadd.f32 v25, v24;
	v24 =	vld [tilespmem:$0xAED0];
	[tilespmem:$0xB080] =	vst v2  }
0x97f: {  	v21 =	vadd.f32 v21, v20;
	v27 =	vadd.f32 v27, v26;
	v26 =	vld [tilespmem:$0xAF50];
	[tilespmem:$0xB200] =	vst v9  }
0x980: {  	v31 =	vadd.f32 v31, v30;
	v30 =	vadd.f32 v45, v44;
	v45 =	vld [tilespmem:$0xADE0];
	[tilespmem:$0xB300] =	vst v13  }
0x981: {  	v33 =	vadd.f32 v33, v32;
	v32 =	vadd.f32 v49, v48;
	v49 =	vld [tilespmem:$0xAE60];
	[tilespmem:$0xB380] =	vst v15  }
0x982: {  	v35 =	vadd.f32 v35, v34;
	v34 =	vadd.f32 v53, v52;
	v53 =	vld [tilespmem:$0xAEE0];
	[tilespmem:$0xB010] =	vst v17  }
0x983: {  	v37 =	vadd.f32 v37, v36;
	v36 =	vadd.f32 v57, v56;
	v57 =	vld [tilespmem:$0xAF60];
	[tilespmem:$0xB090] =	vst v19  }
0x984: {  	v0 =	vadd.f32 v5, v4;
	v4 =	vld [tilespmem:$0xADC0];
	[tilespmem:$0xB110] =	vst v21  }
0x985: {  	v5 =	vld [tilespmem:$0xB240];
	[tilespmem:$0xB190] =	vst v23  }
0x986: {  	v29 =	vadd.f32 v29, v28;
	v9 =	vld [tilespmem:$0xB340];
	[tilespmem:$0xB210] =	vst v25  }
0x987: {  	v13 =	vld [tilespmem:$0xB050];
	[tilespmem:$0xB290] =	vst v27  }
0x988: {  	v15 =	vld [tilespmem:$0xB0D0];
	[tilespmem:$0xB310] =	vst v29  }
0x989: {  	v17 =	vld [tilespmem:$0xB150];
	[tilespmem:$0xB390] =	vst v31  }
0x98a: {  	v19 =	vld [tilespmem:$0xB1D0];
	[tilespmem:$0xB020] =	vst v33  }
0x98b: {  	v28 =	vadd.f32 v41, v40;
	[tilespmem:$0xB0A0] =	vst v35;
	v21 =	vld [tilespmem:$0xB250]  }
0x98c: {  	[tilespmem:$0xB120] =	vst v37;
	v23 =	vld [tilespmem:$0xB2D0]  }
0x98d: {  	[tilespmem:$0xB220] =	vst v28;
	v25 =	vld [tilespmem:$0xB350]  }
0x98e: {  	[tilespmem:$0xB320] =	vst v30;
	v28 =	vld [tilespmem:$0xAFD0]  }
0x98f: {  	[tilespmem:$0xB030] =	vst v32;
	v30 =	vld [tilespmem:$0xAC60]  }
0x990: {  	[tilespmem:$0xB130] =	vst v34;
	v32 =	vld [tilespmem:$0xACE0]  }
0x991: {  	v27 =	vadd.f32 v39, v38;
	[tilespmem:$0xB230] =	vst v36;
	v39 =	vld [tilespmem:$0x1FFA0]  }
0x992: {  	v34 =	vld [tilespmem:$0xAD60];
	[tilespmem:$0xB100] =	vst v0  }
0x993: {  	v29 =	vadd.f32 v43, v42;
	v31 =	vadd.f32 v47, v46;
	v47 =	vld [tilespmem:$0xB260];
	[tilespmem:$0xB1A0] =	vst v27  }
0x994: {  	[tilespmem:$0x1FFB0] =	vst v62;
	v62 =	vld [tilespmem:$0xAC40]  }
0x995: {  	v33 =	vadd.f32 v51, v50;
	v51 =	vld [tilespmem:$0xB2E0];
	[tilespmem:$0xB2A0] =	vst v29  }
0x996: {  	v35 =	vadd.f32 v55, v54;
	v55 =	vld [tilespmem:$0xB360];
	[tilespmem:$0xB3A0] =	vst v31  }
0x997: {  	v37 =	vadd.f32 v59, v58;
	v59 =	vld [tilespmem:$0xB3E0];
	[tilespmem:$0xB0B0] =	vst v33  }
0x998: {  	v38 =	vadd.f32 v61, v60;
	v61 =	vld [tilespmem:$0xAFE0];
	[tilespmem:$0xB1B0] =	vst v35  }
0x999: {  	[tilespmem:$0x1FFC0] =	vst v62;
	v62 =	vld [tilespmem:$0xB0C0]  }
0x99a: {  	v27 =	vld [tilespmem:$0xB3D0];
	[tilespmem:$0xB2B0] =	vst v37;
	v2 =	vadd.f32 v63, v39  }
0x99b: {  	v29 =	vld [tilespmem:$0xB060];
	[tilespmem:$0xB330] =	vst v38;
	v46 =	vadd.f32 v4, v3  }
0x99c: {  	v31 =	vld [tilespmem:$0xB0E0];
	[tilespmem:$0xB3B0] =	vst v2  }
0x99d: {  	v33 =	vld [tilespmem:$0xB160];
	v56 =	vadd.f32 v14, v13;
	[tilespmem:$0xB1C0] =	vst v46  }
0x99e: {  	v58 =	vadd.f32 v16, v15;
	[tilespmem:$0x1FFD0] =	vst v62;
	v62 =	vld [tilespmem:$0xACC0]  }
0x99f: {  	v35 =	vld [tilespmem:$0xB1E0];
	v60 =	vadd.f32 v18, v17;
	[tilespmem:$0xB050] =	vst v56  }
0x9a0: {  	v37 =	vld [tilespmem:$0xB170];
	v21 =	vadd.f32 v22, v21;
	[tilespmem:$0xB0D0] =	vst v58  }
0x9a1: {  	v40 =	vld [tilespmem:$0x1FFB0];
	[tilespmem:$0xB150] =	vst v60  }
0x9a2: {  	v23 =	vadd.f32 v24, v23;
	[tilespmem:$0xB250] =	vst v21;
	v41 =	vld [tilespmem:$0x1FFC0]  }
0x9a3: {  	v25 =	vadd.f32 v26, v25;
	[tilespmem:$0x1FFE0] =	vst v62;
	v62 =	vld [tilespmem:$0xB140]  }
0x9a4: {  	[tilespmem:$0xB2D0] =	vst v23;
	v36 =	vadd.f32 v28, v27;
	v42 =	vld [tilespmem:$0x1FFD0]  }
0x9a5: {  	[tilespmem:$0xB350] =	vst v25;
	v38 =	vadd.f32 v30, v29;
	v43 =	vld [tilespmem:$0x1FFE0]  }
0x9a6: {  	v63 =	vld [tilespmem:$0xB070];
	[tilespmem:$0xB3D0] =	vst v36  }
0x9a7: {  	v22 =	vld [tilespmem:$0xAC70];
	[tilespmem:$0xB060] =	vst v38;
	v0 =	vadd.f32 v41, v40  }
0x9a8: {  	v40 =	vadd.f32 v32, v31;
	[tilespmem:$0x1FFF0] =	vst v62;
	v62 =	vadd.f32 v7, v6;
	v6 =	vld [tilespmem:$0xAE40]  }
0x9a9: {  	[tilespmem:$0xB040] =	vst v0;
	v7 =	vld [tilespmem:$0xB2C0]  }
0x9aa: {  	[tilespmem:$0xB0E0] =	vst v40;
	v2 =	vadd.f32 v43, v42;
	v44 =	vld [tilespmem:$0x1FFF0]  }
0x9ab: {  	v24 =	vld [tilespmem:$0xB0F0];
	v42 =	vadd.f32 v34, v33;
	[tilespmem:$0xB180] =	vst v62  }
0x9ac: {  	v26 =	vld [tilespmem:$0xACF0];
	v62 =	vadd.f32 v11, v10;
	[tilespmem:$0xB0C0] =	vst v2  }
0x9ad: {  	v39 =	vld [tilespmem:$0xAD70];
	[tilespmem:$0xB160] =	vst v42;
	v48 =	vadd.f32 v6, v5  }
0x9ae: {  	v46 =	vld [tilespmem:$0xAE70];
	[tilespmem:$0xB280] =	vst v62;
	v50 =	vadd.f32 v8, v7  }
0x9af: {  	v56 =	vld [tilespmem:$0xB3F0];
	v0 =	vadd.f32 v1, v44;
	[tilespmem:$0xB240] =	vst v48  }
0x9b0: {  	v58 =	vld [tilespmem:$0xAFF0];
	v1 =	vadd.f32 v45, v35;
	[tilespmem:$0xB2C0] =	vst v50  }
0x9b1: {  	v41 =	vld [tilespmem:$0xB1F0];
	v45 =	vadd.f32 v49, v47;
	[tilespmem:$0xB140] =	vst v0  }
0x9b2: {  	v10 =	vld [tilespmem:$0xAF40];
	v47 =	vadd.f32 v53, v51;
	[tilespmem:$0xB1E0] =	vst v1  }
0x9b3: {  	v11 =	vld [tilespmem:$0xB3C0];
	v49 =	vadd.f32 v57, v55;
	[tilespmem:$0xB260] =	vst v45  }
0x9b4: {  	v43 =	vld [tilespmem:$0xADF0];
	v51 =	vadd.f32 v61, v59;
	[tilespmem:$0xB2E0] =	vst v47  }
0x9b5: {  	v62 =	vld [tilespmem:$0xADD0];
	v53 =	vadd.f32 v22, v63;
	[tilespmem:$0xB360] =	vst v49  }
0x9b6: {  	v44 =	vld [tilespmem:$0xB270];
	v55 =	vadd.f32 v26, v24;
	[tilespmem:$0xB3E0] =	vst v51  }
0x9b7: {  	v52 =	vadd.f32 v10, v9;
	v48 =	vld [tilespmem:$0xB2F0];
	[tilespmem:$0xB070] =	vst v53  }
0x9b8: {  	v54 =	vadd.f32 v12, v11;
	v50 =	vld [tilespmem:$0xAEF0];
	[tilespmem:$0xB0F0] =	vst v55  }
0x9b9: {  	v57 =	vadd.f32 v39, v37;
	[tilespmem:$0xB340] =	vst v52;
	v52 =	vld [tilespmem:$0xB370]  }
0x9ba: {  	v59 =	vadd.f32 v43, v41;
	[tilespmem:$0xB3C0] =	vst v54;
	v54 =	vld [tilespmem:$0xAF70]  }
0x9bb: {  	v63 =	vadd.f32 v58, v56;
	[tilespmem:$0xB170] =	vst v57  }
0x9bc: {  	[tilespmem:$0xB1F0] =	vst v59;
	v62 =	vadd.f32 v62, v19  }
0x9bd: {  	[tilespmem:$0xB3F0] =	vst v63;
	v60 =	vadd.f32 v46, v44  }
0x9be: {  	[tilespmem:$0xB1D0] =	vst v62;
	v61 =	vadd.f32 v50, v48  }
0x9bf: {  	[tilespmem:$0xB270] =	vst v60;
	v62 =	vadd.f32 v54, v52  }
0x9c0: {  	[tilespmem:$0xB2F0] =	vst v61  }
.Ltmp7:
0x9c1: {  	s31 =	rddreg [dreg:$0x14];
	[tilespmem:$0xB370] =	vst v62;
	(pc) =	sbr.rel .LBB2_9-.Ltmp7, $4  }
0x9c2: {  	[hbm4b:s31+s2] =	stream.linear.scatter [tilespmem:s5], [sflag:$0xF], $0x400, $0x38;
	[tilespmem:$0x1F400] =	vst v63  }
0x9c3: {  	_ =	swait.ge [sflag:s4], $0x400  }
0x9c4: {  	[sflag:s4] =	ssyncset.done $0x0  }
0x9c5: {  	[sflag:s4] =	ssyncadd.s32 $0xFFFFFC00  }
.LBB2_10:
0x9c6: {  	_ =	sfence.sel $0x180000  }
0x9c7: {  	[bflag:$0x0] =	sbarrier.arrive $0xFFFF  }
0x9c8: {  	_ =	strace $0x90000047  }
0x9c9: {  	s0 =	stileid.u32;
	[bflag:$0x2] =	sbarrier.arrive $0xFFFF  }
0x9ca: {  	p0 =	sne.s32 s0, $0x0;
	s0 =	rddreg [dreg:$0x3]  }
0x9cb: {  	s0 =	sadd.s32 @!p0 $0x100000, s0  }
0x9cc: {  	[sflag:s0] =	ssyncadd.tile.s32 @!p0 $0x1;
	_ =	shalt  }
.Lfunc_end2:
_tile_overlayer_lowered:
.L_overlay_start_2:
0x9cd: {  	(tag) =	ssettag $0x2  }
0x9ce: {  	s0 =	rddreg [dreg:$0x0];
	s2 =	stileid.u32  }
0x9cf: {  	s1 =	rddreg [dreg:$0x1];
	p0 =	sne.s32 s2, $0x0  }
0x9d0: {  	s3 =	rddreg [dreg:$0x2];
	[bflag:$0x3] =	sbarrier.arrive $0xFFFF;
	s2 =	simm.s32 @!p0 $0x1C0F  }
0x9d1: {  	[timem:s3], [sflag:s2] =	dma.local @!p0 [hbm:s0], s1  }
0x9d2: {  	s0 =	simm.s32 @!p0 $0xF  }
0x9d3: {  	_ =	swait.ge @!p0 [sflag:s0], s1  }
0x9d4: {  	s1 =	ssub.s32 @!p0 $0x0, s1;
	[sflag:s0] =	ssyncset.done @!p0 $0x0  }
0x9d5: {  	[sflag:s0] =	ssyncadd.s32 @!p0 s1  }
0x9d6: {  	[bflag:$0x3] =	sbarrier.arrive $0xFFFF  }
0x9d7: {  	_ =	shalt  }

</sc_bundles>
